<compile_context>
chip_gen: v7x
topology: tpu7x:2x2x1
jax: 0.10.2.dev20260603
libtpu: 0.0.44.dev20260713+nightly
codegen_flags: <defaults>
</compile_context>

<pallas_src>
import functools

import jax
import jax.numpy as jnp
from jax import lax
from jax.experimental import pallas as pl
from jax.experimental.pallas import tpu as pltpu
from jax.experimental.pallas import tpu_sc as plsc

EMB = 128
LANES = 16
ROWW = EMB // 2
OFF1, OFF2, OFF3 = 119, 191, 311
TROWS = 407
BLK = 5


@functools.cache
def _launcher(n):
    nc, ns = 2, 16
    nw = nc * ns
    per_w = (n // nw) // 8 * 8
    n_tail = n - per_w * nw
    tail_chunks = n_tail // 8
    assert tail_chunks <= nw
    chunk = 120
    n_chunks = per_w // chunk
    assert n_chunks % 2 == 0 and chunk % BLK == 0
    col_v = per_w + LANES
    xi_size = 9 * col_v
    n_groups = per_w // LANES
    base_n = per_w + LANES
    mesh = plsc.VectorSubcoreMesh(
        core_axis_name="c", subcore_axis_name="s", num_cores=nc, num_subcores=ns
    )

    @functools.partial(
        pl.kernel,
        mesh=mesh,
        compiler_params=pltpu.CompilerParams(needs_layout_passes=False),
        out_type=jax.ShapeDtypeStruct((n, EMB), jnp.float32),
        scratch_types=[
            pltpu.VMEM((TROWS * ROWW,), jnp.int32),
            pltpu.VMEM((xi_size,), jnp.int32),
            pltpu.VMEM((4 * base_n,), jnp.int32),
            pltpu.VMEM((chunk, EMB), jnp.float32),
            pltpu.VMEM((chunk, EMB), jnp.float32),
            pltpu.SemaphoreType.DMA,
            pltpu.SemaphoreType.DMA,
        ],
    )
    def launch(xi_hbm, t_hbm, out_hbm, t_v, xi_v, base_v, o_v0, o_v1, sem0, sem1):
        wid = lax.axis_index("s") * nc + lax.axis_index("c")
        pltpu.sync_copy(t_hbm, t_v)
        m_off = pl.multiple_of(wid * per_w, 8)
        t_off = pl.multiple_of(
            per_w * nw + lax.min(wid, tail_chunks - 1) * 8, 8
        )
        for k in range(9):
            pltpu.sync_copy(
                xi_hbm.at[pl.ds(k * n + m_off, per_w)],
                xi_v.at[pl.ds(k * col_v, per_w)],
            )
            pltpu.sync_copy(
                xi_hbm.at[pl.ds(k * n + t_off, LANES)],
                xi_v.at[pl.ds(k * col_v + per_w, LANES)],
            )
        sems = (sem0, sem1)
        bufs = (o_v0, o_v1)
        lanes = jax.lax.iota(jnp.int32, LANES)

        def compute_bases(a0, atom0):
            xs = [xi_v[pl.ds(k * col_v + a0, LANES)] for k in range(9)]
            b0 = xs[0] * ROWW
            b1 = (xs[2] * 6 + xs[5] + OFF1) * ROWW
            b2 = (xs[3] * 10 + xs[4] + OFF2) * ROWW
            b3 = (((xs[1] * 6 + xs[6]) * 2 + xs[7]) * 2 + xs[8] + OFF3) * ROWW
            ov = (atom0 + lanes) * 4
            plsc.store_scatter(base_v, [ov], b0)
            plsc.store_scatter(base_v, [ov + 1], b1)
            plsc.store_scatter(base_v, [ov + 2], b2)
            plsc.store_scatter(base_v, [ov + 3], b3)

        def base_body(g, _):
            compute_bases(g * LANES, g * LANES)
            return 0

        lax.fori_loop(0, n_groups, base_body, 0)
        compute_bases(per_w, per_w)

        def bfrow(r, c):
            return plsc.bitcast(t_v[pl.ds(r + c, LANES)], jnp.bfloat16)

        def do_block(a0, ob, row0, blk):
            packed = []
            for u in range(blk):
                bv = base_v[pl.ds((a0 + u) * 4, LANES)]
                r0, r1, r2, r3 = bv[0], bv[1], bv[2], bv[3]
                packed.append([
                    (bfrow(r0, g * LANES) + bfrow(r1, g * LANES))
                    + (bfrow(r2, g * LANES) + bfrow(r3, g * LANES))
                    for g in range(EMB // (2 * LANES))
                ])
            for u in range(blk):
                for g, v in enumerate(packed[u]):
                    va, vb = plsc.unpack(v, format=plsc.PackFormat.INTERLEAVED)
                    ob[row0 + u, pl.ds(g * 2 * LANES, LANES)] = va
                    ob[row0 + u, pl.ds(g * 2 * LANES + LANES, LANES)] = vb

        def do_chunk(j, buf):
            ob = bufs[buf]

            def blk_body(ib, _):
                do_block(j * chunk + ib * BLK, ob, ib * BLK, BLK)
                return 0

            lax.fori_loop(0, chunk // BLK, blk_body, 0)
            pltpu.async_copy(
                ob,
                out_hbm.at[pl.ds(wid * per_w + j * chunk, chunk)],
                sems[buf],
            )

        def pair_body(jo, _):
            for b in range(2):
                j = jo * 2 + b
                @pl.when(jo > 0)
                def _wait():
                    pltpu.make_async_copy(
                        bufs[b],
                        out_hbm.at[pl.ds(0, chunk)],
                        sems[b],
                    ).wait()

                do_chunk(j, b)
            return 0

        def drain(b):
            pltpu.make_async_copy(
                bufs[b], out_hbm.at[pl.ds(0, chunk)], sems[b]
            ).wait()

        lax.fori_loop(0, n_chunks // 2, pair_body, 0)
        drain(0)
        drain(1)

        @pl.when(wid < tail_chunks)
        def _tail():
            do_block(per_w, o_v0, 0, 4)
            do_block(per_w + 4, o_v0, 4, 4)
            pltpu.sync_copy(
                o_v0.at[pl.ds(0, 8)],
                out_hbm.at[pl.ds(per_w * nw + wid * 8, 8)],
            )

    return launch


def kernel(x, W0, W1, W2, W3, W4, W5, W6, W7, W8):
    n = x.shape[0]
    t1 = (W2[:, None, :] + W5[None, :, :]).reshape(-1, EMB)
    t2 = (W3[:, None, :] + W4[None, :, :]).reshape(-1, EMB)
    t3 = (
        W1[:, None, None, None, :]
        + W6[None, :, None, None, :]
        + W7[None, None, :, None, :]
        + W8[None, None, None, :, :]
    ).reshape(-1, EMB)
    t = jnp.concatenate([W0, t1, t2, t3], axis=0)
    t = t.reshape(-1, 4, 2, LANES).transpose(0, 1, 3, 2)
    t = t.astype(jnp.bfloat16).reshape(-1, 2)
    t = jax.lax.bitcast_convert_type(t, jnp.int32).reshape(-1)

    xi = x.astype(jnp.int32).T.reshape(-1)
    return _launcher(n)(xi, t)

# --- scband reference (transcript-rebuilt; emitter-appended) ---
"""Pipeline reference for scband-atom-encoder-91207925498481 (READ-ONLY COPY).

The authoritative reference and input builder live on the scoring server;
editing this copy changes nothing except your own understanding.
"""

import jax, jax.numpy as jnp
import numpy as np

FEATURE_DIMS = [119, 4, 12, 12, 10, 6, 6, 2, 2]
EMB_DIM = 128
N = 100000


def _xavier_uniform(key, shape):
    fan_in, fan_out = shape[0], shape[1]
    limit = np.sqrt(6.0 / (fan_in + fan_out))
    return jax.random.uniform(key, shape, dtype=jnp.float32, minval=-limit, maxval=limit)


def setup_inputs(seed: int = 0) -> dict:
    key = jax.random.key(seed)
    inp = {}
    # index matrix x: int64[N, 9], each column in [0, FEATURE_DIMS[i])
    cols = []
    for i, d in enumerate(FEATURE_DIMS):
        kc = jax.random.fold_in(key, 100 + i)
        cols.append(jax.random.randint(kc, (N,), 0, d, dtype=jnp.int64))
    inp['x'] = jnp.stack(cols, axis=1)
    # embedding tables (xavier-uniform init, one per atom feature)
    for i, d in enumerate(FEATURE_DIMS):
        kw = jax.random.fold_in(key, 200 + i)
        inp[f'W{i}'] = _xavier_uniform(kw, (d, EMB_DIM))
    return inp


def reference(x, W0, W1, W2, W3, W4, W5, W6, W7, W8):
    tables = [W0, W1, W2, W3, W4, W5, W6, W7, W8]
    x_embedding = jnp.zeros((x.shape[0], EMB_DIM), dtype=jnp.float32)
    for i in range(x.shape[1]):
        x_embedding = x_embedding + jnp.take(tables[i], x[:, i], axis=0)
    return x_embedding

if __name__ == "__main__":
    import jax
    _d = setup_inputs()
    print(jax.jit(kernel)(*tuple(_d.values())))

</pallas_src>

<mosaic_0001>
#map = affine_map<(d0, d1) -> (0)>
#map1 = affine_map<(d0, d1) -> (0, 0)>
module attributes {stable_mosaic.version = 14 : i64} {
  func.func @launch(%arg0: i32, %arg1: i32, %arg2: memref<900000xi32, #tpu.memory_space<hbm>>, %arg3: memref<26048xi32, #tpu.memory_space<hbm>>, %arg4: memref<100000x128xf32, #tpu.memory_space<hbm>>, %arg5: memref<26048xi32, #tpu.memory_space<vmem>>, %arg6: memref<28224xi32, #tpu.memory_space<vmem>>, %arg7: memref<12544xi32, #tpu.memory_space<vmem>>, %arg8: memref<120x128xf32, #tpu.memory_space<vmem>>, %arg9: memref<120x128xf32, #tpu.memory_space<vmem>>, %arg10: memref<!tpu.dma_semaphore, #tpu.memory_space<semaphore_mem>>, %arg11: memref<!tpu.dma_semaphore, #tpu.memory_space<semaphore_mem>>) attributes {dimension_semantics = [#tpu.dimension_semantics<core_parallel>, #tpu.dimension_semantics<subcore_parallel>], iteration_bounds = array<i64: 2, 16>, scalar_prefetch = 0 : i64, scratch_operands = 7 : i64, tpu.core_type = #tpu.core_type<sc_vector_subcore>, window_params = [{transform_indices = #map}, {transform_indices = #map}, {transform_indices = #map1}]} {
    %mul3A = arith.constant 2 : i32
    %mul3A_0 = arith.muli %arg1, %mul3A : i32
    %add3A = arith.addi %mul3A_0, %arg0 : i32
    "tpu.region"() ({
      %run_scoped3A = tpu.sem_alloc : memref<!tpu.dma_semaphore, #tpu.memory_space<semaphore_mem>>
      tpu.enqueue_dma source(%arg3 : memref<26048xi32, #tpu.memory_space<hbm>>) target(%arg5 : memref<26048xi32, #tpu.memory_space<vmem>>) target_semaphore(%run_scoped3A : memref<!tpu.dma_semaphore, #tpu.memory_space<semaphore_mem>>)
      tpu.wait_dma2 semaphore(%run_scoped3A : memref<!tpu.dma_semaphore, #tpu.memory_space<semaphore_mem>>) src(%arg3 : memref<26048xi32, #tpu.memory_space<hbm>>) dst(%arg5 : memref<26048xi32, #tpu.memory_space<vmem>>)
      tpu.yield
    }) : () -> ()
    %mul3A_1 = arith.constant 3120 : i32
    %mul3A_2 = arith.muli %add3A, %mul3A_1 : i32
    %multiple_of3A = tpu.assume_multiple %mul3A_2, 8 : i32
    %min3A = arith.constant 19 : i32
    %min3A_3 = arith.minsi %add3A, %min3A : i32
    %mul3A_4 = arith.constant 8 : i32
    %mul3A_5 = arith.muli %min3A_3, %mul3A_4 : i32
    %add3A_6 = arith.constant 99840 : i32
    %add3A_7 = arith.addi %add3A_6, %mul3A_5 : i32
    %multiple_of3A_8 = tpu.assume_multiple %add3A_7, 8 : i32
    %add3A_9 = arith.constant 0 : i32
    %add3A_10 = arith.addi %add3A_9, %multiple_of3A : i32
    "tpu.region"() ({
      %run_scoped3A = tpu.sem_alloc : memref<!tpu.dma_semaphore, #tpu.memory_space<semaphore_mem>>
      %dma_start3A = arith.constant 0 : i32
      %dma_start3A_144 = tpu.memref_slice %arg6[%dma_start3A] : memref<28224xi32, #tpu.memory_space<vmem>> -> memref<3120xi32, #tpu.memory_space<vmem>>
      %dma_start3A_145 = tpu.memref_slice %arg2[%add3A_10] : memref<900000xi32, #tpu.memory_space<hbm>> -> memref<3120xi32, #tpu.memory_space<hbm>>
      %dma_start3A_146 = arith.constant 0 : i32
      %dma_start3A_147 = tpu.memref_slice %arg6[%dma_start3A_146] : memref<28224xi32, #tpu.memory_space<vmem>> -> memref<3120xi32, #tpu.memory_space<vmem>>
      %dma_start3A_148 = tpu.memref_slice %arg2[%add3A_10] : memref<900000xi32, #tpu.memory_space<hbm>> -> memref<3120xi32, #tpu.memory_space<hbm>>
      tpu.enqueue_dma source(%dma_start3A_148 : memref<3120xi32, #tpu.memory_space<hbm>>) target(%dma_start3A_147 : memref<3120xi32, #tpu.memory_space<vmem>>) target_semaphore(%run_scoped3A : memref<!tpu.dma_semaphore, #tpu.memory_space<semaphore_mem>>)
      %dma_wait3A_149 = arith.constant 0 : i32
      %dma_wait3A_150 = tpu.memref_slice %arg6[%dma_wait3A_149] : memref<28224xi32, #tpu.memory_space<vmem>> -> memref<3120xi32, #tpu.memory_space<vmem>>
      %dma_wait3A_151 = tpu.memref_slice %arg2[%add3A_10] : memref<900000xi32, #tpu.memory_space<hbm>> -> memref<3120xi32, #tpu.memory_space<hbm>>
      %dma_wait3A_152 = arith.constant 0 : i32
      %dma_wait3A_153 = tpu.memref_slice %arg6[%dma_wait3A_152] : memref<28224xi32, #tpu.memory_space<vmem>> -> memref<3120xi32, #tpu.memory_space<vmem>>
      %dma_wait3A_154 = tpu.memref_slice %arg2[%add3A_10] : memref<900000xi32, #tpu.memory_space<hbm>> -> memref<3120xi32, #tpu.memory_space<hbm>>
      tpu.wait_dma2 semaphore(%run_scoped3A : memref<!tpu.dma_semaphore, #tpu.memory_space<semaphore_mem>>) src(%dma_wait3A_154 : memref<3120xi32, #tpu.memory_space<hbm>>) dst(%dma_wait3A_153 : memref<3120xi32, #tpu.memory_space<vmem>>)
      tpu.yield
    }) : () -> ()
    %add3A_11 = arith.constant 0 : i32
    %add3A_12 = arith.addi %add3A_11, %multiple_of3A_8 : i32
    "tpu.region"() ({
      %run_scoped3A = tpu.sem_alloc : memref<!tpu.dma_semaphore, #tpu.memory_space<semaphore_mem>>
      %dma_start3A = arith.constant 3120 : i32
      %dma_start3A_144 = tpu.memref_slice %arg6[%dma_start3A] : memref<28224xi32, #tpu.memory_space<vmem>> -> memref<16xi32, #tpu.memory_space<vmem>>
      %dma_start3A_145 = tpu.memref_slice %arg2[%add3A_12] : memref<900000xi32, #tpu.memory_space<hbm>> -> memref<16xi32, #tpu.memory_space<hbm>>
      %dma_start3A_146 = arith.constant 3120 : i32
      %dma_start3A_147 = tpu.memref_slice %arg6[%dma_start3A_146] : memref<28224xi32, #tpu.memory_space<vmem>> -> memref<16xi32, #tpu.memory_space<vmem>>
      %dma_start3A_148 = tpu.memref_slice %arg2[%add3A_12] : memref<900000xi32, #tpu.memory_space<hbm>> -> memref<16xi32, #tpu.memory_space<hbm>>
      tpu.enqueue_dma source(%dma_start3A_148 : memref<16xi32, #tpu.memory_space<hbm>>) target(%dma_start3A_147 : memref<16xi32, #tpu.memory_space<vmem>>) target_semaphore(%run_scoped3A : memref<!tpu.dma_semaphore, #tpu.memory_space<semaphore_mem>>)
      %dma_wait3A_149 = arith.constant 3120 : i32
      %dma_wait3A_150 = tpu.memref_slice %arg6[%dma_wait3A_149] : memref<28224xi32, #tpu.memory_space<vmem>> -> memref<16xi32, #tpu.memory_space<vmem>>
      %dma_wait3A_151 = tpu.memref_slice %arg2[%add3A_12] : memref<900000xi32, #tpu.memory_space<hbm>> -> memref<16xi32, #tpu.memory_space<hbm>>
      %dma_wait3A_152 = arith.constant 3120 : i32
      %dma_wait3A_153 = tpu.memref_slice %arg6[%dma_wait3A_152] : memref<28224xi32, #tpu.memory_space<vmem>> -> memref<16xi32, #tpu.memory_space<vmem>>
      %dma_wait3A_154 = tpu.memref_slice %arg2[%add3A_12] : memref<900000xi32, #tpu.memory_space<hbm>> -> memref<16xi32, #tpu.memory_space<hbm>>
      tpu.wait_dma2 semaphore(%run_scoped3A : memref<!tpu.dma_semaphore, #tpu.memory_space<semaphore_mem>>) src(%dma_wait3A_154 : memref<16xi32, #tpu.memory_space<hbm>>) dst(%dma_wait3A_153 : memref<16xi32, #tpu.memory_space<vmem>>)
      tpu.yield
    }) : () -> ()
    %add3A_13 = arith.constant 100000 : i32
    %add3A_14 = arith.addi %add3A_13, %multiple_of3A : i32
    "tpu.region"() ({
      %run_scoped3A = tpu.sem_alloc : memref<!tpu.dma_semaphore, #tpu.memory_space<semaphore_mem>>
      %dma_start3A = arith.constant 3136 : i32
      %dma_start3A_144 = tpu.memref_slice %arg6[%dma_start3A] : memref<28224xi32, #tpu.memory_space<vmem>> -> memref<3120xi32, #tpu.memory_space<vmem>>
      %dma_start3A_145 = tpu.memref_slice %arg2[%add3A_14] : memref<900000xi32, #tpu.memory_space<hbm>> -> memref<3120xi32, #tpu.memory_space<hbm>>
      %dma_start3A_146 = arith.constant 3136 : i32
      %dma_start3A_147 = tpu.memref_slice %arg6[%dma_start3A_146] : memref<28224xi32, #tpu.memory_space<vmem>> -> memref<3120xi32, #tpu.memory_space<vmem>>
      %dma_start3A_148 = tpu.memref_slice %arg2[%add3A_14] : memref<900000xi32, #tpu.memory_space<hbm>> -> memref<3120xi32, #tpu.memory_space<hbm>>
      tpu.enqueue_dma source(%dma_start3A_148 : memref<3120xi32, #tpu.memory_space<hbm>>) target(%dma_start3A_147 : memref<3120xi32, #tpu.memory_space<vmem>>) target_semaphore(%run_scoped3A : memref<!tpu.dma_semaphore, #tpu.memory_space<semaphore_mem>>)
      %dma_wait3A_149 = arith.constant 3136 : i32
      %dma_wait3A_150 = tpu.memref_slice %arg6[%dma_wait3A_149] : memref<28224xi32, #tpu.memory_space<vmem>> -> memref<3120xi32, #tpu.memory_space<vmem>>
      %dma_wait3A_151 = tpu.memref_slice %arg2[%add3A_14] : memref<900000xi32, #tpu.memory_space<hbm>> -> memref<3120xi32, #tpu.memory_space<hbm>>
      %dma_wait3A_152 = arith.constant 3136 : i32
      %dma_wait3A_153 = tpu.memref_slice %arg6[%dma_wait3A_152] : memref<28224xi32, #tpu.memory_space<vmem>> -> memref<3120xi32, #tpu.memory_space<vmem>>
      %dma_wait3A_154 = tpu.memref_slice %arg2[%add3A_14] : memref<900000xi32, #tpu.memory_space<hbm>> -> memref<3120xi32, #tpu.memory_space<hbm>>
      tpu.wait_dma2 semaphore(%run_scoped3A : memref<!tpu.dma_semaphore, #tpu.memory_space<semaphore_mem>>) src(%dma_wait3A_154 : memref<3120xi32, #tpu.memory_space<hbm>>) dst(%dma_wait3A_153 : memref<3120xi32, #tpu.memory_space<vmem>>)
      tpu.yield
    }) : () -> ()
    %add3A_15 = arith.constant 100000 : i32
    %add3A_16 = arith.addi %add3A_15, %multiple_of3A_8 : i32
    "tpu.region"() ({
      %run_scoped3A = tpu.sem_alloc : memref<!tpu.dma_semaphore, #tpu.memory_space<semaphore_mem>>
      %dma_start3A = arith.constant 6256 : i32
      %dma_start3A_144 = tpu.memref_slice %arg6[%dma_start3A] : memref<28224xi32, #tpu.memory_space<vmem>> -> memref<16xi32, #tpu.memory_space<vmem>>
      %dma_start3A_145 = tpu.memref_slice %arg2[%add3A_16] : memref<900000xi32, #tpu.memory_space<hbm>> -> memref<16xi32, #tpu.memory_space<hbm>>
      %dma_start3A_146 = arith.constant 6256 : i32
      %dma_start3A_147 = tpu.memref_slice %arg6[%dma_start3A_146] : memref<28224xi32, #tpu.memory_space<vmem>> -> memref<16xi32, #tpu.memory_space<vmem>>
      %dma_start3A_148 = tpu.memref_slice %arg2[%add3A_16] : memref<900000xi32, #tpu.memory_space<hbm>> -> memref<16xi32, #tpu.memory_space<hbm>>
      tpu.enqueue_dma source(%dma_start3A_148 : memref<16xi32, #tpu.memory_space<hbm>>) target(%dma_start3A_147 : memref<16xi32, #tpu.memory_space<vmem>>) target_semaphore(%run_scoped3A : memref<!tpu.dma_semaphore, #tpu.memory_space<semaphore_mem>>)
      %dma_wait3A_149 = arith.constant 6256 : i32
      %dma_wait3A_150 = tpu.memref_slice %arg6[%dma_wait3A_149] : memref<28224xi32, #tpu.memory_space<vmem>> -> memref<16xi32, #tpu.memory_space<vmem>>
      %dma_wait3A_151 = tpu.memref_slice %arg2[%add3A_16] : memref<900000xi32, #tpu.memory_space<hbm>> -> memref<16xi32, #tpu.memory_space<hbm>>
      %dma_wait3A_152 = arith.constant 6256 : i32
      %dma_wait3A_153 = tpu.memref_slice %arg6[%dma_wait3A_152] : memref<28224xi32, #tpu.memory_space<vmem>> -> memref<16xi32, #tpu.memory_space<vmem>>
      %dma_wait3A_154 = tpu.memref_slice %arg2[%add3A_16] : memref<900000xi32, #tpu.memory_space<hbm>> -> memref<16xi32, #tpu.memory_space<hbm>>
      tpu.wait_dma2 semaphore(%run_scoped3A : memref<!tpu.dma_semaphore, #tpu.memory_space<semaphore_mem>>) src(%dma_wait3A_154 : memref<16xi32, #tpu.memory_space<hbm>>) dst(%dma_wait3A_153 : memref<16xi32, #tpu.memory_space<vmem>>)
      tpu.yield
    }) : () -> ()
    %add3A_17 = arith.constant 200000 : i32
    %add3A_18 = arith.addi %add3A_17, %multiple_of3A : i32
    "tpu.region"() ({
      %run_scoped3A = tpu.sem_alloc : memref<!tpu.dma_semaphore, #tpu.memory_space<semaphore_mem>>
      %dma_start3A = arith.constant 6272 : i32
      %dma_start3A_144 = tpu.memref_slice %arg6[%dma_start3A] : memref<28224xi32, #tpu.memory_space<vmem>> -> memref<3120xi32, #tpu.memory_space<vmem>>
      %dma_start3A_145 = tpu.memref_slice %arg2[%add3A_18] : memref<900000xi32, #tpu.memory_space<hbm>> -> memref<3120xi32, #tpu.memory_space<hbm>>
      %dma_start3A_146 = arith.constant 6272 : i32
      %dma_start3A_147 = tpu.memref_slice %arg6[%dma_start3A_146] : memref<28224xi32, #tpu.memory_space<vmem>> -> memref<3120xi32, #tpu.memory_space<vmem>>
      %dma_start3A_148 = tpu.memref_slice %arg2[%add3A_18] : memref<900000xi32, #tpu.memory_space<hbm>> -> memref<3120xi32, #tpu.memory_space<hbm>>
      tpu.enqueue_dma source(%dma_start3A_148 : memref<3120xi32, #tpu.memory_space<hbm>>) target(%dma_start3A_147 : memref<3120xi32, #tpu.memory_space<vmem>>) target_semaphore(%run_scoped3A : memref<!tpu.dma_semaphore, #tpu.memory_space<semaphore_mem>>)
      %dma_wait3A_149 = arith.constant 6272 : i32
      %dma_wait3A_150 = tpu.memref_slice %arg6[%dma_wait3A_149] : memref<28224xi32, #tpu.memory_space<vmem>> -> memref<3120xi32, #tpu.memory_space<vmem>>
      %dma_wait3A_151 = tpu.memref_slice %arg2[%add3A_18] : memref<900000xi32, #tpu.memory_space<hbm>> -> memref<3120xi32, #tpu.memory_space<hbm>>
      %dma_wait3A_152 = arith.constant 6272 : i32
      %dma_wait3A_153 = tpu.memref_slice %arg6[%dma_wait3A_152] : memref<28224xi32, #tpu.memory_space<vmem>> -> memref<3120xi32, #tpu.memory_space<vmem>>
      %dma_wait3A_154 = tpu.memref_slice %arg2[%add3A_18] : memref<900000xi32, #tpu.memory_space<hbm>> -> memref<3120xi32, #tpu.memory_space<hbm>>
      tpu.wait_dma2 semaphore(%run_scoped3A : memref<!tpu.dma_semaphore, #tpu.memory_space<semaphore_mem>>) src(%dma_wait3A_154 : memref<3120xi32, #tpu.memory_space<hbm>>) dst(%dma_wait3A_153 : memref<3120xi32, #tpu.memory_space<vmem>>)
      tpu.yield
    }) : () -> ()
    %add3A_19 = arith.constant 200000 : i32
    %add3A_20 = arith.addi %add3A_19, %multiple_of3A_8 : i32
    "tpu.region"() ({
      %run_scoped3A = tpu.sem_alloc : memref<!tpu.dma_semaphore, #tpu.memory_space<semaphore_mem>>
      %dma_start3A = arith.constant 9392 : i32
      %dma_start3A_144 = tpu.memref_slice %arg6[%dma_start3A] : memref<28224xi32, #tpu.memory_space<vmem>> -> memref<16xi32, #tpu.memory_space<vmem>>
      %dma_start3A_145 = tpu.memref_slice %arg2[%add3A_20] : memref<900000xi32, #tpu.memory_space<hbm>> -> memref<16xi32, #tpu.memory_space<hbm>>
      %dma_start3A_146 = arith.constant 9392 : i32
      %dma_start3A_147 = tpu.memref_slice %arg6[%dma_start3A_146] : memref<28224xi32, #tpu.memory_space<vmem>> -> memref<16xi32, #tpu.memory_space<vmem>>
      %dma_start3A_148 = tpu.memref_slice %arg2[%add3A_20] : memref<900000xi32, #tpu.memory_space<hbm>> -> memref<16xi32, #tpu.memory_space<hbm>>
      tpu.enqueue_dma source(%dma_start3A_148 : memref<16xi32, #tpu.memory_space<hbm>>) target(%dma_start3A_147 : memref<16xi32, #tpu.memory_space<vmem>>) target_semaphore(%run_scoped3A : memref<!tpu.dma_semaphore, #tpu.memory_space<semaphore_mem>>)
      %dma_wait3A_149 = arith.constant 9392 : i32
      %dma_wait3A_150 = tpu.memref_slice %arg6[%dma_wait3A_149] : memref<28224xi32, #tpu.memory_space<vmem>> -> memref<16xi32, #tpu.memory_space<vmem>>
      %dma_wait3A_151 = tpu.memref_slice %arg2[%add3A_20] : memref<900000xi32, #tpu.memory_space<hbm>> -> memref<16xi32, #tpu.memory_space<hbm>>
      %dma_wait3A_152 = arith.constant 9392 : i32
      %dma_wait3A_153 = tpu.memref_slice %arg6[%dma_wait3A_152] : memref<28224xi32, #tpu.memory_space<vmem>> -> memref<16xi32, #tpu.memory_space<vmem>>
      %dma_wait3A_154 = tpu.memref_slice %arg2[%add3A_20] : memref<900000xi32, #tpu.memory_space<hbm>> -> memref<16xi32, #tpu.memory_space<hbm>>
      tpu.wait_dma2 semaphore(%run_scoped3A : memref<!tpu.dma_semaphore, #tpu.memory_space<semaphore_mem>>) src(%dma_wait3A_154 : memref<16xi32, #tpu.memory_space<hbm>>) dst(%dma_wait3A_153 : memref<16xi32, #tpu.memory_space<vmem>>)
      tpu.yield
    }) : () -> ()
    %add3A_21 = arith.constant 300000 : i32
    %add3A_22 = arith.addi %add3A_21, %multiple_of3A : i32
    "tpu.region"() ({
      %run_scoped3A = tpu.sem_alloc : memref<!tpu.dma_semaphore, #tpu.memory_space<semaphore_mem>>
      %dma_start3A = arith.constant 9408 : i32
      %dma_start3A_144 = tpu.memref_slice %arg6[%dma_start3A] : memref<28224xi32, #tpu.memory_space<vmem>> -> memref<3120xi32, #tpu.memory_space<vmem>>
      %dma_start3A_145 = tpu.memref_slice %arg2[%add3A_22] : memref<900000xi32, #tpu.memory_space<hbm>> -> memref<3120xi32, #tpu.memory_space<hbm>>
      %dma_start3A_146 = arith.constant 9408 : i32
      %dma_start3A_147 = tpu.memref_slice %arg6[%dma_start3A_146] : memref<28224xi32, #tpu.memory_space<vmem>> -> memref<3120xi32, #tpu.memory_space<vmem>>
      %dma_start3A_148 = tpu.memref_slice %arg2[%add3A_22] : memref<900000xi32, #tpu.memory_space<hbm>> -> memref<3120xi32, #tpu.memory_space<hbm>>
      tpu.enqueue_dma source(%dma_start3A_148 : memref<3120xi32, #tpu.memory_space<hbm>>) target(%dma_start3A_147 : memref<3120xi32, #tpu.memory_space<vmem>>) target_semaphore(%run_scoped3A : memref<!tpu.dma_semaphore, #tpu.memory_space<semaphore_mem>>)
      %dma_wait3A_149 = arith.constant 9408 : i32
      %dma_wait3A_150 = tpu.memref_slice %arg6[%dma_wait3A_149] : memref<28224xi32, #tpu.memory_space<vmem>> -> memref<3120xi32, #tpu.memory_space<vmem>>
      %dma_wait3A_151 = tpu.memref_slice %arg2[%add3A_22] : memref<900000xi32, #tpu.memory_space<hbm>> -> memref<3120xi32, #tpu.memory_space<hbm>>
      %dma_wait3A_152 = arith.constant 9408 : i32
      %dma_wait3A_153 = tpu.memref_slice %arg6[%dma_wait3A_152] : memref<28224xi32, #tpu.memory_space<vmem>> -> memref<3120xi32, #tpu.memory_space<vmem>>
      %dma_wait3A_154 = tpu.memref_slice %arg2[%add3A_22] : memref<900000xi32, #tpu.memory_space<hbm>> -> memref<3120xi32, #tpu.memory_space<hbm>>
      tpu.wait_dma2 semaphore(%run_scoped3A : memref<!tpu.dma_semaphore, #tpu.memory_space<semaphore_mem>>) src(%dma_wait3A_154 : memref<3120xi32, #tpu.memory_space<hbm>>) dst(%dma_wait3A_153 : memref<3120xi32, #tpu.memory_space<vmem>>)
      tpu.yield
    }) : () -> ()
    %add3A_23 = arith.constant 300000 : i32
    %add3A_24 = arith.addi %add3A_23, %multiple_of3A_8 : i32
    "tpu.region"() ({
      %run_scoped3A = tpu.sem_alloc : memref<!tpu.dma_semaphore, #tpu.memory_space<semaphore_mem>>
      %dma_start3A = arith.constant 12528 : i32
      %dma_start3A_144 = tpu.memref_slice %arg6[%dma_start3A] : memref<28224xi32, #tpu.memory_space<vmem>> -> memref<16xi32, #tpu.memory_space<vmem>>
      %dma_start3A_145 = tpu.memref_slice %arg2[%add3A_24] : memref<900000xi32, #tpu.memory_space<hbm>> -> memref<16xi32, #tpu.memory_space<hbm>>
      %dma_start3A_146 = arith.constant 12528 : i32
      %dma_start3A_147 = tpu.memref_slice %arg6[%dma_start3A_146] : memref<28224xi32, #tpu.memory_space<vmem>> -> memref<16xi32, #tpu.memory_space<vmem>>
      %dma_start3A_148 = tpu.memref_slice %arg2[%add3A_24] : memref<900000xi32, #tpu.memory_space<hbm>> -> memref<16xi32, #tpu.memory_space<hbm>>
      tpu.enqueue_dma source(%dma_start3A_148 : memref<16xi32, #tpu.memory_space<hbm>>) target(%dma_start3A_147 : memref<16xi32, #tpu.memory_space<vmem>>) target_semaphore(%run_scoped3A : memref<!tpu.dma_semaphore, #tpu.memory_space<semaphore_mem>>)
      %dma_wait3A_149 = arith.constant 12528 : i32
      %dma_wait3A_150 = tpu.memref_slice %arg6[%dma_wait3A_149] : memref<28224xi32, #tpu.memory_space<vmem>> -> memref<16xi32, #tpu.memory_space<vmem>>
      %dma_wait3A_151 = tpu.memref_slice %arg2[%add3A_24] : memref<900000xi32, #tpu.memory_space<hbm>> -> memref<16xi32, #tpu.memory_space<hbm>>
      %dma_wait3A_152 = arith.constant 12528 : i32
      %dma_wait3A_153 = tpu.memref_slice %arg6[%dma_wait3A_152] : memref<28224xi32, #tpu.memory_space<vmem>> -> memref<16xi32, #tpu.memory_space<vmem>>
      %dma_wait3A_154 = tpu.memref_slice %arg2[%add3A_24] : memref<900000xi32, #tpu.memory_space<hbm>> -> memref<16xi32, #tpu.memory_space<hbm>>
      tpu.wait_dma2 semaphore(%run_scoped3A : memref<!tpu.dma_semaphore, #tpu.memory_space<semaphore_mem>>) src(%dma_wait3A_154 : memref<16xi32, #tpu.memory_space<hbm>>) dst(%dma_wait3A_153 : memref<16xi32, #tpu.memory_space<vmem>>)
      tpu.yield
    }) : () -> ()
    %add3A_25 = arith.constant 400000 : i32
    %add3A_26 = arith.addi %add3A_25, %multiple_of3A : i32
    "tpu.region"() ({
      %run_scoped3A = tpu.sem_alloc : memref<!tpu.dma_semaphore, #tpu.memory_space<semaphore_mem>>
      %dma_start3A = arith.constant 12544 : i32
      %dma_start3A_144 = tpu.memref_slice %arg6[%dma_start3A] : memref<28224xi32, #tpu.memory_space<vmem>> -> memref<3120xi32, #tpu.memory_space<vmem>>
      %dma_start3A_145 = tpu.memref_slice %arg2[%add3A_26] : memref<900000xi32, #tpu.memory_space<hbm>> -> memref<3120xi32, #tpu.memory_space<hbm>>
      %dma_start3A_146 = arith.constant 12544 : i32
      %dma_start3A_147 = tpu.memref_slice %arg6[%dma_start3A_146] : memref<28224xi32, #tpu.memory_space<vmem>> -> memref<3120xi32, #tpu.memory_space<vmem>>
      %dma_start3A_148 = tpu.memref_slice %arg2[%add3A_26] : memref<900000xi32, #tpu.memory_space<hbm>> -> memref<3120xi32, #tpu.memory_space<hbm>>
      tpu.enqueue_dma source(%dma_start3A_148 : memref<3120xi32, #tpu.memory_space<hbm>>) target(%dma_start3A_147 : memref<3120xi32, #tpu.memory_space<vmem>>) target_semaphore(%run_scoped3A : memref<!tpu.dma_semaphore, #tpu.memory_space<semaphore_mem>>)
      %dma_wait3A_149 = arith.constant 12544 : i32
      %dma_wait3A_150 = tpu.memref_slice %arg6[%dma_wait3A_149] : memref<28224xi32, #tpu.memory_space<vmem>> -> memref<3120xi32, #tpu.memory_space<vmem>>
      %dma_wait3A_151 = tpu.memref_slice %arg2[%add3A_26] : memref<900000xi32, #tpu.memory_space<hbm>> -> memref<3120xi32, #tpu.memory_space<hbm>>
      %dma_wait3A_152 = arith.constant 12544 : i32
      %dma_wait3A_153 = tpu.memref_slice %arg6[%dma_wait3A_152] : memref<28224xi32, #tpu.memory_space<vmem>> -> memref<3120xi32, #tpu.memory_space<vmem>>
      %dma_wait3A_154 = tpu.memref_slice %arg2[%add3A_26] : memref<900000xi32, #tpu.memory_space<hbm>> -> memref<3120xi32, #tpu.memory_space<hbm>>
      tpu.wait_dma2 semaphore(%run_scoped3A : memref<!tpu.dma_semaphore, #tpu.memory_space<semaphore_mem>>) src(%dma_wait3A_154 : memref<3120xi32, #tpu.memory_space<hbm>>) dst(%dma_wait3A_153 : memref<3120xi32, #tpu.memory_space<vmem>>)
      tpu.yield
    }) : () -> ()
    %add3A_27 = arith.constant 400000 : i32
    %add3A_28 = arith.addi %add3A_27, %multiple_of3A_8 : i32
    "tpu.region"() ({
      %run_scoped3A = tpu.sem_alloc : memref<!tpu.dma_semaphore, #tpu.memory_space<semaphore_mem>>
      %dma_start3A = arith.constant 15664 : i32
      %dma_start3A_144 = tpu.memref_slice %arg6[%dma_start3A] : memref<28224xi32, #tpu.memory_space<vmem>> -> memref<16xi32, #tpu.memory_space<vmem>>
      %dma_start3A_145 = tpu.memref_slice %arg2[%add3A_28] : memref<900000xi32, #tpu.memory_space<hbm>> -> memref<16xi32, #tpu.memory_space<hbm>>
      %dma_start3A_146 = arith.constant 15664 : i32
      %dma_start3A_147 = tpu.memref_slice %arg6[%dma_start3A_146] : memref<28224xi32, #tpu.memory_space<vmem>> -> memref<16xi32, #tpu.memory_space<vmem>>
      %dma_start3A_148 = tpu.memref_slice %arg2[%add3A_28] : memref<900000xi32, #tpu.memory_space<hbm>> -> memref<16xi32, #tpu.memory_space<hbm>>
      tpu.enqueue_dma source(%dma_start3A_148 : memref<16xi32, #tpu.memory_space<hbm>>) target(%dma_start3A_147 : memref<16xi32, #tpu.memory_space<vmem>>) target_semaphore(%run_scoped3A : memref<!tpu.dma_semaphore, #tpu.memory_space<semaphore_mem>>)
      %dma_wait3A_149 = arith.constant 15664 : i32
      %dma_wait3A_150 = tpu.memref_slice %arg6[%dma_wait3A_149] : memref<28224xi32, #tpu.memory_space<vmem>> -> memref<16xi32, #tpu.memory_space<vmem>>
      %dma_wait3A_151 = tpu.memref_slice %arg2[%add3A_28] : memref<900000xi32, #tpu.memory_space<hbm>> -> memref<16xi32, #tpu.memory_space<hbm>>
      %dma_wait3A_152 = arith.constant 15664 : i32
      %dma_wait3A_153 = tpu.memref_slice %arg6[%dma_wait3A_152] : memref<28224xi32, #tpu.memory_space<vmem>> -> memref<16xi32, #tpu.memory_space<vmem>>
      %dma_wait3A_154 = tpu.memref_slice %arg2[%add3A_28] : memref<900000xi32, #tpu.memory_space<hbm>> -> memref<16xi32, #tpu.memory_space<hbm>>
      tpu.wait_dma2 semaphore(%run_scoped3A : memref<!tpu.dma_semaphore, #tpu.memory_space<semaphore_mem>>) src(%dma_wait3A_154 : memref<16xi32, #tpu.memory_space<hbm>>) dst(%dma_wait3A_153 : memref<16xi32, #tpu.memory_space<vmem>>)
      tpu.yield
    }) : () -> ()
    %add3A_29 = arith.constant 500000 : i32
    %add3A_30 = arith.addi %add3A_29, %multiple_of3A : i32
    "tpu.region"() ({
      %run_scoped3A = tpu.sem_alloc : memref<!tpu.dma_semaphore, #tpu.memory_space<semaphore_mem>>
      %dma_start3A = arith.constant 15680 : i32
      %dma_start3A_144 = tpu.memref_slice %arg6[%dma_start3A] : memref<28224xi32, #tpu.memory_space<vmem>> -> memref<3120xi32, #tpu.memory_space<vmem>>
      %dma_start3A_145 = tpu.memref_slice %arg2[%add3A_30] : memref<900000xi32, #tpu.memory_space<hbm>> -> memref<3120xi32, #tpu.memory_space<hbm>>
      %dma_start3A_146 = arith.constant 15680 : i32
      %dma_start3A_147 = tpu.memref_slice %arg6[%dma_start3A_146] : memref<28224xi32, #tpu.memory_space<vmem>> -> memref<3120xi32, #tpu.memory_space<vmem>>
      %dma_start3A_148 = tpu.memref_slice %arg2[%add3A_30] : memref<900000xi32, #tpu.memory_space<hbm>> -> memref<3120xi32, #tpu.memory_space<hbm>>
      tpu.enqueue_dma source(%dma_start3A_148 : memref<3120xi32, #tpu.memory_space<hbm>>) target(%dma_start3A_147 : memref<3120xi32, #tpu.memory_space<vmem>>) target_semaphore(%run_scoped3A : memref<!tpu.dma_semaphore, #tpu.memory_space<semaphore_mem>>)
      %dma_wait3A_149 = arith.constant 15680 : i32
      %dma_wait3A_150 = tpu.memref_slice %arg6[%dma_wait3A_149] : memref<28224xi32, #tpu.memory_space<vmem>> -> memref<3120xi32, #tpu.memory_space<vmem>>
      %dma_wait3A_151 = tpu.memref_slice %arg2[%add3A_30] : memref<900000xi32, #tpu.memory_space<hbm>> -> memref<3120xi32, #tpu.memory_space<hbm>>
      %dma_wait3A_152 = arith.constant 15680 : i32
      %dma_wait3A_153 = tpu.memref_slice %arg6[%dma_wait3A_152] : memref<28224xi32, #tpu.memory_space<vmem>> -> memref<3120xi32, #tpu.memory_space<vmem>>
      %dma_wait3A_154 = tpu.memref_slice %arg2[%add3A_30] : memref<900000xi32, #tpu.memory_space<hbm>> -> memref<3120xi32, #tpu.memory_space<hbm>>
      tpu.wait_dma2 semaphore(%run_scoped3A : memref<!tpu.dma_semaphore, #tpu.memory_space<semaphore_mem>>) src(%dma_wait3A_154 : memref<3120xi32, #tpu.memory_space<hbm>>) dst(%dma_wait3A_153 : memref<3120xi32, #tpu.memory_space<vmem>>)
      tpu.yield
    }) : () -> ()
    %add3A_31 = arith.constant 500000 : i32
    %add3A_32 = arith.addi %add3A_31, %multiple_of3A_8 : i32
    "tpu.region"() ({
      %run_scoped3A = tpu.sem_alloc : memref<!tpu.dma_semaphore, #tpu.memory_space<semaphore_mem>>
      %dma_start3A = arith.constant 18800 : i32
      %dma_start3A_144 = tpu.memref_slice %arg6[%dma_start3A] : memref<28224xi32, #tpu.memory_space<vmem>> -> memref<16xi32, #tpu.memory_space<vmem>>
      %dma_start3A_145 = tpu.memref_slice %arg2[%add3A_32] : memref<900000xi32, #tpu.memory_space<hbm>> -> memref<16xi32, #tpu.memory_space<hbm>>
      %dma_start3A_146 = arith.constant 18800 : i32
      %dma_start3A_147 = tpu.memref_slice %arg6[%dma_start3A_146] : memref<28224xi32, #tpu.memory_space<vmem>> -> memref<16xi32, #tpu.memory_space<vmem>>
      %dma_start3A_148 = tpu.memref_slice %arg2[%add3A_32] : memref<900000xi32, #tpu.memory_space<hbm>> -> memref<16xi32, #tpu.memory_space<hbm>>
      tpu.enqueue_dma source(%dma_start3A_148 : memref<16xi32, #tpu.memory_space<hbm>>) target(%dma_start3A_147 : memref<16xi32, #tpu.memory_space<vmem>>) target_semaphore(%run_scoped3A : memref<!tpu.dma_semaphore, #tpu.memory_space<semaphore_mem>>)
      %dma_wait3A_149 = arith.constant 18800 : i32
      %dma_wait3A_150 = tpu.memref_slice %arg6[%dma_wait3A_149] : memref<28224xi32, #tpu.memory_space<vmem>> -> memref<16xi32, #tpu.memory_space<vmem>>
      %dma_wait3A_151 = tpu.memref_slice %arg2[%add3A_32] : memref<900000xi32, #tpu.memory_space<hbm>> -> memref<16xi32, #tpu.memory_space<hbm>>
      %dma_wait3A_152 = arith.constant 18800 : i32
      %dma_wait3A_153 = tpu.memref_slice %arg6[%dma_wait3A_152] : memref<28224xi32, #tpu.memory_space<vmem>> -> memref<16xi32, #tpu.memory_space<vmem>>
      %dma_wait3A_154 = tpu.memref_slice %arg2[%add3A_32] : memref<900000xi32, #tpu.memory_space<hbm>> -> memref<16xi32, #tpu.memory_space<hbm>>
      tpu.wait_dma2 semaphore(%run_scoped3A : memref<!tpu.dma_semaphore, #tpu.memory_space<semaphore_mem>>) src(%dma_wait3A_154 : memref<16xi32, #tpu.memory_space<hbm>>) dst(%dma_wait3A_153 : memref<16xi32, #tpu.memory_space<vmem>>)
      tpu.yield
    }) : () -> ()
    %add3A_33 = arith.constant 600000 : i32
    %add3A_34 = arith.addi %add3A_33, %multiple_of3A : i32
    "tpu.region"() ({
      %run_scoped3A = tpu.sem_alloc : memref<!tpu.dma_semaphore, #tpu.memory_space<semaphore_mem>>
      %dma_start3A = arith.constant 18816 : i32
      %dma_start3A_144 = tpu.memref_slice %arg6[%dma_start3A] : memref<28224xi32, #tpu.memory_space<vmem>> -> memref<3120xi32, #tpu.memory_space<vmem>>
      %dma_start3A_145 = tpu.memref_slice %arg2[%add3A_34] : memref<900000xi32, #tpu.memory_space<hbm>> -> memref<3120xi32, #tpu.memory_space<hbm>>
      %dma_start3A_146 = arith.constant 18816 : i32
      %dma_start3A_147 = tpu.memref_slice %arg6[%dma_start3A_146] : memref<28224xi32, #tpu.memory_space<vmem>> -> memref<3120xi32, #tpu.memory_space<vmem>>
      %dma_start3A_148 = tpu.memref_slice %arg2[%add3A_34] : memref<900000xi32, #tpu.memory_space<hbm>> -> memref<3120xi32, #tpu.memory_space<hbm>>
      tpu.enqueue_dma source(%dma_start3A_148 : memref<3120xi32, #tpu.memory_space<hbm>>) target(%dma_start3A_147 : memref<3120xi32, #tpu.memory_space<vmem>>) target_semaphore(%run_scoped3A : memref<!tpu.dma_semaphore, #tpu.memory_space<semaphore_mem>>)
      %dma_wait3A_149 = arith.constant 18816 : i32
      %dma_wait3A_150 = tpu.memref_slice %arg6[%dma_wait3A_149] : memref<28224xi32, #tpu.memory_space<vmem>> -> memref<3120xi32, #tpu.memory_space<vmem>>
      %dma_wait3A_151 = tpu.memref_slice %arg2[%add3A_34] : memref<900000xi32, #tpu.memory_space<hbm>> -> memref<3120xi32, #tpu.memory_space<hbm>>
      %dma_wait3A_152 = arith.constant 18816 : i32
      %dma_wait3A_153 = tpu.memref_slice %arg6[%dma_wait3A_152] : memref<28224xi32, #tpu.memory_space<vmem>> -> memref<3120xi32, #tpu.memory_space<vmem>>
      %dma_wait3A_154 = tpu.memref_slice %arg2[%add3A_34] : memref<900000xi32, #tpu.memory_space<hbm>> -> memref<3120xi32, #tpu.memory_space<hbm>>
      tpu.wait_dma2 semaphore(%run_scoped3A : memref<!tpu.dma_semaphore, #tpu.memory_space<semaphore_mem>>) src(%dma_wait3A_154 : memref<3120xi32, #tpu.memory_space<hbm>>) dst(%dma_wait3A_153 : memref<3120xi32, #tpu.memory_space<vmem>>)
      tpu.yield
    }) : () -> ()
    %add3A_35 = arith.constant 600000 : i32
    %add3A_36 = arith.addi %add3A_35, %multiple_of3A_8 : i32
    "tpu.region"() ({
      %run_scoped3A = tpu.sem_alloc : memref<!tpu.dma_semaphore, #tpu.memory_space<semaphore_mem>>
      %dma_start3A = arith.constant 21936 : i32
      %dma_start3A_144 = tpu.memref_slice %arg6[%dma_start3A] : memref<28224xi32, #tpu.memory_space<vmem>> -> memref<16xi32, #tpu.memory_space<vmem>>
      %dma_start3A_145 = tpu.memref_slice %arg2[%add3A_36] : memref<900000xi32, #tpu.memory_space<hbm>> -> memref<16xi32, #tpu.memory_space<hbm>>
      %dma_start3A_146 = arith.constant 21936 : i32
      %dma_start3A_147 = tpu.memref_slice %arg6[%dma_start3A_146] : memref<28224xi32, #tpu.memory_space<vmem>> -> memref<16xi32, #tpu.memory_space<vmem>>
      %dma_start3A_148 = tpu.memref_slice %arg2[%add3A_36] : memref<900000xi32, #tpu.memory_space<hbm>> -> memref<16xi32, #tpu.memory_space<hbm>>
      tpu.enqueue_dma source(%dma_start3A_148 : memref<16xi32, #tpu.memory_space<hbm>>) target(%dma_start3A_147 : memref<16xi32, #tpu.memory_space<vmem>>) target_semaphore(%run_scoped3A : memref<!tpu.dma_semaphore, #tpu.memory_space<semaphore_mem>>)
      %dma_wait3A_149 = arith.constant 21936 : i32
      %dma_wait3A_150 = tpu.memref_slice %arg6[%dma_wait3A_149] : memref<28224xi32, #tpu.memory_space<vmem>> -> memref<16xi32, #tpu.memory_space<vmem>>
      %dma_wait3A_151 = tpu.memref_slice %arg2[%add3A_36] : memref<900000xi32, #tpu.memory_space<hbm>> -> memref<16xi32, #tpu.memory_space<hbm>>
      %dma_wait3A_152 = arith.constant 21936 : i32
      %dma_wait3A_153 = tpu.memref_slice %arg6[%dma_wait3A_152] : memref<28224xi32, #tpu.memory_space<vmem>> -> memref<16xi32, #tpu.memory_space<vmem>>
      %dma_wait3A_154 = tpu.memref_slice %arg2[%add3A_36] : memref<900000xi32, #tpu.memory_space<hbm>> -> memref<16xi32, #tpu.memory_space<hbm>>
      tpu.wait_dma2 semaphore(%run_scoped3A : memref<!tpu.dma_semaphore, #tpu.memory_space<semaphore_mem>>) src(%dma_wait3A_154 : memref<16xi32, #tpu.memory_space<hbm>>) dst(%dma_wait3A_153 : memref<16xi32, #tpu.memory_space<vmem>>)
      tpu.yield
    }) : () -> ()
    %add3A_37 = arith.constant 700000 : i32
    %add3A_38 = arith.addi %add3A_37, %multiple_of3A : i32
    "tpu.region"() ({
      %run_scoped3A = tpu.sem_alloc : memref<!tpu.dma_semaphore, #tpu.memory_space<semaphore_mem>>
      %dma_start3A = arith.constant 21952 : i32
      %dma_start3A_144 = tpu.memref_slice %arg6[%dma_start3A] : memref<28224xi32, #tpu.memory_space<vmem>> -> memref<3120xi32, #tpu.memory_space<vmem>>
      %dma_start3A_145 = tpu.memref_slice %arg2[%add3A_38] : memref<900000xi32, #tpu.memory_space<hbm>> -> memref<3120xi32, #tpu.memory_space<hbm>>
      %dma_start3A_146 = arith.constant 21952 : i32
      %dma_start3A_147 = tpu.memref_slice %arg6[%dma_start3A_146] : memref<28224xi32, #tpu.memory_space<vmem>> -> memref<3120xi32, #tpu.memory_space<vmem>>
      %dma_start3A_148 = tpu.memref_slice %arg2[%add3A_38] : memref<900000xi32, #tpu.memory_space<hbm>> -> memref<3120xi32, #tpu.memory_space<hbm>>
      tpu.enqueue_dma source(%dma_start3A_148 : memref<3120xi32, #tpu.memory_space<hbm>>) target(%dma_start3A_147 : memref<3120xi32, #tpu.memory_space<vmem>>) target_semaphore(%run_scoped3A : memref<!tpu.dma_semaphore, #tpu.memory_space<semaphore_mem>>)
      %dma_wait3A_149 = arith.constant 21952 : i32
      %dma_wait3A_150 = tpu.memref_slice %arg6[%dma_wait3A_149] : memref<28224xi32, #tpu.memory_space<vmem>> -> memref<3120xi32, #tpu.memory_space<vmem>>
      %dma_wait3A_151 = tpu.memref_slice %arg2[%add3A_38] : memref<900000xi32, #tpu.memory_space<hbm>> -> memref<3120xi32, #tpu.memory_space<hbm>>
      %dma_wait3A_152 = arith.constant 21952 : i32
      %dma_wait3A_153 = tpu.memref_slice %arg6[%dma_wait3A_152] : memref<28224xi32, #tpu.memory_space<vmem>> -> memref<3120xi32, #tpu.memory_space<vmem>>
      %dma_wait3A_154 = tpu.memref_slice %arg2[%add3A_38] : memref<900000xi32, #tpu.memory_space<hbm>> -> memref<3120xi32, #tpu.memory_space<hbm>>
      tpu.wait_dma2 semaphore(%run_scoped3A : memref<!tpu.dma_semaphore, #tpu.memory_space<semaphore_mem>>) src(%dma_wait3A_154 : memref<3120xi32, #tpu.memory_space<hbm>>) dst(%dma_wait3A_153 : memref<3120xi32, #tpu.memory_space<vmem>>)
      tpu.yield
    }) : () -> ()
    %add3A_39 = arith.constant 700000 : i32
    %add3A_40 = arith.addi %add3A_39, %multiple_of3A_8 : i32
    "tpu.region"() ({
      %run_scoped3A = tpu.sem_alloc : memref<!tpu.dma_semaphore, #tpu.memory_space<semaphore_mem>>
      %dma_start3A = arith.constant 25072 : i32
      %dma_start3A_144 = tpu.memref_slice %arg6[%dma_start3A] : memref<28224xi32, #tpu.memory_space<vmem>> -> memref<16xi32, #tpu.memory_space<vmem>>
      %dma_start3A_145 = tpu.memref_slice %arg2[%add3A_40] : memref<900000xi32, #tpu.memory_space<hbm>> -> memref<16xi32, #tpu.memory_space<hbm>>
      %dma_start3A_146 = arith.constant 25072 : i32
      %dma_start3A_147 = tpu.memref_slice %arg6[%dma_start3A_146] : memref<28224xi32, #tpu.memory_space<vmem>> -> memref<16xi32, #tpu.memory_space<vmem>>
      %dma_start3A_148 = tpu.memref_slice %arg2[%add3A_40] : memref<900000xi32, #tpu.memory_space<hbm>> -> memref<16xi32, #tpu.memory_space<hbm>>
      tpu.enqueue_dma source(%dma_start3A_148 : memref<16xi32, #tpu.memory_space<hbm>>) target(%dma_start3A_147 : memref<16xi32, #tpu.memory_space<vmem>>) target_semaphore(%run_scoped3A : memref<!tpu.dma_semaphore, #tpu.memory_space<semaphore_mem>>)
      %dma_wait3A_149 = arith.constant 25072 : i32
      %dma_wait3A_150 = tpu.memref_slice %arg6[%dma_wait3A_149] : memref<28224xi32, #tpu.memory_space<vmem>> -> memref<16xi32, #tpu.memory_space<vmem>>
      %dma_wait3A_151 = tpu.memref_slice %arg2[%add3A_40] : memref<900000xi32, #tpu.memory_space<hbm>> -> memref<16xi32, #tpu.memory_space<hbm>>
      %dma_wait3A_152 = arith.constant 25072 : i32
      %dma_wait3A_153 = tpu.memref_slice %arg6[%dma_wait3A_152] : memref<28224xi32, #tpu.memory_space<vmem>> -> memref<16xi32, #tpu.memory_space<vmem>>
      %dma_wait3A_154 = tpu.memref_slice %arg2[%add3A_40] : memref<900000xi32, #tpu.memory_space<hbm>> -> memref<16xi32, #tpu.memory_space<hbm>>
      tpu.wait_dma2 semaphore(%run_scoped3A : memref<!tpu.dma_semaphore, #tpu.memory_space<semaphore_mem>>) src(%dma_wait3A_154 : memref<16xi32, #tpu.memory_space<hbm>>) dst(%dma_wait3A_153 : memref<16xi32, #tpu.memory_space<vmem>>)
      tpu.yield
    }) : () -> ()
    %add3A_41 = arith.constant 800000 : i32
    %add3A_42 = arith.addi %add3A_41, %multiple_of3A : i32
    "tpu.region"() ({
      %run_scoped3A = tpu.sem_alloc : memref<!tpu.dma_semaphore, #tpu.memory_space<semaphore_mem>>
      %dma_start3A = arith.constant 25088 : i32
      %dma_start3A_144 = tpu.memref_slice %arg6[%dma_start3A] : memref<28224xi32, #tpu.memory_space<vmem>> -> memref<3120xi32, #tpu.memory_space<vmem>>
      %dma_start3A_145 = tpu.memref_slice %arg2[%add3A_42] : memref<900000xi32, #tpu.memory_space<hbm>> -> memref<3120xi32, #tpu.memory_space<hbm>>
      %dma_start3A_146 = arith.constant 25088 : i32
      %dma_start3A_147 = tpu.memref_slice %arg6[%dma_start3A_146] : memref<28224xi32, #tpu.memory_space<vmem>> -> memref<3120xi32, #tpu.memory_space<vmem>>
      %dma_start3A_148 = tpu.memref_slice %arg2[%add3A_42] : memref<900000xi32, #tpu.memory_space<hbm>> -> memref<3120xi32, #tpu.memory_space<hbm>>
      tpu.enqueue_dma source(%dma_start3A_148 : memref<3120xi32, #tpu.memory_space<hbm>>) target(%dma_start3A_147 : memref<3120xi32, #tpu.memory_space<vmem>>) target_semaphore(%run_scoped3A : memref<!tpu.dma_semaphore, #tpu.memory_space<semaphore_mem>>)
      %dma_wait3A_149 = arith.constant 25088 : i32
      %dma_wait3A_150 = tpu.memref_slice %arg6[%dma_wait3A_149] : memref<28224xi32, #tpu.memory_space<vmem>> -> memref<3120xi32, #tpu.memory_space<vmem>>
      %dma_wait3A_151 = tpu.memref_slice %arg2[%add3A_42] : memref<900000xi32, #tpu.memory_space<hbm>> -> memref<3120xi32, #tpu.memory_space<hbm>>
      %dma_wait3A_152 = arith.constant 25088 : i32
      %dma_wait3A_153 = tpu.memref_slice %arg6[%dma_wait3A_152] : memref<28224xi32, #tpu.memory_space<vmem>> -> memref<3120xi32, #tpu.memory_space<vmem>>
      %dma_wait3A_154 = tpu.memref_slice %arg2[%add3A_42] : memref<900000xi32, #tpu.memory_space<hbm>> -> memref<3120xi32, #tpu.memory_space<hbm>>
      tpu.wait_dma2 semaphore(%run_scoped3A : memref<!tpu.dma_semaphore, #tpu.memory_space<semaphore_mem>>) src(%dma_wait3A_154 : memref<3120xi32, #tpu.memory_space<hbm>>) dst(%dma_wait3A_153 : memref<3120xi32, #tpu.memory_space<vmem>>)
      tpu.yield
    }) : () -> ()
    %add3A_43 = arith.constant 800000 : i32
    %add3A_44 = arith.addi %add3A_43, %multiple_of3A_8 : i32
    "tpu.region"() ({
      %run_scoped3A = tpu.sem_alloc : memref<!tpu.dma_semaphore, #tpu.memory_space<semaphore_mem>>
      %dma_start3A = arith.constant 28208 : i32
      %dma_start3A_144 = tpu.memref_slice %arg6[%dma_start3A] : memref<28224xi32, #tpu.memory_space<vmem>> -> memref<16xi32, #tpu.memory_space<vmem>>
      %dma_start3A_145 = tpu.memref_slice %arg2[%add3A_44] : memref<900000xi32, #tpu.memory_space<hbm>> -> memref<16xi32, #tpu.memory_space<hbm>>
      %dma_start3A_146 = arith.constant 28208 : i32
      %dma_start3A_147 = tpu.memref_slice %arg6[%dma_start3A_146] : memref<28224xi32, #tpu.memory_space<vmem>> -> memref<16xi32, #tpu.memory_space<vmem>>
      %dma_start3A_148 = tpu.memref_slice %arg2[%add3A_44] : memref<900000xi32, #tpu.memory_space<hbm>> -> memref<16xi32, #tpu.memory_space<hbm>>
      tpu.enqueue_dma source(%dma_start3A_148 : memref<16xi32, #tpu.memory_space<hbm>>) target(%dma_start3A_147 : memref<16xi32, #tpu.memory_space<vmem>>) target_semaphore(%run_scoped3A : memref<!tpu.dma_semaphore, #tpu.memory_space<semaphore_mem>>)
      %dma_wait3A_149 = arith.constant 28208 : i32
      %dma_wait3A_150 = tpu.memref_slice %arg6[%dma_wait3A_149] : memref<28224xi32, #tpu.memory_space<vmem>> -> memref<16xi32, #tpu.memory_space<vmem>>
      %dma_wait3A_151 = tpu.memref_slice %arg2[%add3A_44] : memref<900000xi32, #tpu.memory_space<hbm>> -> memref<16xi32, #tpu.memory_space<hbm>>
      %dma_wait3A_152 = arith.constant 28208 : i32
      %dma_wait3A_153 = tpu.memref_slice %arg6[%dma_wait3A_152] : memref<28224xi32, #tpu.memory_space<vmem>> -> memref<16xi32, #tpu.memory_space<vmem>>
      %dma_wait3A_154 = tpu.memref_slice %arg2[%add3A_44] : memref<900000xi32, #tpu.memory_space<hbm>> -> memref<16xi32, #tpu.memory_space<hbm>>
      tpu.wait_dma2 semaphore(%run_scoped3A : memref<!tpu.dma_semaphore, #tpu.memory_space<semaphore_mem>>) src(%dma_wait3A_154 : memref<16xi32, #tpu.memory_space<hbm>>) dst(%dma_wait3A_153 : memref<16xi32, #tpu.memory_space<vmem>>)
      tpu.yield
    }) : () -> ()
    %iota3A = tpu.iota {dimensions = array<i32: 0>} : vector<16xi32>
    %scan3A = arith.constant 0 : i32
    %scan3A_45 = arith.constant 0 : i32
    %scan3A_46 = arith.constant 195 : i32
    %scan3A_47 = arith.addi %scan3A_45, %scan3A_46 : i32
    %scan3A_48 = arith.constant 1 : i32
    %scan3A_49 = scf.for %scan3A_144 = %scan3A_45 to %scan3A_47 step %scan3A_48 iter_args(%scan3A_145 = %scan3A) -> (i32)  : i32 {
      %mul3A_146 = arith.constant 16 : i32
      %mul3A_147 = arith.muli %scan3A_144, %mul3A_146 : i32
      %mul3A_148 = arith.constant 16 : i32
      %mul3A_149 = arith.muli %scan3A_144, %mul3A_148 : i32
      %add3A_150 = arith.constant 0 : i32
      %add3A_151 = arith.addi %add3A_150, %mul3A_147 : i32
      %get3A_152 = arith.index_cast %add3A_151 : i32 to index
      %get3A_153 = tpu.vector_load %arg6[%get3A_152] {strides = array<i32>} : memref<28224xi32, #tpu.memory_space<vmem>>, vector<16xi32>,
      %add3A_154 = arith.constant 3136 : i32
      %add3A_155 = arith.addi %add3A_154, %mul3A_147 : i32
      %get3A_156 = arith.index_cast %add3A_155 : i32 to index
      %get3A_157 = tpu.vector_load %arg6[%get3A_156] {strides = array<i32>} : memref<28224xi32, #tpu.memory_space<vmem>>, vector<16xi32>,
      %add3A_158 = arith.constant 6272 : i32
      %add3A_159 = arith.addi %add3A_158, %mul3A_147 : i32
      %get3A_160 = arith.index_cast %add3A_159 : i32 to index
      %get3A_161 = tpu.vector_load %arg6[%get3A_160] {strides = array<i32>} : memref<28224xi32, #tpu.memory_space<vmem>>, vector<16xi32>,
      %add3A_162 = arith.constant 9408 : i32
      %add3A_163 = arith.addi %add3A_162, %mul3A_147 : i32
      %get3A_164 = arith.index_cast %add3A_163 : i32 to index
      %get3A_165 = tpu.vector_load %arg6[%get3A_164] {strides = array<i32>} : memref<28224xi32, #tpu.memory_space<vmem>>, vector<16xi32>,
      %add3A_166 = arith.constant 12544 : i32
      %add3A_167 = arith.addi %add3A_166, %mul3A_147 : i32
      %get3A_168 = arith.index_cast %add3A_167 : i32 to index
      %get3A_169 = tpu.vector_load %arg6[%get3A_168] {strides = array<i32>} : memref<28224xi32, #tpu.memory_space<vmem>>, vector<16xi32>,
      %add3A_170 = arith.constant 15680 : i32
      %add3A_171 = arith.addi %add3A_170, %mul3A_147 : i32
      %get3A_172 = arith.index_cast %add3A_171 : i32 to index
      %get3A_173 = tpu.vector_load %arg6[%get3A_172] {strides = array<i32>} : memref<28224xi32, #tpu.memory_space<vmem>>, vector<16xi32>,
      %add3A_174 = arith.constant 18816 : i32
      %add3A_175 = arith.addi %add3A_174, %mul3A_147 : i32
      %get3A_176 = arith.index_cast %add3A_175 : i32 to index
      %get3A_177 = tpu.vector_load %arg6[%get3A_176] {strides = array<i32>} : memref<28224xi32, #tpu.memory_space<vmem>>, vector<16xi32>,
      %add3A_178 = arith.constant 21952 : i32
      %add3A_179 = arith.addi %add3A_178, %mul3A_147 : i32
      %get3A_180 = arith.index_cast %add3A_179 : i32 to index
      %get3A_181 = tpu.vector_load %arg6[%get3A_180] {strides = array<i32>} : memref<28224xi32, #tpu.memory_space<vmem>>, vector<16xi32>,
      %add3A_182 = arith.constant 25088 : i32
      %add3A_183 = arith.addi %add3A_182, %mul3A_147 : i32
      %get3A_184 = arith.index_cast %add3A_183 : i32 to index
      %get3A_185 = tpu.vector_load %arg6[%get3A_184] {strides = array<i32>} : memref<28224xi32, #tpu.memory_space<vmem>>, vector<16xi32>,
      %mul3A_186 = arith.constant 64 : i32
      %mul3A_187 = vector.broadcast %mul3A_186 : i32 to vector<16xi32>
      %mul3A_188 = arith.muli %get3A_153, %mul3A_187 : vector<16xi32>
      %mul3A_189 = arith.constant 6 : i32
      %mul3A_190 = vector.broadcast %mul3A_189 : i32 to vector<16xi32>
      %mul3A_191 = arith.muli %get3A_161, %mul3A_190 : vector<16xi32>
      %add3A_192 = arith.addi %mul3A_191, %get3A_173 : vector<16xi32>
      %add3A_193 = arith.constant 119 : i32
      %add3A_194 = vector.broadcast %add3A_193 : i32 to vector<16xi32>
      %add3A_195 = arith.addi %add3A_192, %add3A_194 : vector<16xi32>
      %mul3A_196 = arith.constant 64 : i32
      %mul3A_197 = vector.broadcast %mul3A_196 : i32 to vector<16xi32>
      %mul3A_198 = arith.muli %add3A_195, %mul3A_197 : vector<16xi32>
      %mul3A_199 = arith.constant 10 : i32
      %mul3A_200 = vector.broadcast %mul3A_199 : i32 to vector<16xi32>
      %mul3A_201 = arith.muli %get3A_165, %mul3A_200 : vector<16xi32>
      %add3A_202 = arith.addi %mul3A_201, %get3A_169 : vector<16xi32>
      %add3A_203 = arith.constant 191 : i32
      %add3A_204 = vector.broadcast %add3A_203 : i32 to vector<16xi32>
      %add3A_205 = arith.addi %add3A_202, %add3A_204 : vector<16xi32>
      %mul3A_206 = arith.constant 64 : i32
      %mul3A_207 = vector.broadcast %mul3A_206 : i32 to vector<16xi32>
      %mul3A_208 = arith.muli %add3A_205, %mul3A_207 : vector<16xi32>
      %mul3A_209 = arith.constant 6 : i32
      %mul3A_210 = vector.broadcast %mul3A_209 : i32 to vector<16xi32>
      %mul3A_211 = arith.muli %get3A_157, %mul3A_210 : vector<16xi32>
      %add3A_212 = arith.addi %mul3A_211, %get3A_177 : vector<16xi32>
      %mul3A_213 = arith.constant 2 : i32
      %mul3A_214 = vector.broadcast %mul3A_213 : i32 to vector<16xi32>
      %mul3A_215 = arith.muli %add3A_212, %mul3A_214 : vector<16xi32>
      %add3A_216 = arith.addi %mul3A_215, %get3A_181 : vector<16xi32>
      %mul3A_217 = arith.constant 2 : i32
      %mul3A_218 = vector.broadcast %mul3A_217 : i32 to vector<16xi32>
      %mul3A_219 = arith.muli %add3A_216, %mul3A_218 : vector<16xi32>
      %add3A_220 = arith.addi %mul3A_219, %get3A_185 : vector<16xi32>
      %add3A_221 = arith.constant 311 : i32
      %add3A_222 = vector.broadcast %add3A_221 : i32 to vector<16xi32>
      %add3A_223 = arith.addi %add3A_220, %add3A_222 : vector<16xi32>
      %mul3A_224 = arith.constant 64 : i32
      %mul3A_225 = vector.broadcast %mul3A_224 : i32 to vector<16xi32>
      %mul3A_226 = arith.muli %add3A_223, %mul3A_225 : vector<16xi32>
      %add3A_227 = vector.broadcast %mul3A_149 : i32 to vector<16xi32>
      %add3A_228 = arith.addi %add3A_227, %iota3A : vector<16xi32>
      %mul3A_229 = arith.constant 4 : i32
      %mul3A_230 = vector.broadcast %mul3A_229 : i32 to vector<16xi32>
      %mul3A_231 = arith.muli %add3A_228, %mul3A_230 : vector<16xi32>
      tpu.vector_store_idx %arg7[%mul3A_231], %mul3A_188 : memref<12544xi32, #tpu.memory_space<vmem>>[vector<16xi32>], vector<16xi32>,
      %add3A_232 = arith.constant 1 : i32
      %add3A_233 = vector.broadcast %add3A_232 : i32 to vector<16xi32>
      %add3A_234 = arith.addi %mul3A_231, %add3A_233 : vector<16xi32>
      tpu.vector_store_idx %arg7[%add3A_234], %mul3A_198 : memref<12544xi32, #tpu.memory_space<vmem>>[vector<16xi32>], vector<16xi32>,
      %add3A_235 = arith.constant 2 : i32
      %add3A_236 = vector.broadcast %add3A_235 : i32 to vector<16xi32>
      %add3A_237 = arith.addi %mul3A_231, %add3A_236 : vector<16xi32>
      tpu.vector_store_idx %arg7[%add3A_237], %mul3A_208 : memref<12544xi32, #tpu.memory_space<vmem>>[vector<16xi32>], vector<16xi32>,
      %add3A_238 = arith.constant 3 : i32
      %add3A_239 = vector.broadcast %add3A_238 : i32 to vector<16xi32>
      %add3A_240 = arith.addi %mul3A_231, %add3A_239 : vector<16xi32>
      tpu.vector_store_idx %arg7[%add3A_240], %mul3A_226 : memref<12544xi32, #tpu.memory_space<vmem>>[vector<16xi32>], vector<16xi32>,
      %scan3A_241 = arith.constant 0 : i32
      scf.yield %scan3A_241 : i32
    }
    %scan3A_50 = arith.constant 195 : i32
    %get3A = arith.constant 3120 : index
    %get3A_51 = tpu.vector_load %arg6[%get3A] {strides = array<i32>} : memref<28224xi32, #tpu.memory_space<vmem>>, vector<16xi32>,
    %get3A_52 = arith.constant 6256 : index
    %get3A_53 = tpu.vector_load %arg6[%get3A_52] {strides = array<i32>} : memref<28224xi32, #tpu.memory_space<vmem>>, vector<16xi32>,
    %get3A_54 = arith.constant 9392 : index
    %get3A_55 = tpu.vector_load %arg6[%get3A_54] {strides = array<i32>} : memref<28224xi32, #tpu.memory_space<vmem>>, vector<16xi32>,
    %get3A_56 = arith.constant 12528 : index
    %get3A_57 = tpu.vector_load %arg6[%get3A_56] {strides = array<i32>} : memref<28224xi32, #tpu.memory_space<vmem>>, vector<16xi32>,
    %get3A_58 = arith.constant 15664 : index
    %get3A_59 = tpu.vector_load %arg6[%get3A_58] {strides = array<i32>} : memref<28224xi32, #tpu.memory_space<vmem>>, vector<16xi32>,
    %get3A_60 = arith.constant 18800 : index
    %get3A_61 = tpu.vector_load %arg6[%get3A_60] {strides = array<i32>} : memref<28224xi32, #tpu.memory_space<vmem>>, vector<16xi32>,
    %get3A_62 = arith.constant 21936 : index
    %get3A_63 = tpu.vector_load %arg6[%get3A_62] {strides = array<i32>} : memref<28224xi32, #tpu.memory_space<vmem>>, vector<16xi32>,
    %get3A_64 = arith.constant 25072 : index
    %get3A_65 = tpu.vector_load %arg6[%get3A_64] {strides = array<i32>} : memref<28224xi32, #tpu.memory_space<vmem>>, vector<16xi32>,
    %get3A_66 = arith.constant 28208 : index
    %get3A_67 = tpu.vector_load %arg6[%get3A_66] {strides = array<i32>} : memref<28224xi32, #tpu.memory_space<vmem>>, vector<16xi32>,
    %mul3A_68 = arith.constant 64 : i32
    %mul3A_69 = vector.broadcast %mul3A_68 : i32 to vector<16xi32>
    %mul3A_70 = arith.muli %get3A_51, %mul3A_69 : vector<16xi32>
    %mul3A_71 = arith.constant 6 : i32
    %mul3A_72 = vector.broadcast %mul3A_71 : i32 to vector<16xi32>
    %mul3A_73 = arith.muli %get3A_55, %mul3A_72 : vector<16xi32>
    %add3A_74 = arith.addi %mul3A_73, %get3A_61 : vector<16xi32>
    %add3A_75 = arith.constant 119 : i32
    %add3A_76 = vector.broadcast %add3A_75 : i32 to vector<16xi32>
    %add3A_77 = arith.addi %add3A_74, %add3A_76 : vector<16xi32>
    %mul3A_78 = arith.constant 64 : i32
    %mul3A_79 = vector.broadcast %mul3A_78 : i32 to vector<16xi32>
    %mul3A_80 = arith.muli %add3A_77, %mul3A_79 : vector<16xi32>
    %mul3A_81 = arith.constant 10 : i32
    %mul3A_82 = vector.broadcast %mul3A_81 : i32 to vector<16xi32>
    %mul3A_83 = arith.muli %get3A_57, %mul3A_82 : vector<16xi32>
    %add3A_84 = arith.addi %mul3A_83, %get3A_59 : vector<16xi32>
    %add3A_85 = arith.constant 191 : i32
    %add3A_86 = vector.broadcast %add3A_85 : i32 to vector<16xi32>
    %add3A_87 = arith.addi %add3A_84, %add3A_86 : vector<16xi32>
    %mul3A_88 = arith.constant 64 : i32
    %mul3A_89 = vector.broadcast %mul3A_88 : i32 to vector<16xi32>
    %mul3A_90 = arith.muli %add3A_87, %mul3A_89 : vector<16xi32>
    %mul3A_91 = arith.constant 6 : i32
    %mul3A_92 = vector.broadcast %mul3A_91 : i32 to vector<16xi32>
    %mul3A_93 = arith.muli %get3A_53, %mul3A_92 : vector<16xi32>
    %add3A_94 = arith.addi %mul3A_93, %get3A_63 : vector<16xi32>
    %mul3A_95 = arith.constant 2 : i32
    %mul3A_96 = vector.broadcast %mul3A_95 : i32 to vector<16xi32>
    %mul3A_97 = arith.muli %add3A_94, %mul3A_96 : vector<16xi32>
    %add3A_98 = arith.addi %mul3A_97, %get3A_65 : vector<16xi32>
    %mul3A_99 = arith.constant 2 : i32
    %mul3A_100 = vector.broadcast %mul3A_99 : i32 to vector<16xi32>
    %mul3A_101 = arith.muli %add3A_98, %mul3A_100 : vector<16xi32>
    %add3A_102 = arith.addi %mul3A_101, %get3A_67 : vector<16xi32>
    %add3A_103 = arith.constant 311 : i32
    %add3A_104 = vector.broadcast %add3A_103 : i32 to vector<16xi32>
    %add3A_105 = arith.addi %add3A_102, %add3A_104 : vector<16xi32>
    %mul3A_106 = arith.constant 64 : i32
    %mul3A_107 = vector.broadcast %mul3A_106 : i32 to vector<16xi32>
    %mul3A_108 = arith.muli %add3A_105, %mul3A_107 : vector<16xi32>
    %add3A_109 = arith.constant 3120 : i32
    %add3A_110 = vector.broadcast %add3A_109 : i32 to vector<16xi32>
    %add3A_111 = arith.addi %add3A_110, %iota3A : vector<16xi32>
    %mul3A_112 = arith.constant 4 : i32
    %mul3A_113 = vector.broadcast %mul3A_112 : i32 to vector<16xi32>
    %mul3A_114 = arith.muli %add3A_111, %mul3A_113 : vector<16xi32>
    tpu.vector_store_idx %arg7[%mul3A_114], %mul3A_70 : memref<12544xi32, #tpu.memory_space<vmem>>[vector<16xi32>], vector<16xi32>,
    %add3A_115 = arith.constant 1 : i32
    %add3A_116 = vector.broadcast %add3A_115 : i32 to vector<16xi32>
    %add3A_117 = arith.addi %mul3A_114, %add3A_116 : vector<16xi32>
    tpu.vector_store_idx %arg7[%add3A_117], %mul3A_80 : memref<12544xi32, #tpu.memory_space<vmem>>[vector<16xi32>], vector<16xi32>,
    %add3A_118 = arith.constant 2 : i32
    %add3A_119 = vector.broadcast %add3A_118 : i32 to vector<16xi32>
    %add3A_120 = arith.addi %mul3A_114, %add3A_119 : vector<16xi32>
    tpu.vector_store_idx %arg7[%add3A_120], %mul3A_90 : memref<12544xi32, #tpu.memory_space<vmem>>[vector<16xi32>], vector<16xi32>,
    %add3A_121 = arith.constant 3 : i32
    %add3A_122 = vector.broadcast %add3A_121 : i32 to vector<16xi32>
    %add3A_123 = arith.addi %mul3A_114, %add3A_122 : vector<16xi32>
    tpu.vector_store_idx %arg7[%add3A_123], %mul3A_108 : memref<12544xi32, #tpu.memory_space<vmem>>[vector<16xi32>], vector<16xi32>,
    %scan3A_124 = arith.constant 0 : i32
    %scan3A_125 = arith.constant 0 : i32
    %scan3A_126 = arith.constant 13 : i32
    %scan3A_127 = arith.addi %scan3A_125, %scan3A_126 : i32
    %scan3A_128 = arith.constant 1 : i32
    %scan3A_129 = scf.for %scan3A_144 = %scan3A_125 to %scan3A_127 step %scan3A_128 iter_args(%scan3A_145 = %scan3A_124) -> (i32)  : i32 {
      %mul3A_146 = arith.constant 2 : i32
      %mul3A_147 = arith.muli %scan3A_144, %mul3A_146 : i32
      %add3A_148 = arith.constant 0 : i32
      %add3A_149 = arith.addi %mul3A_147, %add3A_148 : i32
      %gt3A = arith.constant 0 : i32
      %gt3A_150 = arith.cmpi sgt, %scan3A_144, %gt3A : i32
      %convert_element_type3A_151 = arith.extui %gt3A_150 : i1 to i32
      %cond3A_152 = arith.constant 0 : i32
      %cond3A_153 = arith.cmpi ne, %convert_element_type3A_151, %cond3A_152 : i32
      scf.if %cond3A_153 {
        %dma_wait3A_195 = arith.constant 0 : i32
        %dma_wait3A_196 = arith.constant 0 : i32
        %dma_wait3A_197 = tpu.memref_slice %arg4[%dma_wait3A_195, %dma_wait3A_196] : memref<100000x128xf32, #tpu.memory_space<hbm>> -> memref<120x128xf32, #tpu.memory_space<hbm>>
        %dma_wait3A_198 = arith.constant 0 : i32
        %dma_wait3A_199 = arith.constant 0 : i32
        %dma_wait3A_200 = tpu.memref_slice %arg4[%dma_wait3A_198, %dma_wait3A_199] : memref<100000x128xf32, #tpu.memory_space<hbm>> -> memref<120x128xf32, #tpu.memory_space<hbm>>
        tpu.wait_dma2 semaphore(%arg10 : memref<!tpu.dma_semaphore, #tpu.memory_space<semaphore_mem>>) src(%arg8 : memref<120x128xf32, #tpu.memory_space<vmem>>) dst(%dma_wait3A_200 : memref<120x128xf32, #tpu.memory_space<hbm>>)
      } else {
      }
      %scan3A_154 = arith.constant 0 : i32
      %scan3A_155 = arith.constant 0 : i32
      %scan3A_156 = arith.constant 24 : i32
      %scan3A_157 = arith.addi %scan3A_155, %scan3A_156 : i32
      %scan3A_158 = arith.constant 1 : i32
      %scan3A_159 = scf.for %scan3A_195 = %scan3A_155 to %scan3A_157 step %scan3A_158 iter_args(%scan3A_196 = %scan3A_154) -> (i32)  : i32 {
        %mul3A_197 = arith.constant 120 : i32
        %mul3A_198 = arith.muli %add3A_149, %mul3A_197 : i32
        %mul3A_199 = arith.constant 5 : i32
        %mul3A_200 = arith.muli %scan3A_195, %mul3A_199 : i32
        %add3A_201 = arith.addi %mul3A_198, %mul3A_200 : i32
        %mul3A_202 = arith.constant 5 : i32
        %mul3A_203 = arith.muli %scan3A_195, %mul3A_202 : i32
        %add3A_204 = arith.constant 0 : i32
        %add3A_205 = arith.addi %add3A_201, %add3A_204 : i32
        %mul3A_206 = arith.constant 4 : i32
        %mul3A_207 = arith.muli %add3A_205, %mul3A_206 : i32
        %get3A_208 = arith.index_cast %mul3A_207 : i32 to index
        %get3A_209 = tpu.vector_load %arg7[%get3A_208] {strides = array<i32>} : memref<12544xi32, #tpu.memory_space<vmem>>, vector<16xi32>,
        %slice3A = vector.extract_strided_slice %get3A_209 {offsets = [0], sizes = [1], strides = [1]} : vector<16xi32> to vector<1xi32>
        %squeeze3A = vector.extract %slice3A[0] : i32 from vector<1xi32>
        %slice3A_210 = vector.extract_strided_slice %get3A_209 {offsets = [1], sizes = [1], strides = [1]} : vector<16xi32> to vector<1xi32>
        %squeeze3A_211 = vector.extract %slice3A_210[0] : i32 from vector<1xi32>
        %slice3A_212 = vector.extract_strided_slice %get3A_209 {offsets = [2], sizes = [1], strides = [1]} : vector<16xi32> to vector<1xi32>
        %squeeze3A_213 = vector.extract %slice3A_212[0] : i32 from vector<1xi32>
        %slice3A_214 = vector.extract_strided_slice %get3A_209 {offsets = [3], sizes = [1], strides = [1]} : vector<16xi32> to vector<1xi32>
        %squeeze3A_215 = vector.extract %slice3A_214[0] : i32 from vector<1xi32>
        %add3A_216 = arith.constant 0 : i32
        %add3A_217 = arith.addi %squeeze3A, %add3A_216 : i32
        %get3A_218 = arith.index_cast %add3A_217 : i32 to index
        %get3A_219 = tpu.vector_load %arg5[%get3A_218] {strides = array<i32>} : memref<26048xi32, #tpu.memory_space<vmem>>, vector<16xi32>,
        %bitcast3A = vector.bitcast %get3A_219 : vector<16xi32> to vector<32xbf16>
        %add3A_220 = arith.constant 0 : i32
        %add3A_221 = arith.addi %squeeze3A_211, %add3A_220 : i32
        %get3A_222 = arith.index_cast %add3A_221 : i32 to index
        %get3A_223 = tpu.vector_load %arg5[%get3A_222] {strides = array<i32>} : memref<26048xi32, #tpu.memory_space<vmem>>, vector<16xi32>,
        %bitcast3A_224 = vector.bitcast %get3A_223 : vector<16xi32> to vector<32xbf16>
        %add3A_225 = arith.addf %bitcast3A, %bitcast3A_224 : vector<32xbf16>
        %add3A_226 = arith.constant 0 : i32
        %add3A_227 = arith.addi %squeeze3A_213, %add3A_226 : i32
        %get3A_228 = arith.index_cast %add3A_227 : i32 to index
        %get3A_229 = tpu.vector_load %arg5[%get3A_228] {strides = array<i32>} : memref<26048xi32, #tpu.memory_space<vmem>>, vector<16xi32>,
        %bitcast3A_230 = vector.bitcast %get3A_229 : vector<16xi32> to vector<32xbf16>
        %add3A_231 = arith.constant 0 : i32
        %add3A_232 = arith.addi %squeeze3A_215, %add3A_231 : i32
        %get3A_233 = arith.index_cast %add3A_232 : i32 to index
        %get3A_234 = tpu.vector_load %arg5[%get3A_233] {strides = array<i32>} : memref<26048xi32, #tpu.memory_space<vmem>>, vector<16xi32>,
        %bitcast3A_235 = vector.bitcast %get3A_234 : vector<16xi32> to vector<32xbf16>
        %add3A_236 = arith.addf %bitcast3A_230, %bitcast3A_235 : vector<32xbf16>
        %add3A_237 = arith.addf %add3A_225, %add3A_236 : vector<32xbf16>
        %add3A_238 = arith.constant 16 : i32
        %add3A_239 = arith.addi %squeeze3A, %add3A_238 : i32
        %get3A_240 = arith.index_cast %add3A_239 : i32 to index
        %get3A_241 = tpu.vector_load %arg5[%get3A_240] {strides = array<i32>} : memref<26048xi32, #tpu.memory_space<vmem>>, vector<16xi32>,
        %bitcast3A_242 = vector.bitcast %get3A_241 : vector<16xi32> to vector<32xbf16>
        %add3A_243 = arith.constant 16 : i32
        %add3A_244 = arith.addi %squeeze3A_211, %add3A_243 : i32
        %get3A_245 = arith.index_cast %add3A_244 : i32 to index
        %get3A_246 = tpu.vector_load %arg5[%get3A_245] {strides = array<i32>} : memref<26048xi32, #tpu.memory_space<vmem>>, vector<16xi32>,
        %bitcast3A_247 = vector.bitcast %get3A_246 : vector<16xi32> to vector<32xbf16>
        %add3A_248 = arith.addf %bitcast3A_242, %bitcast3A_247 : vector<32xbf16>
        %add3A_249 = arith.constant 16 : i32
        %add3A_250 = arith.addi %squeeze3A_213, %add3A_249 : i32
        %get3A_251 = arith.index_cast %add3A_250 : i32 to index
        %get3A_252 = tpu.vector_load %arg5[%get3A_251] {strides = array<i32>} : memref<26048xi32, #tpu.memory_space<vmem>>, vector<16xi32>,
        %bitcast3A_253 = vector.bitcast %get3A_252 : vector<16xi32> to vector<32xbf16>
        %add3A_254 = arith.constant 16 : i32
        %add3A_255 = arith.addi %squeeze3A_215, %add3A_254 : i32
        %get3A_256 = arith.index_cast %add3A_255 : i32 to index
        %get3A_257 = tpu.vector_load %arg5[%get3A_256] {strides = array<i32>} : memref<26048xi32, #tpu.memory_space<vmem>>, vector<16xi32>,
        %bitcast3A_258 = vector.bitcast %get3A_257 : vector<16xi32> to vector<32xbf16>
        %add3A_259 = arith.addf %bitcast3A_253, %bitcast3A_258 : vector<32xbf16>
        %add3A_260 = arith.addf %add3A_248, %add3A_259 : vector<32xbf16>
        %add3A_261 = arith.constant 32 : i32
        %add3A_262 = arith.addi %squeeze3A, %add3A_261 : i32
        %get3A_263 = arith.index_cast %add3A_262 : i32 to index
        %get3A_264 = tpu.vector_load %arg5[%get3A_263] {strides = array<i32>} : memref<26048xi32, #tpu.memory_space<vmem>>, vector<16xi32>,
        %bitcast3A_265 = vector.bitcast %get3A_264 : vector<16xi32> to vector<32xbf16>
        %add3A_266 = arith.constant 32 : i32
        %add3A_267 = arith.addi %squeeze3A_211, %add3A_266 : i32
        %get3A_268 = arith.index_cast %add3A_267 : i32 to index
        %get3A_269 = tpu.vector_load %arg5[%get3A_268] {strides = array<i32>} : memref<26048xi32, #tpu.memory_space<vmem>>, vector<16xi32>,
        %bitcast3A_270 = vector.bitcast %get3A_269 : vector<16xi32> to vector<32xbf16>
        %add3A_271 = arith.addf %bitcast3A_265, %bitcast3A_270 : vector<32xbf16>
        %add3A_272 = arith.constant 32 : i32
        %add3A_273 = arith.addi %squeeze3A_213, %add3A_272 : i32
        %get3A_274 = arith.index_cast %add3A_273 : i32 to index
        %get3A_275 = tpu.vector_load %arg5[%get3A_274] {strides = array<i32>} : memref<26048xi32, #tpu.memory_space<vmem>>, vector<16xi32>,
        %bitcast3A_276 = vector.bitcast %get3A_275 : vector<16xi32> to vector<32xbf16>
        %add3A_277 = arith.constant 32 : i32
        %add3A_278 = arith.addi %squeeze3A_215, %add3A_277 : i32
        %get3A_279 = arith.index_cast %add3A_278 : i32 to index
        %get3A_280 = tpu.vector_load %arg5[%get3A_279] {strides = array<i32>} : memref<26048xi32, #tpu.memory_space<vmem>>, vector<16xi32>,
        %bitcast3A_281 = vector.bitcast %get3A_280 : vector<16xi32> to vector<32xbf16>
        %add3A_282 = arith.addf %bitcast3A_276, %bitcast3A_281 : vector<32xbf16>
        %add3A_283 = arith.addf %add3A_271, %add3A_282 : vector<32xbf16>
        %add3A_284 = arith.constant 48 : i32
        %add3A_285 = arith.addi %squeeze3A, %add3A_284 : i32
        %get3A_286 = arith.index_cast %add3A_285 : i32 to index
        %get3A_287 = tpu.vector_load %arg5[%get3A_286] {strides = array<i32>} : memref<26048xi32, #tpu.memory_space<vmem>>, vector<16xi32>,
        %bitcast3A_288 = vector.bitcast %get3A_287 : vector<16xi32> to vector<32xbf16>
        %add3A_289 = arith.constant 48 : i32
        %add3A_290 = arith.addi %squeeze3A_211, %add3A_289 : i32
        %get3A_291 = arith.index_cast %add3A_290 : i32 to index
        %get3A_292 = tpu.vector_load %arg5[%get3A_291] {strides = array<i32>} : memref<26048xi32, #tpu.memory_space<vmem>>, vector<16xi32>,
        %bitcast3A_293 = vector.bitcast %get3A_292 : vector<16xi32> to vector<32xbf16>
        %add3A_294 = arith.addf %bitcast3A_288, %bitcast3A_293 : vector<32xbf16>
        %add3A_295 = arith.constant 48 : i32
        %add3A_296 = arith.addi %squeeze3A_213, %add3A_295 : i32
        %get3A_297 = arith.index_cast %add3A_296 : i32 to index
        %get3A_298 = tpu.vector_load %arg5[%get3A_297] {strides = array<i32>} : memref<26048xi32, #tpu.memory_space<vmem>>, vector<16xi32>,
        %bitcast3A_299 = vector.bitcast %get3A_298 : vector<16xi32> to vector<32xbf16>
        %add3A_300 = arith.constant 48 : i32
        %add3A_301 = arith.addi %squeeze3A_215, %add3A_300 : i32
        %get3A_302 = arith.index_cast %add3A_301 : i32 to index
        %get3A_303 = tpu.vector_load %arg5[%get3A_302] {strides = array<i32>} : memref<26048xi32, #tpu.memory_space<vmem>>, vector<16xi32>,
        %bitcast3A_304 = vector.bitcast %get3A_303 : vector<16xi32> to vector<32xbf16>
        %add3A_305 = arith.addf %bitcast3A_299, %bitcast3A_304 : vector<32xbf16>
        %add3A_306 = arith.addf %add3A_294, %add3A_305 : vector<32xbf16>
        %add3A_307 = arith.constant 1 : i32
        %add3A_308 = arith.addi %add3A_201, %add3A_307 : i32
        %mul3A_309 = arith.constant 4 : i32
        %mul3A_310 = arith.muli %add3A_308, %mul3A_309 : i32
        %get3A_311 = arith.index_cast %mul3A_310 : i32 to index
        %get3A_312 = tpu.vector_load %arg7[%get3A_311] {strides = array<i32>} : memref<12544xi32, #tpu.memory_space<vmem>>, vector<16xi32>,
        %slice3A_313 = vector.extract_strided_slice %get3A_312 {offsets = [0], sizes = [1], strides = [1]} : vector<16xi32> to vector<1xi32>
        %squeeze3A_314 = vector.extract %slice3A_313[0] : i32 from vector<1xi32>
        %slice3A_315 = vector.extract_strided_slice %get3A_312 {offsets = [1], sizes = [1], strides = [1]} : vector<16xi32> to vector<1xi32>
        %squeeze3A_316 = vector.extract %slice3A_315[0] : i32 from vector<1xi32>
        %slice3A_317 = vector.extract_strided_slice %get3A_312 {offsets = [2], sizes = [1], strides = [1]} : vector<16xi32> to vector<1xi32>
        %squeeze3A_318 = vector.extract %slice3A_317[0] : i32 from vector<1xi32>
        %slice3A_319 = vector.extract_strided_slice %get3A_312 {offsets = [3], sizes = [1], strides = [1]} : vector<16xi32> to vector<1xi32>
        %squeeze3A_320 = vector.extract %slice3A_319[0] : i32 from vector<1xi32>
        %add3A_321 = arith.constant 0 : i32
        %add3A_322 = arith.addi %squeeze3A_314, %add3A_321 : i32
        %get3A_323 = arith.index_cast %add3A_322 : i32 to index
        %get3A_324 = tpu.vector_load %arg5[%get3A_323] {strides = array<i32>} : memref<26048xi32, #tpu.memory_space<vmem>>, vector<16xi32>,
        %bitcast3A_325 = vector.bitcast %get3A_324 : vector<16xi32> to vector<32xbf16>
        %add3A_326 = arith.constant 0 : i32
        %add3A_327 = arith.addi %squeeze3A_316, %add3A_326 : i32
        %get3A_328 = arith.index_cast %add3A_327 : i32 to index
        %get3A_329 = tpu.vector_load %arg5[%get3A_328] {strides = array<i32>} : memref<26048xi32, #tpu.memory_space<vmem>>, vector<16xi32>,
        %bitcast3A_330 = vector.bitcast %get3A_329 : vector<16xi32> to vector<32xbf16>
        %add3A_331 = arith.addf %bitcast3A_325, %bitcast3A_330 : vector<32xbf16>
        %add3A_332 = arith.constant 0 : i32
        %add3A_333 = arith.addi %squeeze3A_318, %add3A_332 : i32
        %get3A_334 = arith.index_cast %add3A_333 : i32 to index
        %get3A_335 = tpu.vector_load %arg5[%get3A_334] {strides = array<i32>} : memref<26048xi32, #tpu.memory_space<vmem>>, vector<16xi32>,
        %bitcast3A_336 = vector.bitcast %get3A_335 : vector<16xi32> to vector<32xbf16>
        %add3A_337 = arith.constant 0 : i32
        %add3A_338 = arith.addi %squeeze3A_320, %add3A_337 : i32
        %get3A_339 = arith.index_cast %add3A_338 : i32 to index
        %get3A_340 = tpu.vector_load %arg5[%get3A_339] {strides = array<i32>} : memref<26048xi32, #tpu.memory_space<vmem>>, vector<16xi32>,
        %bitcast3A_341 = vector.bitcast %get3A_340 : vector<16xi32> to vector<32xbf16>
        %add3A_342 = arith.addf %bitcast3A_336, %bitcast3A_341 : vector<32xbf16>
        %add3A_343 = arith.addf %add3A_331, %add3A_342 : vector<32xbf16>
        %add3A_344 = arith.constant 16 : i32
        %add3A_345 = arith.addi %squeeze3A_314, %add3A_344 : i32
        %get3A_346 = arith.index_cast %add3A_345 : i32 to index
        %get3A_347 = tpu.vector_load %arg5[%get3A_346] {strides = array<i32>} : memref<26048xi32, #tpu.memory_space<vmem>>, vector<16xi32>,
        %bitcast3A_348 = vector.bitcast %get3A_347 : vector<16xi32> to vector<32xbf16>
        %add3A_349 = arith.constant 16 : i32
        %add3A_350 = arith.addi %squeeze3A_316, %add3A_349 : i32
        %get3A_351 = arith.index_cast %add3A_350 : i32 to index
        %get3A_352 = tpu.vector_load %arg5[%get3A_351] {strides = array<i32>} : memref<26048xi32, #tpu.memory_space<vmem>>, vector<16xi32>,
        %bitcast3A_353 = vector.bitcast %get3A_352 : vector<16xi32> to vector<32xbf16>
        %add3A_354 = arith.addf %bitcast3A_348, %bitcast3A_353 : vector<32xbf16>
        %add3A_355 = arith.constant 16 : i32
        %add3A_356 = arith.addi %squeeze3A_318, %add3A_355 : i32
        %get3A_357 = arith.index_cast %add3A_356 : i32 to index
        %get3A_358 = tpu.vector_load %arg5[%get3A_357] {strides = array<i32>} : memref<26048xi32, #tpu.memory_space<vmem>>, vector<16xi32>,
        %bitcast3A_359 = vector.bitcast %get3A_358 : vector<16xi32> to vector<32xbf16>
        %add3A_360 = arith.constant 16 : i32
        %add3A_361 = arith.addi %squeeze3A_320, %add3A_360 : i32
        %get3A_362 = arith.index_cast %add3A_361 : i32 to index
        %get3A_363 = tpu.vector_load %arg5[%get3A_362] {strides = array<i32>} : memref<26048xi32, #tpu.memory_space<vmem>>, vector<16xi32>,
        %bitcast3A_364 = vector.bitcast %get3A_363 : vector<16xi32> to vector<32xbf16>
        %add3A_365 = arith.addf %bitcast3A_359, %bitcast3A_364 : vector<32xbf16>
        %add3A_366 = arith.addf %add3A_354, %add3A_365 : vector<32xbf16>
        %add3A_367 = arith.constant 32 : i32
        %add3A_368 = arith.addi %squeeze3A_314, %add3A_367 : i32
        %get3A_369 = arith.index_cast %add3A_368 : i32 to index
        %get3A_370 = tpu.vector_load %arg5[%get3A_369] {strides = array<i32>} : memref<26048xi32, #tpu.memory_space<vmem>>, vector<16xi32>,
        %bitcast3A_371 = vector.bitcast %get3A_370 : vector<16xi32> to vector<32xbf16>
        %add3A_372 = arith.constant 32 : i32
        %add3A_373 = arith.addi %squeeze3A_316, %add3A_372 : i32
        %get3A_374 = arith.index_cast %add3A_373 : i32 to index
        %get3A_375 = tpu.vector_load %arg5[%get3A_374] {strides = array<i32>} : memref<26048xi32, #tpu.memory_space<vmem>>, vector<16xi32>,
        %bitcast3A_376 = vector.bitcast %get3A_375 : vector<16xi32> to vector<32xbf16>
        %add3A_377 = arith.addf %bitcast3A_371, %bitcast3A_376 : vector<32xbf16>
        %add3A_378 = arith.constant 32 : i32
        %add3A_379 = arith.addi %squeeze3A_318, %add3A_378 : i32
        %get3A_380 = arith.index_cast %add3A_379 : i32 to index
        %get3A_381 = tpu.vector_load %arg5[%get3A_380] {strides = array<i32>} : memref<26048xi32, #tpu.memory_space<vmem>>, vector<16xi32>,
        %bitcast3A_382 = vector.bitcast %get3A_381 : vector<16xi32> to vector<32xbf16>
        %add3A_383 = arith.constant 32 : i32
        %add3A_384 = arith.addi %squeeze3A_320, %add3A_383 : i32
        %get3A_385 = arith.index_cast %add3A_384 : i32 to index
        %get3A_386 = tpu.vector_load %arg5[%get3A_385] {strides = array<i32>} : memref<26048xi32, #tpu.memory_space<vmem>>, vector<16xi32>,
        %bitcast3A_387 = vector.bitcast %get3A_386 : vector<16xi32> to vector<32xbf16>
        %add3A_388 = arith.addf %bitcast3A_382, %bitcast3A_387 : vector<32xbf16>
        %add3A_389 = arith.addf %add3A_377, %add3A_388 : vector<32xbf16>
        %add3A_390 = arith.constant 48 : i32
        %add3A_391 = arith.addi %squeeze3A_314, %add3A_390 : i32
        %get3A_392 = arith.index_cast %add3A_391 : i32 to index
        %get3A_393 = tpu.vector_load %arg5[%get3A_392] {strides = array<i32>} : memref<26048xi32, #tpu.memory_space<vmem>>, vector<16xi32>,
        %bitcast3A_394 = vector.bitcast %get3A_393 : vector<16xi32> to vector<32xbf16>
        %add3A_395 = arith.constant 48 : i32
        %add3A_396 = arith.addi %squeeze3A_316, %add3A_395 : i32
        %get3A_397 = arith.index_cast %add3A_396 : i32 to index
        %get3A_398 = tpu.vector_load %arg5[%get3A_397] {strides = array<i32>} : memref<26048xi32, #tpu.memory_space<vmem>>, vector<16xi32>,
        %bitcast3A_399 = vector.bitcast %get3A_398 : vector<16xi32> to vector<32xbf16>
        %add3A_400 = arith.addf %bitcast3A_394, %bitcast3A_399 : vector<32xbf16>
        %add3A_401 = arith.constant 48 : i32
        %add3A_402 = arith.addi %squeeze3A_318, %add3A_401 : i32
        %get3A_403 = arith.index_cast %add3A_402 : i32 to index
        %get3A_404 = tpu.vector_load %arg5[%get3A_403] {strides = array<i32>} : memref<26048xi32, #tpu.memory_space<vmem>>, vector<16xi32>,
        %bitcast3A_405 = vector.bitcast %get3A_404 : vector<16xi32> to vector<32xbf16>
        %add3A_406 = arith.constant 48 : i32
        %add3A_407 = arith.addi %squeeze3A_320, %add3A_406 : i32
        %get3A_408 = arith.index_cast %add3A_407 : i32 to index
        %get3A_409 = tpu.vector_load %arg5[%get3A_408] {strides = array<i32>} : memref<26048xi32, #tpu.memory_space<vmem>>, vector<16xi32>,
        %bitcast3A_410 = vector.bitcast %get3A_409 : vector<16xi32> to vector<32xbf16>
        %add3A_411 = arith.addf %bitcast3A_405, %bitcast3A_410 : vector<32xbf16>
        %add3A_412 = arith.addf %add3A_400, %add3A_411 : vector<32xbf16>
        %add3A_413 = arith.constant 2 : i32
        %add3A_414 = arith.addi %add3A_201, %add3A_413 : i32
        %mul3A_415 = arith.constant 4 : i32
        %mul3A_416 = arith.muli %add3A_414, %mul3A_415 : i32
        %get3A_417 = arith.index_cast %mul3A_416 : i32 to index
        %get3A_418 = tpu.vector_load %arg7[%get3A_417] {strides = array<i32>} : memref<12544xi32, #tpu.memory_space<vmem>>, vector<16xi32>,
        %slice3A_419 = vector.extract_strided_slice %get3A_418 {offsets = [0], sizes = [1], strides = [1]} : vector<16xi32> to vector<1xi32>
        %squeeze3A_420 = vector.extract %slice3A_419[0] : i32 from vector<1xi32>
        %slice3A_421 = vector.extract_strided_slice %get3A_418 {offsets = [1], sizes = [1], strides = [1]} : vector<16xi32> to vector<1xi32>
        %squeeze3A_422 = vector.extract %slice3A_421[0] : i32 from vector<1xi32>
        %slice3A_423 = vector.extract_strided_slice %get3A_418 {offsets = [2], sizes = [1], strides = [1]} : vector<16xi32> to vector<1xi32>
        %squeeze3A_424 = vector.extract %slice3A_423[0] : i32 from vector<1xi32>
        %slice3A_425 = vector.extract_strided_slice %get3A_418 {offsets = [3], sizes = [1], strides = [1]} : vector<16xi32> to vector<1xi32>
        %squeeze3A_426 = vector.extract %slice3A_425[0] : i32 from vector<1xi32>
        %add3A_427 = arith.constant 0 : i32
        %add3A_428 = arith.addi %squeeze3A_420, %add3A_427 : i32
        %get3A_429 = arith.index_cast %add3A_428 : i32 to index
        %get3A_430 = tpu.vector_load %arg5[%get3A_429] {strides = array<i32>} : memref<26048xi32, #tpu.memory_space<vmem>>, vector<16xi32>,
        %bitcast3A_431 = vector.bitcast %get3A_430 : vector<16xi32> to vector<32xbf16>
        %add3A_432 = arith.constant 0 : i32
        %add3A_433 = arith.addi %squeeze3A_422, %add3A_432 : i32
        %get3A_434 = arith.index_cast %add3A_433 : i32 to index
        %get3A_435 = tpu.vector_load %arg5[%get3A_434] {strides = array<i32>} : memref<26048xi32, #tpu.memory_space<vmem>>, vector<16xi32>,
        %bitcast3A_436 = vector.bitcast %get3A_435 : vector<16xi32> to vector<32xbf16>
        %add3A_437 = arith.addf %bitcast3A_431, %bitcast3A_436 : vector<32xbf16>
        %add3A_438 = arith.constant 0 : i32
        %add3A_439 = arith.addi %squeeze3A_424, %add3A_438 : i32
        %get3A_440 = arith.index_cast %add3A_439 : i32 to index
        %get3A_441 = tpu.vector_load %arg5[%get3A_440] {strides = array<i32>} : memref<26048xi32, #tpu.memory_space<vmem>>, vector<16xi32>,
        %bitcast3A_442 = vector.bitcast %get3A_441 : vector<16xi32> to vector<32xbf16>
        %add3A_443 = arith.constant 0 : i32
        %add3A_444 = arith.addi %squeeze3A_426, %add3A_443 : i32
        %get3A_445 = arith.index_cast %add3A_444 : i32 to index
        %get3A_446 = tpu.vector_load %arg5[%get3A_445] {strides = array<i32>} : memref<26048xi32, #tpu.memory_space<vmem>>, vector<16xi32>,
        %bitcast3A_447 = vector.bitcast %get3A_446 : vector<16xi32> to vector<32xbf16>
        %add3A_448 = arith.addf %bitcast3A_442, %bitcast3A_447 : vector<32xbf16>
        %add3A_449 = arith.addf %add3A_437, %add3A_448 : vector<32xbf16>
        %add3A_450 = arith.constant 16 : i32
        %add3A_451 = arith.addi %squeeze3A_420, %add3A_450 : i32
        %get3A_452 = arith.index_cast %add3A_451 : i32 to index
        %get3A_453 = tpu.vector_load %arg5[%get3A_452] {strides = array<i32>} : memref<26048xi32, #tpu.memory_space<vmem>>, vector<16xi32>,
        %bitcast3A_454 = vector.bitcast %get3A_453 : vector<16xi32> to vector<32xbf16>
        %add3A_455 = arith.constant 16 : i32
        %add3A_456 = arith.addi %squeeze3A_422, %add3A_455 : i32
        %get3A_457 = arith.index_cast %add3A_456 : i32 to index
        %get3A_458 = tpu.vector_load %arg5[%get3A_457] {strides = array<i32>} : memref<26048xi32, #tpu.memory_space<vmem>>, vector<16xi32>,
        %bitcast3A_459 = vector.bitcast %get3A_458 : vector<16xi32> to vector<32xbf16>
        %add3A_460 = arith.addf %bitcast3A_454, %bitcast3A_459 : vector<32xbf16>
        %add3A_461 = arith.constant 16 : i32
        %add3A_462 = arith.addi %squeeze3A_424, %add3A_461 : i32
        %get3A_463 = arith.index_cast %add3A_462 : i32 to index
        %get3A_464 = tpu.vector_load %arg5[%get3A_463] {strides = array<i32>} : memref<26048xi32, #tpu.memory_space<vmem>>, vector<16xi32>,
        %bitcast3A_465 = vector.bitcast %get3A_464 : vector<16xi32> to vector<32xbf16>
        %add3A_466 = arith.constant 16 : i32
        %add3A_467 = arith.addi %squeeze3A_426, %add3A_466 : i32
        %get3A_468 = arith.index_cast %add3A_467 : i32 to index
        %get3A_469 = tpu.vector_load %arg5[%get3A_468] {strides = array<i32>} : memref<26048xi32, #tpu.memory_space<vmem>>, vector<16xi32>,
        %bitcast3A_470 = vector.bitcast %get3A_469 : vector<16xi32> to vector<32xbf16>
        %add3A_471 = arith.addf %bitcast3A_465, %bitcast3A_470 : vector<32xbf16>
        %add3A_472 = arith.addf %add3A_460, %add3A_471 : vector<32xbf16>
        %add3A_473 = arith.constant 32 : i32
        %add3A_474 = arith.addi %squeeze3A_420, %add3A_473 : i32
        %get3A_475 = arith.index_cast %add3A_474 : i32 to index
        %get3A_476 = tpu.vector_load %arg5[%get3A_475] {strides = array<i32>} : memref<26048xi32, #tpu.memory_space<vmem>>, vector<16xi32>,
        %bitcast3A_477 = vector.bitcast %get3A_476 : vector<16xi32> to vector<32xbf16>
        %add3A_478 = arith.constant 32 : i32
        %add3A_479 = arith.addi %squeeze3A_422, %add3A_478 : i32
        %get3A_480 = arith.index_cast %add3A_479 : i32 to index
        %get3A_481 = tpu.vector_load %arg5[%get3A_480] {strides = array<i32>} : memref<26048xi32, #tpu.memory_space<vmem>>, vector<16xi32>,
        %bitcast3A_482 = vector.bitcast %get3A_481 : vector<16xi32> to vector<32xbf16>
        %add3A_483 = arith.addf %bitcast3A_477, %bitcast3A_482 : vector<32xbf16>
        %add3A_484 = arith.constant 32 : i32
        %add3A_485 = arith.addi %squeeze3A_424, %add3A_484 : i32
        %get3A_486 = arith.index_cast %add3A_485 : i32 to index
        %get3A_487 = tpu.vector_load %arg5[%get3A_486] {strides = array<i32>} : memref<26048xi32, #tpu.memory_space<vmem>>, vector<16xi32>,
        %bitcast3A_488 = vector.bitcast %get3A_487 : vector<16xi32> to vector<32xbf16>
        %add3A_489 = arith.constant 32 : i32
        %add3A_490 = arith.addi %squeeze3A_426, %add3A_489 : i32
        %get3A_491 = arith.index_cast %add3A_490 : i32 to index
        %get3A_492 = tpu.vector_load %arg5[%get3A_491] {strides = array<i32>} : memref<26048xi32, #tpu.memory_space<vmem>>, vector<16xi32>,
        %bitcast3A_493 = vector.bitcast %get3A_492 : vector<16xi32> to vector<32xbf16>
        %add3A_494 = arith.addf %bitcast3A_488, %bitcast3A_493 : vector<32xbf16>
        %add3A_495 = arith.addf %add3A_483, %add3A_494 : vector<32xbf16>
        %add3A_496 = arith.constant 48 : i32
        %add3A_497 = arith.addi %squeeze3A_420, %add3A_496 : i32
        %get3A_498 = arith.index_cast %add3A_497 : i32 to index
        %get3A_499 = tpu.vector_load %arg5[%get3A_498] {strides = array<i32>} : memref<26048xi32, #tpu.memory_space<vmem>>, vector<16xi32>,
        %bitcast3A_500 = vector.bitcast %get3A_499 : vector<16xi32> to vector<32xbf16>
        %add3A_501 = arith.constant 48 : i32
        %add3A_502 = arith.addi %squeeze3A_422, %add3A_501 : i32
        %get3A_503 = arith.index_cast %add3A_502 : i32 to index
        %get3A_504 = tpu.vector_load %arg5[%get3A_503] {strides = array<i32>} : memref<26048xi32, #tpu.memory_space<vmem>>, vector<16xi32>,
        %bitcast3A_505 = vector.bitcast %get3A_504 : vector<16xi32> to vector<32xbf16>
        %add3A_506 = arith.addf %bitcast3A_500, %bitcast3A_505 : vector<32xbf16>
        %add3A_507 = arith.constant 48 : i32
        %add3A_508 = arith.addi %squeeze3A_424, %add3A_507 : i32
        %get3A_509 = arith.index_cast %add3A_508 : i32 to index
        %get3A_510 = tpu.vector_load %arg5[%get3A_509] {strides = array<i32>} : memref<26048xi32, #tpu.memory_space<vmem>>, vector<16xi32>,
        %bitcast3A_511 = vector.bitcast %get3A_510 : vector<16xi32> to vector<32xbf16>
        %add3A_512 = arith.constant 48 : i32
        %add3A_513 = arith.addi %squeeze3A_426, %add3A_512 : i32
        %get3A_514 = arith.index_cast %add3A_513 : i32 to index
        %get3A_515 = tpu.vector_load %arg5[%get3A_514] {strides = array<i32>} : memref<26048xi32, #tpu.memory_space<vmem>>, vector<16xi32>,
        %bitcast3A_516 = vector.bitcast %get3A_515 : vector<16xi32> to vector<32xbf16>
        %add3A_517 = arith.addf %bitcast3A_511, %bitcast3A_516 : vector<32xbf16>
        %add3A_518 = arith.addf %add3A_506, %add3A_517 : vector<32xbf16>
        %add3A_519 = arith.constant 3 : i32
        %add3A_520 = arith.addi %add3A_201, %add3A_519 : i32
        %mul3A_521 = arith.constant 4 : i32
        %mul3A_522 = arith.muli %add3A_520, %mul3A_521 : i32
        %get3A_523 = arith.index_cast %mul3A_522 : i32 to index
        %get3A_524 = tpu.vector_load %arg7[%get3A_523] {strides = array<i32>} : memref<12544xi32, #tpu.memory_space<vmem>>, vector<16xi32>,
        %slice3A_525 = vector.extract_strided_slice %get3A_524 {offsets = [0], sizes = [1], strides = [1]} : vector<16xi32> to vector<1xi32>
        %squeeze3A_526 = vector.extract %slice3A_525[0] : i32 from vector<1xi32>
        %slice3A_527 = vector.extract_strided_slice %get3A_524 {offsets = [1], sizes = [1], strides = [1]} : vector<16xi32> to vector<1xi32>
        %squeeze3A_528 = vector.extract %slice3A_527[0] : i32 from vector<1xi32>
        %slice3A_529 = vector.extract_strided_slice %get3A_524 {offsets = [2], sizes = [1], strides = [1]} : vector<16xi32> to vector<1xi32>
        %squeeze3A_530 = vector.extract %slice3A_529[0] : i32 from vector<1xi32>
        %slice3A_531 = vector.extract_strided_slice %get3A_524 {offsets = [3], sizes = [1], strides = [1]} : vector<16xi32> to vector<1xi32>
        %squeeze3A_532 = vector.extract %slice3A_531[0] : i32 from vector<1xi32>
        %add3A_533 = arith.constant 0 : i32
        %add3A_534 = arith.addi %squeeze3A_526, %add3A_533 : i32
        %get3A_535 = arith.index_cast %add3A_534 : i32 to index
        %get3A_536 = tpu.vector_load %arg5[%get3A_535] {strides = array<i32>} : memref<26048xi32, #tpu.memory_space<vmem>>, vector<16xi32>,
        %bitcast3A_537 = vector.bitcast %get3A_536 : vector<16xi32> to vector<32xbf16>
        %add3A_538 = arith.constant 0 : i32
        %add3A_539 = arith.addi %squeeze3A_528, %add3A_538 : i32
        %get3A_540 = arith.index_cast %add3A_539 : i32 to index
        %get3A_541 = tpu.vector_load %arg5[%get3A_540] {strides = array<i32>} : memref<26048xi32, #tpu.memory_space<vmem>>, vector<16xi32>,
        %bitcast3A_542 = vector.bitcast %get3A_541 : vector<16xi32> to vector<32xbf16>
        %add3A_543 = arith.addf %bitcast3A_537, %bitcast3A_542 : vector<32xbf16>
        %add3A_544 = arith.constant 0 : i32
        %add3A_545 = arith.addi %squeeze3A_530, %add3A_544 : i32
        %get3A_546 = arith.index_cast %add3A_545 : i32 to index
        %get3A_547 = tpu.vector_load %arg5[%get3A_546] {strides = array<i32>} : memref<26048xi32, #tpu.memory_space<vmem>>, vector<16xi32>,
        %bitcast3A_548 = vector.bitcast %get3A_547 : vector<16xi32> to vector<32xbf16>
        %add3A_549 = arith.constant 0 : i32
        %add3A_550 = arith.addi %squeeze3A_532, %add3A_549 : i32
        %get3A_551 = arith.index_cast %add3A_550 : i32 to index
        %get3A_552 = tpu.vector_load %arg5[%get3A_551] {strides = array<i32>} : memref<26048xi32, #tpu.memory_space<vmem>>, vector<16xi32>,
        %bitcast3A_553 = vector.bitcast %get3A_552 : vector<16xi32> to vector<32xbf16>
        %add3A_554 = arith.addf %bitcast3A_548, %bitcast3A_553 : vector<32xbf16>
        %add3A_555 = arith.addf %add3A_543, %add3A_554 : vector<32xbf16>
        %add3A_556 = arith.constant 16 : i32
        %add3A_557 = arith.addi %squeeze3A_526, %add3A_556 : i32
        %get3A_558 = arith.index_cast %add3A_557 : i32 to index
        %get3A_559 = tpu.vector_load %arg5[%get3A_558] {strides = array<i32>} : memref<26048xi32, #tpu.memory_space<vmem>>, vector<16xi32>,
        %bitcast3A_560 = vector.bitcast %get3A_559 : vector<16xi32> to vector<32xbf16>
        %add3A_561 = arith.constant 16 : i32
        %add3A_562 = arith.addi %squeeze3A_528, %add3A_561 : i32
        %get3A_563 = arith.index_cast %add3A_562 : i32 to index
        %get3A_564 = tpu.vector_load %arg5[%get3A_563] {strides = array<i32>} : memref<26048xi32, #tpu.memory_space<vmem>>, vector<16xi32>,
        %bitcast3A_565 = vector.bitcast %get3A_564 : vector<16xi32> to vector<32xbf16>
        %add3A_566 = arith.addf %bitcast3A_560, %bitcast3A_565 : vector<32xbf16>
        %add3A_567 = arith.constant 16 : i32
        %add3A_568 = arith.addi %squeeze3A_530, %add3A_567 : i32
        %get3A_569 = arith.index_cast %add3A_568 : i32 to index
        %get3A_570 = tpu.vector_load %arg5[%get3A_569] {strides = array<i32>} : memref<26048xi32, #tpu.memory_space<vmem>>, vector<16xi32>,
        %bitcast3A_571 = vector.bitcast %get3A_570 : vector<16xi32> to vector<32xbf16>
        %add3A_572 = arith.constant 16 : i32
        %add3A_573 = arith.addi %squeeze3A_532, %add3A_572 : i32
        %get3A_574 = arith.index_cast %add3A_573 : i32 to index
        %get3A_575 = tpu.vector_load %arg5[%get3A_574] {strides = array<i32>} : memref<26048xi32, #tpu.memory_space<vmem>>, vector<16xi32>,
        %bitcast3A_576 = vector.bitcast %get3A_575 : vector<16xi32> to vector<32xbf16>
        %add3A_577 = arith.addf %bitcast3A_571, %bitcast3A_576 : vector<32xbf16>
        %add3A_578 = arith.addf %add3A_566, %add3A_577 : vector<32xbf16>
        %add3A_579 = arith.constant 32 : i32
        %add3A_580 = arith.addi %squeeze3A_526, %add3A_579 : i32
        %get3A_581 = arith.index_cast %add3A_580 : i32 to index
        %get3A_582 = tpu.vector_load %arg5[%get3A_581] {strides = array<i32>} : memref<26048xi32, #tpu.memory_space<vmem>>, vector<16xi32>,
        %bitcast3A_583 = vector.bitcast %get3A_582 : vector<16xi32> to vector<32xbf16>
        %add3A_584 = arith.constant 32 : i32
        %add3A_585 = arith.addi %squeeze3A_528, %add3A_584 : i32
        %get3A_586 = arith.index_cast %add3A_585 : i32 to index
        %get3A_587 = tpu.vector_load %arg5[%get3A_586] {strides = array<i32>} : memref<26048xi32, #tpu.memory_space<vmem>>, vector<16xi32>,
        %bitcast3A_588 = vector.bitcast %get3A_587 : vector<16xi32> to vector<32xbf16>
        %add3A_589 = arith.addf %bitcast3A_583, %bitcast3A_588 : vector<32xbf16>
        %add3A_590 = arith.constant 32 : i32
        %add3A_591 = arith.addi %squeeze3A_530, %add3A_590 : i32
        %get3A_592 = arith.index_cast %add3A_591 : i32 to index
        %get3A_593 = tpu.vector_load %arg5[%get3A_592] {strides = array<i32>} : memref<26048xi32, #tpu.memory_space<vmem>>, vector<16xi32>,
        %bitcast3A_594 = vector.bitcast %get3A_593 : vector<16xi32> to vector<32xbf16>
        %add3A_595 = arith.constant 32 : i32
        %add3A_596 = arith.addi %squeeze3A_532, %add3A_595 : i32
        %get3A_597 = arith.index_cast %add3A_596 : i32 to index
        %get3A_598 = tpu.vector_load %arg5[%get3A_597] {strides = array<i32>} : memref<26048xi32, #tpu.memory_space<vmem>>, vector<16xi32>,
        %bitcast3A_599 = vector.bitcast %get3A_598 : vector<16xi32> to vector<32xbf16>
        %add3A_600 = arith.addf %bitcast3A_594, %bitcast3A_599 : vector<32xbf16>
        %add3A_601 = arith.addf %add3A_589, %add3A_600 : vector<32xbf16>
        %add3A_602 = arith.constant 48 : i32
        %add3A_603 = arith.addi %squeeze3A_526, %add3A_602 : i32
        %get3A_604 = arith.index_cast %add3A_603 : i32 to index
        %get3A_605 = tpu.vector_load %arg5[%get3A_604] {strides = array<i32>} : memref<26048xi32, #tpu.memory_space<vmem>>, vector<16xi32>,
        %bitcast3A_606 = vector.bitcast %get3A_605 : vector<16xi32> to vector<32xbf16>
        %add3A_607 = arith.constant 48 : i32
        %add3A_608 = arith.addi %squeeze3A_528, %add3A_607 : i32
        %get3A_609 = arith.index_cast %add3A_608 : i32 to index
        %get3A_610 = tpu.vector_load %arg5[%get3A_609] {strides = array<i32>} : memref<26048xi32, #tpu.memory_space<vmem>>, vector<16xi32>,
        %bitcast3A_611 = vector.bitcast %get3A_610 : vector<16xi32> to vector<32xbf16>
        %add3A_612 = arith.addf %bitcast3A_606, %bitcast3A_611 : vector<32xbf16>
        %add3A_613 = arith.constant 48 : i32
        %add3A_614 = arith.addi %squeeze3A_530, %add3A_613 : i32
        %get3A_615 = arith.index_cast %add3A_614 : i32 to index
        %get3A_616 = tpu.vector_load %arg5[%get3A_615] {strides = array<i32>} : memref<26048xi32, #tpu.memory_space<vmem>>, vector<16xi32>,
        %bitcast3A_617 = vector.bitcast %get3A_616 : vector<16xi32> to vector<32xbf16>
        %add3A_618 = arith.constant 48 : i32
        %add3A_619 = arith.addi %squeeze3A_532, %add3A_618 : i32
        %get3A_620 = arith.index_cast %add3A_619 : i32 to index
        %get3A_621 = tpu.vector_load %arg5[%get3A_620] {strides = array<i32>} : memref<26048xi32, #tpu.memory_space<vmem>>, vector<16xi32>,
        %bitcast3A_622 = vector.bitcast %get3A_621 : vector<16xi32> to vector<32xbf16>
        %add3A_623 = arith.addf %bitcast3A_617, %bitcast3A_622 : vector<32xbf16>
        %add3A_624 = arith.addf %add3A_612, %add3A_623 : vector<32xbf16>
        %add3A_625 = arith.constant 4 : i32
        %add3A_626 = arith.addi %add3A_201, %add3A_625 : i32
        %mul3A_627 = arith.constant 4 : i32
        %mul3A_628 = arith.muli %add3A_626, %mul3A_627 : i32
        %get3A_629 = arith.index_cast %mul3A_628 : i32 to index
        %get3A_630 = tpu.vector_load %arg7[%get3A_629] {strides = array<i32>} : memref<12544xi32, #tpu.memory_space<vmem>>, vector<16xi32>,
        %slice3A_631 = vector.extract_strided_slice %get3A_630 {offsets = [0], sizes = [1], strides = [1]} : vector<16xi32> to vector<1xi32>
        %squeeze3A_632 = vector.extract %slice3A_631[0] : i32 from vector<1xi32>
        %slice3A_633 = vector.extract_strided_slice %get3A_630 {offsets = [1], sizes = [1], strides = [1]} : vector<16xi32> to vector<1xi32>
        %squeeze3A_634 = vector.extract %slice3A_633[0] : i32 from vector<1xi32>
        %slice3A_635 = vector.extract_strided_slice %get3A_630 {offsets = [2], sizes = [1], strides = [1]} : vector<16xi32> to vector<1xi32>
        %squeeze3A_636 = vector.extract %slice3A_635[0] : i32 from vector<1xi32>
        %slice3A_637 = vector.extract_strided_slice %get3A_630 {offsets = [3], sizes = [1], strides = [1]} : vector<16xi32> to vector<1xi32>
        %squeeze3A_638 = vector.extract %slice3A_637[0] : i32 from vector<1xi32>
        %add3A_639 = arith.constant 0 : i32
        %add3A_640 = arith.addi %squeeze3A_632, %add3A_639 : i32
        %get3A_641 = arith.index_cast %add3A_640 : i32 to index
        %get3A_642 = tpu.vector_load %arg5[%get3A_641] {strides = array<i32>} : memref<26048xi32, #tpu.memory_space<vmem>>, vector<16xi32>,
        %bitcast3A_643 = vector.bitcast %get3A_642 : vector<16xi32> to vector<32xbf16>
        %add3A_644 = arith.constant 0 : i32
        %add3A_645 = arith.addi %squeeze3A_634, %add3A_644 : i32
        %get3A_646 = arith.index_cast %add3A_645 : i32 to index
        %get3A_647 = tpu.vector_load %arg5[%get3A_646] {strides = array<i32>} : memref<26048xi32, #tpu.memory_space<vmem>>, vector<16xi32>,
        %bitcast3A_648 = vector.bitcast %get3A_647 : vector<16xi32> to vector<32xbf16>
        %add3A_649 = arith.addf %bitcast3A_643, %bitcast3A_648 : vector<32xbf16>
        %add3A_650 = arith.constant 0 : i32
        %add3A_651 = arith.addi %squeeze3A_636, %add3A_650 : i32
        %get3A_652 = arith.index_cast %add3A_651 : i32 to index
        %get3A_653 = tpu.vector_load %arg5[%get3A_652] {strides = array<i32>} : memref<26048xi32, #tpu.memory_space<vmem>>, vector<16xi32>,
        %bitcast3A_654 = vector.bitcast %get3A_653 : vector<16xi32> to vector<32xbf16>
        %add3A_655 = arith.constant 0 : i32
        %add3A_656 = arith.addi %squeeze3A_638, %add3A_655 : i32
        %get3A_657 = arith.index_cast %add3A_656 : i32 to index
        %get3A_658 = tpu.vector_load %arg5[%get3A_657] {strides = array<i32>} : memref<26048xi32, #tpu.memory_space<vmem>>, vector<16xi32>,
        %bitcast3A_659 = vector.bitcast %get3A_658 : vector<16xi32> to vector<32xbf16>
        %add3A_660 = arith.addf %bitcast3A_654, %bitcast3A_659 : vector<32xbf16>
        %add3A_661 = arith.addf %add3A_649, %add3A_660 : vector<32xbf16>
        %add3A_662 = arith.constant 16 : i32
        %add3A_663 = arith.addi %squeeze3A_632, %add3A_662 : i32
        %get3A_664 = arith.index_cast %add3A_663 : i32 to index
        %get3A_665 = tpu.vector_load %arg5[%get3A_664] {strides = array<i32>} : memref<26048xi32, #tpu.memory_space<vmem>>, vector<16xi32>,
        %bitcast3A_666 = vector.bitcast %get3A_665 : vector<16xi32> to vector<32xbf16>
        %add3A_667 = arith.constant 16 : i32
        %add3A_668 = arith.addi %squeeze3A_634, %add3A_667 : i32
        %get3A_669 = arith.index_cast %add3A_668 : i32 to index
        %get3A_670 = tpu.vector_load %arg5[%get3A_669] {strides = array<i32>} : memref<26048xi32, #tpu.memory_space<vmem>>, vector<16xi32>,
        %bitcast3A_671 = vector.bitcast %get3A_670 : vector<16xi32> to vector<32xbf16>
        %add3A_672 = arith.addf %bitcast3A_666, %bitcast3A_671 : vector<32xbf16>
        %add3A_673 = arith.constant 16 : i32
        %add3A_674 = arith.addi %squeeze3A_636, %add3A_673 : i32
        %get3A_675 = arith.index_cast %add3A_674 : i32 to index
        %get3A_676 = tpu.vector_load %arg5[%get3A_675] {strides = array<i32>} : memref<26048xi32, #tpu.memory_space<vmem>>, vector<16xi32>,
        %bitcast3A_677 = vector.bitcast %get3A_676 : vector<16xi32> to vector<32xbf16>
        %add3A_678 = arith.constant 16 : i32
        %add3A_679 = arith.addi %squeeze3A_638, %add3A_678 : i32
        %get3A_680 = arith.index_cast %add3A_679 : i32 to index
        %get3A_681 = tpu.vector_load %arg5[%get3A_680] {strides = array<i32>} : memref<26048xi32, #tpu.memory_space<vmem>>, vector<16xi32>,
        %bitcast3A_682 = vector.bitcast %get3A_681 : vector<16xi32> to vector<32xbf16>
        %add3A_683 = arith.addf %bitcast3A_677, %bitcast3A_682 : vector<32xbf16>
        %add3A_684 = arith.addf %add3A_672, %add3A_683 : vector<32xbf16>
        %add3A_685 = arith.constant 32 : i32
        %add3A_686 = arith.addi %squeeze3A_632, %add3A_685 : i32
        %get3A_687 = arith.index_cast %add3A_686 : i32 to index
        %get3A_688 = tpu.vector_load %arg5[%get3A_687] {strides = array<i32>} : memref<26048xi32, #tpu.memory_space<vmem>>, vector<16xi32>,
        %bitcast3A_689 = vector.bitcast %get3A_688 : vector<16xi32> to vector<32xbf16>
        %add3A_690 = arith.constant 32 : i32
        %add3A_691 = arith.addi %squeeze3A_634, %add3A_690 : i32
        %get3A_692 = arith.index_cast %add3A_691 : i32 to index
        %get3A_693 = tpu.vector_load %arg5[%get3A_692] {strides = array<i32>} : memref<26048xi32, #tpu.memory_space<vmem>>, vector<16xi32>,
        %bitcast3A_694 = vector.bitcast %get3A_693 : vector<16xi32> to vector<32xbf16>
        %add3A_695 = arith.addf %bitcast3A_689, %bitcast3A_694 : vector<32xbf16>
        %add3A_696 = arith.constant 32 : i32
        %add3A_697 = arith.addi %squeeze3A_636, %add3A_696 : i32
        %get3A_698 = arith.index_cast %add3A_697 : i32 to index
        %get3A_699 = tpu.vector_load %arg5[%get3A_698] {strides = array<i32>} : memref<26048xi32, #tpu.memory_space<vmem>>, vector<16xi32>,
        %bitcast3A_700 = vector.bitcast %get3A_699 : vector<16xi32> to vector<32xbf16>
        %add3A_701 = arith.constant 32 : i32
        %add3A_702 = arith.addi %squeeze3A_638, %add3A_701 : i32
        %get3A_703 = arith.index_cast %add3A_702 : i32 to index
        %get3A_704 = tpu.vector_load %arg5[%get3A_703] {strides = array<i32>} : memref<26048xi32, #tpu.memory_space<vmem>>, vector<16xi32>,
        %bitcast3A_705 = vector.bitcast %get3A_704 : vector<16xi32> to vector<32xbf16>
        %add3A_706 = arith.addf %bitcast3A_700, %bitcast3A_705 : vector<32xbf16>
        %add3A_707 = arith.addf %add3A_695, %add3A_706 : vector<32xbf16>
        %add3A_708 = arith.constant 48 : i32
        %add3A_709 = arith.addi %squeeze3A_632, %add3A_708 : i32
        %get3A_710 = arith.index_cast %add3A_709 : i32 to index
        %get3A_711 = tpu.vector_load %arg5[%get3A_710] {strides = array<i32>} : memref<26048xi32, #tpu.memory_space<vmem>>, vector<16xi32>,
        %bitcast3A_712 = vector.bitcast %get3A_711 : vector<16xi32> to vector<32xbf16>
        %add3A_713 = arith.constant 48 : i32
        %add3A_714 = arith.addi %squeeze3A_634, %add3A_713 : i32
        %get3A_715 = arith.index_cast %add3A_714 : i32 to index
        %get3A_716 = tpu.vector_load %arg5[%get3A_715] {strides = array<i32>} : memref<26048xi32, #tpu.memory_space<vmem>>, vector<16xi32>,
        %bitcast3A_717 = vector.bitcast %get3A_716 : vector<16xi32> to vector<32xbf16>
        %add3A_718 = arith.addf %bitcast3A_712, %bitcast3A_717 : vector<32xbf16>
        %add3A_719 = arith.constant 48 : i32
        %add3A_720 = arith.addi %squeeze3A_636, %add3A_719 : i32
        %get3A_721 = arith.index_cast %add3A_720 : i32 to index
        %get3A_722 = tpu.vector_load %arg5[%get3A_721] {strides = array<i32>} : memref<26048xi32, #tpu.memory_space<vmem>>, vector<16xi32>,
        %bitcast3A_723 = vector.bitcast %get3A_722 : vector<16xi32> to vector<32xbf16>
        %add3A_724 = arith.constant 48 : i32
        %add3A_725 = arith.addi %squeeze3A_638, %add3A_724 : i32
        %get3A_726 = arith.index_cast %add3A_725 : i32 to index
        %get3A_727 = tpu.vector_load %arg5[%get3A_726] {strides = array<i32>} : memref<26048xi32, #tpu.memory_space<vmem>>, vector<16xi32>,
        %bitcast3A_728 = vector.bitcast %get3A_727 : vector<16xi32> to vector<32xbf16>
        %add3A_729 = arith.addf %bitcast3A_723, %bitcast3A_728 : vector<32xbf16>
        %add3A_730 = arith.addf %add3A_718, %add3A_729 : vector<32xbf16>
        %unpack3A = tpu.unpack_subelements %add3A_237, 0 {pack_format = #tpu.pack_format<interleaved>} : vector<32xbf16> -> vector<16xf32>
        %unpack3A_731 = tpu.unpack_subelements %add3A_237, 1 {pack_format = #tpu.pack_format<interleaved>} : vector<32xbf16> -> vector<16xf32>
        %add3A_732 = arith.constant 0 : i32
        %add3A_733 = arith.addi %mul3A_203, %add3A_732 : i32
        %swap3A = arith.index_cast %add3A_733 : i32 to index
        %swap3A_734 = arith.constant 0 : index
        %swap3A_735 = tpu.vector_load %arg8[%swap3A, %swap3A_734] {strides = array<i32>} : memref<120x128xf32, #tpu.memory_space<vmem>>, vector<16xf32>,
        tpu.vector_store %arg8[%swap3A, %swap3A_734], %unpack3A {strides = array<i32>} : memref<120x128xf32, #tpu.memory_space<vmem>>, vector<16xf32>,
        %add3A_736 = arith.constant 0 : i32
        %add3A_737 = arith.addi %mul3A_203, %add3A_736 : i32
        %swap3A_738 = arith.index_cast %add3A_737 : i32 to index
        %swap3A_739 = arith.constant 16 : index
        %swap3A_740 = tpu.vector_load %arg8[%swap3A_738, %swap3A_739] {strides = array<i32>} : memref<120x128xf32, #tpu.memory_space<vmem>>, vector<16xf32>,
        tpu.vector_store %arg8[%swap3A_738, %swap3A_739], %unpack3A_731 {strides = array<i32>} : memref<120x128xf32, #tpu.memory_space<vmem>>, vector<16xf32>,
        %unpack3A_741 = tpu.unpack_subelements %add3A_260, 0 {pack_format = #tpu.pack_format<interleaved>} : vector<32xbf16> -> vector<16xf32>
        %unpack3A_742 = tpu.unpack_subelements %add3A_260, 1 {pack_format = #tpu.pack_format<interleaved>} : vector<32xbf16> -> vector<16xf32>
        %add3A_743 = arith.constant 0 : i32
        %add3A_744 = arith.addi %mul3A_203, %add3A_743 : i32
        %swap3A_745 = arith.index_cast %add3A_744 : i32 to index
        %swap3A_746 = arith.constant 32 : index
        %swap3A_747 = tpu.vector_load %arg8[%swap3A_745, %swap3A_746] {strides = array<i32>} : memref<120x128xf32, #tpu.memory_space<vmem>>, vector<16xf32>,
        tpu.vector_store %arg8[%swap3A_745, %swap3A_746], %unpack3A_741 {strides = array<i32>} : memref<120x128xf32, #tpu.memory_space<vmem>>, vector<16xf32>,
        %add3A_748 = arith.constant 0 : i32
        %add3A_749 = arith.addi %mul3A_203, %add3A_748 : i32
        %swap3A_750 = arith.index_cast %add3A_749 : i32 to index
        %swap3A_751 = arith.constant 48 : index
        %swap3A_752 = tpu.vector_load %arg8[%swap3A_750, %swap3A_751] {strides = array<i32>} : memref<120x128xf32, #tpu.memory_space<vmem>>, vector<16xf32>,
        tpu.vector_store %arg8[%swap3A_750, %swap3A_751], %unpack3A_742 {strides = array<i32>} : memref<120x128xf32, #tpu.memory_space<vmem>>, vector<16xf32>,
        %unpack3A_753 = tpu.unpack_subelements %add3A_283, 0 {pack_format = #tpu.pack_format<interleaved>} : vector<32xbf16> -> vector<16xf32>
        %unpack3A_754 = tpu.unpack_subelements %add3A_283, 1 {pack_format = #tpu.pack_format<interleaved>} : vector<32xbf16> -> vector<16xf32>
        %add3A_755 = arith.constant 0 : i32
        %add3A_756 = arith.addi %mul3A_203, %add3A_755 : i32
        %swap3A_757 = arith.index_cast %add3A_756 : i32 to index
        %swap3A_758 = arith.constant 64 : index
        %swap3A_759 = tpu.vector_load %arg8[%swap3A_757, %swap3A_758] {strides = array<i32>} : memref<120x128xf32, #tpu.memory_space<vmem>>, vector<16xf32>,
        tpu.vector_store %arg8[%swap3A_757, %swap3A_758], %unpack3A_753 {strides = array<i32>} : memref<120x128xf32, #tpu.memory_space<vmem>>, vector<16xf32>,
        %add3A_760 = arith.constant 0 : i32
        %add3A_761 = arith.addi %mul3A_203, %add3A_760 : i32
        %swap3A_762 = arith.index_cast %add3A_761 : i32 to index
        %swap3A_763 = arith.constant 80 : index
        %swap3A_764 = tpu.vector_load %arg8[%swap3A_762, %swap3A_763] {strides = array<i32>} : memref<120x128xf32, #tpu.memory_space<vmem>>, vector<16xf32>,
        tpu.vector_store %arg8[%swap3A_762, %swap3A_763], %unpack3A_754 {strides = array<i32>} : memref<120x128xf32, #tpu.memory_space<vmem>>, vector<16xf32>,
        %unpack3A_765 = tpu.unpack_subelements %add3A_306, 0 {pack_format = #tpu.pack_format<interleaved>} : vector<32xbf16> -> vector<16xf32>
        %unpack3A_766 = tpu.unpack_subelements %add3A_306, 1 {pack_format = #tpu.pack_format<interleaved>} : vector<32xbf16> -> vector<16xf32>
        %add3A_767 = arith.constant 0 : i32
        %add3A_768 = arith.addi %mul3A_203, %add3A_767 : i32
        %swap3A_769 = arith.index_cast %add3A_768 : i32 to index
        %swap3A_770 = arith.constant 96 : index
        %swap3A_771 = tpu.vector_load %arg8[%swap3A_769, %swap3A_770] {strides = array<i32>} : memref<120x128xf32, #tpu.memory_space<vmem>>, vector<16xf32>,
        tpu.vector_store %arg8[%swap3A_769, %swap3A_770], %unpack3A_765 {strides = array<i32>} : memref<120x128xf32, #tpu.memory_space<vmem>>, vector<16xf32>,
        %add3A_772 = arith.constant 0 : i32
        %add3A_773 = arith.addi %mul3A_203, %add3A_772 : i32
        %swap3A_774 = arith.index_cast %add3A_773 : i32 to index
        %swap3A_775 = arith.constant 112 : index
        %swap3A_776 = tpu.vector_load %arg8[%swap3A_774, %swap3A_775] {strides = array<i32>} : memref<120x128xf32, #tpu.memory_space<vmem>>, vector<16xf32>,
        tpu.vector_store %arg8[%swap3A_774, %swap3A_775], %unpack3A_766 {strides = array<i32>} : memref<120x128xf32, #tpu.memory_space<vmem>>, vector<16xf32>,
        %unpack3A_777 = tpu.unpack_subelements %add3A_343, 0 {pack_format = #tpu.pack_format<interleaved>} : vector<32xbf16> -> vector<16xf32>
        %unpack3A_778 = tpu.unpack_subelements %add3A_343, 1 {pack_format = #tpu.pack_format<interleaved>} : vector<32xbf16> -> vector<16xf32>
        %add3A_779 = arith.constant 1 : i32
        %add3A_780 = arith.addi %mul3A_203, %add3A_779 : i32
        %swap3A_781 = arith.index_cast %add3A_780 : i32 to index
        %swap3A_782 = arith.constant 0 : index
        %swap3A_783 = tpu.vector_load %arg8[%swap3A_781, %swap3A_782] {strides = array<i32>} : memref<120x128xf32, #tpu.memory_space<vmem>>, vector<16xf32>,
        tpu.vector_store %arg8[%swap3A_781, %swap3A_782], %unpack3A_777 {strides = array<i32>} : memref<120x128xf32, #tpu.memory_space<vmem>>, vector<16xf32>,
        %add3A_784 = arith.constant 1 : i32
        %add3A_785 = arith.addi %mul3A_203, %add3A_784 : i32
        %swap3A_786 = arith.index_cast %add3A_785 : i32 to index
        %swap3A_787 = arith.constant 16 : index
        %swap3A_788 = tpu.vector_load %arg8[%swap3A_786, %swap3A_787] {strides = array<i32>} : memref<120x128xf32, #tpu.memory_space<vmem>>, vector<16xf32>,
        tpu.vector_store %arg8[%swap3A_786, %swap3A_787], %unpack3A_778 {strides = array<i32>} : memref<120x128xf32, #tpu.memory_space<vmem>>, vector<16xf32>,
        %unpack3A_789 = tpu.unpack_subelements %add3A_366, 0 {pack_format = #tpu.pack_format<interleaved>} : vector<32xbf16> -> vector<16xf32>
        %unpack3A_790 = tpu.unpack_subelements %add3A_366, 1 {pack_format = #tpu.pack_format<interleaved>} : vector<32xbf16> -> vector<16xf32>
        %add3A_791 = arith.constant 1 : i32
        %add3A_792 = arith.addi %mul3A_203, %add3A_791 : i32
        %swap3A_793 = arith.index_cast %add3A_792 : i32 to index
        %swap3A_794 = arith.constant 32 : index
        %swap3A_795 = tpu.vector_load %arg8[%swap3A_793, %swap3A_794] {strides = array<i32>} : memref<120x128xf32, #tpu.memory_space<vmem>>, vector<16xf32>,
        tpu.vector_store %arg8[%swap3A_793, %swap3A_794], %unpack3A_789 {strides = array<i32>} : memref<120x128xf32, #tpu.memory_space<vmem>>, vector<16xf32>,
        %add3A_796 = arith.constant 1 : i32
        %add3A_797 = arith.addi %mul3A_203, %add3A_796 : i32
        %swap3A_798 = arith.index_cast %add3A_797 : i32 to index
        %swap3A_799 = arith.constant 48 : index
        %swap3A_800 = tpu.vector_load %arg8[%swap3A_798, %swap3A_799] {strides = array<i32>} : memref<120x128xf32, #tpu.memory_space<vmem>>, vector<16xf32>,
        tpu.vector_store %arg8[%swap3A_798, %swap3A_799], %unpack3A_790 {strides = array<i32>} : memref<120x128xf32, #tpu.memory_space<vmem>>, vector<16xf32>,
        %unpack3A_801 = tpu.unpack_subelements %add3A_389, 0 {pack_format = #tpu.pack_format<interleaved>} : vector<32xbf16> -> vector<16xf32>
        %unpack3A_802 = tpu.unpack_subelements %add3A_389, 1 {pack_format = #tpu.pack_format<interleaved>} : vector<32xbf16> -> vector<16xf32>
        %add3A_803 = arith.constant 1 : i32
        %add3A_804 = arith.addi %mul3A_203, %add3A_803 : i32
        %swap3A_805 = arith.index_cast %add3A_804 : i32 to index
        %swap3A_806 = arith.constant 64 : index
        %swap3A_807 = tpu.vector_load %arg8[%swap3A_805, %swap3A_806] {strides = array<i32>} : memref<120x128xf32, #tpu.memory_space<vmem>>, vector<16xf32>,
        tpu.vector_store %arg8[%swap3A_805, %swap3A_806], %unpack3A_801 {strides = array<i32>} : memref<120x128xf32, #tpu.memory_space<vmem>>, vector<16xf32>,
        %add3A_808 = arith.constant 1 : i32
        %add3A_809 = arith.addi %mul3A_203, %add3A_808 : i32
        %swap3A_810 = arith.index_cast %add3A_809 : i32 to index
        %swap3A_811 = arith.constant 80 : index
        %swap3A_812 = tpu.vector_load %arg8[%swap3A_810, %swap3A_811] {strides = array<i32>} : memref<120x128xf32, #tpu.memory_space<vmem>>, vector<16xf32>,
        tpu.vector_store %arg8[%swap3A_810, %swap3A_811], %unpack3A_802 {strides = array<i32>} : memref<120x128xf32, #tpu.memory_space<vmem>>, vector<16xf32>,
        %unpack3A_813 = tpu.unpack_subelements %add3A_412, 0 {pack_format = #tpu.pack_format<interleaved>} : vector<32xbf16> -> vector<16xf32>
        %unpack3A_814 = tpu.unpack_subelements %add3A_412, 1 {pack_format = #tpu.pack_format<interleaved>} : vector<32xbf16> -> vector<16xf32>
        %add3A_815 = arith.constant 1 : i32
        %add3A_816 = arith.addi %mul3A_203, %add3A_815 : i32
        %swap3A_817 = arith.index_cast %add3A_816 : i32 to index
        %swap3A_818 = arith.constant 96 : index
        %swap3A_819 = tpu.vector_load %arg8[%swap3A_817, %swap3A_818] {strides = array<i32>} : memref<120x128xf32, #tpu.memory_space<vmem>>, vector<16xf32>,
        tpu.vector_store %arg8[%swap3A_817, %swap3A_818], %unpack3A_813 {strides = array<i32>} : memref<120x128xf32, #tpu.memory_space<vmem>>, vector<16xf32>,
        %add3A_820 = arith.constant 1 : i32
        %add3A_821 = arith.addi %mul3A_203, %add3A_820 : i32
        %swap3A_822 = arith.index_cast %add3A_821 : i32 to index
        %swap3A_823 = arith.constant 112 : index
        %swap3A_824 = tpu.vector_load %arg8[%swap3A_822, %swap3A_823] {strides = array<i32>} : memref<120x128xf32, #tpu.memory_space<vmem>>, vector<16xf32>,
        tpu.vector_store %arg8[%swap3A_822, %swap3A_823], %unpack3A_814 {strides = array<i32>} : memref<120x128xf32, #tpu.memory_space<vmem>>, vector<16xf32>,
        %unpack3A_825 = tpu.unpack_subelements %add3A_449, 0 {pack_format = #tpu.pack_format<interleaved>} : vector<32xbf16> -> vector<16xf32>
        %unpack3A_826 = tpu.unpack_subelements %add3A_449, 1 {pack_format = #tpu.pack_format<interleaved>} : vector<32xbf16> -> vector<16xf32>
        %add3A_827 = arith.constant 2 : i32
        %add3A_828 = arith.addi %mul3A_203, %add3A_827 : i32
        %swap3A_829 = arith.index_cast %add3A_828 : i32 to index
        %swap3A_830 = arith.constant 0 : index
        %swap3A_831 = tpu.vector_load %arg8[%swap3A_829, %swap3A_830] {strides = array<i32>} : memref<120x128xf32, #tpu.memory_space<vmem>>, vector<16xf32>,
        tpu.vector_store %arg8[%swap3A_829, %swap3A_830], %unpack3A_825 {strides = array<i32>} : memref<120x128xf32, #tpu.memory_space<vmem>>, vector<16xf32>,
        %add3A_832 = arith.constant 2 : i32
        %add3A_833 = arith.addi %mul3A_203, %add3A_832 : i32
        %swap3A_834 = arith.index_cast %add3A_833 : i32 to index
        %swap3A_835 = arith.constant 16 : index
        %swap3A_836 = tpu.vector_load %arg8[%swap3A_834, %swap3A_835] {strides = array<i32>} : memref<120x128xf32, #tpu.memory_space<vmem>>, vector<16xf32>,
        tpu.vector_store %arg8[%swap3A_834, %swap3A_835], %unpack3A_826 {strides = array<i32>} : memref<120x128xf32, #tpu.memory_space<vmem>>, vector<16xf32>,
        %unpack3A_837 = tpu.unpack_subelements %add3A_472, 0 {pack_format = #tpu.pack_format<interleaved>} : vector<32xbf16> -> vector<16xf32>
        %unpack3A_838 = tpu.unpack_subelements %add3A_472, 1 {pack_format = #tpu.pack_format<interleaved>} : vector<32xbf16> -> vector<16xf32>
        %add3A_839 = arith.constant 2 : i32
        %add3A_840 = arith.addi %mul3A_203, %add3A_839 : i32
        %swap3A_841 = arith.index_cast %add3A_840 : i32 to index
        %swap3A_842 = arith.constant 32 : index
        %swap3A_843 = tpu.vector_load %arg8[%swap3A_841, %swap3A_842] {strides = array<i32>} : memref<120x128xf32, #tpu.memory_space<vmem>>, vector<16xf32>,
        tpu.vector_store %arg8[%swap3A_841, %swap3A_842], %unpack3A_837 {strides = array<i32>} : memref<120x128xf32, #tpu.memory_space<vmem>>, vector<16xf32>,
        %add3A_844 = arith.constant 2 : i32
        %add3A_845 = arith.addi %mul3A_203, %add3A_844 : i32
        %swap3A_846 = arith.index_cast %add3A_845 : i32 to index
        %swap3A_847 = arith.constant 48 : index
        %swap3A_848 = tpu.vector_load %arg8[%swap3A_846, %swap3A_847] {strides = array<i32>} : memref<120x128xf32, #tpu.memory_space<vmem>>, vector<16xf32>,
        tpu.vector_store %arg8[%swap3A_846, %swap3A_847], %unpack3A_838 {strides = array<i32>} : memref<120x128xf32, #tpu.memory_space<vmem>>, vector<16xf32>,
        %unpack3A_849 = tpu.unpack_subelements %add3A_495, 0 {pack_format = #tpu.pack_format<interleaved>} : vector<32xbf16> -> vector<16xf32>
        %unpack3A_850 = tpu.unpack_subelements %add3A_495, 1 {pack_format = #tpu.pack_format<interleaved>} : vector<32xbf16> -> vector<16xf32>
        %add3A_851 = arith.constant 2 : i32
        %add3A_852 = arith.addi %mul3A_203, %add3A_851 : i32
        %swap3A_853 = arith.index_cast %add3A_852 : i32 to index
        %swap3A_854 = arith.constant 64 : index
        %swap3A_855 = tpu.vector_load %arg8[%swap3A_853, %swap3A_854] {strides = array<i32>} : memref<120x128xf32, #tpu.memory_space<vmem>>, vector<16xf32>,
        tpu.vector_store %arg8[%swap3A_853, %swap3A_854], %unpack3A_849 {strides = array<i32>} : memref<120x128xf32, #tpu.memory_space<vmem>>, vector<16xf32>,
        %add3A_856 = arith.constant 2 : i32
        %add3A_857 = arith.addi %mul3A_203, %add3A_856 : i32
        %swap3A_858 = arith.index_cast %add3A_857 : i32 to index
        %swap3A_859 = arith.constant 80 : index
        %swap3A_860 = tpu.vector_load %arg8[%swap3A_858, %swap3A_859] {strides = array<i32>} : memref<120x128xf32, #tpu.memory_space<vmem>>, vector<16xf32>,
        tpu.vector_store %arg8[%swap3A_858, %swap3A_859], %unpack3A_850 {strides = array<i32>} : memref<120x128xf32, #tpu.memory_space<vmem>>, vector<16xf32>,
        %unpack3A_861 = tpu.unpack_subelements %add3A_518, 0 {pack_format = #tpu.pack_format<interleaved>} : vector<32xbf16> -> vector<16xf32>
        %unpack3A_862 = tpu.unpack_subelements %add3A_518, 1 {pack_format = #tpu.pack_format<interleaved>} : vector<32xbf16> -> vector<16xf32>
        %add3A_863 = arith.constant 2 : i32
        %add3A_864 = arith.addi %mul3A_203, %add3A_863 : i32
        %swap3A_865 = arith.index_cast %add3A_864 : i32 to index
        %swap3A_866 = arith.constant 96 : index
        %swap3A_867 = tpu.vector_load %arg8[%swap3A_865, %swap3A_866] {strides = array<i32>} : memref<120x128xf32, #tpu.memory_space<vmem>>, vector<16xf32>,
        tpu.vector_store %arg8[%swap3A_865, %swap3A_866], %unpack3A_861 {strides = array<i32>} : memref<120x128xf32, #tpu.memory_space<vmem>>, vector<16xf32>,
        %add3A_868 = arith.constant 2 : i32
        %add3A_869 = arith.addi %mul3A_203, %add3A_868 : i32
        %swap3A_870 = arith.index_cast %add3A_869 : i32 to index
        %swap3A_871 = arith.constant 112 : index
        %swap3A_872 = tpu.vector_load %arg8[%swap3A_870, %swap3A_871] {strides = array<i32>} : memref<120x128xf32, #tpu.memory_space<vmem>>, vector<16xf32>,
        tpu.vector_store %arg8[%swap3A_870, %swap3A_871], %unpack3A_862 {strides = array<i32>} : memref<120x128xf32, #tpu.memory_space<vmem>>, vector<16xf32>,
        %unpack3A_873 = tpu.unpack_subelements %add3A_555, 0 {pack_format = #tpu.pack_format<interleaved>} : vector<32xbf16> -> vector<16xf32>
        %unpack3A_874 = tpu.unpack_subelements %add3A_555, 1 {pack_format = #tpu.pack_format<interleaved>} : vector<32xbf16> -> vector<16xf32>
        %add3A_875 = arith.constant 3 : i32
        %add3A_876 = arith.addi %mul3A_203, %add3A_875 : i32
        %swap3A_877 = arith.index_cast %add3A_876 : i32 to index
        %swap3A_878 = arith.constant 0 : index
        %swap3A_879 = tpu.vector_load %arg8[%swap3A_877, %swap3A_878] {strides = array<i32>} : memref<120x128xf32, #tpu.memory_space<vmem>>, vector<16xf32>,
        tpu.vector_store %arg8[%swap3A_877, %swap3A_878], %unpack3A_873 {strides = array<i32>} : memref<120x128xf32, #tpu.memory_space<vmem>>, vector<16xf32>,
        %add3A_880 = arith.constant 3 : i32
        %add3A_881 = arith.addi %mul3A_203, %add3A_880 : i32
        %swap3A_882 = arith.index_cast %add3A_881 : i32 to index
        %swap3A_883 = arith.constant 16 : index
        %swap3A_884 = tpu.vector_load %arg8[%swap3A_882, %swap3A_883] {strides = array<i32>} : memref<120x128xf32, #tpu.memory_space<vmem>>, vector<16xf32>,
        tpu.vector_store %arg8[%swap3A_882, %swap3A_883], %unpack3A_874 {strides = array<i32>} : memref<120x128xf32, #tpu.memory_space<vmem>>, vector<16xf32>,
        %unpack3A_885 = tpu.unpack_subelements %add3A_578, 0 {pack_format = #tpu.pack_format<interleaved>} : vector<32xbf16> -> vector<16xf32>
        %unpack3A_886 = tpu.unpack_subelements %add3A_578, 1 {pack_format = #tpu.pack_format<interleaved>} : vector<32xbf16> -> vector<16xf32>
        %add3A_887 = arith.constant 3 : i32
        %add3A_888 = arith.addi %mul3A_203, %add3A_887 : i32
        %swap3A_889 = arith.index_cast %add3A_888 : i32 to index
        %swap3A_890 = arith.constant 32 : index
        %swap3A_891 = tpu.vector_load %arg8[%swap3A_889, %swap3A_890] {strides = array<i32>} : memref<120x128xf32, #tpu.memory_space<vmem>>, vector<16xf32>,
        tpu.vector_store %arg8[%swap3A_889, %swap3A_890], %unpack3A_885 {strides = array<i32>} : memref<120x128xf32, #tpu.memory_space<vmem>>, vector<16xf32>,
        %add3A_892 = arith.constant 3 : i32
        %add3A_893 = arith.addi %mul3A_203, %add3A_892 : i32
        %swap3A_894 = arith.index_cast %add3A_893 : i32 to index
        %swap3A_895 = arith.constant 48 : index
        %swap3A_896 = tpu.vector_load %arg8[%swap3A_894, %swap3A_895] {strides = array<i32>} : memref<120x128xf32, #tpu.memory_space<vmem>>, vector<16xf32>,
        tpu.vector_store %arg8[%swap3A_894, %swap3A_895], %unpack3A_886 {strides = array<i32>} : memref<120x128xf32, #tpu.memory_space<vmem>>, vector<16xf32>,
        %unpack3A_897 = tpu.unpack_subelements %add3A_601, 0 {pack_format = #tpu.pack_format<interleaved>} : vector<32xbf16> -> vector<16xf32>
        %unpack3A_898 = tpu.unpack_subelements %add3A_601, 1 {pack_format = #tpu.pack_format<interleaved>} : vector<32xbf16> -> vector<16xf32>
        %add3A_899 = arith.constant 3 : i32
        %add3A_900 = arith.addi %mul3A_203, %add3A_899 : i32
        %swap3A_901 = arith.index_cast %add3A_900 : i32 to index
        %swap3A_902 = arith.constant 64 : index
        %swap3A_903 = tpu.vector_load %arg8[%swap3A_901, %swap3A_902] {strides = array<i32>} : memref<120x128xf32, #tpu.memory_space<vmem>>, vector<16xf32>,
        tpu.vector_store %arg8[%swap3A_901, %swap3A_902], %unpack3A_897 {strides = array<i32>} : memref<120x128xf32, #tpu.memory_space<vmem>>, vector<16xf32>,
        %add3A_904 = arith.constant 3 : i32
        %add3A_905 = arith.addi %mul3A_203, %add3A_904 : i32
        %swap3A_906 = arith.index_cast %add3A_905 : i32 to index
        %swap3A_907 = arith.constant 80 : index
        %swap3A_908 = tpu.vector_load %arg8[%swap3A_906, %swap3A_907] {strides = array<i32>} : memref<120x128xf32, #tpu.memory_space<vmem>>, vector<16xf32>,
        tpu.vector_store %arg8[%swap3A_906, %swap3A_907], %unpack3A_898 {strides = array<i32>} : memref<120x128xf32, #tpu.memory_space<vmem>>, vector<16xf32>,
        %unpack3A_909 = tpu.unpack_subelements %add3A_624, 0 {pack_format = #tpu.pack_format<interleaved>} : vector<32xbf16> -> vector<16xf32>
        %unpack3A_910 = tpu.unpack_subelements %add3A_624, 1 {pack_format = #tpu.pack_format<interleaved>} : vector<32xbf16> -> vector<16xf32>
        %add3A_911 = arith.constant 3 : i32
        %add3A_912 = arith.addi %mul3A_203, %add3A_911 : i32
        %swap3A_913 = arith.index_cast %add3A_912 : i32 to index
        %swap3A_914 = arith.constant 96 : index
        %swap3A_915 = tpu.vector_load %arg8[%swap3A_913, %swap3A_914] {strides = array<i32>} : memref<120x128xf32, #tpu.memory_space<vmem>>, vector<16xf32>,
        tpu.vector_store %arg8[%swap3A_913, %swap3A_914], %unpack3A_909 {strides = array<i32>} : memref<120x128xf32, #tpu.memory_space<vmem>>, vector<16xf32>,
        %add3A_916 = arith.constant 3 : i32
        %add3A_917 = arith.addi %mul3A_203, %add3A_916 : i32
        %swap3A_918 = arith.index_cast %add3A_917 : i32 to index
        %swap3A_919 = arith.constant 112 : index
        %swap3A_920 = tpu.vector_load %arg8[%swap3A_918, %swap3A_919] {strides = array<i32>} : memref<120x128xf32, #tpu.memory_space<vmem>>, vector<16xf32>,
        tpu.vector_store %arg8[%swap3A_918, %swap3A_919], %unpack3A_910 {strides = array<i32>} : memref<120x128xf32, #tpu.memory_space<vmem>>, vector<16xf32>,
        %unpack3A_921 = tpu.unpack_subelements %add3A_661, 0 {pack_format = #tpu.pack_format<interleaved>} : vector<32xbf16> -> vector<16xf32>
        %unpack3A_922 = tpu.unpack_subelements %add3A_661, 1 {pack_format = #tpu.pack_format<interleaved>} : vector<32xbf16> -> vector<16xf32>
        %add3A_923 = arith.constant 4 : i32
        %add3A_924 = arith.addi %mul3A_203, %add3A_923 : i32
        %swap3A_925 = arith.index_cast %add3A_924 : i32 to index
        %swap3A_926 = arith.constant 0 : index
        %swap3A_927 = tpu.vector_load %arg8[%swap3A_925, %swap3A_926] {strides = array<i32>} : memref<120x128xf32, #tpu.memory_space<vmem>>, vector<16xf32>,
        tpu.vector_store %arg8[%swap3A_925, %swap3A_926], %unpack3A_921 {strides = array<i32>} : memref<120x128xf32, #tpu.memory_space<vmem>>, vector<16xf32>,
        %add3A_928 = arith.constant 4 : i32
        %add3A_929 = arith.addi %mul3A_203, %add3A_928 : i32
        %swap3A_930 = arith.index_cast %add3A_929 : i32 to index
        %swap3A_931 = arith.constant 16 : index
        %swap3A_932 = tpu.vector_load %arg8[%swap3A_930, %swap3A_931] {strides = array<i32>} : memref<120x128xf32, #tpu.memory_space<vmem>>, vector<16xf32>,
        tpu.vector_store %arg8[%swap3A_930, %swap3A_931], %unpack3A_922 {strides = array<i32>} : memref<120x128xf32, #tpu.memory_space<vmem>>, vector<16xf32>,
        %unpack3A_933 = tpu.unpack_subelements %add3A_684, 0 {pack_format = #tpu.pack_format<interleaved>} : vector<32xbf16> -> vector<16xf32>
        %unpack3A_934 = tpu.unpack_subelements %add3A_684, 1 {pack_format = #tpu.pack_format<interleaved>} : vector<32xbf16> -> vector<16xf32>
        %add3A_935 = arith.constant 4 : i32
        %add3A_936 = arith.addi %mul3A_203, %add3A_935 : i32
        %swap3A_937 = arith.index_cast %add3A_936 : i32 to index
        %swap3A_938 = arith.constant 32 : index
        %swap3A_939 = tpu.vector_load %arg8[%swap3A_937, %swap3A_938] {strides = array<i32>} : memref<120x128xf32, #tpu.memory_space<vmem>>, vector<16xf32>,
        tpu.vector_store %arg8[%swap3A_937, %swap3A_938], %unpack3A_933 {strides = array<i32>} : memref<120x128xf32, #tpu.memory_space<vmem>>, vector<16xf32>,
        %add3A_940 = arith.constant 4 : i32
        %add3A_941 = arith.addi %mul3A_203, %add3A_940 : i32
        %swap3A_942 = arith.index_cast %add3A_941 : i32 to index
        %swap3A_943 = arith.constant 48 : index
        %swap3A_944 = tpu.vector_load %arg8[%swap3A_942, %swap3A_943] {strides = array<i32>} : memref<120x128xf32, #tpu.memory_space<vmem>>, vector<16xf32>,
        tpu.vector_store %arg8[%swap3A_942, %swap3A_943], %unpack3A_934 {strides = array<i32>} : memref<120x128xf32, #tpu.memory_space<vmem>>, vector<16xf32>,
        %unpack3A_945 = tpu.unpack_subelements %add3A_707, 0 {pack_format = #tpu.pack_format<interleaved>} : vector<32xbf16> -> vector<16xf32>
        %unpack3A_946 = tpu.unpack_subelements %add3A_707, 1 {pack_format = #tpu.pack_format<interleaved>} : vector<32xbf16> -> vector<16xf32>
        %add3A_947 = arith.constant 4 : i32
        %add3A_948 = arith.addi %mul3A_203, %add3A_947 : i32
        %swap3A_949 = arith.index_cast %add3A_948 : i32 to index
        %swap3A_950 = arith.constant 64 : index
        %swap3A_951 = tpu.vector_load %arg8[%swap3A_949, %swap3A_950] {strides = array<i32>} : memref<120x128xf32, #tpu.memory_space<vmem>>, vector<16xf32>,
        tpu.vector_store %arg8[%swap3A_949, %swap3A_950], %unpack3A_945 {strides = array<i32>} : memref<120x128xf32, #tpu.memory_space<vmem>>, vector<16xf32>,
        %add3A_952 = arith.constant 4 : i32
        %add3A_953 = arith.addi %mul3A_203, %add3A_952 : i32
        %swap3A_954 = arith.index_cast %add3A_953 : i32 to index
        %swap3A_955 = arith.constant 80 : index
        %swap3A_956 = tpu.vector_load %arg8[%swap3A_954, %swap3A_955] {strides = array<i32>} : memref<120x128xf32, #tpu.memory_space<vmem>>, vector<16xf32>,
        tpu.vector_store %arg8[%swap3A_954, %swap3A_955], %unpack3A_946 {strides = array<i32>} : memref<120x128xf32, #tpu.memory_space<vmem>>, vector<16xf32>,
        %unpack3A_957 = tpu.unpack_subelements %add3A_730, 0 {pack_format = #tpu.pack_format<interleaved>} : vector<32xbf16> -> vector<16xf32>
        %unpack3A_958 = tpu.unpack_subelements %add3A_730, 1 {pack_format = #tpu.pack_format<interleaved>} : vector<32xbf16> -> vector<16xf32>
        %add3A_959 = arith.constant 4 : i32
        %add3A_960 = arith.addi %mul3A_203, %add3A_959 : i32
        %swap3A_961 = arith.index_cast %add3A_960 : i32 to index
        %swap3A_962 = arith.constant 96 : index
        %swap3A_963 = tpu.vector_load %arg8[%swap3A_961, %swap3A_962] {strides = array<i32>} : memref<120x128xf32, #tpu.memory_space<vmem>>, vector<16xf32>,
        tpu.vector_store %arg8[%swap3A_961, %swap3A_962], %unpack3A_957 {strides = array<i32>} : memref<120x128xf32, #tpu.memory_space<vmem>>, vector<16xf32>,
        %add3A_964 = arith.constant 4 : i32
        %add3A_965 = arith.addi %mul3A_203, %add3A_964 : i32
        %swap3A_966 = arith.index_cast %add3A_965 : i32 to index
        %swap3A_967 = arith.constant 112 : index
        %swap3A_968 = tpu.vector_load %arg8[%swap3A_966, %swap3A_967] {strides = array<i32>} : memref<120x128xf32, #tpu.memory_space<vmem>>, vector<16xf32>,
        tpu.vector_store %arg8[%swap3A_966, %swap3A_967], %unpack3A_958 {strides = array<i32>} : memref<120x128xf32, #tpu.memory_space<vmem>>, vector<16xf32>,
        %scan3A_969 = arith.constant 0 : i32
        scf.yield %scan3A_969 : i32
      }
      %scan3A_160 = arith.constant 24 : i32
      %mul3A_161 = arith.constant 3120 : i32
      %mul3A_162 = arith.muli %add3A, %mul3A_161 : i32
      %mul3A_163 = arith.constant 120 : i32
      %mul3A_164 = arith.muli %add3A_149, %mul3A_163 : i32
      %add3A_165 = arith.addi %mul3A_162, %mul3A_164 : i32
      %dma_start3A = arith.constant 0 : i32
      %dma_start3A_166 = tpu.memref_slice %arg4[%add3A_165, %dma_start3A] : memref<100000x128xf32, #tpu.memory_space<hbm>> -> memref<120x128xf32, #tpu.memory_space<hbm>>
      %dma_start3A_167 = arith.constant 0 : i32
      %dma_start3A_168 = tpu.memref_slice %arg4[%add3A_165, %dma_start3A_167] : memref<100000x128xf32, #tpu.memory_space<hbm>> -> memref<120x128xf32, #tpu.memory_space<hbm>>
      tpu.enqueue_dma source(%arg8 : memref<120x128xf32, #tpu.memory_space<vmem>>) target(%dma_start3A_168 : memref<120x128xf32, #tpu.memory_space<hbm>>) target_semaphore(%arg10 : memref<!tpu.dma_semaphore, #tpu.memory_space<semaphore_mem>>)
      %mul3A_169 = arith.constant 2 : i32
      %mul3A_170 = arith.muli %scan3A_144, %mul3A_169 : i32
      %add3A_171 = arith.constant 1 : i32
      %add3A_172 = arith.addi %mul3A_170, %add3A_171 : i32
      %gt3A_173 = arith.constant 0 : i32
      %gt3A_174 = arith.cmpi sgt, %scan3A_144, %gt3A_173 : i32
      %convert_element_type3A_175 = arith.extui %gt3A_174 : i1 to i32
      %cond3A_176 = arith.constant 0 : i32
      %cond3A_177 = arith.cmpi ne, %convert_element_type3A_175, %cond3A_176 : i32
      scf.if %cond3A_177 {
        %dma_wait3A_195 = arith.constant 0 : i32
        %dma_wait3A_196 = arith.constant 0 : i32
        %dma_wait3A_197 = tpu.memref_slice %arg4[%dma_wait3A_195, %dma_wait3A_196] : memref<100000x128xf32, #tpu.memory_space<hbm>> -> memref<120x128xf32, #tpu.memory_space<hbm>>
        %dma_wait3A_198 = arith.constant 0 : i32
        %dma_wait3A_199 = arith.constant 0 : i32
        %dma_wait3A_200 = tpu.memref_slice %arg4[%dma_wait3A_198, %dma_wait3A_199] : memref<100000x128xf32, #tpu.memory_space<hbm>> -> memref<120x128xf32, #tpu.memory_space<hbm>>
        tpu.wait_dma2 semaphore(%arg11 : memref<!tpu.dma_semaphore, #tpu.memory_space<semaphore_mem>>) src(%arg9 : memref<120x128xf32, #tpu.memory_space<vmem>>) dst(%dma_wait3A_200 : memref<120x128xf32, #tpu.memory_space<hbm>>)
      } else {
      }
      %scan3A_178 = arith.constant 0 : i32
      %scan3A_179 = arith.constant 0 : i32
      %scan3A_180 = arith.constant 24 : i32
      %scan3A_181 = arith.addi %scan3A_179, %scan3A_180 : i32
      %scan3A_182 = arith.constant 1 : i32
      %scan3A_183 = scf.for %scan3A_195 = %scan3A_179 to %scan3A_181 step %scan3A_182 iter_args(%scan3A_196 = %scan3A_178) -> (i32)  : i32 {
        %mul3A_197 = arith.constant 120 : i32
        %mul3A_198 = arith.muli %add3A_172, %mul3A_197 : i32
        %mul3A_199 = arith.constant 5 : i32
        %mul3A_200 = arith.muli %scan3A_195, %mul3A_199 : i32
        %add3A_201 = arith.addi %mul3A_198, %mul3A_200 : i32
        %mul3A_202 = arith.constant 5 : i32
        %mul3A_203 = arith.muli %scan3A_195, %mul3A_202 : i32
        %add3A_204 = arith.constant 0 : i32
        %add3A_205 = arith.addi %add3A_201, %add3A_204 : i32
        %mul3A_206 = arith.constant 4 : i32
        %mul3A_207 = arith.muli %add3A_205, %mul3A_206 : i32
        %get3A_208 = arith.index_cast %mul3A_207 : i32 to index
        %get3A_209 = tpu.vector_load %arg7[%get3A_208] {strides = array<i32>} : memref<12544xi32, #tpu.memory_space<vmem>>, vector<16xi32>,
        %slice3A = vector.extract_strided_slice %get3A_209 {offsets = [0], sizes = [1], strides = [1]} : vector<16xi32> to vector<1xi32>
        %squeeze3A = vector.extract %slice3A[0] : i32 from vector<1xi32>
        %slice3A_210 = vector.extract_strided_slice %get3A_209 {offsets = [1], sizes = [1], strides = [1]} : vector<16xi32> to vector<1xi32>
        %squeeze3A_211 = vector.extract %slice3A_210[0] : i32 from vector<1xi32>
        %slice3A_212 = vector.extract_strided_slice %get3A_209 {offsets = [2], sizes = [1], strides = [1]} : vector<16xi32> to vector<1xi32>
        %squeeze3A_213 = vector.extract %slice3A_212[0] : i32 from vector<1xi32>
        %slice3A_214 = vector.extract_strided_slice %get3A_209 {offsets = [3], sizes = [1], strides = [1]} : vector<16xi32> to vector<1xi32>
        %squeeze3A_215 = vector.extract %slice3A_214[0] : i32 from vector<1xi32>
        %add3A_216 = arith.constant 0 : i32
        %add3A_217 = arith.addi %squeeze3A, %add3A_216 : i32
        %get3A_218 = arith.index_cast %add3A_217 : i32 to index
        %get3A_219 = tpu.vector_load %arg5[%get3A_218] {strides = array<i32>} : memref<26048xi32, #tpu.memory_space<vmem>>, vector<16xi32>,
        %bitcast3A = vector.bitcast %get3A_219 : vector<16xi32> to vector<32xbf16>
        %add3A_220 = arith.constant 0 : i32
        %add3A_221 = arith.addi %squeeze3A_211, %add3A_220 : i32
        %get3A_222 = arith.index_cast %add3A_221 : i32 to index
        %get3A_223 = tpu.vector_load %arg5[%get3A_222] {strides = array<i32>} : memref<26048xi32, #tpu.memory_space<vmem>>, vector<16xi32>,
        %bitcast3A_224 = vector.bitcast %get3A_223 : vector<16xi32> to vector<32xbf16>
        %add3A_225 = arith.addf %bitcast3A, %bitcast3A_224 : vector<32xbf16>
        %add3A_226 = arith.constant 0 : i32
        %add3A_227 = arith.addi %squeeze3A_213, %add3A_226 : i32
        %get3A_228 = arith.index_cast %add3A_227 : i32 to index
        %get3A_229 = tpu.vector_load %arg5[%get3A_228] {strides = array<i32>} : memref<26048xi32, #tpu.memory_space<vmem>>, vector<16xi32>,
        %bitcast3A_230 = vector.bitcast %get3A_229 : vector<16xi32> to vector<32xbf16>
        %add3A_231 = arith.constant 0 : i32
        %add3A_232 = arith.addi %squeeze3A_215, %add3A_231 : i32
        %get3A_233 = arith.index_cast %add3A_232 : i32 to index
        %get3A_234 = tpu.vector_load %arg5[%get3A_233] {strides = array<i32>} : memref<26048xi32, #tpu.memory_space<vmem>>, vector<16xi32>,
        %bitcast3A_235 = vector.bitcast %get3A_234 : vector<16xi32> to vector<32xbf16>
        %add3A_236 = arith.addf %bitcast3A_230, %bitcast3A_235 : vector<32xbf16>
        %add3A_237 = arith.addf %add3A_225, %add3A_236 : vector<32xbf16>
        %add3A_238 = arith.constant 16 : i32
        %add3A_239 = arith.addi %squeeze3A, %add3A_238 : i32
        %get3A_240 = arith.index_cast %add3A_239 : i32 to index
        %get3A_241 = tpu.vector_load %arg5[%get3A_240] {strides = array<i32>} : memref<26048xi32, #tpu.memory_space<vmem>>, vector<16xi32>,
        %bitcast3A_242 = vector.bitcast %get3A_241 : vector<16xi32> to vector<32xbf16>
        %add3A_243 = arith.constant 16 : i32
        %add3A_244 = arith.addi %squeeze3A_211, %add3A_243 : i32
        %get3A_245 = arith.index_cast %add3A_244 : i32 to index
        %get3A_246 = tpu.vector_load %arg5[%get3A_245] {strides = array<i32>} : memref<26048xi32, #tpu.memory_space<vmem>>, vector<16xi32>,
        %bitcast3A_247 = vector.bitcast %get3A_246 : vector<16xi32> to vector<32xbf16>
        %add3A_248 = arith.addf %bitcast3A_242, %bitcast3A_247 : vector<32xbf16>
        %add3A_249 = arith.constant 16 : i32
        %add3A_250 = arith.addi %squeeze3A_213, %add3A_249 : i32
        %get3A_251 = arith.index_cast %add3A_250 : i32 to index
        %get3A_252 = tpu.vector_load %arg5[%get3A_251] {strides = array<i32>} : memref<26048xi32, #tpu.memory_space<vmem>>, vector<16xi32>,
        %bitcast3A_253 = vector.bitcast %get3A_252 : vector<16xi32> to vector<32xbf16>
        %add3A_254 = arith.constant 16 : i32
        %add3A_255 = arith.addi %squeeze3A_215, %add3A_254 : i32
        %get3A_256 = arith.index_cast %add3A_255 : i32 to index
        %get3A_257 = tpu.vector_load %arg5[%get3A_256] {strides = array<i32>} : memref<26048xi32, #tpu.memory_space<vmem>>, vector<16xi32>,
        %bitcast3A_258 = vector.bitcast %get3A_257 : vector<16xi32> to vector<32xbf16>
        %add3A_259 = arith.addf %bitcast3A_253, %bitcast3A_258 : vector<32xbf16>
        %add3A_260 = arith.addf %add3A_248, %add3A_259 : vector<32xbf16>
        %add3A_261 = arith.constant 32 : i32
        %add3A_262 = arith.addi %squeeze3A, %add3A_261 : i32
        %get3A_263 = arith.index_cast %add3A_262 : i32 to index
        %get3A_264 = tpu.vector_load %arg5[%get3A_263] {strides = array<i32>} : memref<26048xi32, #tpu.memory_space<vmem>>, vector<16xi32>,
        %bitcast3A_265 = vector.bitcast %get3A_264 : vector<16xi32> to vector<32xbf16>
        %add3A_266 = arith.constant 32 : i32
        %add3A_267 = arith.addi %squeeze3A_211, %add3A_266 : i32
        %get3A_268 = arith.index_cast %add3A_267 : i32 to index
        %get3A_269 = tpu.vector_load %arg5[%get3A_268] {strides = array<i32>} : memref<26048xi32, #tpu.memory_space<vmem>>, vector<16xi32>,
        %bitcast3A_270 = vector.bitcast %get3A_269 : vector<16xi32> to vector<32xbf16>
        %add3A_271 = arith.addf %bitcast3A_265, %bitcast3A_270 : vector<32xbf16>
        %add3A_272 = arith.constant 32 : i32
        %add3A_273 = arith.addi %squeeze3A_213, %add3A_272 : i32
        %get3A_274 = arith.index_cast %add3A_273 : i32 to index
        %get3A_275 = tpu.vector_load %arg5[%get3A_274] {strides = array<i32>} : memref<26048xi32, #tpu.memory_space<vmem>>, vector<16xi32>,
        %bitcast3A_276 = vector.bitcast %get3A_275 : vector<16xi32> to vector<32xbf16>
        %add3A_277 = arith.constant 32 : i32
        %add3A_278 = arith.addi %squeeze3A_215, %add3A_277 : i32
        %get3A_279 = arith.index_cast %add3A_278 : i32 to index
        %get3A_280 = tpu.vector_load %arg5[%get3A_279] {strides = array<i32>} : memref<26048xi32, #tpu.memory_space<vmem>>, vector<16xi32>,
        %bitcast3A_281 = vector.bitcast %get3A_280 : vector<16xi32> to vector<32xbf16>
        %add3A_282 = arith.addf %bitcast3A_276, %bitcast3A_281 : vector<32xbf16>
        %add3A_283 = arith.addf %add3A_271, %add3A_282 : vector<32xbf16>
        %add3A_284 = arith.constant 48 : i32
        %add3A_285 = arith.addi %squeeze3A, %add3A_284 : i32
        %get3A_286 = arith.index_cast %add3A_285 : i32 to index
        %get3A_287 = tpu.vector_load %arg5[%get3A_286] {strides = array<i32>} : memref<26048xi32, #tpu.memory_space<vmem>>, vector<16xi32>,
        %bitcast3A_288 = vector.bitcast %get3A_287 : vector<16xi32> to vector<32xbf16>
        %add3A_289 = arith.constant 48 : i32
        %add3A_290 = arith.addi %squeeze3A_211, %add3A_289 : i32
        %get3A_291 = arith.index_cast %add3A_290 : i32 to index
        %get3A_292 = tpu.vector_load %arg5[%get3A_291] {strides = array<i32>} : memref<26048xi32, #tpu.memory_space<vmem>>, vector<16xi32>,
        %bitcast3A_293 = vector.bitcast %get3A_292 : vector<16xi32> to vector<32xbf16>
        %add3A_294 = arith.addf %bitcast3A_288, %bitcast3A_293 : vector<32xbf16>
        %add3A_295 = arith.constant 48 : i32
        %add3A_296 = arith.addi %squeeze3A_213, %add3A_295 : i32
        %get3A_297 = arith.index_cast %add3A_296 : i32 to index
        %get3A_298 = tpu.vector_load %arg5[%get3A_297] {strides = array<i32>} : memref<26048xi32, #tpu.memory_space<vmem>>, vector<16xi32>,
        %bitcast3A_299 = vector.bitcast %get3A_298 : vector<16xi32> to vector<32xbf16>
        %add3A_300 = arith.constant 48 : i32
        %add3A_301 = arith.addi %squeeze3A_215, %add3A_300 : i32
        %get3A_302 = arith.index_cast %add3A_301 : i32 to index
        %get3A_303 = tpu.vector_load %arg5[%get3A_302] {strides = array<i32>} : memref<26048xi32, #tpu.memory_space<vmem>>, vector<16xi32>,
        %bitcast3A_304 = vector.bitcast %get3A_303 : vector<16xi32> to vector<32xbf16>
        %add3A_305 = arith.addf %bitcast3A_299, %bitcast3A_304 : vector<32xbf16>
        %add3A_306 = arith.addf %add3A_294, %add3A_305 : vector<32xbf16>
        %add3A_307 = arith.constant 1 : i32
        %add3A_308 = arith.addi %add3A_201, %add3A_307 : i32
        %mul3A_309 = arith.constant 4 : i32
        %mul3A_310 = arith.muli %add3A_308, %mul3A_309 : i32
        %get3A_311 = arith.index_cast %mul3A_310 : i32 to index
        %get3A_312 = tpu.vector_load %arg7[%get3A_311] {strides = array<i32>} : memref<12544xi32, #tpu.memory_space<vmem>>, vector<16xi32>,
        %slice3A_313 = vector.extract_strided_slice %get3A_312 {offsets = [0], sizes = [1], strides = [1]} : vector<16xi32> to vector<1xi32>
        %squeeze3A_314 = vector.extract %slice3A_313[0] : i32 from vector<1xi32>
        %slice3A_315 = vector.extract_strided_slice %get3A_312 {offsets = [1], sizes = [1], strides = [1]} : vector<16xi32> to vector<1xi32>
        %squeeze3A_316 = vector.extract %slice3A_315[0] : i32 from vector<1xi32>
        %slice3A_317 = vector.extract_strided_slice %get3A_312 {offsets = [2], sizes = [1], strides = [1]} : vector<16xi32> to vector<1xi32>
        %squeeze3A_318 = vector.extract %slice3A_317[0] : i32 from vector<1xi32>
        %slice3A_319 = vector.extract_strided_slice %get3A_312 {offsets = [3], sizes = [1], strides = [1]} : vector<16xi32> to vector<1xi32>
        %squeeze3A_320 = vector.extract %slice3A_319[0] : i32 from vector<1xi32>
        %add3A_321 = arith.constant 0 : i32
        %add3A_322 = arith.addi %squeeze3A_314, %add3A_321 : i32
        %get3A_323 = arith.index_cast %add3A_322 : i32 to index
        %get3A_324 = tpu.vector_load %arg5[%get3A_323] {strides = array<i32>} : memref<26048xi32, #tpu.memory_space<vmem>>, vector<16xi32>,
        %bitcast3A_325 = vector.bitcast %get3A_324 : vector<16xi32> to vector<32xbf16>
        %add3A_326 = arith.constant 0 : i32
        %add3A_327 = arith.addi %squeeze3A_316, %add3A_326 : i32
        %get3A_328 = arith.index_cast %add3A_327 : i32 to index
        %get3A_329 = tpu.vector_load %arg5[%get3A_328] {strides = array<i32>} : memref<26048xi32, #tpu.memory_space<vmem>>, vector<16xi32>,
        %bitcast3A_330 = vector.bitcast %get3A_329 : vector<16xi32> to vector<32xbf16>
        %add3A_331 = arith.addf %bitcast3A_325, %bitcast3A_330 : vector<32xbf16>
        %add3A_332 = arith.constant 0 : i32
        %add3A_333 = arith.addi %squeeze3A_318, %add3A_332 : i32
        %get3A_334 = arith.index_cast %add3A_333 : i32 to index
        %get3A_335 = tpu.vector_load %arg5[%get3A_334] {strides = array<i32>} : memref<26048xi32, #tpu.memory_space<vmem>>, vector<16xi32>,
        %bitcast3A_336 = vector.bitcast %get3A_335 : vector<16xi32> to vector<32xbf16>
        %add3A_337 = arith.constant 0 : i32
        %add3A_338 = arith.addi %squeeze3A_320, %add3A_337 : i32
        %get3A_339 = arith.index_cast %add3A_338 : i32 to index
        %get3A_340 = tpu.vector_load %arg5[%get3A_339] {strides = array<i32>} : memref<26048xi32, #tpu.memory_space<vmem>>, vector<16xi32>,
        %bitcast3A_341 = vector.bitcast %get3A_340 : vector<16xi32> to vector<32xbf16>
        %add3A_342 = arith.addf %bitcast3A_336, %bitcast3A_341 : vector<32xbf16>
        %add3A_343 = arith.addf %add3A_331, %add3A_342 : vector<32xbf16>
        %add3A_344 = arith.constant 16 : i32
        %add3A_345 = arith.addi %squeeze3A_314, %add3A_344 : i32
        %get3A_346 = arith.index_cast %add3A_345 : i32 to index
        %get3A_347 = tpu.vector_load %arg5[%get3A_346] {strides = array<i32>} : memref<26048xi32, #tpu.memory_space<vmem>>, vector<16xi32>,
        %bitcast3A_348 = vector.bitcast %get3A_347 : vector<16xi32> to vector<32xbf16>
        %add3A_349 = arith.constant 16 : i32
        %add3A_350 = arith.addi %squeeze3A_316, %add3A_349 : i32
        %get3A_351 = arith.index_cast %add3A_350 : i32 to index
        %get3A_352 = tpu.vector_load %arg5[%get3A_351] {strides = array<i32>} : memref<26048xi32, #tpu.memory_space<vmem>>, vector<16xi32>,
        %bitcast3A_353 = vector.bitcast %get3A_352 : vector<16xi32> to vector<32xbf16>
        %add3A_354 = arith.addf %bitcast3A_348, %bitcast3A_353 : vector<32xbf16>
        %add3A_355 = arith.constant 16 : i32
        %add3A_356 = arith.addi %squeeze3A_318, %add3A_355 : i32
        %get3A_357 = arith.index_cast %add3A_356 : i32 to index
        %get3A_358 = tpu.vector_load %arg5[%get3A_357] {strides = array<i32>} : memref<26048xi32, #tpu.memory_space<vmem>>, vector<16xi32>,
        %bitcast3A_359 = vector.bitcast %get3A_358 : vector<16xi32> to vector<32xbf16>
        %add3A_360 = arith.constant 16 : i32
        %add3A_361 = arith.addi %squeeze3A_320, %add3A_360 : i32
        %get3A_362 = arith.index_cast %add3A_361 : i32 to index
        %get3A_363 = tpu.vector_load %arg5[%get3A_362] {strides = array<i32>} : memref<26048xi32, #tpu.memory_space<vmem>>, vector<16xi32>,
        %bitcast3A_364 = vector.bitcast %get3A_363 : vector<16xi32> to vector<32xbf16>
        %add3A_365 = arith.addf %bitcast3A_359, %bitcast3A_364 : vector<32xbf16>
        %add3A_366 = arith.addf %add3A_354, %add3A_365 : vector<32xbf16>
        %add3A_367 = arith.constant 32 : i32
        %add3A_368 = arith.addi %squeeze3A_314, %add3A_367 : i32
        %get3A_369 = arith.index_cast %add3A_368 : i32 to index
        %get3A_370 = tpu.vector_load %arg5[%get3A_369] {strides = array<i32>} : memref<26048xi32, #tpu.memory_space<vmem>>, vector<16xi32>,
        %bitcast3A_371 = vector.bitcast %get3A_370 : vector<16xi32> to vector<32xbf16>
        %add3A_372 = arith.constant 32 : i32
        %add3A_373 = arith.addi %squeeze3A_316, %add3A_372 : i32
        %get3A_374 = arith.index_cast %add3A_373 : i32 to index
        %get3A_375 = tpu.vector_load %arg5[%get3A_374] {strides = array<i32>} : memref<26048xi32, #tpu.memory_space<vmem>>, vector<16xi32>,
        %bitcast3A_376 = vector.bitcast %get3A_375 : vector<16xi32> to vector<32xbf16>
        %add3A_377 = arith.addf %bitcast3A_371, %bitcast3A_376 : vector<32xbf16>
        %add3A_378 = arith.constant 32 : i32
        %add3A_379 = arith.addi %squeeze3A_318, %add3A_378 : i32
        %get3A_380 = arith.index_cast %add3A_379 : i32 to index
        %get3A_381 = tpu.vector_load %arg5[%get3A_380] {strides = array<i32>} : memref<26048xi32, #tpu.memory_space<vmem>>, vector<16xi32>,
        %bitcast3A_382 = vector.bitcast %get3A_381 : vector<16xi32> to vector<32xbf16>
        %add3A_383 = arith.constant 32 : i32
        %add3A_384 = arith.addi %squeeze3A_320, %add3A_383 : i32
        %get3A_385 = arith.index_cast %add3A_384 : i32 to index
        %get3A_386 = tpu.vector_load %arg5[%get3A_385] {strides = array<i32>} : memref<26048xi32, #tpu.memory_space<vmem>>, vector<16xi32>,
        %bitcast3A_387 = vector.bitcast %get3A_386 : vector<16xi32> to vector<32xbf16>
        %add3A_388 = arith.addf %bitcast3A_382, %bitcast3A_387 : vector<32xbf16>
        %add3A_389 = arith.addf %add3A_377, %add3A_388 : vector<32xbf16>
        %add3A_390 = arith.constant 48 : i32
        %add3A_391 = arith.addi %squeeze3A_314, %add3A_390 : i32
        %get3A_392 = arith.index_cast %add3A_391 : i32 to index
        %get3A_393 = tpu.vector_load %arg5[%get3A_392] {strides = array<i32>} : memref<26048xi32, #tpu.memory_space<vmem>>, vector<16xi32>,
        %bitcast3A_394 = vector.bitcast %get3A_393 : vector<16xi32> to vector<32xbf16>
        %add3A_395 = arith.constant 48 : i32
        %add3A_396 = arith.addi %squeeze3A_316, %add3A_395 : i32
        %get3A_397 = arith.index_cast %add3A_396 : i32 to index
        %get3A_398 = tpu.vector_load %arg5[%get3A_397] {strides = array<i32>} : memref<26048xi32, #tpu.memory_space<vmem>>, vector<16xi32>,
        %bitcast3A_399 = vector.bitcast %get3A_398 : vector<16xi32> to vector<32xbf16>
        %add3A_400 = arith.addf %bitcast3A_394, %bitcast3A_399 : vector<32xbf16>
        %add3A_401 = arith.constant 48 : i32
        %add3A_402 = arith.addi %squeeze3A_318, %add3A_401 : i32
        %get3A_403 = arith.index_cast %add3A_402 : i32 to index
        %get3A_404 = tpu.vector_load %arg5[%get3A_403] {strides = array<i32>} : memref<26048xi32, #tpu.memory_space<vmem>>, vector<16xi32>,
        %bitcast3A_405 = vector.bitcast %get3A_404 : vector<16xi32> to vector<32xbf16>
        %add3A_406 = arith.constant 48 : i32
        %add3A_407 = arith.addi %squeeze3A_320, %add3A_406 : i32
        %get3A_408 = arith.index_cast %add3A_407 : i32 to index
        %get3A_409 = tpu.vector_load %arg5[%get3A_408] {strides = array<i32>} : memref<26048xi32, #tpu.memory_space<vmem>>, vector<16xi32>,
        %bitcast3A_410 = vector.bitcast %get3A_409 : vector<16xi32> to vector<32xbf16>
        %add3A_411 = arith.addf %bitcast3A_405, %bitcast3A_410 : vector<32xbf16>
        %add3A_412 = arith.addf %add3A_400, %add3A_411 : vector<32xbf16>
        %add3A_413 = arith.constant 2 : i32
        %add3A_414 = arith.addi %add3A_201, %add3A_413 : i32
        %mul3A_415 = arith.constant 4 : i32
        %mul3A_416 = arith.muli %add3A_414, %mul3A_415 : i32
        %get3A_417 = arith.index_cast %mul3A_416 : i32 to index
        %get3A_418 = tpu.vector_load %arg7[%get3A_417] {strides = array<i32>} : memref<12544xi32, #tpu.memory_space<vmem>>, vector<16xi32>,
        %slice3A_419 = vector.extract_strided_slice %get3A_418 {offsets = [0], sizes = [1], strides = [1]} : vector<16xi32> to vector<1xi32>
        %squeeze3A_420 = vector.extract %slice3A_419[0] : i32 from vector<1xi32>
        %slice3A_421 = vector.extract_strided_slice %get3A_418 {offsets = [1], sizes = [1], strides = [1]} : vector<16xi32> to vector<1xi32>
        %squeeze3A_422 = vector.extract %slice3A_421[0] : i32 from vector<1xi32>
        %slice3A_423 = vector.extract_strided_slice %get3A_418 {offsets = [2], sizes = [1], strides = [1]} : vector<16xi32> to vector<1xi32>
        %squeeze3A_424 = vector.extract %slice3A_423[0] : i32 from vector<1xi32>
        %slice3A_425 = vector.extract_strided_slice %get3A_418 {offsets = [3], sizes = [1], strides = [1]} : vector<16xi32> to vector<1xi32>
        %squeeze3A_426 = vector.extract %slice3A_425[0] : i32 from vector<1xi32>
        %add3A_427 = arith.constant 0 : i32
        %add3A_428 = arith.addi %squeeze3A_420, %add3A_427 : i32
        %get3A_429 = arith.index_cast %add3A_428 : i32 to index
        %get3A_430 = tpu.vector_load %arg5[%get3A_429] {strides = array<i32>} : memref<26048xi32, #tpu.memory_space<vmem>>, vector<16xi32>,
        %bitcast3A_431 = vector.bitcast %get3A_430 : vector<16xi32> to vector<32xbf16>
        %add3A_432 = arith.constant 0 : i32
        %add3A_433 = arith.addi %squeeze3A_422, %add3A_432 : i32
        %get3A_434 = arith.index_cast %add3A_433 : i32 to index
        %get3A_435 = tpu.vector_load %arg5[%get3A_434] {strides = array<i32>} : memref<26048xi32, #tpu.memory_space<vmem>>, vector<16xi32>,
        %bitcast3A_436 = vector.bitcast %get3A_435 : vector<16xi32> to vector<32xbf16>
        %add3A_437 = arith.addf %bitcast3A_431, %bitcast3A_436 : vector<32xbf16>
        %add3A_438 = arith.constant 0 : i32
        %add3A_439 = arith.addi %squeeze3A_424, %add3A_438 : i32
        %get3A_440 = arith.index_cast %add3A_439 : i32 to index
        %get3A_441 = tpu.vector_load %arg5[%get3A_440] {strides = array<i32>} : memref<26048xi32, #tpu.memory_space<vmem>>, vector<16xi32>,
        %bitcast3A_442 = vector.bitcast %get3A_441 : vector<16xi32> to vector<32xbf16>
        %add3A_443 = arith.constant 0 : i32
        %add3A_444 = arith.addi %squeeze3A_426, %add3A_443 : i32
        %get3A_445 = arith.index_cast %add3A_444 : i32 to index
        %get3A_446 = tpu.vector_load %arg5[%get3A_445] {strides = array<i32>} : memref<26048xi32, #tpu.memory_space<vmem>>, vector<16xi32>,
        %bitcast3A_447 = vector.bitcast %get3A_446 : vector<16xi32> to vector<32xbf16>
        %add3A_448 = arith.addf %bitcast3A_442, %bitcast3A_447 : vector<32xbf16>
        %add3A_449 = arith.addf %add3A_437, %add3A_448 : vector<32xbf16>
        %add3A_450 = arith.constant 16 : i32
        %add3A_451 = arith.addi %squeeze3A_420, %add3A_450 : i32
        %get3A_452 = arith.index_cast %add3A_451 : i32 to index
        %get3A_453 = tpu.vector_load %arg5[%get3A_452] {strides = array<i32>} : memref<26048xi32, #tpu.memory_space<vmem>>, vector<16xi32>,
        %bitcast3A_454 = vector.bitcast %get3A_453 : vector<16xi32> to vector<32xbf16>
        %add3A_455 = arith.constant 16 : i32
        %add3A_456 = arith.addi %squeeze3A_422, %add3A_455 : i32
        %get3A_457 = arith.index_cast %add3A_456 : i32 to index
        %get3A_458 = tpu.vector_load %arg5[%get3A_457] {strides = array<i32>} : memref<26048xi32, #tpu.memory_space<vmem>>, vector<16xi32>,
        %bitcast3A_459 = vector.bitcast %get3A_458 : vector<16xi32> to vector<32xbf16>
        %add3A_460 = arith.addf %bitcast3A_454, %bitcast3A_459 : vector<32xbf16>
        %add3A_461 = arith.constant 16 : i32
        %add3A_462 = arith.addi %squeeze3A_424, %add3A_461 : i32
        %get3A_463 = arith.index_cast %add3A_462 : i32 to index
        %get3A_464 = tpu.vector_load %arg5[%get3A_463] {strides = array<i32>} : memref<26048xi32, #tpu.memory_space<vmem>>, vector<16xi32>,
        %bitcast3A_465 = vector.bitcast %get3A_464 : vector<16xi32> to vector<32xbf16>
        %add3A_466 = arith.constant 16 : i32
        %add3A_467 = arith.addi %squeeze3A_426, %add3A_466 : i32
        %get3A_468 = arith.index_cast %add3A_467 : i32 to index
        %get3A_469 = tpu.vector_load %arg5[%get3A_468] {strides = array<i32>} : memref<26048xi32, #tpu.memory_space<vmem>>, vector<16xi32>,
        %bitcast3A_470 = vector.bitcast %get3A_469 : vector<16xi32> to vector<32xbf16>
        %add3A_471 = arith.addf %bitcast3A_465, %bitcast3A_470 : vector<32xbf16>
        %add3A_472 = arith.addf %add3A_460, %add3A_471 : vector<32xbf16>
        %add3A_473 = arith.constant 32 : i32
        %add3A_474 = arith.addi %squeeze3A_420, %add3A_473 : i32
        %get3A_475 = arith.index_cast %add3A_474 : i32 to index
        %get3A_476 = tpu.vector_load %arg5[%get3A_475] {strides = array<i32>} : memref<26048xi32, #tpu.memory_space<vmem>>, vector<16xi32>,
        %bitcast3A_477 = vector.bitcast %get3A_476 : vector<16xi32> to vector<32xbf16>
        %add3A_478 = arith.constant 32 : i32
        %add3A_479 = arith.addi %squeeze3A_422, %add3A_478 : i32
        %get3A_480 = arith.index_cast %add3A_479 : i32 to index
        %get3A_481 = tpu.vector_load %arg5[%get3A_480] {strides = array<i32>} : memref<26048xi32, #tpu.memory_space<vmem>>, vector<16xi32>,
        %bitcast3A_482 = vector.bitcast %get3A_481 : vector<16xi32> to vector<32xbf16>
        %add3A_483 = arith.addf %bitcast3A_477, %bitcast3A_482 : vector<32xbf16>
        %add3A_484 = arith.constant 32 : i32
        %add3A_485 = arith.addi %squeeze3A_424, %add3A_484 : i32
        %get3A_486 = arith.index_cast %add3A_485 : i32 to index
        %get3A_487 = tpu.vector_load %arg5[%get3A_486] {strides = array<i32>} : memref<26048xi32, #tpu.memory_space<vmem>>, vector<16xi32>,
        %bitcast3A_488 = vector.bitcast %get3A_487 : vector<16xi32> to vector<32xbf16>
        %add3A_489 = arith.constant 32 : i32
        %add3A_490 = arith.addi %squeeze3A_426, %add3A_489 : i32
        %get3A_491 = arith.index_cast %add3A_490 : i32 to index
        %get3A_492 = tpu.vector_load %arg5[%get3A_491] {strides = array<i32>} : memref<26048xi32, #tpu.memory_space<vmem>>, vector<16xi32>,
        %bitcast3A_493 = vector.bitcast %get3A_492 : vector<16xi32> to vector<32xbf16>
        %add3A_494 = arith.addf %bitcast3A_488, %bitcast3A_493 : vector<32xbf16>
        %add3A_495 = arith.addf %add3A_483, %add3A_494 : vector<32xbf16>
        %add3A_496 = arith.constant 48 : i32
        %add3A_497 = arith.addi %squeeze3A_420, %add3A_496 : i32
        %get3A_498 = arith.index_cast %add3A_497 : i32 to index
        %get3A_499 = tpu.vector_load %arg5[%get3A_498] {strides = array<i32>} : memref<26048xi32, #tpu.memory_space<vmem>>, vector<16xi32>,
        %bitcast3A_500 = vector.bitcast %get3A_499 : vector<16xi32> to vector<32xbf16>
        %add3A_501 = arith.constant 48 : i32
        %add3A_502 = arith.addi %squeeze3A_422, %add3A_501 : i32
        %get3A_503 = arith.index_cast %add3A_502 : i32 to index
        %get3A_504 = tpu.vector_load %arg5[%get3A_503] {strides = array<i32>} : memref<26048xi32, #tpu.memory_space<vmem>>, vector<16xi32>,
        %bitcast3A_505 = vector.bitcast %get3A_504 : vector<16xi32> to vector<32xbf16>
        %add3A_506 = arith.addf %bitcast3A_500, %bitcast3A_505 : vector<32xbf16>
        %add3A_507 = arith.constant 48 : i32
        %add3A_508 = arith.addi %squeeze3A_424, %add3A_507 : i32
        %get3A_509 = arith.index_cast %add3A_508 : i32 to index
        %get3A_510 = tpu.vector_load %arg5[%get3A_509] {strides = array<i32>} : memref<26048xi32, #tpu.memory_space<vmem>>, vector<16xi32>,
        %bitcast3A_511 = vector.bitcast %get3A_510 : vector<16xi32> to vector<32xbf16>
        %add3A_512 = arith.constant 48 : i32
        %add3A_513 = arith.addi %squeeze3A_426, %add3A_512 : i32
        %get3A_514 = arith.index_cast %add3A_513 : i32 to index
        %get3A_515 = tpu.vector_load %arg5[%get3A_514] {strides = array<i32>} : memref<26048xi32, #tpu.memory_space<vmem>>, vector<16xi32>,
        %bitcast3A_516 = vector.bitcast %get3A_515 : vector<16xi32> to vector<32xbf16>
        %add3A_517 = arith.addf %bitcast3A_511, %bitcast3A_516 : vector<32xbf16>
        %add3A_518 = arith.addf %add3A_506, %add3A_517 : vector<32xbf16>
        %add3A_519 = arith.constant 3 : i32
        %add3A_520 = arith.addi %add3A_201, %add3A_519 : i32
        %mul3A_521 = arith.constant 4 : i32
        %mul3A_522 = arith.muli %add3A_520, %mul3A_521 : i32
        %get3A_523 = arith.index_cast %mul3A_522 : i32 to index
        %get3A_524 = tpu.vector_load %arg7[%get3A_523] {strides = array<i32>} : memref<12544xi32, #tpu.memory_space<vmem>>, vector<16xi32>,
        %slice3A_525 = vector.extract_strided_slice %get3A_524 {offsets = [0], sizes = [1], strides = [1]} : vector<16xi32> to vector<1xi32>
        %squeeze3A_526 = vector.extract %slice3A_525[0] : i32 from vector<1xi32>
        %slice3A_527 = vector.extract_strided_slice %get3A_524 {offsets = [1], sizes = [1], strides = [1]} : vector<16xi32> to vector<1xi32>
        %squeeze3A_528 = vector.extract %slice3A_527[0] : i32 from vector<1xi32>
        %slice3A_529 = vector.extract_strided_slice %get3A_524 {offsets = [2], sizes = [1], strides = [1]} : vector<16xi32> to vector<1xi32>
        %squeeze3A_530 = vector.extract %slice3A_529[0] : i32 from vector<1xi32>
        %slice3A_531 = vector.extract_strided_slice %get3A_524 {offsets = [3], sizes = [1], strides = [1]} : vector<16xi32> to vector<1xi32>
        %squeeze3A_532 = vector.extract %slice3A_531[0] : i32 from vector<1xi32>
        %add3A_533 = arith.constant 0 : i32
        %add3A_534 = arith.addi %squeeze3A_526, %add3A_533 : i32
        %get3A_535 = arith.index_cast %add3A_534 : i32 to index
        %get3A_536 = tpu.vector_load %arg5[%get3A_535] {strides = array<i32>} : memref<26048xi32, #tpu.memory_space<vmem>>, vector<16xi32>,
        %bitcast3A_537 = vector.bitcast %get3A_536 : vector<16xi32> to vector<32xbf16>
        %add3A_538 = arith.constant 0 : i32
        %add3A_539 = arith.addi %squeeze3A_528, %add3A_538 : i32
        %get3A_540 = arith.index_cast %add3A_539 : i32 to index
        %get3A_541 = tpu.vector_load %arg5[%get3A_540] {strides = array<i32>} : memref<26048xi32, #tpu.memory_space<vmem>>, vector<16xi32>,
        %bitcast3A_542 = vector.bitcast %get3A_541 : vector<16xi32> to vector<32xbf16>
        %add3A_543 = arith.addf %bitcast3A_537, %bitcast3A_542 : vector<32xbf16>
        %add3A_544 = arith.constant 0 : i32
        %add3A_545 = arith.addi %squeeze3A_530, %add3A_544 : i32
        %get3A_546 = arith.index_cast %add3A_545 : i32 to index
        %get3A_547 = tpu.vector_load %arg5[%get3A_546] {strides = array<i32>} : memref<26048xi32, #tpu.memory_space<vmem>>, vector<16xi32>,
        %bitcast3A_548 = vector.bitcast %get3A_547 : vector<16xi32> to vector<32xbf16>
        %add3A_549 = arith.constant 0 : i32
        %add3A_550 = arith.addi %squeeze3A_532, %add3A_549 : i32
        %get3A_551 = arith.index_cast %add3A_550 : i32 to index
        %get3A_552 = tpu.vector_load %arg5[%get3A_551] {strides = array<i32>} : memref<26048xi32, #tpu.memory_space<vmem>>, vector<16xi32>,
        %bitcast3A_553 = vector.bitcast %get3A_552 : vector<16xi32> to vector<32xbf16>
        %add3A_554 = arith.addf %bitcast3A_548, %bitcast3A_553 : vector<32xbf16>
        %add3A_555 = arith.addf %add3A_543, %add3A_554 : vector<32xbf16>
        %add3A_556 = arith.constant 16 : i32
        %add3A_557 = arith.addi %squeeze3A_526, %add3A_556 : i32
        %get3A_558 = arith.index_cast %add3A_557 : i32 to index
        %get3A_559 = tpu.vector_load %arg5[%get3A_558] {strides = array<i32>} : memref<26048xi32, #tpu.memory_space<vmem>>, vector<16xi32>,
        %bitcast3A_560 = vector.bitcast %get3A_559 : vector<16xi32> to vector<32xbf16>
        %add3A_561 = arith.constant 16 : i32
        %add3A_562 = arith.addi %squeeze3A_528, %add3A_561 : i32
        %get3A_563 = arith.index_cast %add3A_562 : i32 to index
        %get3A_564 = tpu.vector_load %arg5[%get3A_563] {strides = array<i32>} : memref<26048xi32, #tpu.memory_space<vmem>>, vector<16xi32>,
        %bitcast3A_565 = vector.bitcast %get3A_564 : vector<16xi32> to vector<32xbf16>
        %add3A_566 = arith.addf %bitcast3A_560, %bitcast3A_565 : vector<32xbf16>
        %add3A_567 = arith.constant 16 : i32
        %add3A_568 = arith.addi %squeeze3A_530, %add3A_567 : i32
        %get3A_569 = arith.index_cast %add3A_568 : i32 to index
        %get3A_570 = tpu.vector_load %arg5[%get3A_569] {strides = array<i32>} : memref<26048xi32, #tpu.memory_space<vmem>>, vector<16xi32>,
        %bitcast3A_571 = vector.bitcast %get3A_570 : vector<16xi32> to vector<32xbf16>
        %add3A_572 = arith.constant 16 : i32
        %add3A_573 = arith.addi %squeeze3A_532, %add3A_572 : i32
        %get3A_574 = arith.index_cast %add3A_573 : i32 to index
        %get3A_575 = tpu.vector_load %arg5[%get3A_574] {strides = array<i32>} : memref<26048xi32, #tpu.memory_space<vmem>>, vector<16xi32>,
        %bitcast3A_576 = vector.bitcast %get3A_575 : vector<16xi32> to vector<32xbf16>
        %add3A_577 = arith.addf %bitcast3A_571, %bitcast3A_576 : vector<32xbf16>
        %add3A_578 = arith.addf %add3A_566, %add3A_577 : vector<32xbf16>
        %add3A_579 = arith.constant 32 : i32
        %add3A_580 = arith.addi %squeeze3A_526, %add3A_579 : i32
        %get3A_581 = arith.index_cast %add3A_580 : i32 to index
        %get3A_582 = tpu.vector_load %arg5[%get3A_581] {strides = array<i32>} : memref<26048xi32, #tpu.memory_space<vmem>>, vector<16xi32>,
        %bitcast3A_583 = vector.bitcast %get3A_582 : vector<16xi32> to vector<32xbf16>
        %add3A_584 = arith.constant 32 : i32
        %add3A_585 = arith.addi %squeeze3A_528, %add3A_584 : i32
        %get3A_586 = arith.index_cast %add3A_585 : i32 to index
        %get3A_587 = tpu.vector_load %arg5[%get3A_586] {strides = array<i32>} : memref<26048xi32, #tpu.memory_space<vmem>>, vector<16xi32>,
        %bitcast3A_588 = vector.bitcast %get3A_587 : vector<16xi32> to vector<32xbf16>
        %add3A_589 = arith.addf %bitcast3A_583, %bitcast3A_588 : vector<32xbf16>
        %add3A_590 = arith.constant 32 : i32
        %add3A_591 = arith.addi %squeeze3A_530, %add3A_590 : i32
        %get3A_592 = arith.index_cast %add3A_591 : i32 to index
        %get3A_593 = tpu.vector_load %arg5[%get3A_592] {strides = array<i32>} : memref<26048xi32, #tpu.memory_space<vmem>>, vector<16xi32>,
        %bitcast3A_594 = vector.bitcast %get3A_593 : vector<16xi32> to vector<32xbf16>
        %add3A_595 = arith.constant 32 : i32
        %add3A_596 = arith.addi %squeeze3A_532, %add3A_595 : i32
        %get3A_597 = arith.index_cast %add3A_596 : i32 to index
        %get3A_598 = tpu.vector_load %arg5[%get3A_597] {strides = array<i32>} : memref<26048xi32, #tpu.memory_space<vmem>>, vector<16xi32>,
        %bitcast3A_599 = vector.bitcast %get3A_598 : vector<16xi32> to vector<32xbf16>
        %add3A_600 = arith.addf %bitcast3A_594, %bitcast3A_599 : vector<32xbf16>
        %add3A_601 = arith.addf %add3A_589, %add3A_600 : vector<32xbf16>
        %add3A_602 = arith.constant 48 : i32
        %add3A_603 = arith.addi %squeeze3A_526, %add3A_602 : i32
        %get3A_604 = arith.index_cast %add3A_603 : i32 to index
        %get3A_605 = tpu.vector_load %arg5[%get3A_604] {strides = array<i32>} : memref<26048xi32, #tpu.memory_space<vmem>>, vector<16xi32>,
        %bitcast3A_606 = vector.bitcast %get3A_605 : vector<16xi32> to vector<32xbf16>
        %add3A_607 = arith.constant 48 : i32
        %add3A_608 = arith.addi %squeeze3A_528, %add3A_607 : i32
        %get3A_609 = arith.index_cast %add3A_608 : i32 to index
        %get3A_610 = tpu.vector_load %arg5[%get3A_609] {strides = array<i32>} : memref<26048xi32, #tpu.memory_space<vmem>>, vector<16xi32>,
        %bitcast3A_611 = vector.bitcast %get3A_610 : vector<16xi32> to vector<32xbf16>
        %add3A_612 = arith.addf %bitcast3A_606, %bitcast3A_611 : vector<32xbf16>
        %add3A_613 = arith.constant 48 : i32
        %add3A_614 = arith.addi %squeeze3A_530, %add3A_613 : i32
        %get3A_615 = arith.index_cast %add3A_614 : i32 to index
        %get3A_616 = tpu.vector_load %arg5[%get3A_615] {strides = array<i32>} : memref<26048xi32, #tpu.memory_space<vmem>>, vector<16xi32>,
        %bitcast3A_617 = vector.bitcast %get3A_616 : vector<16xi32> to vector<32xbf16>
        %add3A_618 = arith.constant 48 : i32
        %add3A_619 = arith.addi %squeeze3A_532, %add3A_618 : i32
        %get3A_620 = arith.index_cast %add3A_619 : i32 to index
        %get3A_621 = tpu.vector_load %arg5[%get3A_620] {strides = array<i32>} : memref<26048xi32, #tpu.memory_space<vmem>>, vector<16xi32>,
        %bitcast3A_622 = vector.bitcast %get3A_621 : vector<16xi32> to vector<32xbf16>
        %add3A_623 = arith.addf %bitcast3A_617, %bitcast3A_622 : vector<32xbf16>
        %add3A_624 = arith.addf %add3A_612, %add3A_623 : vector<32xbf16>
        %add3A_625 = arith.constant 4 : i32
        %add3A_626 = arith.addi %add3A_201, %add3A_625 : i32
        %mul3A_627 = arith.constant 4 : i32
        %mul3A_628 = arith.muli %add3A_626, %mul3A_627 : i32
        %get3A_629 = arith.index_cast %mul3A_628 : i32 to index
        %get3A_630 = tpu.vector_load %arg7[%get3A_629] {strides = array<i32>} : memref<12544xi32, #tpu.memory_space<vmem>>, vector<16xi32>,
        %slice3A_631 = vector.extract_strided_slice %get3A_630 {offsets = [0], sizes = [1], strides = [1]} : vector<16xi32> to vector<1xi32>
        %squeeze3A_632 = vector.extract %slice3A_631[0] : i32 from vector<1xi32>
        %slice3A_633 = vector.extract_strided_slice %get3A_630 {offsets = [1], sizes = [1], strides = [1]} : vector<16xi32> to vector<1xi32>
        %squeeze3A_634 = vector.extract %slice3A_633[0] : i32 from vector<1xi32>
        %slice3A_635 = vector.extract_strided_slice %get3A_630 {offsets = [2], sizes = [1], strides = [1]} : vector<16xi32> to vector<1xi32>
        %squeeze3A_636 = vector.extract %slice3A_635[0] : i32 from vector<1xi32>
        %slice3A_637 = vector.extract_strided_slice %get3A_630 {offsets = [3], sizes = [1], strides = [1]} : vector<16xi32> to vector<1xi32>
        %squeeze3A_638 = vector.extract %slice3A_637[0] : i32 from vector<1xi32>
        %add3A_639 = arith.constant 0 : i32
        %add3A_640 = arith.addi %squeeze3A_632, %add3A_639 : i32
        %get3A_641 = arith.index_cast %add3A_640 : i32 to index
        %get3A_642 = tpu.vector_load %arg5[%get3A_641] {strides = array<i32>} : memref<26048xi32, #tpu.memory_space<vmem>>, vector<16xi32>,
        %bitcast3A_643 = vector.bitcast %get3A_642 : vector<16xi32> to vector<32xbf16>
        %add3A_644 = arith.constant 0 : i32
        %add3A_645 = arith.addi %squeeze3A_634, %add3A_644 : i32
        %get3A_646 = arith.index_cast %add3A_645 : i32 to index
        %get3A_647 = tpu.vector_load %arg5[%get3A_646] {strides = array<i32>} : memref<26048xi32, #tpu.memory_space<vmem>>, vector<16xi32>,
        %bitcast3A_648 = vector.bitcast %get3A_647 : vector<16xi32> to vector<32xbf16>
        %add3A_649 = arith.addf %bitcast3A_643, %bitcast3A_648 : vector<32xbf16>
        %add3A_650 = arith.constant 0 : i32
        %add3A_651 = arith.addi %squeeze3A_636, %add3A_650 : i32
        %get3A_652 = arith.index_cast %add3A_651 : i32 to index
        %get3A_653 = tpu.vector_load %arg5[%get3A_652] {strides = array<i32>} : memref<26048xi32, #tpu.memory_space<vmem>>, vector<16xi32>,
        %bitcast3A_654 = vector.bitcast %get3A_653 : vector<16xi32> to vector<32xbf16>
        %add3A_655 = arith.constant 0 : i32
        %add3A_656 = arith.addi %squeeze3A_638, %add3A_655 : i32
        %get3A_657 = arith.index_cast %add3A_656 : i32 to index
        %get3A_658 = tpu.vector_load %arg5[%get3A_657] {strides = array<i32>} : memref<26048xi32, #tpu.memory_space<vmem>>, vector<16xi32>,
        %bitcast3A_659 = vector.bitcast %get3A_658 : vector<16xi32> to vector<32xbf16>
        %add3A_660 = arith.addf %bitcast3A_654, %bitcast3A_659 : vector<32xbf16>
        %add3A_661 = arith.addf %add3A_649, %add3A_660 : vector<32xbf16>
        %add3A_662 = arith.constant 16 : i32
        %add3A_663 = arith.addi %squeeze3A_632, %add3A_662 : i32
        %get3A_664 = arith.index_cast %add3A_663 : i32 to index
        %get3A_665 = tpu.vector_load %arg5[%get3A_664] {strides = array<i32>} : memref<26048xi32, #tpu.memory_space<vmem>>, vector<16xi32>,
        %bitcast3A_666 = vector.bitcast %get3A_665 : vector<16xi32> to vector<32xbf16>
        %add3A_667 = arith.constant 16 : i32
        %add3A_668 = arith.addi %squeeze3A_634, %add3A_667 : i32
        %get3A_669 = arith.index_cast %add3A_668 : i32 to index
        %get3A_670 = tpu.vector_load %arg5[%get3A_669] {strides = array<i32>} : memref<26048xi32, #tpu.memory_space<vmem>>, vector<16xi32>,
        %bitcast3A_671 = vector.bitcast %get3A_670 : vector<16xi32> to vector<32xbf16>
        %add3A_672 = arith.addf %bitcast3A_666, %bitcast3A_671 : vector<32xbf16>
        %add3A_673 = arith.constant 16 : i32
        %add3A_674 = arith.addi %squeeze3A_636, %add3A_673 : i32
        %get3A_675 = arith.index_cast %add3A_674 : i32 to index
        %get3A_676 = tpu.vector_load %arg5[%get3A_675] {strides = array<i32>} : memref<26048xi32, #tpu.memory_space<vmem>>, vector<16xi32>,
        %bitcast3A_677 = vector.bitcast %get3A_676 : vector<16xi32> to vector<32xbf16>
        %add3A_678 = arith.constant 16 : i32
        %add3A_679 = arith.addi %squeeze3A_638, %add3A_678 : i32
        %get3A_680 = arith.index_cast %add3A_679 : i32 to index
        %get3A_681 = tpu.vector_load %arg5[%get3A_680] {strides = array<i32>} : memref<26048xi32, #tpu.memory_space<vmem>>, vector<16xi32>,
        %bitcast3A_682 = vector.bitcast %get3A_681 : vector<16xi32> to vector<32xbf16>
        %add3A_683 = arith.addf %bitcast3A_677, %bitcast3A_682 : vector<32xbf16>
        %add3A_684 = arith.addf %add3A_672, %add3A_683 : vector<32xbf16>
        %add3A_685 = arith.constant 32 : i32
        %add3A_686 = arith.addi %squeeze3A_632, %add3A_685 : i32
        %get3A_687 = arith.index_cast %add3A_686 : i32 to index
        %get3A_688 = tpu.vector_load %arg5[%get3A_687] {strides = array<i32>} : memref<26048xi32, #tpu.memory_space<vmem>>, vector<16xi32>,
        %bitcast3A_689 = vector.bitcast %get3A_688 : vector<16xi32> to vector<32xbf16>
        %add3A_690 = arith.constant 32 : i32
        %add3A_691 = arith.addi %squeeze3A_634, %add3A_690 : i32
        %get3A_692 = arith.index_cast %add3A_691 : i32 to index
        %get3A_693 = tpu.vector_load %arg5[%get3A_692] {strides = array<i32>} : memref<26048xi32, #tpu.memory_space<vmem>>, vector<16xi32>,
        %bitcast3A_694 = vector.bitcast %get3A_693 : vector<16xi32> to vector<32xbf16>
        %add3A_695 = arith.addf %bitcast3A_689, %bitcast3A_694 : vector<32xbf16>
        %add3A_696 = arith.constant 32 : i32
        %add3A_697 = arith.addi %squeeze3A_636, %add3A_696 : i32
        %get3A_698 = arith.index_cast %add3A_697 : i32 to index
        %get3A_699 = tpu.vector_load %arg5[%get3A_698] {strides = array<i32>} : memref<26048xi32, #tpu.memory_space<vmem>>, vector<16xi32>,
        %bitcast3A_700 = vector.bitcast %get3A_699 : vector<16xi32> to vector<32xbf16>
        %add3A_701 = arith.constant 32 : i32
        %add3A_702 = arith.addi %squeeze3A_638, %add3A_701 : i32
        %get3A_703 = arith.index_cast %add3A_702 : i32 to index
        %get3A_704 = tpu.vector_load %arg5[%get3A_703] {strides = array<i32>} : memref<26048xi32, #tpu.memory_space<vmem>>, vector<16xi32>,
        %bitcast3A_705 = vector.bitcast %get3A_704 : vector<16xi32> to vector<32xbf16>
        %add3A_706 = arith.addf %bitcast3A_700, %bitcast3A_705 : vector<32xbf16>
        %add3A_707 = arith.addf %add3A_695, %add3A_706 : vector<32xbf16>
        %add3A_708 = arith.constant 48 : i32
        %add3A_709 = arith.addi %squeeze3A_632, %add3A_708 : i32
        %get3A_710 = arith.index_cast %add3A_709 : i32 to index
        %get3A_711 = tpu.vector_load %arg5[%get3A_710] {strides = array<i32>} : memref<26048xi32, #tpu.memory_space<vmem>>, vector<16xi32>,
        %bitcast3A_712 = vector.bitcast %get3A_711 : vector<16xi32> to vector<32xbf16>
        %add3A_713 = arith.constant 48 : i32
        %add3A_714 = arith.addi %squeeze3A_634, %add3A_713 : i32
        %get3A_715 = arith.index_cast %add3A_714 : i32 to index
        %get3A_716 = tpu.vector_load %arg5[%get3A_715] {strides = array<i32>} : memref<26048xi32, #tpu.memory_space<vmem>>, vector<16xi32>,
        %bitcast3A_717 = vector.bitcast %get3A_716 : vector<16xi32> to vector<32xbf16>
        %add3A_718 = arith.addf %bitcast3A_712, %bitcast3A_717 : vector<32xbf16>
        %add3A_719 = arith.constant 48 : i32
        %add3A_720 = arith.addi %squeeze3A_636, %add3A_719 : i32
        %get3A_721 = arith.index_cast %add3A_720 : i32 to index
        %get3A_722 = tpu.vector_load %arg5[%get3A_721] {strides = array<i32>} : memref<26048xi32, #tpu.memory_space<vmem>>, vector<16xi32>,
        %bitcast3A_723 = vector.bitcast %get3A_722 : vector<16xi32> to vector<32xbf16>
        %add3A_724 = arith.constant 48 : i32
        %add3A_725 = arith.addi %squeeze3A_638, %add3A_724 : i32
        %get3A_726 = arith.index_cast %add3A_725 : i32 to index
        %get3A_727 = tpu.vector_load %arg5[%get3A_726] {strides = array<i32>} : memref<26048xi32, #tpu.memory_space<vmem>>, vector<16xi32>,
        %bitcast3A_728 = vector.bitcast %get3A_727 : vector<16xi32> to vector<32xbf16>
        %add3A_729 = arith.addf %bitcast3A_723, %bitcast3A_728 : vector<32xbf16>
        %add3A_730 = arith.addf %add3A_718, %add3A_729 : vector<32xbf16>
        %unpack3A = tpu.unpack_subelements %add3A_237, 0 {pack_format = #tpu.pack_format<interleaved>} : vector<32xbf16> -> vector<16xf32>
        %unpack3A_731 = tpu.unpack_subelements %add3A_237, 1 {pack_format = #tpu.pack_format<interleaved>} : vector<32xbf16> -> vector<16xf32>
        %add3A_732 = arith.constant 0 : i32
        %add3A_733 = arith.addi %mul3A_203, %add3A_732 : i32
        %swap3A = arith.index_cast %add3A_733 : i32 to index
        %swap3A_734 = arith.constant 0 : index
        %swap3A_735 = tpu.vector_load %arg9[%swap3A, %swap3A_734] {strides = array<i32>} : memref<120x128xf32, #tpu.memory_space<vmem>>, vector<16xf32>,
        tpu.vector_store %arg9[%swap3A, %swap3A_734], %unpack3A {strides = array<i32>} : memref<120x128xf32, #tpu.memory_space<vmem>>, vector<16xf32>,
        %add3A_736 = arith.constant 0 : i32
        %add3A_737 = arith.addi %mul3A_203, %add3A_736 : i32
        %swap3A_738 = arith.index_cast %add3A_737 : i32 to index
        %swap3A_739 = arith.constant 16 : index
        %swap3A_740 = tpu.vector_load %arg9[%swap3A_738, %swap3A_739] {strides = array<i32>} : memref<120x128xf32, #tpu.memory_space<vmem>>, vector<16xf32>,
        tpu.vector_store %arg9[%swap3A_738, %swap3A_739], %unpack3A_731 {strides = array<i32>} : memref<120x128xf32, #tpu.memory_space<vmem>>, vector<16xf32>,
        %unpack3A_741 = tpu.unpack_subelements %add3A_260, 0 {pack_format = #tpu.pack_format<interleaved>} : vector<32xbf16> -> vector<16xf32>
        %unpack3A_742 = tpu.unpack_subelements %add3A_260, 1 {pack_format = #tpu.pack_format<interleaved>} : vector<32xbf16> -> vector<16xf32>
        %add3A_743 = arith.constant 0 : i32
        %add3A_744 = arith.addi %mul3A_203, %add3A_743 : i32
        %swap3A_745 = arith.index_cast %add3A_744 : i32 to index
        %swap3A_746 = arith.constant 32 : index
        %swap3A_747 = tpu.vector_load %arg9[%swap3A_745, %swap3A_746] {strides = array<i32>} : memref<120x128xf32, #tpu.memory_space<vmem>>, vector<16xf32>,
        tpu.vector_store %arg9[%swap3A_745, %swap3A_746], %unpack3A_741 {strides = array<i32>} : memref<120x128xf32, #tpu.memory_space<vmem>>, vector<16xf32>,
        %add3A_748 = arith.constant 0 : i32
        %add3A_749 = arith.addi %mul3A_203, %add3A_748 : i32
        %swap3A_750 = arith.index_cast %add3A_749 : i32 to index
        %swap3A_751 = arith.constant 48 : index
        %swap3A_752 = tpu.vector_load %arg9[%swap3A_750, %swap3A_751] {strides = array<i32>} : memref<120x128xf32, #tpu.memory_space<vmem>>, vector<16xf32>,
        tpu.vector_store %arg9[%swap3A_750, %swap3A_751], %unpack3A_742 {strides = array<i32>} : memref<120x128xf32, #tpu.memory_space<vmem>>, vector<16xf32>,
        %unpack3A_753 = tpu.unpack_subelements %add3A_283, 0 {pack_format = #tpu.pack_format<interleaved>} : vector<32xbf16> -> vector<16xf32>
        %unpack3A_754 = tpu.unpack_subelements %add3A_283, 1 {pack_format = #tpu.pack_format<interleaved>} : vector<32xbf16> -> vector<16xf32>
        %add3A_755 = arith.constant 0 : i32
        %add3A_756 = arith.addi %mul3A_203, %add3A_755 : i32
        %swap3A_757 = arith.index_cast %add3A_756 : i32 to index
        %swap3A_758 = arith.constant 64 : index
        %swap3A_759 = tpu.vector_load %arg9[%swap3A_757, %swap3A_758] {strides = array<i32>} : memref<120x128xf32, #tpu.memory_space<vmem>>, vector<16xf32>,
        tpu.vector_store %arg9[%swap3A_757, %swap3A_758], %unpack3A_753 {strides = array<i32>} : memref<120x128xf32, #tpu.memory_space<vmem>>, vector<16xf32>,
        %add3A_760 = arith.constant 0 : i32
        %add3A_761 = arith.addi %mul3A_203, %add3A_760 : i32
        %swap3A_762 = arith.index_cast %add3A_761 : i32 to index
        %swap3A_763 = arith.constant 80 : index
        %swap3A_764 = tpu.vector_load %arg9[%swap3A_762, %swap3A_763] {strides = array<i32>} : memref<120x128xf32, #tpu.memory_space<vmem>>, vector<16xf32>,
        tpu.vector_store %arg9[%swap3A_762, %swap3A_763], %unpack3A_754 {strides = array<i32>} : memref<120x128xf32, #tpu.memory_space<vmem>>, vector<16xf32>,
        %unpack3A_765 = tpu.unpack_subelements %add3A_306, 0 {pack_format = #tpu.pack_format<interleaved>} : vector<32xbf16> -> vector<16xf32>
        %unpack3A_766 = tpu.unpack_subelements %add3A_306, 1 {pack_format = #tpu.pack_format<interleaved>} : vector<32xbf16> -> vector<16xf32>
        %add3A_767 = arith.constant 0 : i32
        %add3A_768 = arith.addi %mul3A_203, %add3A_767 : i32
        %swap3A_769 = arith.index_cast %add3A_768 : i32 to index
        %swap3A_770 = arith.constant 96 : index
        %swap3A_771 = tpu.vector_load %arg9[%swap3A_769, %swap3A_770] {strides = array<i32>} : memref<120x128xf32, #tpu.memory_space<vmem>>, vector<16xf32>,
        tpu.vector_store %arg9[%swap3A_769, %swap3A_770], %unpack3A_765 {strides = array<i32>} : memref<120x128xf32, #tpu.memory_space<vmem>>, vector<16xf32>,
        %add3A_772 = arith.constant 0 : i32
        %add3A_773 = arith.addi %mul3A_203, %add3A_772 : i32
        %swap3A_774 = arith.index_cast %add3A_773 : i32 to index
        %swap3A_775 = arith.constant 112 : index
        %swap3A_776 = tpu.vector_load %arg9[%swap3A_774, %swap3A_775] {strides = array<i32>} : memref<120x128xf32, #tpu.memory_space<vmem>>, vector<16xf32>,
        tpu.vector_store %arg9[%swap3A_774, %swap3A_775], %unpack3A_766 {strides = array<i32>} : memref<120x128xf32, #tpu.memory_space<vmem>>, vector<16xf32>,
        %unpack3A_777 = tpu.unpack_subelements %add3A_343, 0 {pack_format = #tpu.pack_format<interleaved>} : vector<32xbf16> -> vector<16xf32>
        %unpack3A_778 = tpu.unpack_subelements %add3A_343, 1 {pack_format = #tpu.pack_format<interleaved>} : vector<32xbf16> -> vector<16xf32>
        %add3A_779 = arith.constant 1 : i32
        %add3A_780 = arith.addi %mul3A_203, %add3A_779 : i32
        %swap3A_781 = arith.index_cast %add3A_780 : i32 to index
        %swap3A_782 = arith.constant 0 : index
        %swap3A_783 = tpu.vector_load %arg9[%swap3A_781, %swap3A_782] {strides = array<i32>} : memref<120x128xf32, #tpu.memory_space<vmem>>, vector<16xf32>,
        tpu.vector_store %arg9[%swap3A_781, %swap3A_782], %unpack3A_777 {strides = array<i32>} : memref<120x128xf32, #tpu.memory_space<vmem>>, vector<16xf32>,
        %add3A_784 = arith.constant 1 : i32
        %add3A_785 = arith.addi %mul3A_203, %add3A_784 : i32
        %swap3A_786 = arith.index_cast %add3A_785 : i32 to index
        %swap3A_787 = arith.constant 16 : index
        %swap3A_788 = tpu.vector_load %arg9[%swap3A_786, %swap3A_787] {strides = array<i32>} : memref<120x128xf32, #tpu.memory_space<vmem>>, vector<16xf32>,
        tpu.vector_store %arg9[%swap3A_786, %swap3A_787], %unpack3A_778 {strides = array<i32>} : memref<120x128xf32, #tpu.memory_space<vmem>>, vector<16xf32>,
        %unpack3A_789 = tpu.unpack_subelements %add3A_366, 0 {pack_format = #tpu.pack_format<interleaved>} : vector<32xbf16> -> vector<16xf32>
        %unpack3A_790 = tpu.unpack_subelements %add3A_366, 1 {pack_format = #tpu.pack_format<interleaved>} : vector<32xbf16> -> vector<16xf32>
        %add3A_791 = arith.constant 1 : i32
        %add3A_792 = arith.addi %mul3A_203, %add3A_791 : i32
        %swap3A_793 = arith.index_cast %add3A_792 : i32 to index
        %swap3A_794 = arith.constant 32 : index
        %swap3A_795 = tpu.vector_load %arg9[%swap3A_793, %swap3A_794] {strides = array<i32>} : memref<120x128xf32, #tpu.memory_space<vmem>>, vector<16xf32>,
        tpu.vector_store %arg9[%swap3A_793, %swap3A_794], %unpack3A_789 {strides = array<i32>} : memref<120x128xf32, #tpu.memory_space<vmem>>, vector<16xf32>,
        %add3A_796 = arith.constant 1 : i32
        %add3A_797 = arith.addi %mul3A_203, %add3A_796 : i32
        %swap3A_798 = arith.index_cast %add3A_797 : i32 to index
        %swap3A_799 = arith.constant 48 : index
        %swap3A_800 = tpu.vector_load %arg9[%swap3A_798, %swap3A_799] {strides = array<i32>} : memref<120x128xf32, #tpu.memory_space<vmem>>, vector<16xf32>,
        tpu.vector_store %arg9[%swap3A_798, %swap3A_799], %unpack3A_790 {strides = array<i32>} : memref<120x128xf32, #tpu.memory_space<vmem>>, vector<16xf32>,
        %unpack3A_801 = tpu.unpack_subelements %add3A_389, 0 {pack_format = #tpu.pack_format<interleaved>} : vector<32xbf16> -> vector<16xf32>
        %unpack3A_802 = tpu.unpack_subelements %add3A_389, 1 {pack_format = #tpu.pack_format<interleaved>} : vector<32xbf16> -> vector<16xf32>
        %add3A_803 = arith.constant 1 : i32
        %add3A_804 = arith.addi %mul3A_203, %add3A_803 : i32
        %swap3A_805 = arith.index_cast %add3A_804 : i32 to index
        %swap3A_806 = arith.constant 64 : index
        %swap3A_807 = tpu.vector_load %arg9[%swap3A_805, %swap3A_806] {strides = array<i32>} : memref<120x128xf32, #tpu.memory_space<vmem>>, vector<16xf32>,
        tpu.vector_store %arg9[%swap3A_805, %swap3A_806], %unpack3A_801 {strides = array<i32>} : memref<120x128xf32, #tpu.memory_space<vmem>>, vector<16xf32>,
        %add3A_808 = arith.constant 1 : i32
        %add3A_809 = arith.addi %mul3A_203, %add3A_808 : i32
        %swap3A_810 = arith.index_cast %add3A_809 : i32 to index
        %swap3A_811 = arith.constant 80 : index
        %swap3A_812 = tpu.vector_load %arg9[%swap3A_810, %swap3A_811] {strides = array<i32>} : memref<120x128xf32, #tpu.memory_space<vmem>>, vector<16xf32>,
        tpu.vector_store %arg9[%swap3A_810, %swap3A_811], %unpack3A_802 {strides = array<i32>} : memref<120x128xf32, #tpu.memory_space<vmem>>, vector<16xf32>,
        %unpack3A_813 = tpu.unpack_subelements %add3A_412, 0 {pack_format = #tpu.pack_format<interleaved>} : vector<32xbf16> -> vector<16xf32>
        %unpack3A_814 = tpu.unpack_subelements %add3A_412, 1 {pack_format = #tpu.pack_format<interleaved>} : vector<32xbf16> -> vector<16xf32>
        %add3A_815 = arith.constant 1 : i32
        %add3A_816 = arith.addi %mul3A_203, %add3A_815 : i32
        %swap3A_817 = arith.index_cast %add3A_816 : i32 to index
        %swap3A_818 = arith.constant 96 : index
        %swap3A_819 = tpu.vector_load %arg9[%swap3A_817, %swap3A_818] {strides = array<i32>} : memref<120x128xf32, #tpu.memory_space<vmem>>, vector<16xf32>,
        tpu.vector_store %arg9[%swap3A_817, %swap3A_818], %unpack3A_813 {strides = array<i32>} : memref<120x128xf32, #tpu.memory_space<vmem>>, vector<16xf32>,
        %add3A_820 = arith.constant 1 : i32
        %add3A_821 = arith.addi %mul3A_203, %add3A_820 : i32
        %swap3A_822 = arith.index_cast %add3A_821 : i32 to index
        %swap3A_823 = arith.constant 112 : index
        %swap3A_824 = tpu.vector_load %arg9[%swap3A_822, %swap3A_823] {strides = array<i32>} : memref<120x128xf32, #tpu.memory_space<vmem>>, vector<16xf32>,
        tpu.vector_store %arg9[%swap3A_822, %swap3A_823], %unpack3A_814 {strides = array<i32>} : memref<120x128xf32, #tpu.memory_space<vmem>>, vector<16xf32>,
        %unpack3A_825 = tpu.unpack_subelements %add3A_449, 0 {pack_format = #tpu.pack_format<interleaved>} : vector<32xbf16> -> vector<16xf32>
        %unpack3A_826 = tpu.unpack_subelements %add3A_449, 1 {pack_format = #tpu.pack_format<interleaved>} : vector<32xbf16> -> vector<16xf32>
        %add3A_827 = arith.constant 2 : i32
        %add3A_828 = arith.addi %mul3A_203, %add3A_827 : i32
        %swap3A_829 = arith.index_cast %add3A_828 : i32 to index
        %swap3A_830 = arith.constant 0 : index
        %swap3A_831 = tpu.vector_load %arg9[%swap3A_829, %swap3A_830] {strides = array<i32>} : memref<120x128xf32, #tpu.memory_space<vmem>>, vector<16xf32>,
        tpu.vector_store %arg9[%swap3A_829, %swap3A_830], %unpack3A_825 {strides = array<i32>} : memref<120x128xf32, #tpu.memory_space<vmem>>, vector<16xf32>,
        %add3A_832 = arith.constant 2 : i32
        %add3A_833 = arith.addi %mul3A_203, %add3A_832 : i32
        %swap3A_834 = arith.index_cast %add3A_833 : i32 to index
        %swap3A_835 = arith.constant 16 : index
        %swap3A_836 = tpu.vector_load %arg9[%swap3A_834, %swap3A_835] {strides = array<i32>} : memref<120x128xf32, #tpu.memory_space<vmem>>, vector<16xf32>,
        tpu.vector_store %arg9[%swap3A_834, %swap3A_835], %unpack3A_826 {strides = array<i32>} : memref<120x128xf32, #tpu.memory_space<vmem>>, vector<16xf32>,
        %unpack3A_837 = tpu.unpack_subelements %add3A_472, 0 {pack_format = #tpu.pack_format<interleaved>} : vector<32xbf16> -> vector<16xf32>
        %unpack3A_838 = tpu.unpack_subelements %add3A_472, 1 {pack_format = #tpu.pack_format<interleaved>} : vector<32xbf16> -> vector<16xf32>
        %add3A_839 = arith.constant 2 : i32
        %add3A_840 = arith.addi %mul3A_203, %add3A_839 : i32
        %swap3A_841 = arith.index_cast %add3A_840 : i32 to index
        %swap3A_842 = arith.constant 32 : index
        %swap3A_843 = tpu.vector_load %arg9[%swap3A_841, %swap3A_842] {strides = array<i32>} : memref<120x128xf32, #tpu.memory_space<vmem>>, vector<16xf32>,
        tpu.vector_store %arg9[%swap3A_841, %swap3A_842], %unpack3A_837 {strides = array<i32>} : memref<120x128xf32, #tpu.memory_space<vmem>>, vector<16xf32>,
        %add3A_844 = arith.constant 2 : i32
        %add3A_845 = arith.addi %mul3A_203, %add3A_844 : i32
        %swap3A_846 = arith.index_cast %add3A_845 : i32 to index
        %swap3A_847 = arith.constant 48 : index
        %swap3A_848 = tpu.vector_load %arg9[%swap3A_846, %swap3A_847] {strides = array<i32>} : memref<120x128xf32, #tpu.memory_space<vmem>>, vector<16xf32>,
        tpu.vector_store %arg9[%swap3A_846, %swap3A_847], %unpack3A_838 {strides = array<i32>} : memref<120x128xf32, #tpu.memory_space<vmem>>, vector<16xf32>,
        %unpack3A_849 = tpu.unpack_subelements %add3A_495, 0 {pack_format = #tpu.pack_format<interleaved>} : vector<32xbf16> -> vector<16xf32>
        %unpack3A_850 = tpu.unpack_subelements %add3A_495, 1 {pack_format = #tpu.pack_format<interleaved>} : vector<32xbf16> -> vector<16xf32>
        %add3A_851 = arith.constant 2 : i32
        %add3A_852 = arith.addi %mul3A_203, %add3A_851 : i32
        %swap3A_853 = arith.index_cast %add3A_852 : i32 to index
        %swap3A_854 = arith.constant 64 : index
        %swap3A_855 = tpu.vector_load %arg9[%swap3A_853, %swap3A_854] {strides = array<i32>} : memref<120x128xf32, #tpu.memory_space<vmem>>, vector<16xf32>,
        tpu.vector_store %arg9[%swap3A_853, %swap3A_854], %unpack3A_849 {strides = array<i32>} : memref<120x128xf32, #tpu.memory_space<vmem>>, vector<16xf32>,
        %add3A_856 = arith.constant 2 : i32
        %add3A_857 = arith.addi %mul3A_203, %add3A_856 : i32
        %swap3A_858 = arith.index_cast %add3A_857 : i32 to index
        %swap3A_859 = arith.constant 80 : index
        %swap3A_860 = tpu.vector_load %arg9[%swap3A_858, %swap3A_859] {strides = array<i32>} : memref<120x128xf32, #tpu.memory_space<vmem>>, vector<16xf32>,
        tpu.vector_store %arg9[%swap3A_858, %swap3A_859], %unpack3A_850 {strides = array<i32>} : memref<120x128xf32, #tpu.memory_space<vmem>>, vector<16xf32>,
        %unpack3A_861 = tpu.unpack_subelements %add3A_518, 0 {pack_format = #tpu.pack_format<interleaved>} : vector<32xbf16> -> vector<16xf32>
        %unpack3A_862 = tpu.unpack_subelements %add3A_518, 1 {pack_format = #tpu.pack_format<interleaved>} : vector<32xbf16> -> vector<16xf32>
        %add3A_863 = arith.constant 2 : i32
        %add3A_864 = arith.addi %mul3A_203, %add3A_863 : i32
        %swap3A_865 = arith.index_cast %add3A_864 : i32 to index
        %swap3A_866 = arith.constant 96 : index
        %swap3A_867 = tpu.vector_load %arg9[%swap3A_865, %swap3A_866] {strides = array<i32>} : memref<120x128xf32, #tpu.memory_space<vmem>>, vector<16xf32>,
        tpu.vector_store %arg9[%swap3A_865, %swap3A_866], %unpack3A_861 {strides = array<i32>} : memref<120x128xf32, #tpu.memory_space<vmem>>, vector<16xf32>,
        %add3A_868 = arith.constant 2 : i32
        %add3A_869 = arith.addi %mul3A_203, %add3A_868 : i32
        %swap3A_870 = arith.index_cast %add3A_869 : i32 to index
        %swap3A_871 = arith.constant 112 : index
        %swap3A_872 = tpu.vector_load %arg9[%swap3A_870, %swap3A_871] {strides = array<i32>} : memref<120x128xf32, #tpu.memory_space<vmem>>, vector<16xf32>,
        tpu.vector_store %arg9[%swap3A_870, %swap3A_871], %unpack3A_862 {strides = array<i32>} : memref<120x128xf32, #tpu.memory_space<vmem>>, vector<16xf32>,
        %unpack3A_873 = tpu.unpack_subelements %add3A_555, 0 {pack_format = #tpu.pack_format<interleaved>} : vector<32xbf16> -> vector<16xf32>
        %unpack3A_874 = tpu.unpack_subelements %add3A_555, 1 {pack_format = #tpu.pack_format<interleaved>} : vector<32xbf16> -> vector<16xf32>
        %add3A_875 = arith.constant 3 : i32
        %add3A_876 = arith.addi %mul3A_203, %add3A_875 : i32
        %swap3A_877 = arith.index_cast %add3A_876 : i32 to index
        %swap3A_878 = arith.constant 0 : index
        %swap3A_879 = tpu.vector_load %arg9[%swap3A_877, %swap3A_878] {strides = array<i32>} : memref<120x128xf32, #tpu.memory_space<vmem>>, vector<16xf32>,
        tpu.vector_store %arg9[%swap3A_877, %swap3A_878], %unpack3A_873 {strides = array<i32>} : memref<120x128xf32, #tpu.memory_space<vmem>>, vector<16xf32>,
        %add3A_880 = arith.constant 3 : i32
        %add3A_881 = arith.addi %mul3A_203, %add3A_880 : i32
        %swap3A_882 = arith.index_cast %add3A_881 : i32 to index
        %swap3A_883 = arith.constant 16 : index
        %swap3A_884 = tpu.vector_load %arg9[%swap3A_882, %swap3A_883] {strides = array<i32>} : memref<120x128xf32, #tpu.memory_space<vmem>>, vector<16xf32>,
        tpu.vector_store %arg9[%swap3A_882, %swap3A_883], %unpack3A_874 {strides = array<i32>} : memref<120x128xf32, #tpu.memory_space<vmem>>, vector<16xf32>,
        %unpack3A_885 = tpu.unpack_subelements %add3A_578, 0 {pack_format = #tpu.pack_format<interleaved>} : vector<32xbf16> -> vector<16xf32>
        %unpack3A_886 = tpu.unpack_subelements %add3A_578, 1 {pack_format = #tpu.pack_format<interleaved>} : vector<32xbf16> -> vector<16xf32>
        %add3A_887 = arith.constant 3 : i32
        %add3A_888 = arith.addi %mul3A_203, %add3A_887 : i32
        %swap3A_889 = arith.index_cast %add3A_888 : i32 to index
        %swap3A_890 = arith.constant 32 : index
        %swap3A_891 = tpu.vector_load %arg9[%swap3A_889, %swap3A_890] {strides = array<i32>} : memref<120x128xf32, #tpu.memory_space<vmem>>, vector<16xf32>,
        tpu.vector_store %arg9[%swap3A_889, %swap3A_890], %unpack3A_885 {strides = array<i32>} : memref<120x128xf32, #tpu.memory_space<vmem>>, vector<16xf32>,
        %add3A_892 = arith.constant 3 : i32
        %add3A_893 = arith.addi %mul3A_203, %add3A_892 : i32
        %swap3A_894 = arith.index_cast %add3A_893 : i32 to index
        %swap3A_895 = arith.constant 48 : index
        %swap3A_896 = tpu.vector_load %arg9[%swap3A_894, %swap3A_895] {strides = array<i32>} : memref<120x128xf32, #tpu.memory_space<vmem>>, vector<16xf32>,
        tpu.vector_store %arg9[%swap3A_894, %swap3A_895], %unpack3A_886 {strides = array<i32>} : memref<120x128xf32, #tpu.memory_space<vmem>>, vector<16xf32>,
        %unpack3A_897 = tpu.unpack_subelements %add3A_601, 0 {pack_format = #tpu.pack_format<interleaved>} : vector<32xbf16> -> vector<16xf32>
        %unpack3A_898 = tpu.unpack_subelements %add3A_601, 1 {pack_format = #tpu.pack_format<interleaved>} : vector<32xbf16> -> vector<16xf32>
        %add3A_899 = arith.constant 3 : i32
        %add3A_900 = arith.addi %mul3A_203, %add3A_899 : i32
        %swap3A_901 = arith.index_cast %add3A_900 : i32 to index
        %swap3A_902 = arith.constant 64 : index
        %swap3A_903 = tpu.vector_load %arg9[%swap3A_901, %swap3A_902] {strides = array<i32>} : memref<120x128xf32, #tpu.memory_space<vmem>>, vector<16xf32>,
        tpu.vector_store %arg9[%swap3A_901, %swap3A_902], %unpack3A_897 {strides = array<i32>} : memref<120x128xf32, #tpu.memory_space<vmem>>, vector<16xf32>,
        %add3A_904 = arith.constant 3 : i32
        %add3A_905 = arith.addi %mul3A_203, %add3A_904 : i32
        %swap3A_906 = arith.index_cast %add3A_905 : i32 to index
        %swap3A_907 = arith.constant 80 : index
        %swap3A_908 = tpu.vector_load %arg9[%swap3A_906, %swap3A_907] {strides = array<i32>} : memref<120x128xf32, #tpu.memory_space<vmem>>, vector<16xf32>,
        tpu.vector_store %arg9[%swap3A_906, %swap3A_907], %unpack3A_898 {strides = array<i32>} : memref<120x128xf32, #tpu.memory_space<vmem>>, vector<16xf32>,
        %unpack3A_909 = tpu.unpack_subelements %add3A_624, 0 {pack_format = #tpu.pack_format<interleaved>} : vector<32xbf16> -> vector<16xf32>
        %unpack3A_910 = tpu.unpack_subelements %add3A_624, 1 {pack_format = #tpu.pack_format<interleaved>} : vector<32xbf16> -> vector<16xf32>
        %add3A_911 = arith.constant 3 : i32
        %add3A_912 = arith.addi %mul3A_203, %add3A_911 : i32
        %swap3A_913 = arith.index_cast %add3A_912 : i32 to index
        %swap3A_914 = arith.constant 96 : index
        %swap3A_915 = tpu.vector_load %arg9[%swap3A_913, %swap3A_914] {strides = array<i32>} : memref<120x128xf32, #tpu.memory_space<vmem>>, vector<16xf32>,
        tpu.vector_store %arg9[%swap3A_913, %swap3A_914], %unpack3A_909 {strides = array<i32>} : memref<120x128xf32, #tpu.memory_space<vmem>>, vector<16xf32>,
        %add3A_916 = arith.constant 3 : i32
        %add3A_917 = arith.addi %mul3A_203, %add3A_916 : i32
        %swap3A_918 = arith.index_cast %add3A_917 : i32 to index
        %swap3A_919 = arith.constant 112 : index
        %swap3A_920 = tpu.vector_load %arg9[%swap3A_918, %swap3A_919] {strides = array<i32>} : memref<120x128xf32, #tpu.memory_space<vmem>>, vector<16xf32>,
        tpu.vector_store %arg9[%swap3A_918, %swap3A_919], %unpack3A_910 {strides = array<i32>} : memref<120x128xf32, #tpu.memory_space<vmem>>, vector<16xf32>,
        %unpack3A_921 = tpu.unpack_subelements %add3A_661, 0 {pack_format = #tpu.pack_format<interleaved>} : vector<32xbf16> -> vector<16xf32>
        %unpack3A_922 = tpu.unpack_subelements %add3A_661, 1 {pack_format = #tpu.pack_format<interleaved>} : vector<32xbf16> -> vector<16xf32>
        %add3A_923 = arith.constant 4 : i32
        %add3A_924 = arith.addi %mul3A_203, %add3A_923 : i32
        %swap3A_925 = arith.index_cast %add3A_924 : i32 to index
        %swap3A_926 = arith.constant 0 : index
        %swap3A_927 = tpu.vector_load %arg9[%swap3A_925, %swap3A_926] {strides = array<i32>} : memref<120x128xf32, #tpu.memory_space<vmem>>, vector<16xf32>,
        tpu.vector_store %arg9[%swap3A_925, %swap3A_926], %unpack3A_921 {strides = array<i32>} : memref<120x128xf32, #tpu.memory_space<vmem>>, vector<16xf32>,
        %add3A_928 = arith.constant 4 : i32
        %add3A_929 = arith.addi %mul3A_203, %add3A_928 : i32
        %swap3A_930 = arith.index_cast %add3A_929 : i32 to index
        %swap3A_931 = arith.constant 16 : index
        %swap3A_932 = tpu.vector_load %arg9[%swap3A_930, %swap3A_931] {strides = array<i32>} : memref<120x128xf32, #tpu.memory_space<vmem>>, vector<16xf32>,
        tpu.vector_store %arg9[%swap3A_930, %swap3A_931], %unpack3A_922 {strides = array<i32>} : memref<120x128xf32, #tpu.memory_space<vmem>>, vector<16xf32>,
        %unpack3A_933 = tpu.unpack_subelements %add3A_684, 0 {pack_format = #tpu.pack_format<interleaved>} : vector<32xbf16> -> vector<16xf32>
        %unpack3A_934 = tpu.unpack_subelements %add3A_684, 1 {pack_format = #tpu.pack_format<interleaved>} : vector<32xbf16> -> vector<16xf32>
        %add3A_935 = arith.constant 4 : i32
        %add3A_936 = arith.addi %mul3A_203, %add3A_935 : i32
        %swap3A_937 = arith.index_cast %add3A_936 : i32 to index
        %swap3A_938 = arith.constant 32 : index
        %swap3A_939 = tpu.vector_load %arg9[%swap3A_937, %swap3A_938] {strides = array<i32>} : memref<120x128xf32, #tpu.memory_space<vmem>>, vector<16xf32>,
        tpu.vector_store %arg9[%swap3A_937, %swap3A_938], %unpack3A_933 {strides = array<i32>} : memref<120x128xf32, #tpu.memory_space<vmem>>, vector<16xf32>,
        %add3A_940 = arith.constant 4 : i32
        %add3A_941 = arith.addi %mul3A_203, %add3A_940 : i32
        %swap3A_942 = arith.index_cast %add3A_941 : i32 to index
        %swap3A_943 = arith.constant 48 : index
        %swap3A_944 = tpu.vector_load %arg9[%swap3A_942, %swap3A_943] {strides = array<i32>} : memref<120x128xf32, #tpu.memory_space<vmem>>, vector<16xf32>,
        tpu.vector_store %arg9[%swap3A_942, %swap3A_943], %unpack3A_934 {strides = array<i32>} : memref<120x128xf32, #tpu.memory_space<vmem>>, vector<16xf32>,
        %unpack3A_945 = tpu.unpack_subelements %add3A_707, 0 {pack_format = #tpu.pack_format<interleaved>} : vector<32xbf16> -> vector<16xf32>
        %unpack3A_946 = tpu.unpack_subelements %add3A_707, 1 {pack_format = #tpu.pack_format<interleaved>} : vector<32xbf16> -> vector<16xf32>
        %add3A_947 = arith.constant 4 : i32
        %add3A_948 = arith.addi %mul3A_203, %add3A_947 : i32
        %swap3A_949 = arith.index_cast %add3A_948 : i32 to index
        %swap3A_950 = arith.constant 64 : index
        %swap3A_951 = tpu.vector_load %arg9[%swap3A_949, %swap3A_950] {strides = array<i32>} : memref<120x128xf32, #tpu.memory_space<vmem>>, vector<16xf32>,
        tpu.vector_store %arg9[%swap3A_949, %swap3A_950], %unpack3A_945 {strides = array<i32>} : memref<120x128xf32, #tpu.memory_space<vmem>>, vector<16xf32>,
        %add3A_952 = arith.constant 4 : i32
        %add3A_953 = arith.addi %mul3A_203, %add3A_952 : i32
        %swap3A_954 = arith.index_cast %add3A_953 : i32 to index
        %swap3A_955 = arith.constant 80 : index
        %swap3A_956 = tpu.vector_load %arg9[%swap3A_954, %swap3A_955] {strides = array<i32>} : memref<120x128xf32, #tpu.memory_space<vmem>>, vector<16xf32>,
        tpu.vector_store %arg9[%swap3A_954, %swap3A_955], %unpack3A_946 {strides = array<i32>} : memref<120x128xf32, #tpu.memory_space<vmem>>, vector<16xf32>,
        %unpack3A_957 = tpu.unpack_subelements %add3A_730, 0 {pack_format = #tpu.pack_format<interleaved>} : vector<32xbf16> -> vector<16xf32>
        %unpack3A_958 = tpu.unpack_subelements %add3A_730, 1 {pack_format = #tpu.pack_format<interleaved>} : vector<32xbf16> -> vector<16xf32>
        %add3A_959 = arith.constant 4 : i32
        %add3A_960 = arith.addi %mul3A_203, %add3A_959 : i32
        %swap3A_961 = arith.index_cast %add3A_960 : i32 to index
        %swap3A_962 = arith.constant 96 : index
        %swap3A_963 = tpu.vector_load %arg9[%swap3A_961, %swap3A_962] {strides = array<i32>} : memref<120x128xf32, #tpu.memory_space<vmem>>, vector<16xf32>,
        tpu.vector_store %arg9[%swap3A_961, %swap3A_962], %unpack3A_957 {strides = array<i32>} : memref<120x128xf32, #tpu.memory_space<vmem>>, vector<16xf32>,
        %add3A_964 = arith.constant 4 : i32
        %add3A_965 = arith.addi %mul3A_203, %add3A_964 : i32
        %swap3A_966 = arith.index_cast %add3A_965 : i32 to index
        %swap3A_967 = arith.constant 112 : index
        %swap3A_968 = tpu.vector_load %arg9[%swap3A_966, %swap3A_967] {strides = array<i32>} : memref<120x128xf32, #tpu.memory_space<vmem>>, vector<16xf32>,
        tpu.vector_store %arg9[%swap3A_966, %swap3A_967], %unpack3A_958 {strides = array<i32>} : memref<120x128xf32, #tpu.memory_space<vmem>>, vector<16xf32>,
        %scan3A_969 = arith.constant 0 : i32
        scf.yield %scan3A_969 : i32
      }
      %scan3A_184 = arith.constant 24 : i32
      %mul3A_185 = arith.constant 3120 : i32
      %mul3A_186 = arith.muli %add3A, %mul3A_185 : i32
      %mul3A_187 = arith.constant 120 : i32
      %mul3A_188 = arith.muli %add3A_172, %mul3A_187 : i32
      %add3A_189 = arith.addi %mul3A_186, %mul3A_188 : i32
      %dma_start3A_190 = arith.constant 0 : i32
      %dma_start3A_191 = tpu.memref_slice %arg4[%add3A_189, %dma_start3A_190] : memref<100000x128xf32, #tpu.memory_space<hbm>> -> memref<120x128xf32, #tpu.memory_space<hbm>>
      %dma_start3A_192 = arith.constant 0 : i32
      %dma_start3A_193 = tpu.memref_slice %arg4[%add3A_189, %dma_start3A_192] : memref<100000x128xf32, #tpu.memory_space<hbm>> -> memref<120x128xf32, #tpu.memory_space<hbm>>
      tpu.enqueue_dma source(%arg9 : memref<120x128xf32, #tpu.memory_space<vmem>>) target(%dma_start3A_193 : memref<120x128xf32, #tpu.memory_space<hbm>>) target_semaphore(%arg11 : memref<!tpu.dma_semaphore, #tpu.memory_space<semaphore_mem>>)
      %scan3A_194 = arith.constant 0 : i32
      scf.yield %scan3A_194 : i32
    }
    %scan3A_130 = arith.constant 13 : i32
    %dma_wait3A = arith.constant 0 : i32
    %dma_wait3A_131 = arith.constant 0 : i32
    %dma_wait3A_132 = tpu.memref_slice %arg4[%dma_wait3A, %dma_wait3A_131] : memref<100000x128xf32, #tpu.memory_space<hbm>> -> memref<120x128xf32, #tpu.memory_space<hbm>>
    %dma_wait3A_133 = arith.constant 0 : i32
    %dma_wait3A_134 = arith.constant 0 : i32
    %dma_wait3A_135 = tpu.memref_slice %arg4[%dma_wait3A_133, %dma_wait3A_134] : memref<100000x128xf32, #tpu.memory_space<hbm>> -> memref<120x128xf32, #tpu.memory_space<hbm>>
    tpu.wait_dma2 semaphore(%arg10 : memref<!tpu.dma_semaphore, #tpu.memory_space<semaphore_mem>>) src(%arg8 : memref<120x128xf32, #tpu.memory_space<vmem>>) dst(%dma_wait3A_135 : memref<120x128xf32, #tpu.memory_space<hbm>>)
    %dma_wait3A_136 = arith.constant 0 : i32
    %dma_wait3A_137 = arith.constant 0 : i32
    %dma_wait3A_138 = tpu.memref_slice %arg4[%dma_wait3A_136, %dma_wait3A_137] : memref<100000x128xf32, #tpu.memory_space<hbm>> -> memref<120x128xf32, #tpu.memory_space<hbm>>
    %dma_wait3A_139 = arith.constant 0 : i32
    %dma_wait3A_140 = arith.constant 0 : i32
    %dma_wait3A_141 = tpu.memref_slice %arg4[%dma_wait3A_139, %dma_wait3A_140] : memref<100000x128xf32, #tpu.memory_space<hbm>> -> memref<120x128xf32, #tpu.memory_space<hbm>>
    tpu.wait_dma2 semaphore(%arg11 : memref<!tpu.dma_semaphore, #tpu.memory_space<semaphore_mem>>) src(%arg9 : memref<120x128xf32, #tpu.memory_space<vmem>>) dst(%dma_wait3A_141 : memref<120x128xf32, #tpu.memory_space<hbm>>)
    %lt3A = arith.constant 20 : i32
    %lt3A_142 = arith.cmpi slt, %add3A, %lt3A : i32
    %convert_element_type3A = arith.extui %lt3A_142 : i1 to i32
    %cond3A = arith.constant 0 : i32
    %cond3A_143 = arith.cmpi ne, %convert_element_type3A, %cond3A : i32
    scf.if %cond3A_143 {
      %get3A_144 = arith.constant 12480 : index
      %get3A_145 = tpu.vector_load %arg7[%get3A_144] {strides = array<i32>} : memref<12544xi32, #tpu.memory_space<vmem>>, vector<16xi32>,
      %slice3A = vector.extract_strided_slice %get3A_145 {offsets = [0], sizes = [1], strides = [1]} : vector<16xi32> to vector<1xi32>
      %squeeze3A = vector.extract %slice3A[0] : i32 from vector<1xi32>
      %slice3A_146 = vector.extract_strided_slice %get3A_145 {offsets = [1], sizes = [1], strides = [1]} : vector<16xi32> to vector<1xi32>
      %squeeze3A_147 = vector.extract %slice3A_146[0] : i32 from vector<1xi32>
      %slice3A_148 = vector.extract_strided_slice %get3A_145 {offsets = [2], sizes = [1], strides = [1]} : vector<16xi32> to vector<1xi32>
      %squeeze3A_149 = vector.extract %slice3A_148[0] : i32 from vector<1xi32>
      %slice3A_150 = vector.extract_strided_slice %get3A_145 {offsets = [3], sizes = [1], strides = [1]} : vector<16xi32> to vector<1xi32>
      %squeeze3A_151 = vector.extract %slice3A_150[0] : i32 from vector<1xi32>
      %add3A_152 = arith.constant 0 : i32
      %add3A_153 = arith.addi %squeeze3A, %add3A_152 : i32
      %get3A_154 = arith.index_cast %add3A_153 : i32 to index
      %get3A_155 = tpu.vector_load %arg5[%get3A_154] {strides = array<i32>} : memref<26048xi32, #tpu.memory_space<vmem>>, vector<16xi32>,
      %bitcast3A = vector.bitcast %get3A_155 : vector<16xi32> to vector<32xbf16>
      %add3A_156 = arith.constant 0 : i32
      %add3A_157 = arith.addi %squeeze3A_147, %add3A_156 : i32
      %get3A_158 = arith.index_cast %add3A_157 : i32 to index
      %get3A_159 = tpu.vector_load %arg5[%get3A_158] {strides = array<i32>} : memref<26048xi32, #tpu.memory_space<vmem>>, vector<16xi32>,
      %bitcast3A_160 = vector.bitcast %get3A_159 : vector<16xi32> to vector<32xbf16>
      %add3A_161 = arith.addf %bitcast3A, %bitcast3A_160 : vector<32xbf16>
      %add3A_162 = arith.constant 0 : i32
      %add3A_163 = arith.addi %squeeze3A_149, %add3A_162 : i32
      %get3A_164 = arith.index_cast %add3A_163 : i32 to index
      %get3A_165 = tpu.vector_load %arg5[%get3A_164] {strides = array<i32>} : memref<26048xi32, #tpu.memory_space<vmem>>, vector<16xi32>,
      %bitcast3A_166 = vector.bitcast %get3A_165 : vector<16xi32> to vector<32xbf16>
      %add3A_167 = arith.constant 0 : i32
      %add3A_168 = arith.addi %squeeze3A_151, %add3A_167 : i32
      %get3A_169 = arith.index_cast %add3A_168 : i32 to index
      %get3A_170 = tpu.vector_load %arg5[%get3A_169] {strides = array<i32>} : memref<26048xi32, #tpu.memory_space<vmem>>, vector<16xi32>,
      %bitcast3A_171 = vector.bitcast %get3A_170 : vector<16xi32> to vector<32xbf16>
      %add3A_172 = arith.addf %bitcast3A_166, %bitcast3A_171 : vector<32xbf16>
      %add3A_173 = arith.addf %add3A_161, %add3A_172 : vector<32xbf16>
      %add3A_174 = arith.constant 16 : i32
      %add3A_175 = arith.addi %squeeze3A, %add3A_174 : i32
      %get3A_176 = arith.index_cast %add3A_175 : i32 to index
      %get3A_177 = tpu.vector_load %arg5[%get3A_176] {strides = array<i32>} : memref<26048xi32, #tpu.memory_space<vmem>>, vector<16xi32>,
      %bitcast3A_178 = vector.bitcast %get3A_177 : vector<16xi32> to vector<32xbf16>
      %add3A_179 = arith.constant 16 : i32
      %add3A_180 = arith.addi %squeeze3A_147, %add3A_179 : i32
      %get3A_181 = arith.index_cast %add3A_180 : i32 to index
      %get3A_182 = tpu.vector_load %arg5[%get3A_181] {strides = array<i32>} : memref<26048xi32, #tpu.memory_space<vmem>>, vector<16xi32>,
      %bitcast3A_183 = vector.bitcast %get3A_182 : vector<16xi32> to vector<32xbf16>
      %add3A_184 = arith.addf %bitcast3A_178, %bitcast3A_183 : vector<32xbf16>
      %add3A_185 = arith.constant 16 : i32
      %add3A_186 = arith.addi %squeeze3A_149, %add3A_185 : i32
      %get3A_187 = arith.index_cast %add3A_186 : i32 to index
      %get3A_188 = tpu.vector_load %arg5[%get3A_187] {strides = array<i32>} : memref<26048xi32, #tpu.memory_space<vmem>>, vector<16xi32>,
      %bitcast3A_189 = vector.bitcast %get3A_188 : vector<16xi32> to vector<32xbf16>
      %add3A_190 = arith.constant 16 : i32
      %add3A_191 = arith.addi %squeeze3A_151, %add3A_190 : i32
      %get3A_192 = arith.index_cast %add3A_191 : i32 to index
      %get3A_193 = tpu.vector_load %arg5[%get3A_192] {strides = array<i32>} : memref<26048xi32, #tpu.memory_space<vmem>>, vector<16xi32>,
      %bitcast3A_194 = vector.bitcast %get3A_193 : vector<16xi32> to vector<32xbf16>
      %add3A_195 = arith.addf %bitcast3A_189, %bitcast3A_194 : vector<32xbf16>
      %add3A_196 = arith.addf %add3A_184, %add3A_195 : vector<32xbf16>
      %add3A_197 = arith.constant 32 : i32
      %add3A_198 = arith.addi %squeeze3A, %add3A_197 : i32
      %get3A_199 = arith.index_cast %add3A_198 : i32 to index
      %get3A_200 = tpu.vector_load %arg5[%get3A_199] {strides = array<i32>} : memref<26048xi32, #tpu.memory_space<vmem>>, vector<16xi32>,
      %bitcast3A_201 = vector.bitcast %get3A_200 : vector<16xi32> to vector<32xbf16>
      %add3A_202 = arith.constant 32 : i32
      %add3A_203 = arith.addi %squeeze3A_147, %add3A_202 : i32
      %get3A_204 = arith.index_cast %add3A_203 : i32 to index
      %get3A_205 = tpu.vector_load %arg5[%get3A_204] {strides = array<i32>} : memref<26048xi32, #tpu.memory_space<vmem>>, vector<16xi32>,
      %bitcast3A_206 = vector.bitcast %get3A_205 : vector<16xi32> to vector<32xbf16>
      %add3A_207 = arith.addf %bitcast3A_201, %bitcast3A_206 : vector<32xbf16>
      %add3A_208 = arith.constant 32 : i32
      %add3A_209 = arith.addi %squeeze3A_149, %add3A_208 : i32
      %get3A_210 = arith.index_cast %add3A_209 : i32 to index
      %get3A_211 = tpu.vector_load %arg5[%get3A_210] {strides = array<i32>} : memref<26048xi32, #tpu.memory_space<vmem>>, vector<16xi32>,
      %bitcast3A_212 = vector.bitcast %get3A_211 : vector<16xi32> to vector<32xbf16>
      %add3A_213 = arith.constant 32 : i32
      %add3A_214 = arith.addi %squeeze3A_151, %add3A_213 : i32
      %get3A_215 = arith.index_cast %add3A_214 : i32 to index
      %get3A_216 = tpu.vector_load %arg5[%get3A_215] {strides = array<i32>} : memref<26048xi32, #tpu.memory_space<vmem>>, vector<16xi32>,
      %bitcast3A_217 = vector.bitcast %get3A_216 : vector<16xi32> to vector<32xbf16>
      %add3A_218 = arith.addf %bitcast3A_212, %bitcast3A_217 : vector<32xbf16>
      %add3A_219 = arith.addf %add3A_207, %add3A_218 : vector<32xbf16>
      %add3A_220 = arith.constant 48 : i32
      %add3A_221 = arith.addi %squeeze3A, %add3A_220 : i32
      %get3A_222 = arith.index_cast %add3A_221 : i32 to index
      %get3A_223 = tpu.vector_load %arg5[%get3A_222] {strides = array<i32>} : memref<26048xi32, #tpu.memory_space<vmem>>, vector<16xi32>,
      %bitcast3A_224 = vector.bitcast %get3A_223 : vector<16xi32> to vector<32xbf16>
      %add3A_225 = arith.constant 48 : i32
      %add3A_226 = arith.addi %squeeze3A_147, %add3A_225 : i32
      %get3A_227 = arith.index_cast %add3A_226 : i32 to index
      %get3A_228 = tpu.vector_load %arg5[%get3A_227] {strides = array<i32>} : memref<26048xi32, #tpu.memory_space<vmem>>, vector<16xi32>,
      %bitcast3A_229 = vector.bitcast %get3A_228 : vector<16xi32> to vector<32xbf16>
      %add3A_230 = arith.addf %bitcast3A_224, %bitcast3A_229 : vector<32xbf16>
      %add3A_231 = arith.constant 48 : i32
      %add3A_232 = arith.addi %squeeze3A_149, %add3A_231 : i32
      %get3A_233 = arith.index_cast %add3A_232 : i32 to index
      %get3A_234 = tpu.vector_load %arg5[%get3A_233] {strides = array<i32>} : memref<26048xi32, #tpu.memory_space<vmem>>, vector<16xi32>,
      %bitcast3A_235 = vector.bitcast %get3A_234 : vector<16xi32> to vector<32xbf16>
      %add3A_236 = arith.constant 48 : i32
      %add3A_237 = arith.addi %squeeze3A_151, %add3A_236 : i32
      %get3A_238 = arith.index_cast %add3A_237 : i32 to index
      %get3A_239 = tpu.vector_load %arg5[%get3A_238] {strides = array<i32>} : memref<26048xi32, #tpu.memory_space<vmem>>, vector<16xi32>,
      %bitcast3A_240 = vector.bitcast %get3A_239 : vector<16xi32> to vector<32xbf16>
      %add3A_241 = arith.addf %bitcast3A_235, %bitcast3A_240 : vector<32xbf16>
      %add3A_242 = arith.addf %add3A_230, %add3A_241 : vector<32xbf16>
      %get3A_243 = arith.constant 12484 : index
      %get3A_244 = tpu.vector_load %arg7[%get3A_243] {strides = array<i32>} : memref<12544xi32, #tpu.memory_space<vmem>>, vector<16xi32>,
      %slice3A_245 = vector.extract_strided_slice %get3A_244 {offsets = [0], sizes = [1], strides = [1]} : vector<16xi32> to vector<1xi32>
      %squeeze3A_246 = vector.extract %slice3A_245[0] : i32 from vector<1xi32>
      %slice3A_247 = vector.extract_strided_slice %get3A_244 {offsets = [1], sizes = [1], strides = [1]} : vector<16xi32> to vector<1xi32>
      %squeeze3A_248 = vector.extract %slice3A_247[0] : i32 from vector<1xi32>
      %slice3A_249 = vector.extract_strided_slice %get3A_244 {offsets = [2], sizes = [1], strides = [1]} : vector<16xi32> to vector<1xi32>
      %squeeze3A_250 = vector.extract %slice3A_249[0] : i32 from vector<1xi32>
      %slice3A_251 = vector.extract_strided_slice %get3A_244 {offsets = [3], sizes = [1], strides = [1]} : vector<16xi32> to vector<1xi32>
      %squeeze3A_252 = vector.extract %slice3A_251[0] : i32 from vector<1xi32>
      %add3A_253 = arith.constant 0 : i32
      %add3A_254 = arith.addi %squeeze3A_246, %add3A_253 : i32
      %get3A_255 = arith.index_cast %add3A_254 : i32 to index
      %get3A_256 = tpu.vector_load %arg5[%get3A_255] {strides = array<i32>} : memref<26048xi32, #tpu.memory_space<vmem>>, vector<16xi32>,
      %bitcast3A_257 = vector.bitcast %get3A_256 : vector<16xi32> to vector<32xbf16>
      %add3A_258 = arith.constant 0 : i32
      %add3A_259 = arith.addi %squeeze3A_248, %add3A_258 : i32
      %get3A_260 = arith.index_cast %add3A_259 : i32 to index
      %get3A_261 = tpu.vector_load %arg5[%get3A_260] {strides = array<i32>} : memref<26048xi32, #tpu.memory_space<vmem>>, vector<16xi32>,
      %bitcast3A_262 = vector.bitcast %get3A_261 : vector<16xi32> to vector<32xbf16>
      %add3A_263 = arith.addf %bitcast3A_257, %bitcast3A_262 : vector<32xbf16>
      %add3A_264 = arith.constant 0 : i32
      %add3A_265 = arith.addi %squeeze3A_250, %add3A_264 : i32
      %get3A_266 = arith.index_cast %add3A_265 : i32 to index
      %get3A_267 = tpu.vector_load %arg5[%get3A_266] {strides = array<i32>} : memref<26048xi32, #tpu.memory_space<vmem>>, vector<16xi32>,
      %bitcast3A_268 = vector.bitcast %get3A_267 : vector<16xi32> to vector<32xbf16>
      %add3A_269 = arith.constant 0 : i32
      %add3A_270 = arith.addi %squeeze3A_252, %add3A_269 : i32
      %get3A_271 = arith.index_cast %add3A_270 : i32 to index
      %get3A_272 = tpu.vector_load %arg5[%get3A_271] {strides = array<i32>} : memref<26048xi32, #tpu.memory_space<vmem>>, vector<16xi32>,
      %bitcast3A_273 = vector.bitcast %get3A_272 : vector<16xi32> to vector<32xbf16>
      %add3A_274 = arith.addf %bitcast3A_268, %bitcast3A_273 : vector<32xbf16>
      %add3A_275 = arith.addf %add3A_263, %add3A_274 : vector<32xbf16>
      %add3A_276 = arith.constant 16 : i32
      %add3A_277 = arith.addi %squeeze3A_246, %add3A_276 : i32
      %get3A_278 = arith.index_cast %add3A_277 : i32 to index
      %get3A_279 = tpu.vector_load %arg5[%get3A_278] {strides = array<i32>} : memref<26048xi32, #tpu.memory_space<vmem>>, vector<16xi32>,
      %bitcast3A_280 = vector.bitcast %get3A_279 : vector<16xi32> to vector<32xbf16>
      %add3A_281 = arith.constant 16 : i32
      %add3A_282 = arith.addi %squeeze3A_248, %add3A_281 : i32
      %get3A_283 = arith.index_cast %add3A_282 : i32 to index
      %get3A_284 = tpu.vector_load %arg5[%get3A_283] {strides = array<i32>} : memref<26048xi32, #tpu.memory_space<vmem>>, vector<16xi32>,
      %bitcast3A_285 = vector.bitcast %get3A_284 : vector<16xi32> to vector<32xbf16>
      %add3A_286 = arith.addf %bitcast3A_280, %bitcast3A_285 : vector<32xbf16>
      %add3A_287 = arith.constant 16 : i32
      %add3A_288 = arith.addi %squeeze3A_250, %add3A_287 : i32
      %get3A_289 = arith.index_cast %add3A_288 : i32 to index
      %get3A_290 = tpu.vector_load %arg5[%get3A_289] {strides = array<i32>} : memref<26048xi32, #tpu.memory_space<vmem>>, vector<16xi32>,
      %bitcast3A_291 = vector.bitcast %get3A_290 : vector<16xi32> to vector<32xbf16>
      %add3A_292 = arith.constant 16 : i32
      %add3A_293 = arith.addi %squeeze3A_252, %add3A_292 : i32
      %get3A_294 = arith.index_cast %add3A_293 : i32 to index
      %get3A_295 = tpu.vector_load %arg5[%get3A_294] {strides = array<i32>} : memref<26048xi32, #tpu.memory_space<vmem>>, vector<16xi32>,
      %bitcast3A_296 = vector.bitcast %get3A_295 : vector<16xi32> to vector<32xbf16>
      %add3A_297 = arith.addf %bitcast3A_291, %bitcast3A_296 : vector<32xbf16>
      %add3A_298 = arith.addf %add3A_286, %add3A_297 : vector<32xbf16>
      %add3A_299 = arith.constant 32 : i32
      %add3A_300 = arith.addi %squeeze3A_246, %add3A_299 : i32
      %get3A_301 = arith.index_cast %add3A_300 : i32 to index
      %get3A_302 = tpu.vector_load %arg5[%get3A_301] {strides = array<i32>} : memref<26048xi32, #tpu.memory_space<vmem>>, vector<16xi32>,
      %bitcast3A_303 = vector.bitcast %get3A_302 : vector<16xi32> to vector<32xbf16>
      %add3A_304 = arith.constant 32 : i32
      %add3A_305 = arith.addi %squeeze3A_248, %add3A_304 : i32
      %get3A_306 = arith.index_cast %add3A_305 : i32 to index
      %get3A_307 = tpu.vector_load %arg5[%get3A_306] {strides = array<i32>} : memref<26048xi32, #tpu.memory_space<vmem>>, vector<16xi32>,
      %bitcast3A_308 = vector.bitcast %get3A_307 : vector<16xi32> to vector<32xbf16>
      %add3A_309 = arith.addf %bitcast3A_303, %bitcast3A_308 : vector<32xbf16>
      %add3A_310 = arith.constant 32 : i32
      %add3A_311 = arith.addi %squeeze3A_250, %add3A_310 : i32
      %get3A_312 = arith.index_cast %add3A_311 : i32 to index
      %get3A_313 = tpu.vector_load %arg5[%get3A_312] {strides = array<i32>} : memref<26048xi32, #tpu.memory_space<vmem>>, vector<16xi32>,
      %bitcast3A_314 = vector.bitcast %get3A_313 : vector<16xi32> to vector<32xbf16>
      %add3A_315 = arith.constant 32 : i32
      %add3A_316 = arith.addi %squeeze3A_252, %add3A_315 : i32
      %get3A_317 = arith.index_cast %add3A_316 : i32 to index
      %get3A_318 = tpu.vector_load %arg5[%get3A_317] {strides = array<i32>} : memref<26048xi32, #tpu.memory_space<vmem>>, vector<16xi32>,
      %bitcast3A_319 = vector.bitcast %get3A_318 : vector<16xi32> to vector<32xbf16>
      %add3A_320 = arith.addf %bitcast3A_314, %bitcast3A_319 : vector<32xbf16>
      %add3A_321 = arith.addf %add3A_309, %add3A_320 : vector<32xbf16>
      %add3A_322 = arith.constant 48 : i32
      %add3A_323 = arith.addi %squeeze3A_246, %add3A_322 : i32
      %get3A_324 = arith.index_cast %add3A_323 : i32 to index
      %get3A_325 = tpu.vector_load %arg5[%get3A_324] {strides = array<i32>} : memref<26048xi32, #tpu.memory_space<vmem>>, vector<16xi32>,
      %bitcast3A_326 = vector.bitcast %get3A_325 : vector<16xi32> to vector<32xbf16>
      %add3A_327 = arith.constant 48 : i32
      %add3A_328 = arith.addi %squeeze3A_248, %add3A_327 : i32
      %get3A_329 = arith.index_cast %add3A_328 : i32 to index
      %get3A_330 = tpu.vector_load %arg5[%get3A_329] {strides = array<i32>} : memref<26048xi32, #tpu.memory_space<vmem>>, vector<16xi32>,
      %bitcast3A_331 = vector.bitcast %get3A_330 : vector<16xi32> to vector<32xbf16>
      %add3A_332 = arith.addf %bitcast3A_326, %bitcast3A_331 : vector<32xbf16>
      %add3A_333 = arith.constant 48 : i32
      %add3A_334 = arith.addi %squeeze3A_250, %add3A_333 : i32
      %get3A_335 = arith.index_cast %add3A_334 : i32 to index
      %get3A_336 = tpu.vector_load %arg5[%get3A_335] {strides = array<i32>} : memref<26048xi32, #tpu.memory_space<vmem>>, vector<16xi32>,
      %bitcast3A_337 = vector.bitcast %get3A_336 : vector<16xi32> to vector<32xbf16>
      %add3A_338 = arith.constant 48 : i32
      %add3A_339 = arith.addi %squeeze3A_252, %add3A_338 : i32
      %get3A_340 = arith.index_cast %add3A_339 : i32 to index
      %get3A_341 = tpu.vector_load %arg5[%get3A_340] {strides = array<i32>} : memref<26048xi32, #tpu.memory_space<vmem>>, vector<16xi32>,
      %bitcast3A_342 = vector.bitcast %get3A_341 : vector<16xi32> to vector<32xbf16>
      %add3A_343 = arith.addf %bitcast3A_337, %bitcast3A_342 : vector<32xbf16>
      %add3A_344 = arith.addf %add3A_332, %add3A_343 : vector<32xbf16>
      %get3A_345 = arith.constant 12488 : index
      %get3A_346 = tpu.vector_load %arg7[%get3A_345] {strides = array<i32>} : memref<12544xi32, #tpu.memory_space<vmem>>, vector<16xi32>,
      %slice3A_347 = vector.extract_strided_slice %get3A_346 {offsets = [0], sizes = [1], strides = [1]} : vector<16xi32> to vector<1xi32>
      %squeeze3A_348 = vector.extract %slice3A_347[0] : i32 from vector<1xi32>
      %slice3A_349 = vector.extract_strided_slice %get3A_346 {offsets = [1], sizes = [1], strides = [1]} : vector<16xi32> to vector<1xi32>
      %squeeze3A_350 = vector.extract %slice3A_349[0] : i32 from vector<1xi32>
      %slice3A_351 = vector.extract_strided_slice %get3A_346 {offsets = [2], sizes = [1], strides = [1]} : vector<16xi32> to vector<1xi32>
      %squeeze3A_352 = vector.extract %slice3A_351[0] : i32 from vector<1xi32>
      %slice3A_353 = vector.extract_strided_slice %get3A_346 {offsets = [3], sizes = [1], strides = [1]} : vector<16xi32> to vector<1xi32>
      %squeeze3A_354 = vector.extract %slice3A_353[0] : i32 from vector<1xi32>
      %add3A_355 = arith.constant 0 : i32
      %add3A_356 = arith.addi %squeeze3A_348, %add3A_355 : i32
      %get3A_357 = arith.index_cast %add3A_356 : i32 to index
      %get3A_358 = tpu.vector_load %arg5[%get3A_357] {strides = array<i32>} : memref<26048xi32, #tpu.memory_space<vmem>>, vector<16xi32>,
      %bitcast3A_359 = vector.bitcast %get3A_358 : vector<16xi32> to vector<32xbf16>
      %add3A_360 = arith.constant 0 : i32
      %add3A_361 = arith.addi %squeeze3A_350, %add3A_360 : i32
      %get3A_362 = arith.index_cast %add3A_361 : i32 to index
      %get3A_363 = tpu.vector_load %arg5[%get3A_362] {strides = array<i32>} : memref<26048xi32, #tpu.memory_space<vmem>>, vector<16xi32>,
      %bitcast3A_364 = vector.bitcast %get3A_363 : vector<16xi32> to vector<32xbf16>
      %add3A_365 = arith.addf %bitcast3A_359, %bitcast3A_364 : vector<32xbf16>
      %add3A_366 = arith.constant 0 : i32
      %add3A_367 = arith.addi %squeeze3A_352, %add3A_366 : i32
      %get3A_368 = arith.index_cast %add3A_367 : i32 to index
      %get3A_369 = tpu.vector_load %arg5[%get3A_368] {strides = array<i32>} : memref<26048xi32, #tpu.memory_space<vmem>>, vector<16xi32>,
      %bitcast3A_370 = vector.bitcast %get3A_369 : vector<16xi32> to vector<32xbf16>
      %add3A_371 = arith.constant 0 : i32
      %add3A_372 = arith.addi %squeeze3A_354, %add3A_371 : i32
      %get3A_373 = arith.index_cast %add3A_372 : i32 to index
      %get3A_374 = tpu.vector_load %arg5[%get3A_373] {strides = array<i32>} : memref<26048xi32, #tpu.memory_space<vmem>>, vector<16xi32>,
      %bitcast3A_375 = vector.bitcast %get3A_374 : vector<16xi32> to vector<32xbf16>
      %add3A_376 = arith.addf %bitcast3A_370, %bitcast3A_375 : vector<32xbf16>
      %add3A_377 = arith.addf %add3A_365, %add3A_376 : vector<32xbf16>
      %add3A_378 = arith.constant 16 : i32
      %add3A_379 = arith.addi %squeeze3A_348, %add3A_378 : i32
      %get3A_380 = arith.index_cast %add3A_379 : i32 to index
      %get3A_381 = tpu.vector_load %arg5[%get3A_380] {strides = array<i32>} : memref<26048xi32, #tpu.memory_space<vmem>>, vector<16xi32>,
      %bitcast3A_382 = vector.bitcast %get3A_381 : vector<16xi32> to vector<32xbf16>
      %add3A_383 = arith.constant 16 : i32
      %add3A_384 = arith.addi %squeeze3A_350, %add3A_383 : i32
      %get3A_385 = arith.index_cast %add3A_384 : i32 to index
      %get3A_386 = tpu.vector_load %arg5[%get3A_385] {strides = array<i32>} : memref<26048xi32, #tpu.memory_space<vmem>>, vector<16xi32>,
      %bitcast3A_387 = vector.bitcast %get3A_386 : vector<16xi32> to vector<32xbf16>
      %add3A_388 = arith.addf %bitcast3A_382, %bitcast3A_387 : vector<32xbf16>
      %add3A_389 = arith.constant 16 : i32
      %add3A_390 = arith.addi %squeeze3A_352, %add3A_389 : i32
      %get3A_391 = arith.index_cast %add3A_390 : i32 to index
      %get3A_392 = tpu.vector_load %arg5[%get3A_391] {strides = array<i32>} : memref<26048xi32, #tpu.memory_space<vmem>>, vector<16xi32>,
      %bitcast3A_393 = vector.bitcast %get3A_392 : vector<16xi32> to vector<32xbf16>
      %add3A_394 = arith.constant 16 : i32
      %add3A_395 = arith.addi %squeeze3A_354, %add3A_394 : i32
      %get3A_396 = arith.index_cast %add3A_395 : i32 to index
      %get3A_397 = tpu.vector_load %arg5[%get3A_396] {strides = array<i32>} : memref<26048xi32, #tpu.memory_space<vmem>>, vector<16xi32>,
      %bitcast3A_398 = vector.bitcast %get3A_397 : vector<16xi32> to vector<32xbf16>
      %add3A_399 = arith.addf %bitcast3A_393, %bitcast3A_398 : vector<32xbf16>
      %add3A_400 = arith.addf %add3A_388, %add3A_399 : vector<32xbf16>
      %add3A_401 = arith.constant 32 : i32
      %add3A_402 = arith.addi %squeeze3A_348, %add3A_401 : i32
      %get3A_403 = arith.index_cast %add3A_402 : i32 to index
      %get3A_404 = tpu.vector_load %arg5[%get3A_403] {strides = array<i32>} : memref<26048xi32, #tpu.memory_space<vmem>>, vector<16xi32>,
      %bitcast3A_405 = vector.bitcast %get3A_404 : vector<16xi32> to vector<32xbf16>
      %add3A_406 = arith.constant 32 : i32
      %add3A_407 = arith.addi %squeeze3A_350, %add3A_406 : i32
      %get3A_408 = arith.index_cast %add3A_407 : i32 to index
      %get3A_409 = tpu.vector_load %arg5[%get3A_408] {strides = array<i32>} : memref<26048xi32, #tpu.memory_space<vmem>>, vector<16xi32>,
      %bitcast3A_410 = vector.bitcast %get3A_409 : vector<16xi32> to vector<32xbf16>
      %add3A_411 = arith.addf %bitcast3A_405, %bitcast3A_410 : vector<32xbf16>
      %add3A_412 = arith.constant 32 : i32
      %add3A_413 = arith.addi %squeeze3A_352, %add3A_412 : i32
      %get3A_414 = arith.index_cast %add3A_413 : i32 to index
      %get3A_415 = tpu.vector_load %arg5[%get3A_414] {strides = array<i32>} : memref<26048xi32, #tpu.memory_space<vmem>>, vector<16xi32>,
      %bitcast3A_416 = vector.bitcast %get3A_415 : vector<16xi32> to vector<32xbf16>
      %add3A_417 = arith.constant 32 : i32
      %add3A_418 = arith.addi %squeeze3A_354, %add3A_417 : i32
      %get3A_419 = arith.index_cast %add3A_418 : i32 to index
      %get3A_420 = tpu.vector_load %arg5[%get3A_419] {strides = array<i32>} : memref<26048xi32, #tpu.memory_space<vmem>>, vector<16xi32>,
      %bitcast3A_421 = vector.bitcast %get3A_420 : vector<16xi32> to vector<32xbf16>
      %add3A_422 = arith.addf %bitcast3A_416, %bitcast3A_421 : vector<32xbf16>
      %add3A_423 = arith.addf %add3A_411, %add3A_422 : vector<32xbf16>
      %add3A_424 = arith.constant 48 : i32
      %add3A_425 = arith.addi %squeeze3A_348, %add3A_424 : i32
      %get3A_426 = arith.index_cast %add3A_425 : i32 to index
      %get3A_427 = tpu.vector_load %arg5[%get3A_426] {strides = array<i32>} : memref<26048xi32, #tpu.memory_space<vmem>>, vector<16xi32>,
      %bitcast3A_428 = vector.bitcast %get3A_427 : vector<16xi32> to vector<32xbf16>
      %add3A_429 = arith.constant 48 : i32
      %add3A_430 = arith.addi %squeeze3A_350, %add3A_429 : i32
      %get3A_431 = arith.index_cast %add3A_430 : i32 to index
      %get3A_432 = tpu.vector_load %arg5[%get3A_431] {strides = array<i32>} : memref<26048xi32, #tpu.memory_space<vmem>>, vector<16xi32>,
      %bitcast3A_433 = vector.bitcast %get3A_432 : vector<16xi32> to vector<32xbf16>
      %add3A_434 = arith.addf %bitcast3A_428, %bitcast3A_433 : vector<32xbf16>
      %add3A_435 = arith.constant 48 : i32
      %add3A_436 = arith.addi %squeeze3A_352, %add3A_435 : i32
      %get3A_437 = arith.index_cast %add3A_436 : i32 to index
      %get3A_438 = tpu.vector_load %arg5[%get3A_437] {strides = array<i32>} : memref<26048xi32, #tpu.memory_space<vmem>>, vector<16xi32>,
      %bitcast3A_439 = vector.bitcast %get3A_438 : vector<16xi32> to vector<32xbf16>
      %add3A_440 = arith.constant 48 : i32
      %add3A_441 = arith.addi %squeeze3A_354, %add3A_440 : i32
      %get3A_442 = arith.index_cast %add3A_441 : i32 to index
      %get3A_443 = tpu.vector_load %arg5[%get3A_442] {strides = array<i32>} : memref<26048xi32, #tpu.memory_space<vmem>>, vector<16xi32>,
      %bitcast3A_444 = vector.bitcast %get3A_443 : vector<16xi32> to vector<32xbf16>
      %add3A_445 = arith.addf %bitcast3A_439, %bitcast3A_444 : vector<32xbf16>
      %add3A_446 = arith.addf %add3A_434, %add3A_445 : vector<32xbf16>
      %get3A_447 = arith.constant 12492 : index
      %get3A_448 = tpu.vector_load %arg7[%get3A_447] {strides = array<i32>} : memref<12544xi32, #tpu.memory_space<vmem>>, vector<16xi32>,
      %slice3A_449 = vector.extract_strided_slice %get3A_448 {offsets = [0], sizes = [1], strides = [1]} : vector<16xi32> to vector<1xi32>
      %squeeze3A_450 = vector.extract %slice3A_449[0] : i32 from vector<1xi32>
      %slice3A_451 = vector.extract_strided_slice %get3A_448 {offsets = [1], sizes = [1], strides = [1]} : vector<16xi32> to vector<1xi32>
      %squeeze3A_452 = vector.extract %slice3A_451[0] : i32 from vector<1xi32>
      %slice3A_453 = vector.extract_strided_slice %get3A_448 {offsets = [2], sizes = [1], strides = [1]} : vector<16xi32> to vector<1xi32>
      %squeeze3A_454 = vector.extract %slice3A_453[0] : i32 from vector<1xi32>
      %slice3A_455 = vector.extract_strided_slice %get3A_448 {offsets = [3], sizes = [1], strides = [1]} : vector<16xi32> to vector<1xi32>
      %squeeze3A_456 = vector.extract %slice3A_455[0] : i32 from vector<1xi32>
      %add3A_457 = arith.constant 0 : i32
      %add3A_458 = arith.addi %squeeze3A_450, %add3A_457 : i32
      %get3A_459 = arith.index_cast %add3A_458 : i32 to index
      %get3A_460 = tpu.vector_load %arg5[%get3A_459] {strides = array<i32>} : memref<26048xi32, #tpu.memory_space<vmem>>, vector<16xi32>,
      %bitcast3A_461 = vector.bitcast %get3A_460 : vector<16xi32> to vector<32xbf16>
      %add3A_462 = arith.constant 0 : i32
      %add3A_463 = arith.addi %squeeze3A_452, %add3A_462 : i32
      %get3A_464 = arith.index_cast %add3A_463 : i32 to index
      %get3A_465 = tpu.vector_load %arg5[%get3A_464] {strides = array<i32>} : memref<26048xi32, #tpu.memory_space<vmem>>, vector<16xi32>,
      %bitcast3A_466 = vector.bitcast %get3A_465 : vector<16xi32> to vector<32xbf16>
      %add3A_467 = arith.addf %bitcast3A_461, %bitcast3A_466 : vector<32xbf16>
      %add3A_468 = arith.constant 0 : i32
      %add3A_469 = arith.addi %squeeze3A_454, %add3A_468 : i32
      %get3A_470 = arith.index_cast %add3A_469 : i32 to index
      %get3A_471 = tpu.vector_load %arg5[%get3A_470] {strides = array<i32>} : memref<26048xi32, #tpu.memory_space<vmem>>, vector<16xi32>,
      %bitcast3A_472 = vector.bitcast %get3A_471 : vector<16xi32> to vector<32xbf16>
      %add3A_473 = arith.constant 0 : i32
      %add3A_474 = arith.addi %squeeze3A_456, %add3A_473 : i32
      %get3A_475 = arith.index_cast %add3A_474 : i32 to index
      %get3A_476 = tpu.vector_load %arg5[%get3A_475] {strides = array<i32>} : memref<26048xi32, #tpu.memory_space<vmem>>, vector<16xi32>,
      %bitcast3A_477 = vector.bitcast %get3A_476 : vector<16xi32> to vector<32xbf16>
      %add3A_478 = arith.addf %bitcast3A_472, %bitcast3A_477 : vector<32xbf16>
      %add3A_479 = arith.addf %add3A_467, %add3A_478 : vector<32xbf16>
      %add3A_480 = arith.constant 16 : i32
      %add3A_481 = arith.addi %squeeze3A_450, %add3A_480 : i32
      %get3A_482 = arith.index_cast %add3A_481 : i32 to index
      %get3A_483 = tpu.vector_load %arg5[%get3A_482] {strides = array<i32>} : memref<26048xi32, #tpu.memory_space<vmem>>, vector<16xi32>,
      %bitcast3A_484 = vector.bitcast %get3A_483 : vector<16xi32> to vector<32xbf16>
      %add3A_485 = arith.constant 16 : i32
      %add3A_486 = arith.addi %squeeze3A_452, %add3A_485 : i32
      %get3A_487 = arith.index_cast %add3A_486 : i32 to index
      %get3A_488 = tpu.vector_load %arg5[%get3A_487] {strides = array<i32>} : memref<26048xi32, #tpu.memory_space<vmem>>, vector<16xi32>,
      %bitcast3A_489 = vector.bitcast %get3A_488 : vector<16xi32> to vector<32xbf16>
      %add3A_490 = arith.addf %bitcast3A_484, %bitcast3A_489 : vector<32xbf16>
      %add3A_491 = arith.constant 16 : i32
      %add3A_492 = arith.addi %squeeze3A_454, %add3A_491 : i32
      %get3A_493 = arith.index_cast %add3A_492 : i32 to index
      %get3A_494 = tpu.vector_load %arg5[%get3A_493] {strides = array<i32>} : memref<26048xi32, #tpu.memory_space<vmem>>, vector<16xi32>,
      %bitcast3A_495 = vector.bitcast %get3A_494 : vector<16xi32> to vector<32xbf16>
      %add3A_496 = arith.constant 16 : i32
      %add3A_497 = arith.addi %squeeze3A_456, %add3A_496 : i32
      %get3A_498 = arith.index_cast %add3A_497 : i32 to index
      %get3A_499 = tpu.vector_load %arg5[%get3A_498] {strides = array<i32>} : memref<26048xi32, #tpu.memory_space<vmem>>, vector<16xi32>,
      %bitcast3A_500 = vector.bitcast %get3A_499 : vector<16xi32> to vector<32xbf16>
      %add3A_501 = arith.addf %bitcast3A_495, %bitcast3A_500 : vector<32xbf16>
      %add3A_502 = arith.addf %add3A_490, %add3A_501 : vector<32xbf16>
      %add3A_503 = arith.constant 32 : i32
      %add3A_504 = arith.addi %squeeze3A_450, %add3A_503 : i32
      %get3A_505 = arith.index_cast %add3A_504 : i32 to index
      %get3A_506 = tpu.vector_load %arg5[%get3A_505] {strides = array<i32>} : memref<26048xi32, #tpu.memory_space<vmem>>, vector<16xi32>,
      %bitcast3A_507 = vector.bitcast %get3A_506 : vector<16xi32> to vector<32xbf16>
      %add3A_508 = arith.constant 32 : i32
      %add3A_509 = arith.addi %squeeze3A_452, %add3A_508 : i32
      %get3A_510 = arith.index_cast %add3A_509 : i32 to index
      %get3A_511 = tpu.vector_load %arg5[%get3A_510] {strides = array<i32>} : memref<26048xi32, #tpu.memory_space<vmem>>, vector<16xi32>,
      %bitcast3A_512 = vector.bitcast %get3A_511 : vector<16xi32> to vector<32xbf16>
      %add3A_513 = arith.addf %bitcast3A_507, %bitcast3A_512 : vector<32xbf16>
      %add3A_514 = arith.constant 32 : i32
      %add3A_515 = arith.addi %squeeze3A_454, %add3A_514 : i32
      %get3A_516 = arith.index_cast %add3A_515 : i32 to index
      %get3A_517 = tpu.vector_load %arg5[%get3A_516] {strides = array<i32>} : memref<26048xi32, #tpu.memory_space<vmem>>, vector<16xi32>,
      %bitcast3A_518 = vector.bitcast %get3A_517 : vector<16xi32> to vector<32xbf16>
      %add3A_519 = arith.constant 32 : i32
      %add3A_520 = arith.addi %squeeze3A_456, %add3A_519 : i32
      %get3A_521 = arith.index_cast %add3A_520 : i32 to index
      %get3A_522 = tpu.vector_load %arg5[%get3A_521] {strides = array<i32>} : memref<26048xi32, #tpu.memory_space<vmem>>, vector<16xi32>,
      %bitcast3A_523 = vector.bitcast %get3A_522 : vector<16xi32> to vector<32xbf16>
      %add3A_524 = arith.addf %bitcast3A_518, %bitcast3A_523 : vector<32xbf16>
      %add3A_525 = arith.addf %add3A_513, %add3A_524 : vector<32xbf16>
      %add3A_526 = arith.constant 48 : i32
      %add3A_527 = arith.addi %squeeze3A_450, %add3A_526 : i32
      %get3A_528 = arith.index_cast %add3A_527 : i32 to index
      %get3A_529 = tpu.vector_load %arg5[%get3A_528] {strides = array<i32>} : memref<26048xi32, #tpu.memory_space<vmem>>, vector<16xi32>,
      %bitcast3A_530 = vector.bitcast %get3A_529 : vector<16xi32> to vector<32xbf16>
      %add3A_531 = arith.constant 48 : i32
      %add3A_532 = arith.addi %squeeze3A_452, %add3A_531 : i32
      %get3A_533 = arith.index_cast %add3A_532 : i32 to index
      %get3A_534 = tpu.vector_load %arg5[%get3A_533] {strides = array<i32>} : memref<26048xi32, #tpu.memory_space<vmem>>, vector<16xi32>,
      %bitcast3A_535 = vector.bitcast %get3A_534 : vector<16xi32> to vector<32xbf16>
      %add3A_536 = arith.addf %bitcast3A_530, %bitcast3A_535 : vector<32xbf16>
      %add3A_537 = arith.constant 48 : i32
      %add3A_538 = arith.addi %squeeze3A_454, %add3A_537 : i32
      %get3A_539 = arith.index_cast %add3A_538 : i32 to index
      %get3A_540 = tpu.vector_load %arg5[%get3A_539] {strides = array<i32>} : memref<26048xi32, #tpu.memory_space<vmem>>, vector<16xi32>,
      %bitcast3A_541 = vector.bitcast %get3A_540 : vector<16xi32> to vector<32xbf16>
      %add3A_542 = arith.constant 48 : i32
      %add3A_543 = arith.addi %squeeze3A_456, %add3A_542 : i32
      %get3A_544 = arith.index_cast %add3A_543 : i32 to index
      %get3A_545 = tpu.vector_load %arg5[%get3A_544] {strides = array<i32>} : memref<26048xi32, #tpu.memory_space<vmem>>, vector<16xi32>,
      %bitcast3A_546 = vector.bitcast %get3A_545 : vector<16xi32> to vector<32xbf16>
      %add3A_547 = arith.addf %bitcast3A_541, %bitcast3A_546 : vector<32xbf16>
      %add3A_548 = arith.addf %add3A_536, %add3A_547 : vector<32xbf16>
      %unpack3A = tpu.unpack_subelements %add3A_173, 0 {pack_format = #tpu.pack_format<interleaved>} : vector<32xbf16> -> vector<16xf32>
      %unpack3A_549 = tpu.unpack_subelements %add3A_173, 1 {pack_format = #tpu.pack_format<interleaved>} : vector<32xbf16> -> vector<16xf32>
      %swap3A = arith.constant 0 : i32
      %swap3A_550 = arith.index_cast %swap3A : i32 to index
      %swap3A_551 = arith.constant 0 : index
      %swap3A_552 = tpu.vector_load %arg8[%swap3A_550, %swap3A_551] {strides = array<i32>} : memref<120x128xf32, #tpu.memory_space<vmem>>, vector<16xf32>,
      tpu.vector_store %arg8[%swap3A_550, %swap3A_551], %unpack3A {strides = array<i32>} : memref<120x128xf32, #tpu.memory_space<vmem>>, vector<16xf32>,
      %swap3A_553 = arith.constant 0 : i32
      %swap3A_554 = arith.index_cast %swap3A_553 : i32 to index
      %swap3A_555 = arith.constant 16 : index
      %swap3A_556 = tpu.vector_load %arg8[%swap3A_554, %swap3A_555] {strides = array<i32>} : memref<120x128xf32, #tpu.memory_space<vmem>>, vector<16xf32>,
      tpu.vector_store %arg8[%swap3A_554, %swap3A_555], %unpack3A_549 {strides = array<i32>} : memref<120x128xf32, #tpu.memory_space<vmem>>, vector<16xf32>,
      %unpack3A_557 = tpu.unpack_subelements %add3A_196, 0 {pack_format = #tpu.pack_format<interleaved>} : vector<32xbf16> -> vector<16xf32>
      %unpack3A_558 = tpu.unpack_subelements %add3A_196, 1 {pack_format = #tpu.pack_format<interleaved>} : vector<32xbf16> -> vector<16xf32>
      %swap3A_559 = arith.constant 0 : i32
      %swap3A_560 = arith.index_cast %swap3A_559 : i32 to index
      %swap3A_561 = arith.constant 32 : index
      %swap3A_562 = tpu.vector_load %arg8[%swap3A_560, %swap3A_561] {strides = array<i32>} : memref<120x128xf32, #tpu.memory_space<vmem>>, vector<16xf32>,
      tpu.vector_store %arg8[%swap3A_560, %swap3A_561], %unpack3A_557 {strides = array<i32>} : memref<120x128xf32, #tpu.memory_space<vmem>>, vector<16xf32>,
      %swap3A_563 = arith.constant 0 : i32
      %swap3A_564 = arith.index_cast %swap3A_563 : i32 to index
      %swap3A_565 = arith.constant 48 : index
      %swap3A_566 = tpu.vector_load %arg8[%swap3A_564, %swap3A_565] {strides = array<i32>} : memref<120x128xf32, #tpu.memory_space<vmem>>, vector<16xf32>,
      tpu.vector_store %arg8[%swap3A_564, %swap3A_565], %unpack3A_558 {strides = array<i32>} : memref<120x128xf32, #tpu.memory_space<vmem>>, vector<16xf32>,
      %unpack3A_567 = tpu.unpack_subelements %add3A_219, 0 {pack_format = #tpu.pack_format<interleaved>} : vector<32xbf16> -> vector<16xf32>
      %unpack3A_568 = tpu.unpack_subelements %add3A_219, 1 {pack_format = #tpu.pack_format<interleaved>} : vector<32xbf16> -> vector<16xf32>
      %swap3A_569 = arith.constant 0 : i32
      %swap3A_570 = arith.index_cast %swap3A_569 : i32 to index
      %swap3A_571 = arith.constant 64 : index
      %swap3A_572 = tpu.vector_load %arg8[%swap3A_570, %swap3A_571] {strides = array<i32>} : memref<120x128xf32, #tpu.memory_space<vmem>>, vector<16xf32>,
      tpu.vector_store %arg8[%swap3A_570, %swap3A_571], %unpack3A_567 {strides = array<i32>} : memref<120x128xf32, #tpu.memory_space<vmem>>, vector<16xf32>,
      %swap3A_573 = arith.constant 0 : i32
      %swap3A_574 = arith.index_cast %swap3A_573 : i32 to index
      %swap3A_575 = arith.constant 80 : index
      %swap3A_576 = tpu.vector_load %arg8[%swap3A_574, %swap3A_575] {strides = array<i32>} : memref<120x128xf32, #tpu.memory_space<vmem>>, vector<16xf32>,
      tpu.vector_store %arg8[%swap3A_574, %swap3A_575], %unpack3A_568 {strides = array<i32>} : memref<120x128xf32, #tpu.memory_space<vmem>>, vector<16xf32>,
      %unpack3A_577 = tpu.unpack_subelements %add3A_242, 0 {pack_format = #tpu.pack_format<interleaved>} : vector<32xbf16> -> vector<16xf32>
      %unpack3A_578 = tpu.unpack_subelements %add3A_242, 1 {pack_format = #tpu.pack_format<interleaved>} : vector<32xbf16> -> vector<16xf32>
      %swap3A_579 = arith.constant 0 : i32
      %swap3A_580 = arith.index_cast %swap3A_579 : i32 to index
      %swap3A_581 = arith.constant 96 : index
      %swap3A_582 = tpu.vector_load %arg8[%swap3A_580, %swap3A_581] {strides = array<i32>} : memref<120x128xf32, #tpu.memory_space<vmem>>, vector<16xf32>,
      tpu.vector_store %arg8[%swap3A_580, %swap3A_581], %unpack3A_577 {strides = array<i32>} : memref<120x128xf32, #tpu.memory_space<vmem>>, vector<16xf32>,
      %swap3A_583 = arith.constant 0 : i32
      %swap3A_584 = arith.index_cast %swap3A_583 : i32 to index
      %swap3A_585 = arith.constant 112 : index
      %swap3A_586 = tpu.vector_load %arg8[%swap3A_584, %swap3A_585] {strides = array<i32>} : memref<120x128xf32, #tpu.memory_space<vmem>>, vector<16xf32>,
      tpu.vector_store %arg8[%swap3A_584, %swap3A_585], %unpack3A_578 {strides = array<i32>} : memref<120x128xf32, #tpu.memory_space<vmem>>, vector<16xf32>,
      %unpack3A_587 = tpu.unpack_subelements %add3A_275, 0 {pack_format = #tpu.pack_format<interleaved>} : vector<32xbf16> -> vector<16xf32>
      %unpack3A_588 = tpu.unpack_subelements %add3A_275, 1 {pack_format = #tpu.pack_format<interleaved>} : vector<32xbf16> -> vector<16xf32>
      %swap3A_589 = arith.constant 1 : i32
      %swap3A_590 = arith.index_cast %swap3A_589 : i32 to index
      %swap3A_591 = arith.constant 0 : index
      %swap3A_592 = tpu.vector_load %arg8[%swap3A_590, %swap3A_591] {strides = array<i32>} : memref<120x128xf32, #tpu.memory_space<vmem>>, vector<16xf32>,
      tpu.vector_store %arg8[%swap3A_590, %swap3A_591], %unpack3A_587 {strides = array<i32>} : memref<120x128xf32, #tpu.memory_space<vmem>>, vector<16xf32>,
      %swap3A_593 = arith.constant 1 : i32
      %swap3A_594 = arith.index_cast %swap3A_593 : i32 to index
      %swap3A_595 = arith.constant 16 : index
      %swap3A_596 = tpu.vector_load %arg8[%swap3A_594, %swap3A_595] {strides = array<i32>} : memref<120x128xf32, #tpu.memory_space<vmem>>, vector<16xf32>,
      tpu.vector_store %arg8[%swap3A_594, %swap3A_595], %unpack3A_588 {strides = array<i32>} : memref<120x128xf32, #tpu.memory_space<vmem>>, vector<16xf32>,
      %unpack3A_597 = tpu.unpack_subelements %add3A_298, 0 {pack_format = #tpu.pack_format<interleaved>} : vector<32xbf16> -> vector<16xf32>
      %unpack3A_598 = tpu.unpack_subelements %add3A_298, 1 {pack_format = #tpu.pack_format<interleaved>} : vector<32xbf16> -> vector<16xf32>
      %swap3A_599 = arith.constant 1 : i32
      %swap3A_600 = arith.index_cast %swap3A_599 : i32 to index
      %swap3A_601 = arith.constant 32 : index
      %swap3A_602 = tpu.vector_load %arg8[%swap3A_600, %swap3A_601] {strides = array<i32>} : memref<120x128xf32, #tpu.memory_space<vmem>>, vector<16xf32>,
      tpu.vector_store %arg8[%swap3A_600, %swap3A_601], %unpack3A_597 {strides = array<i32>} : memref<120x128xf32, #tpu.memory_space<vmem>>, vector<16xf32>,
      %swap3A_603 = arith.constant 1 : i32
      %swap3A_604 = arith.index_cast %swap3A_603 : i32 to index
      %swap3A_605 = arith.constant 48 : index
      %swap3A_606 = tpu.vector_load %arg8[%swap3A_604, %swap3A_605] {strides = array<i32>} : memref<120x128xf32, #tpu.memory_space<vmem>>, vector<16xf32>,
      tpu.vector_store %arg8[%swap3A_604, %swap3A_605], %unpack3A_598 {strides = array<i32>} : memref<120x128xf32, #tpu.memory_space<vmem>>, vector<16xf32>,
      %unpack3A_607 = tpu.unpack_subelements %add3A_321, 0 {pack_format = #tpu.pack_format<interleaved>} : vector<32xbf16> -> vector<16xf32>
      %unpack3A_608 = tpu.unpack_subelements %add3A_321, 1 {pack_format = #tpu.pack_format<interleaved>} : vector<32xbf16> -> vector<16xf32>
      %swap3A_609 = arith.constant 1 : i32
      %swap3A_610 = arith.index_cast %swap3A_609 : i32 to index
      %swap3A_611 = arith.constant 64 : index
      %swap3A_612 = tpu.vector_load %arg8[%swap3A_610, %swap3A_611] {strides = array<i32>} : memref<120x128xf32, #tpu.memory_space<vmem>>, vector<16xf32>,
      tpu.vector_store %arg8[%swap3A_610, %swap3A_611], %unpack3A_607 {strides = array<i32>} : memref<120x128xf32, #tpu.memory_space<vmem>>, vector<16xf32>,
      %swap3A_613 = arith.constant 1 : i32
      %swap3A_614 = arith.index_cast %swap3A_613 : i32 to index
      %swap3A_615 = arith.constant 80 : index
      %swap3A_616 = tpu.vector_load %arg8[%swap3A_614, %swap3A_615] {strides = array<i32>} : memref<120x128xf32, #tpu.memory_space<vmem>>, vector<16xf32>,
      tpu.vector_store %arg8[%swap3A_614, %swap3A_615], %unpack3A_608 {strides = array<i32>} : memref<120x128xf32, #tpu.memory_space<vmem>>, vector<16xf32>,
      %unpack3A_617 = tpu.unpack_subelements %add3A_344, 0 {pack_format = #tpu.pack_format<interleaved>} : vector<32xbf16> -> vector<16xf32>
      %unpack3A_618 = tpu.unpack_subelements %add3A_344, 1 {pack_format = #tpu.pack_format<interleaved>} : vector<32xbf16> -> vector<16xf32>
      %swap3A_619 = arith.constant 1 : i32
      %swap3A_620 = arith.index_cast %swap3A_619 : i32 to index
      %swap3A_621 = arith.constant 96 : index
      %swap3A_622 = tpu.vector_load %arg8[%swap3A_620, %swap3A_621] {strides = array<i32>} : memref<120x128xf32, #tpu.memory_space<vmem>>, vector<16xf32>,
      tpu.vector_store %arg8[%swap3A_620, %swap3A_621], %unpack3A_617 {strides = array<i32>} : memref<120x128xf32, #tpu.memory_space<vmem>>, vector<16xf32>,
      %swap3A_623 = arith.constant 1 : i32
      %swap3A_624 = arith.index_cast %swap3A_623 : i32 to index
      %swap3A_625 = arith.constant 112 : index
      %swap3A_626 = tpu.vector_load %arg8[%swap3A_624, %swap3A_625] {strides = array<i32>} : memref<120x128xf32, #tpu.memory_space<vmem>>, vector<16xf32>,
      tpu.vector_store %arg8[%swap3A_624, %swap3A_625], %unpack3A_618 {strides = array<i32>} : memref<120x128xf32, #tpu.memory_space<vmem>>, vector<16xf32>,
      %unpack3A_627 = tpu.unpack_subelements %add3A_377, 0 {pack_format = #tpu.pack_format<interleaved>} : vector<32xbf16> -> vector<16xf32>
      %unpack3A_628 = tpu.unpack_subelements %add3A_377, 1 {pack_format = #tpu.pack_format<interleaved>} : vector<32xbf16> -> vector<16xf32>
      %swap3A_629 = arith.constant 2 : i32
      %swap3A_630 = arith.index_cast %swap3A_629 : i32 to index
      %swap3A_631 = arith.constant 0 : index
      %swap3A_632 = tpu.vector_load %arg8[%swap3A_630, %swap3A_631] {strides = array<i32>} : memref<120x128xf32, #tpu.memory_space<vmem>>, vector<16xf32>,
      tpu.vector_store %arg8[%swap3A_630, %swap3A_631], %unpack3A_627 {strides = array<i32>} : memref<120x128xf32, #tpu.memory_space<vmem>>, vector<16xf32>,
      %swap3A_633 = arith.constant 2 : i32
      %swap3A_634 = arith.index_cast %swap3A_633 : i32 to index
      %swap3A_635 = arith.constant 16 : index
      %swap3A_636 = tpu.vector_load %arg8[%swap3A_634, %swap3A_635] {strides = array<i32>} : memref<120x128xf32, #tpu.memory_space<vmem>>, vector<16xf32>,
      tpu.vector_store %arg8[%swap3A_634, %swap3A_635], %unpack3A_628 {strides = array<i32>} : memref<120x128xf32, #tpu.memory_space<vmem>>, vector<16xf32>,
      %unpack3A_637 = tpu.unpack_subelements %add3A_400, 0 {pack_format = #tpu.pack_format<interleaved>} : vector<32xbf16> -> vector<16xf32>
      %unpack3A_638 = tpu.unpack_subelements %add3A_400, 1 {pack_format = #tpu.pack_format<interleaved>} : vector<32xbf16> -> vector<16xf32>
      %swap3A_639 = arith.constant 2 : i32
      %swap3A_640 = arith.index_cast %swap3A_639 : i32 to index
      %swap3A_641 = arith.constant 32 : index
      %swap3A_642 = tpu.vector_load %arg8[%swap3A_640, %swap3A_641] {strides = array<i32>} : memref<120x128xf32, #tpu.memory_space<vmem>>, vector<16xf32>,
      tpu.vector_store %arg8[%swap3A_640, %swap3A_641], %unpack3A_637 {strides = array<i32>} : memref<120x128xf32, #tpu.memory_space<vmem>>, vector<16xf32>,
      %swap3A_643 = arith.constant 2 : i32
      %swap3A_644 = arith.index_cast %swap3A_643 : i32 to index
      %swap3A_645 = arith.constant 48 : index
      %swap3A_646 = tpu.vector_load %arg8[%swap3A_644, %swap3A_645] {strides = array<i32>} : memref<120x128xf32, #tpu.memory_space<vmem>>, vector<16xf32>,
      tpu.vector_store %arg8[%swap3A_644, %swap3A_645], %unpack3A_638 {strides = array<i32>} : memref<120x128xf32, #tpu.memory_space<vmem>>, vector<16xf32>,
      %unpack3A_647 = tpu.unpack_subelements %add3A_423, 0 {pack_format = #tpu.pack_format<interleaved>} : vector<32xbf16> -> vector<16xf32>
      %unpack3A_648 = tpu.unpack_subelements %add3A_423, 1 {pack_format = #tpu.pack_format<interleaved>} : vector<32xbf16> -> vector<16xf32>
      %swap3A_649 = arith.constant 2 : i32
      %swap3A_650 = arith.index_cast %swap3A_649 : i32 to index
      %swap3A_651 = arith.constant 64 : index
      %swap3A_652 = tpu.vector_load %arg8[%swap3A_650, %swap3A_651] {strides = array<i32>} : memref<120x128xf32, #tpu.memory_space<vmem>>, vector<16xf32>,
      tpu.vector_store %arg8[%swap3A_650, %swap3A_651], %unpack3A_647 {strides = array<i32>} : memref<120x128xf32, #tpu.memory_space<vmem>>, vector<16xf32>,
      %swap3A_653 = arith.constant 2 : i32
      %swap3A_654 = arith.index_cast %swap3A_653 : i32 to index
      %swap3A_655 = arith.constant 80 : index
      %swap3A_656 = tpu.vector_load %arg8[%swap3A_654, %swap3A_655] {strides = array<i32>} : memref<120x128xf32, #tpu.memory_space<vmem>>, vector<16xf32>,
      tpu.vector_store %arg8[%swap3A_654, %swap3A_655], %unpack3A_648 {strides = array<i32>} : memref<120x128xf32, #tpu.memory_space<vmem>>, vector<16xf32>,
      %unpack3A_657 = tpu.unpack_subelements %add3A_446, 0 {pack_format = #tpu.pack_format<interleaved>} : vector<32xbf16> -> vector<16xf32>
      %unpack3A_658 = tpu.unpack_subelements %add3A_446, 1 {pack_format = #tpu.pack_format<interleaved>} : vector<32xbf16> -> vector<16xf32>
      %swap3A_659 = arith.constant 2 : i32
      %swap3A_660 = arith.index_cast %swap3A_659 : i32 to index
      %swap3A_661 = arith.constant 96 : index
      %swap3A_662 = tpu.vector_load %arg8[%swap3A_660, %swap3A_661] {strides = array<i32>} : memref<120x128xf32, #tpu.memory_space<vmem>>, vector<16xf32>,
      tpu.vector_store %arg8[%swap3A_660, %swap3A_661], %unpack3A_657 {strides = array<i32>} : memref<120x128xf32, #tpu.memory_space<vmem>>, vector<16xf32>,
      %swap3A_663 = arith.constant 2 : i32
      %swap3A_664 = arith.index_cast %swap3A_663 : i32 to index
      %swap3A_665 = arith.constant 112 : index
      %swap3A_666 = tpu.vector_load %arg8[%swap3A_664, %swap3A_665] {strides = array<i32>} : memref<120x128xf32, #tpu.memory_space<vmem>>, vector<16xf32>,
      tpu.vector_store %arg8[%swap3A_664, %swap3A_665], %unpack3A_658 {strides = array<i32>} : memref<120x128xf32, #tpu.memory_space<vmem>>, vector<16xf32>,
      %unpack3A_667 = tpu.unpack_subelements %add3A_479, 0 {pack_format = #tpu.pack_format<interleaved>} : vector<32xbf16> -> vector<16xf32>
      %unpack3A_668 = tpu.unpack_subelements %add3A_479, 1 {pack_format = #tpu.pack_format<interleaved>} : vector<32xbf16> -> vector<16xf32>
      %swap3A_669 = arith.constant 3 : i32
      %swap3A_670 = arith.index_cast %swap3A_669 : i32 to index
      %swap3A_671 = arith.constant 0 : index
      %swap3A_672 = tpu.vector_load %arg8[%swap3A_670, %swap3A_671] {strides = array<i32>} : memref<120x128xf32, #tpu.memory_space<vmem>>, vector<16xf32>,
      tpu.vector_store %arg8[%swap3A_670, %swap3A_671], %unpack3A_667 {strides = array<i32>} : memref<120x128xf32, #tpu.memory_space<vmem>>, vector<16xf32>,
      %swap3A_673 = arith.constant 3 : i32
      %swap3A_674 = arith.index_cast %swap3A_673 : i32 to index
      %swap3A_675 = arith.constant 16 : index
      %swap3A_676 = tpu.vector_load %arg8[%swap3A_674, %swap3A_675] {strides = array<i32>} : memref<120x128xf32, #tpu.memory_space<vmem>>, vector<16xf32>,
      tpu.vector_store %arg8[%swap3A_674, %swap3A_675], %unpack3A_668 {strides = array<i32>} : memref<120x128xf32, #tpu.memory_space<vmem>>, vector<16xf32>,
      %unpack3A_677 = tpu.unpack_subelements %add3A_502, 0 {pack_format = #tpu.pack_format<interleaved>} : vector<32xbf16> -> vector<16xf32>
      %unpack3A_678 = tpu.unpack_subelements %add3A_502, 1 {pack_format = #tpu.pack_format<interleaved>} : vector<32xbf16> -> vector<16xf32>
      %swap3A_679 = arith.constant 3 : i32
      %swap3A_680 = arith.index_cast %swap3A_679 : i32 to index
      %swap3A_681 = arith.constant 32 : index
      %swap3A_682 = tpu.vector_load %arg8[%swap3A_680, %swap3A_681] {strides = array<i32>} : memref<120x128xf32, #tpu.memory_space<vmem>>, vector<16xf32>,
      tpu.vector_store %arg8[%swap3A_680, %swap3A_681], %unpack3A_677 {strides = array<i32>} : memref<120x128xf32, #tpu.memory_space<vmem>>, vector<16xf32>,
      %swap3A_683 = arith.constant 3 : i32
      %swap3A_684 = arith.index_cast %swap3A_683 : i32 to index
      %swap3A_685 = arith.constant 48 : index
      %swap3A_686 = tpu.vector_load %arg8[%swap3A_684, %swap3A_685] {strides = array<i32>} : memref<120x128xf32, #tpu.memory_space<vmem>>, vector<16xf32>,
      tpu.vector_store %arg8[%swap3A_684, %swap3A_685], %unpack3A_678 {strides = array<i32>} : memref<120x128xf32, #tpu.memory_space<vmem>>, vector<16xf32>,
      %unpack3A_687 = tpu.unpack_subelements %add3A_525, 0 {pack_format = #tpu.pack_format<interleaved>} : vector<32xbf16> -> vector<16xf32>
      %unpack3A_688 = tpu.unpack_subelements %add3A_525, 1 {pack_format = #tpu.pack_format<interleaved>} : vector<32xbf16> -> vector<16xf32>
      %swap3A_689 = arith.constant 3 : i32
      %swap3A_690 = arith.index_cast %swap3A_689 : i32 to index
      %swap3A_691 = arith.constant 64 : index
      %swap3A_692 = tpu.vector_load %arg8[%swap3A_690, %swap3A_691] {strides = array<i32>} : memref<120x128xf32, #tpu.memory_space<vmem>>, vector<16xf32>,
      tpu.vector_store %arg8[%swap3A_690, %swap3A_691], %unpack3A_687 {strides = array<i32>} : memref<120x128xf32, #tpu.memory_space<vmem>>, vector<16xf32>,
      %swap3A_693 = arith.constant 3 : i32
      %swap3A_694 = arith.index_cast %swap3A_693 : i32 to index
      %swap3A_695 = arith.constant 80 : index
      %swap3A_696 = tpu.vector_load %arg8[%swap3A_694, %swap3A_695] {strides = array<i32>} : memref<120x128xf32, #tpu.memory_space<vmem>>, vector<16xf32>,
      tpu.vector_store %arg8[%swap3A_694, %swap3A_695], %unpack3A_688 {strides = array<i32>} : memref<120x128xf32, #tpu.memory_space<vmem>>, vector<16xf32>,
      %unpack3A_697 = tpu.unpack_subelements %add3A_548, 0 {pack_format = #tpu.pack_format<interleaved>} : vector<32xbf16> -> vector<16xf32>
      %unpack3A_698 = tpu.unpack_subelements %add3A_548, 1 {pack_format = #tpu.pack_format<interleaved>} : vector<32xbf16> -> vector<16xf32>
      %swap3A_699 = arith.constant 3 : i32
      %swap3A_700 = arith.index_cast %swap3A_699 : i32 to index
      %swap3A_701 = arith.constant 96 : index
      %swap3A_702 = tpu.vector_load %arg8[%swap3A_700, %swap3A_701] {strides = array<i32>} : memref<120x128xf32, #tpu.memory_space<vmem>>, vector<16xf32>,
      tpu.vector_store %arg8[%swap3A_700, %swap3A_701], %unpack3A_697 {strides = array<i32>} : memref<120x128xf32, #tpu.memory_space<vmem>>, vector<16xf32>,
      %swap3A_703 = arith.constant 3 : i32
      %swap3A_704 = arith.index_cast %swap3A_703 : i32 to index
      %swap3A_705 = arith.constant 112 : index
      %swap3A_706 = tpu.vector_load %arg8[%swap3A_704, %swap3A_705] {strides = array<i32>} : memref<120x128xf32, #tpu.memory_space<vmem>>, vector<16xf32>,
      tpu.vector_store %arg8[%swap3A_704, %swap3A_705], %unpack3A_698 {strides = array<i32>} : memref<120x128xf32, #tpu.memory_space<vmem>>, vector<16xf32>,
      %get3A_707 = arith.constant 12496 : index
      %get3A_708 = tpu.vector_load %arg7[%get3A_707] {strides = array<i32>} : memref<12544xi32, #tpu.memory_space<vmem>>, vector<16xi32>,
      %slice3A_709 = vector.extract_strided_slice %get3A_708 {offsets = [0], sizes = [1], strides = [1]} : vector<16xi32> to vector<1xi32>
      %squeeze3A_710 = vector.extract %slice3A_709[0] : i32 from vector<1xi32>
      %slice3A_711 = vector.extract_strided_slice %get3A_708 {offsets = [1], sizes = [1], strides = [1]} : vector<16xi32> to vector<1xi32>
      %squeeze3A_712 = vector.extract %slice3A_711[0] : i32 from vector<1xi32>
      %slice3A_713 = vector.extract_strided_slice %get3A_708 {offsets = [2], sizes = [1], strides = [1]} : vector<16xi32> to vector<1xi32>
      %squeeze3A_714 = vector.extract %slice3A_713[0] : i32 from vector<1xi32>
      %slice3A_715 = vector.extract_strided_slice %get3A_708 {offsets = [3], sizes = [1], strides = [1]} : vector<16xi32> to vector<1xi32>
      %squeeze3A_716 = vector.extract %slice3A_715[0] : i32 from vector<1xi32>
      %add3A_717 = arith.constant 0 : i32
      %add3A_718 = arith.addi %squeeze3A_710, %add3A_717 : i32
      %get3A_719 = arith.index_cast %add3A_718 : i32 to index
      %get3A_720 = tpu.vector_load %arg5[%get3A_719] {strides = array<i32>} : memref<26048xi32, #tpu.memory_space<vmem>>, vector<16xi32>,
      %bitcast3A_721 = vector.bitcast %get3A_720 : vector<16xi32> to vector<32xbf16>
      %add3A_722 = arith.constant 0 : i32
      %add3A_723 = arith.addi %squeeze3A_712, %add3A_722 : i32
      %get3A_724 = arith.index_cast %add3A_723 : i32 to index
      %get3A_725 = tpu.vector_load %arg5[%get3A_724] {strides = array<i32>} : memref<26048xi32, #tpu.memory_space<vmem>>, vector<16xi32>,
      %bitcast3A_726 = vector.bitcast %get3A_725 : vector<16xi32> to vector<32xbf16>
      %add3A_727 = arith.addf %bitcast3A_721, %bitcast3A_726 : vector<32xbf16>
      %add3A_728 = arith.constant 0 : i32
      %add3A_729 = arith.addi %squeeze3A_714, %add3A_728 : i32
      %get3A_730 = arith.index_cast %add3A_729 : i32 to index
      %get3A_731 = tpu.vector_load %arg5[%get3A_730] {strides = array<i32>} : memref<26048xi32, #tpu.memory_space<vmem>>, vector<16xi32>,
      %bitcast3A_732 = vector.bitcast %get3A_731 : vector<16xi32> to vector<32xbf16>
      %add3A_733 = arith.constant 0 : i32
      %add3A_734 = arith.addi %squeeze3A_716, %add3A_733 : i32
      %get3A_735 = arith.index_cast %add3A_734 : i32 to index
      %get3A_736 = tpu.vector_load %arg5[%get3A_735] {strides = array<i32>} : memref<26048xi32, #tpu.memory_space<vmem>>, vector<16xi32>,
      %bitcast3A_737 = vector.bitcast %get3A_736 : vector<16xi32> to vector<32xbf16>
      %add3A_738 = arith.addf %bitcast3A_732, %bitcast3A_737 : vector<32xbf16>
      %add3A_739 = arith.addf %add3A_727, %add3A_738 : vector<32xbf16>
      %add3A_740 = arith.constant 16 : i32
      %add3A_741 = arith.addi %squeeze3A_710, %add3A_740 : i32
      %get3A_742 = arith.index_cast %add3A_741 : i32 to index
      %get3A_743 = tpu.vector_load %arg5[%get3A_742] {strides = array<i32>} : memref<26048xi32, #tpu.memory_space<vmem>>, vector<16xi32>,
      %bitcast3A_744 = vector.bitcast %get3A_743 : vector<16xi32> to vector<32xbf16>
      %add3A_745 = arith.constant 16 : i32
      %add3A_746 = arith.addi %squeeze3A_712, %add3A_745 : i32
      %get3A_747 = arith.index_cast %add3A_746 : i32 to index
      %get3A_748 = tpu.vector_load %arg5[%get3A_747] {strides = array<i32>} : memref<26048xi32, #tpu.memory_space<vmem>>, vector<16xi32>,
      %bitcast3A_749 = vector.bitcast %get3A_748 : vector<16xi32> to vector<32xbf16>
      %add3A_750 = arith.addf %bitcast3A_744, %bitcast3A_749 : vector<32xbf16>
      %add3A_751 = arith.constant 16 : i32
      %add3A_752 = arith.addi %squeeze3A_714, %add3A_751 : i32
      %get3A_753 = arith.index_cast %add3A_752 : i32 to index
      %get3A_754 = tpu.vector_load %arg5[%get3A_753] {strides = array<i32>} : memref<26048xi32, #tpu.memory_space<vmem>>, vector<16xi32>,
      %bitcast3A_755 = vector.bitcast %get3A_754 : vector<16xi32> to vector<32xbf16>
      %add3A_756 = arith.constant 16 : i32
      %add3A_757 = arith.addi %squeeze3A_716, %add3A_756 : i32
      %get3A_758 = arith.index_cast %add3A_757 : i32 to index
      %get3A_759 = tpu.vector_load %arg5[%get3A_758] {strides = array<i32>} : memref<26048xi32, #tpu.memory_space<vmem>>, vector<16xi32>,
      %bitcast3A_760 = vector.bitcast %get3A_759 : vector<16xi32> to vector<32xbf16>
      %add3A_761 = arith.addf %bitcast3A_755, %bitcast3A_760 : vector<32xbf16>
      %add3A_762 = arith.addf %add3A_750, %add3A_761 : vector<32xbf16>
      %add3A_763 = arith.constant 32 : i32
      %add3A_764 = arith.addi %squeeze3A_710, %add3A_763 : i32
      %get3A_765 = arith.index_cast %add3A_764 : i32 to index
      %get3A_766 = tpu.vector_load %arg5[%get3A_765] {strides = array<i32>} : memref<26048xi32, #tpu.memory_space<vmem>>, vector<16xi32>,
      %bitcast3A_767 = vector.bitcast %get3A_766 : vector<16xi32> to vector<32xbf16>
      %add3A_768 = arith.constant 32 : i32
      %add3A_769 = arith.addi %squeeze3A_712, %add3A_768 : i32
      %get3A_770 = arith.index_cast %add3A_769 : i32 to index
      %get3A_771 = tpu.vector_load %arg5[%get3A_770] {strides = array<i32>} : memref<26048xi32, #tpu.memory_space<vmem>>, vector<16xi32>,
      %bitcast3A_772 = vector.bitcast %get3A_771 : vector<16xi32> to vector<32xbf16>
      %add3A_773 = arith.addf %bitcast3A_767, %bitcast3A_772 : vector<32xbf16>
      %add3A_774 = arith.constant 32 : i32
      %add3A_775 = arith.addi %squeeze3A_714, %add3A_774 : i32
      %get3A_776 = arith.index_cast %add3A_775 : i32 to index
      %get3A_777 = tpu.vector_load %arg5[%get3A_776] {strides = array<i32>} : memref<26048xi32, #tpu.memory_space<vmem>>, vector<16xi32>,
      %bitcast3A_778 = vector.bitcast %get3A_777 : vector<16xi32> to vector<32xbf16>
      %add3A_779 = arith.constant 32 : i32
      %add3A_780 = arith.addi %squeeze3A_716, %add3A_779 : i32
      %get3A_781 = arith.index_cast %add3A_780 : i32 to index
      %get3A_782 = tpu.vector_load %arg5[%get3A_781] {strides = array<i32>} : memref<26048xi32, #tpu.memory_space<vmem>>, vector<16xi32>,
      %bitcast3A_783 = vector.bitcast %get3A_782 : vector<16xi32> to vector<32xbf16>
      %add3A_784 = arith.addf %bitcast3A_778, %bitcast3A_783 : vector<32xbf16>
      %add3A_785 = arith.addf %add3A_773, %add3A_784 : vector<32xbf16>
      %add3A_786 = arith.constant 48 : i32
      %add3A_787 = arith.addi %squeeze3A_710, %add3A_786 : i32
      %get3A_788 = arith.index_cast %add3A_787 : i32 to index
      %get3A_789 = tpu.vector_load %arg5[%get3A_788] {strides = array<i32>} : memref<26048xi32, #tpu.memory_space<vmem>>, vector<16xi32>,
      %bitcast3A_790 = vector.bitcast %get3A_789 : vector<16xi32> to vector<32xbf16>
      %add3A_791 = arith.constant 48 : i32
      %add3A_792 = arith.addi %squeeze3A_712, %add3A_791 : i32
      %get3A_793 = arith.index_cast %add3A_792 : i32 to index
      %get3A_794 = tpu.vector_load %arg5[%get3A_793] {strides = array<i32>} : memref<26048xi32, #tpu.memory_space<vmem>>, vector<16xi32>,
      %bitcast3A_795 = vector.bitcast %get3A_794 : vector<16xi32> to vector<32xbf16>
      %add3A_796 = arith.addf %bitcast3A_790, %bitcast3A_795 : vector<32xbf16>
      %add3A_797 = arith.constant 48 : i32
      %add3A_798 = arith.addi %squeeze3A_714, %add3A_797 : i32
      %get3A_799 = arith.index_cast %add3A_798 : i32 to index
      %get3A_800 = tpu.vector_load %arg5[%get3A_799] {strides = array<i32>} : memref<26048xi32, #tpu.memory_space<vmem>>, vector<16xi32>,
      %bitcast3A_801 = vector.bitcast %get3A_800 : vector<16xi32> to vector<32xbf16>
      %add3A_802 = arith.constant 48 : i32
      %add3A_803 = arith.addi %squeeze3A_716, %add3A_802 : i32
      %get3A_804 = arith.index_cast %add3A_803 : i32 to index
      %get3A_805 = tpu.vector_load %arg5[%get3A_804] {strides = array<i32>} : memref<26048xi32, #tpu.memory_space<vmem>>, vector<16xi32>,
      %bitcast3A_806 = vector.bitcast %get3A_805 : vector<16xi32> to vector<32xbf16>
      %add3A_807 = arith.addf %bitcast3A_801, %bitcast3A_806 : vector<32xbf16>
      %add3A_808 = arith.addf %add3A_796, %add3A_807 : vector<32xbf16>
      %get3A_809 = arith.constant 12500 : index
      %get3A_810 = tpu.vector_load %arg7[%get3A_809] {strides = array<i32>} : memref<12544xi32, #tpu.memory_space<vmem>>, vector<16xi32>,
      %slice3A_811 = vector.extract_strided_slice %get3A_810 {offsets = [0], sizes = [1], strides = [1]} : vector<16xi32> to vector<1xi32>
      %squeeze3A_812 = vector.extract %slice3A_811[0] : i32 from vector<1xi32>
      %slice3A_813 = vector.extract_strided_slice %get3A_810 {offsets = [1], sizes = [1], strides = [1]} : vector<16xi32> to vector<1xi32>
      %squeeze3A_814 = vector.extract %slice3A_813[0] : i32 from vector<1xi32>
      %slice3A_815 = vector.extract_strided_slice %get3A_810 {offsets = [2], sizes = [1], strides = [1]} : vector<16xi32> to vector<1xi32>
      %squeeze3A_816 = vector.extract %slice3A_815[0] : i32 from vector<1xi32>
      %slice3A_817 = vector.extract_strided_slice %get3A_810 {offsets = [3], sizes = [1], strides = [1]} : vector<16xi32> to vector<1xi32>
      %squeeze3A_818 = vector.extract %slice3A_817[0] : i32 from vector<1xi32>
      %add3A_819 = arith.constant 0 : i32
      %add3A_820 = arith.addi %squeeze3A_812, %add3A_819 : i32
      %get3A_821 = arith.index_cast %add3A_820 : i32 to index
      %get3A_822 = tpu.vector_load %arg5[%get3A_821] {strides = array<i32>} : memref<26048xi32, #tpu.memory_space<vmem>>, vector<16xi32>,
      %bitcast3A_823 = vector.bitcast %get3A_822 : vector<16xi32> to vector<32xbf16>
      %add3A_824 = arith.constant 0 : i32
      %add3A_825 = arith.addi %squeeze3A_814, %add3A_824 : i32
      %get3A_826 = arith.index_cast %add3A_825 : i32 to index
      %get3A_827 = tpu.vector_load %arg5[%get3A_826] {strides = array<i32>} : memref<26048xi32, #tpu.memory_space<vmem>>, vector<16xi32>,
      %bitcast3A_828 = vector.bitcast %get3A_827 : vector<16xi32> to vector<32xbf16>
      %add3A_829 = arith.addf %bitcast3A_823, %bitcast3A_828 : vector<32xbf16>
      %add3A_830 = arith.constant 0 : i32
      %add3A_831 = arith.addi %squeeze3A_816, %add3A_830 : i32
      %get3A_832 = arith.index_cast %add3A_831 : i32 to index
      %get3A_833 = tpu.vector_load %arg5[%get3A_832] {strides = array<i32>} : memref<26048xi32, #tpu.memory_space<vmem>>, vector<16xi32>,
      %bitcast3A_834 = vector.bitcast %get3A_833 : vector<16xi32> to vector<32xbf16>
      %add3A_835 = arith.constant 0 : i32
      %add3A_836 = arith.addi %squeeze3A_818, %add3A_835 : i32
      %get3A_837 = arith.index_cast %add3A_836 : i32 to index
      %get3A_838 = tpu.vector_load %arg5[%get3A_837] {strides = array<i32>} : memref<26048xi32, #tpu.memory_space<vmem>>, vector<16xi32>,
      %bitcast3A_839 = vector.bitcast %get3A_838 : vector<16xi32> to vector<32xbf16>
      %add3A_840 = arith.addf %bitcast3A_834, %bitcast3A_839 : vector<32xbf16>
      %add3A_841 = arith.addf %add3A_829, %add3A_840 : vector<32xbf16>
      %add3A_842 = arith.constant 16 : i32
      %add3A_843 = arith.addi %squeeze3A_812, %add3A_842 : i32
      %get3A_844 = arith.index_cast %add3A_843 : i32 to index
      %get3A_845 = tpu.vector_load %arg5[%get3A_844] {strides = array<i32>} : memref<26048xi32, #tpu.memory_space<vmem>>, vector<16xi32>,
      %bitcast3A_846 = vector.bitcast %get3A_845 : vector<16xi32> to vector<32xbf16>
      %add3A_847 = arith.constant 16 : i32
      %add3A_848 = arith.addi %squeeze3A_814, %add3A_847 : i32
      %get3A_849 = arith.index_cast %add3A_848 : i32 to index
      %get3A_850 = tpu.vector_load %arg5[%get3A_849] {strides = array<i32>} : memref<26048xi32, #tpu.memory_space<vmem>>, vector<16xi32>,
      %bitcast3A_851 = vector.bitcast %get3A_850 : vector<16xi32> to vector<32xbf16>
      %add3A_852 = arith.addf %bitcast3A_846, %bitcast3A_851 : vector<32xbf16>
      %add3A_853 = arith.constant 16 : i32
      %add3A_854 = arith.addi %squeeze3A_816, %add3A_853 : i32
      %get3A_855 = arith.index_cast %add3A_854 : i32 to index
      %get3A_856 = tpu.vector_load %arg5[%get3A_855] {strides = array<i32>} : memref<26048xi32, #tpu.memory_space<vmem>>, vector<16xi32>,
      %bitcast3A_857 = vector.bitcast %get3A_856 : vector<16xi32> to vector<32xbf16>
      %add3A_858 = arith.constant 16 : i32
      %add3A_859 = arith.addi %squeeze3A_818, %add3A_858 : i32
      %get3A_860 = arith.index_cast %add3A_859 : i32 to index
      %get3A_861 = tpu.vector_load %arg5[%get3A_860] {strides = array<i32>} : memref<26048xi32, #tpu.memory_space<vmem>>, vector<16xi32>,
      %bitcast3A_862 = vector.bitcast %get3A_861 : vector<16xi32> to vector<32xbf16>
      %add3A_863 = arith.addf %bitcast3A_857, %bitcast3A_862 : vector<32xbf16>
      %add3A_864 = arith.addf %add3A_852, %add3A_863 : vector<32xbf16>
      %add3A_865 = arith.constant 32 : i32
      %add3A_866 = arith.addi %squeeze3A_812, %add3A_865 : i32
      %get3A_867 = arith.index_cast %add3A_866 : i32 to index
      %get3A_868 = tpu.vector_load %arg5[%get3A_867] {strides = array<i32>} : memref<26048xi32, #tpu.memory_space<vmem>>, vector<16xi32>,
      %bitcast3A_869 = vector.bitcast %get3A_868 : vector<16xi32> to vector<32xbf16>
      %add3A_870 = arith.constant 32 : i32
      %add3A_871 = arith.addi %squeeze3A_814, %add3A_870 : i32
      %get3A_872 = arith.index_cast %add3A_871 : i32 to index
      %get3A_873 = tpu.vector_load %arg5[%get3A_872] {strides = array<i32>} : memref<26048xi32, #tpu.memory_space<vmem>>, vector<16xi32>,
      %bitcast3A_874 = vector.bitcast %get3A_873 : vector<16xi32> to vector<32xbf16>
      %add3A_875 = arith.addf %bitcast3A_869, %bitcast3A_874 : vector<32xbf16>
      %add3A_876 = arith.constant 32 : i32
      %add3A_877 = arith.addi %squeeze3A_816, %add3A_876 : i32
      %get3A_878 = arith.index_cast %add3A_877 : i32 to index
      %get3A_879 = tpu.vector_load %arg5[%get3A_878] {strides = array<i32>} : memref<26048xi32, #tpu.memory_space<vmem>>, vector<16xi32>,
      %bitcast3A_880 = vector.bitcast %get3A_879 : vector<16xi32> to vector<32xbf16>
      %add3A_881 = arith.constant 32 : i32
      %add3A_882 = arith.addi %squeeze3A_818, %add3A_881 : i32
      %get3A_883 = arith.index_cast %add3A_882 : i32 to index
      %get3A_884 = tpu.vector_load %arg5[%get3A_883] {strides = array<i32>} : memref<26048xi32, #tpu.memory_space<vmem>>, vector<16xi32>,
      %bitcast3A_885 = vector.bitcast %get3A_884 : vector<16xi32> to vector<32xbf16>
      %add3A_886 = arith.addf %bitcast3A_880, %bitcast3A_885 : vector<32xbf16>
      %add3A_887 = arith.addf %add3A_875, %add3A_886 : vector<32xbf16>
      %add3A_888 = arith.constant 48 : i32
      %add3A_889 = arith.addi %squeeze3A_812, %add3A_888 : i32
      %get3A_890 = arith.index_cast %add3A_889 : i32 to index
      %get3A_891 = tpu.vector_load %arg5[%get3A_890] {strides = array<i32>} : memref<26048xi32, #tpu.memory_space<vmem>>, vector<16xi32>,
      %bitcast3A_892 = vector.bitcast %get3A_891 : vector<16xi32> to vector<32xbf16>
      %add3A_893 = arith.constant 48 : i32
      %add3A_894 = arith.addi %squeeze3A_814, %add3A_893 : i32
      %get3A_895 = arith.index_cast %add3A_894 : i32 to index
      %get3A_896 = tpu.vector_load %arg5[%get3A_895] {strides = array<i32>} : memref<26048xi32, #tpu.memory_space<vmem>>, vector<16xi32>,
      %bitcast3A_897 = vector.bitcast %get3A_896 : vector<16xi32> to vector<32xbf16>
      %add3A_898 = arith.addf %bitcast3A_892, %bitcast3A_897 : vector<32xbf16>
      %add3A_899 = arith.constant 48 : i32
      %add3A_900 = arith.addi %squeeze3A_816, %add3A_899 : i32
      %get3A_901 = arith.index_cast %add3A_900 : i32 to index
      %get3A_902 = tpu.vector_load %arg5[%get3A_901] {strides = array<i32>} : memref<26048xi32, #tpu.memory_space<vmem>>, vector<16xi32>,
      %bitcast3A_903 = vector.bitcast %get3A_902 : vector<16xi32> to vector<32xbf16>
      %add3A_904 = arith.constant 48 : i32
      %add3A_905 = arith.addi %squeeze3A_818, %add3A_904 : i32
      %get3A_906 = arith.index_cast %add3A_905 : i32 to index
      %get3A_907 = tpu.vector_load %arg5[%get3A_906] {strides = array<i32>} : memref<26048xi32, #tpu.memory_space<vmem>>, vector<16xi32>,
      %bitcast3A_908 = vector.bitcast %get3A_907 : vector<16xi32> to vector<32xbf16>
      %add3A_909 = arith.addf %bitcast3A_903, %bitcast3A_908 : vector<32xbf16>
      %add3A_910 = arith.addf %add3A_898, %add3A_909 : vector<32xbf16>
      %get3A_911 = arith.constant 12504 : index
      %get3A_912 = tpu.vector_load %arg7[%get3A_911] {strides = array<i32>} : memref<12544xi32, #tpu.memory_space<vmem>>, vector<16xi32>,
      %slice3A_913 = vector.extract_strided_slice %get3A_912 {offsets = [0], sizes = [1], strides = [1]} : vector<16xi32> to vector<1xi32>
      %squeeze3A_914 = vector.extract %slice3A_913[0] : i32 from vector<1xi32>
      %slice3A_915 = vector.extract_strided_slice %get3A_912 {offsets = [1], sizes = [1], strides = [1]} : vector<16xi32> to vector<1xi32>
      %squeeze3A_916 = vector.extract %slice3A_915[0] : i32 from vector<1xi32>
      %slice3A_917 = vector.extract_strided_slice %get3A_912 {offsets = [2], sizes = [1], strides = [1]} : vector<16xi32> to vector<1xi32>
      %squeeze3A_918 = vector.extract %slice3A_917[0] : i32 from vector<1xi32>
      %slice3A_919 = vector.extract_strided_slice %get3A_912 {offsets = [3], sizes = [1], strides = [1]} : vector<16xi32> to vector<1xi32>
      %squeeze3A_920 = vector.extract %slice3A_919[0] : i32 from vector<1xi32>
      %add3A_921 = arith.constant 0 : i32
      %add3A_922 = arith.addi %squeeze3A_914, %add3A_921 : i32
      %get3A_923 = arith.index_cast %add3A_922 : i32 to index
      %get3A_924 = tpu.vector_load %arg5[%get3A_923] {strides = array<i32>} : memref<26048xi32, #tpu.memory_space<vmem>>, vector<16xi32>,
      %bitcast3A_925 = vector.bitcast %get3A_924 : vector<16xi32> to vector<32xbf16>
      %add3A_926 = arith.constant 0 : i32
      %add3A_927 = arith.addi %squeeze3A_916, %add3A_926 : i32
      %get3A_928 = arith.index_cast %add3A_927 : i32 to index
      %get3A_929 = tpu.vector_load %arg5[%get3A_928] {strides = array<i32>} : memref<26048xi32, #tpu.memory_space<vmem>>, vector<16xi32>,
      %bitcast3A_930 = vector.bitcast %get3A_929 : vector<16xi32> to vector<32xbf16>
      %add3A_931 = arith.addf %bitcast3A_925, %bitcast3A_930 : vector<32xbf16>
      %add3A_932 = arith.constant 0 : i32
      %add3A_933 = arith.addi %squeeze3A_918, %add3A_932 : i32
      %get3A_934 = arith.index_cast %add3A_933 : i32 to index
      %get3A_935 = tpu.vector_load %arg5[%get3A_934] {strides = array<i32>} : memref<26048xi32, #tpu.memory_space<vmem>>, vector<16xi32>,
      %bitcast3A_936 = vector.bitcast %get3A_935 : vector<16xi32> to vector<32xbf16>
      %add3A_937 = arith.constant 0 : i32
      %add3A_938 = arith.addi %squeeze3A_920, %add3A_937 : i32
      %get3A_939 = arith.index_cast %add3A_938 : i32 to index
      %get3A_940 = tpu.vector_load %arg5[%get3A_939] {strides = array<i32>} : memref<26048xi32, #tpu.memory_space<vmem>>, vector<16xi32>,
      %bitcast3A_941 = vector.bitcast %get3A_940 : vector<16xi32> to vector<32xbf16>
      %add3A_942 = arith.addf %bitcast3A_936, %bitcast3A_941 : vector<32xbf16>
      %add3A_943 = arith.addf %add3A_931, %add3A_942 : vector<32xbf16>
      %add3A_944 = arith.constant 16 : i32
      %add3A_945 = arith.addi %squeeze3A_914, %add3A_944 : i32
      %get3A_946 = arith.index_cast %add3A_945 : i32 to index
      %get3A_947 = tpu.vector_load %arg5[%get3A_946] {strides = array<i32>} : memref<26048xi32, #tpu.memory_space<vmem>>, vector<16xi32>,
      %bitcast3A_948 = vector.bitcast %get3A_947 : vector<16xi32> to vector<32xbf16>
      %add3A_949 = arith.constant 16 : i32
      %add3A_950 = arith.addi %squeeze3A_916, %add3A_949 : i32
      %get3A_951 = arith.index_cast %add3A_950 : i32 to index
      %get3A_952 = tpu.vector_load %arg5[%get3A_951] {strides = array<i32>} : memref<26048xi32, #tpu.memory_space<vmem>>, vector<16xi32>,
      %bitcast3A_953 = vector.bitcast %get3A_952 : vector<16xi32> to vector<32xbf16>
      %add3A_954 = arith.addf %bitcast3A_948, %bitcast3A_953 : vector<32xbf16>
      %add3A_955 = arith.constant 16 : i32
      %add3A_956 = arith.addi %squeeze3A_918, %add3A_955 : i32
      %get3A_957 = arith.index_cast %add3A_956 : i32 to index
      %get3A_958 = tpu.vector_load %arg5[%get3A_957] {strides = array<i32>} : memref<26048xi32, #tpu.memory_space<vmem>>, vector<16xi32>,
      %bitcast3A_959 = vector.bitcast %get3A_958 : vector<16xi32> to vector<32xbf16>
      %add3A_960 = arith.constant 16 : i32
      %add3A_961 = arith.addi %squeeze3A_920, %add3A_960 : i32
      %get3A_962 = arith.index_cast %add3A_961 : i32 to index
      %get3A_963 = tpu.vector_load %arg5[%get3A_962] {strides = array<i32>} : memref<26048xi32, #tpu.memory_space<vmem>>, vector<16xi32>,
      %bitcast3A_964 = vector.bitcast %get3A_963 : vector<16xi32> to vector<32xbf16>
      %add3A_965 = arith.addf %bitcast3A_959, %bitcast3A_964 : vector<32xbf16>
      %add3A_966 = arith.addf %add3A_954, %add3A_965 : vector<32xbf16>
      %add3A_967 = arith.constant 32 : i32
      %add3A_968 = arith.addi %squeeze3A_914, %add3A_967 : i32
      %get3A_969 = arith.index_cast %add3A_968 : i32 to index
      %get3A_970 = tpu.vector_load %arg5[%get3A_969] {strides = array<i32>} : memref<26048xi32, #tpu.memory_space<vmem>>, vector<16xi32>,
      %bitcast3A_971 = vector.bitcast %get3A_970 : vector<16xi32> to vector<32xbf16>
      %add3A_972 = arith.constant 32 : i32
      %add3A_973 = arith.addi %squeeze3A_916, %add3A_972 : i32
      %get3A_974 = arith.index_cast %add3A_973 : i32 to index
      %get3A_975 = tpu.vector_load %arg5[%get3A_974] {strides = array<i32>} : memref<26048xi32, #tpu.memory_space<vmem>>, vector<16xi32>,
      %bitcast3A_976 = vector.bitcast %get3A_975 : vector<16xi32> to vector<32xbf16>
      %add3A_977 = arith.addf %bitcast3A_971, %bitcast3A_976 : vector<32xbf16>
      %add3A_978 = arith.constant 32 : i32
      %add3A_979 = arith.addi %squeeze3A_918, %add3A_978 : i32
      %get3A_980 = arith.index_cast %add3A_979 : i32 to index
      %get3A_981 = tpu.vector_load %arg5[%get3A_980] {strides = array<i32>} : memref<26048xi32, #tpu.memory_space<vmem>>, vector<16xi32>,
      %bitcast3A_982 = vector.bitcast %get3A_981 : vector<16xi32> to vector<32xbf16>
      %add3A_983 = arith.constant 32 : i32
      %add3A_984 = arith.addi %squeeze3A_920, %add3A_983 : i32
      %get3A_985 = arith.index_cast %add3A_984 : i32 to index
      %get3A_986 = tpu.vector_load %arg5[%get3A_985] {strides = array<i32>} : memref<26048xi32, #tpu.memory_space<vmem>>, vector<16xi32>,
      %bitcast3A_987 = vector.bitcast %get3A_986 : vector<16xi32> to vector<32xbf16>
      %add3A_988 = arith.addf %bitcast3A_982, %bitcast3A_987 : vector<32xbf16>
      %add3A_989 = arith.addf %add3A_977, %add3A_988 : vector<32xbf16>
      %add3A_990 = arith.constant 48 : i32
      %add3A_991 = arith.addi %squeeze3A_914, %add3A_990 : i32
      %get3A_992 = arith.index_cast %add3A_991 : i32 to index
      %get3A_993 = tpu.vector_load %arg5[%get3A_992] {strides = array<i32>} : memref<26048xi32, #tpu.memory_space<vmem>>, vector<16xi32>,
      %bitcast3A_994 = vector.bitcast %get3A_993 : vector<16xi32> to vector<32xbf16>
      %add3A_995 = arith.constant 48 : i32
      %add3A_996 = arith.addi %squeeze3A_916, %add3A_995 : i32
      %get3A_997 = arith.index_cast %add3A_996 : i32 to index
      %get3A_998 = tpu.vector_load %arg5[%get3A_997] {strides = array<i32>} : memref<26048xi32, #tpu.memory_space<vmem>>, vector<16xi32>,
      %bitcast3A_999 = vector.bitcast %get3A_998 : vector<16xi32> to vector<32xbf16>
      %add3A_1000 = arith.addf %bitcast3A_994, %bitcast3A_999 : vector<32xbf16>
      %add3A_1001 = arith.constant 48 : i32
      %add3A_1002 = arith.addi %squeeze3A_918, %add3A_1001 : i32
      %get3A_1003 = arith.index_cast %add3A_1002 : i32 to index
      %get3A_1004 = tpu.vector_load %arg5[%get3A_1003] {strides = array<i32>} : memref<26048xi32, #tpu.memory_space<vmem>>, vector<16xi32>,
      %bitcast3A_1005 = vector.bitcast %get3A_1004 : vector<16xi32> to vector<32xbf16>
      %add3A_1006 = arith.constant 48 : i32
      %add3A_1007 = arith.addi %squeeze3A_920, %add3A_1006 : i32
      %get3A_1008 = arith.index_cast %add3A_1007 : i32 to index
      %get3A_1009 = tpu.vector_load %arg5[%get3A_1008] {strides = array<i32>} : memref<26048xi32, #tpu.memory_space<vmem>>, vector<16xi32>,
      %bitcast3A_1010 = vector.bitcast %get3A_1009 : vector<16xi32> to vector<32xbf16>
      %add3A_1011 = arith.addf %bitcast3A_1005, %bitcast3A_1010 : vector<32xbf16>
      %add3A_1012 = arith.addf %add3A_1000, %add3A_1011 : vector<32xbf16>
      %get3A_1013 = arith.constant 12508 : index
      %get3A_1014 = tpu.vector_load %arg7[%get3A_1013] {strides = array<i32>} : memref<12544xi32, #tpu.memory_space<vmem>>, vector<16xi32>,
      %slice3A_1015 = vector.extract_strided_slice %get3A_1014 {offsets = [0], sizes = [1], strides = [1]} : vector<16xi32> to vector<1xi32>
      %squeeze3A_1016 = vector.extract %slice3A_1015[0] : i32 from vector<1xi32>
      %slice3A_1017 = vector.extract_strided_slice %get3A_1014 {offsets = [1], sizes = [1], strides = [1]} : vector<16xi32> to vector<1xi32>
      %squeeze3A_1018 = vector.extract %slice3A_1017[0] : i32 from vector<1xi32>
      %slice3A_1019 = vector.extract_strided_slice %get3A_1014 {offsets = [2], sizes = [1], strides = [1]} : vector<16xi32> to vector<1xi32>
      %squeeze3A_1020 = vector.extract %slice3A_1019[0] : i32 from vector<1xi32>
      %slice3A_1021 = vector.extract_strided_slice %get3A_1014 {offsets = [3], sizes = [1], strides = [1]} : vector<16xi32> to vector<1xi32>
      %squeeze3A_1022 = vector.extract %slice3A_1021[0] : i32 from vector<1xi32>
      %add3A_1023 = arith.constant 0 : i32
      %add3A_1024 = arith.addi %squeeze3A_1016, %add3A_1023 : i32
      %get3A_1025 = arith.index_cast %add3A_1024 : i32 to index
      %get3A_1026 = tpu.vector_load %arg5[%get3A_1025] {strides = array<i32>} : memref<26048xi32, #tpu.memory_space<vmem>>, vector<16xi32>,
      %bitcast3A_1027 = vector.bitcast %get3A_1026 : vector<16xi32> to vector<32xbf16>
      %add3A_1028 = arith.constant 0 : i32
      %add3A_1029 = arith.addi %squeeze3A_1018, %add3A_1028 : i32
      %get3A_1030 = arith.index_cast %add3A_1029 : i32 to index
      %get3A_1031 = tpu.vector_load %arg5[%get3A_1030] {strides = array<i32>} : memref<26048xi32, #tpu.memory_space<vmem>>, vector<16xi32>,
      %bitcast3A_1032 = vector.bitcast %get3A_1031 : vector<16xi32> to vector<32xbf16>
      %add3A_1033 = arith.addf %bitcast3A_1027, %bitcast3A_1032 : vector<32xbf16>
      %add3A_1034 = arith.constant 0 : i32
      %add3A_1035 = arith.addi %squeeze3A_1020, %add3A_1034 : i32
      %get3A_1036 = arith.index_cast %add3A_1035 : i32 to index
      %get3A_1037 = tpu.vector_load %arg5[%get3A_1036] {strides = array<i32>} : memref<26048xi32, #tpu.memory_space<vmem>>, vector<16xi32>,
      %bitcast3A_1038 = vector.bitcast %get3A_1037 : vector<16xi32> to vector<32xbf16>
      %add3A_1039 = arith.constant 0 : i32
      %add3A_1040 = arith.addi %squeeze3A_1022, %add3A_1039 : i32
      %get3A_1041 = arith.index_cast %add3A_1040 : i32 to index
      %get3A_1042 = tpu.vector_load %arg5[%get3A_1041] {strides = array<i32>} : memref<26048xi32, #tpu.memory_space<vmem>>, vector<16xi32>,
      %bitcast3A_1043 = vector.bitcast %get3A_1042 : vector<16xi32> to vector<32xbf16>
      %add3A_1044 = arith.addf %bitcast3A_1038, %bitcast3A_1043 : vector<32xbf16>
      %add3A_1045 = arith.addf %add3A_1033, %add3A_1044 : vector<32xbf16>
      %add3A_1046 = arith.constant 16 : i32
      %add3A_1047 = arith.addi %squeeze3A_1016, %add3A_1046 : i32
      %get3A_1048 = arith.index_cast %add3A_1047 : i32 to index
      %get3A_1049 = tpu.vector_load %arg5[%get3A_1048] {strides = array<i32>} : memref<26048xi32, #tpu.memory_space<vmem>>, vector<16xi32>,
      %bitcast3A_1050 = vector.bitcast %get3A_1049 : vector<16xi32> to vector<32xbf16>
      %add3A_1051 = arith.constant 16 : i32
      %add3A_1052 = arith.addi %squeeze3A_1018, %add3A_1051 : i32
      %get3A_1053 = arith.index_cast %add3A_1052 : i32 to index
      %get3A_1054 = tpu.vector_load %arg5[%get3A_1053] {strides = array<i32>} : memref<26048xi32, #tpu.memory_space<vmem>>, vector<16xi32>,
      %bitcast3A_1055 = vector.bitcast %get3A_1054 : vector<16xi32> to vector<32xbf16>
      %add3A_1056 = arith.addf %bitcast3A_1050, %bitcast3A_1055 : vector<32xbf16>
      %add3A_1057 = arith.constant 16 : i32
      %add3A_1058 = arith.addi %squeeze3A_1020, %add3A_1057 : i32
      %get3A_1059 = arith.index_cast %add3A_1058 : i32 to index
      %get3A_1060 = tpu.vector_load %arg5[%get3A_1059] {strides = array<i32>} : memref<26048xi32, #tpu.memory_space<vmem>>, vector<16xi32>,
      %bitcast3A_1061 = vector.bitcast %get3A_1060 : vector<16xi32> to vector<32xbf16>
      %add3A_1062 = arith.constant 16 : i32
      %add3A_1063 = arith.addi %squeeze3A_1022, %add3A_1062 : i32
      %get3A_1064 = arith.index_cast %add3A_1063 : i32 to index
      %get3A_1065 = tpu.vector_load %arg5[%get3A_1064] {strides = array<i32>} : memref<26048xi32, #tpu.memory_space<vmem>>, vector<16xi32>,
      %bitcast3A_1066 = vector.bitcast %get3A_1065 : vector<16xi32> to vector<32xbf16>
      %add3A_1067 = arith.addf %bitcast3A_1061, %bitcast3A_1066 : vector<32xbf16>
      %add3A_1068 = arith.addf %add3A_1056, %add3A_1067 : vector<32xbf16>
      %add3A_1069 = arith.constant 32 : i32
      %add3A_1070 = arith.addi %squeeze3A_1016, %add3A_1069 : i32
      %get3A_1071 = arith.index_cast %add3A_1070 : i32 to index
      %get3A_1072 = tpu.vector_load %arg5[%get3A_1071] {strides = array<i32>} : memref<26048xi32, #tpu.memory_space<vmem>>, vector<16xi32>,
      %bitcast3A_1073 = vector.bitcast %get3A_1072 : vector<16xi32> to vector<32xbf16>
      %add3A_1074 = arith.constant 32 : i32
      %add3A_1075 = arith.addi %squeeze3A_1018, %add3A_1074 : i32
      %get3A_1076 = arith.index_cast %add3A_1075 : i32 to index
      %get3A_1077 = tpu.vector_load %arg5[%get3A_1076] {strides = array<i32>} : memref<26048xi32, #tpu.memory_space<vmem>>, vector<16xi32>,
      %bitcast3A_1078 = vector.bitcast %get3A_1077 : vector<16xi32> to vector<32xbf16>
      %add3A_1079 = arith.addf %bitcast3A_1073, %bitcast3A_1078 : vector<32xbf16>
      %add3A_1080 = arith.constant 32 : i32
      %add3A_1081 = arith.addi %squeeze3A_1020, %add3A_1080 : i32
      %get3A_1082 = arith.index_cast %add3A_1081 : i32 to index
      %get3A_1083 = tpu.vector_load %arg5[%get3A_1082] {strides = array<i32>} : memref<26048xi32, #tpu.memory_space<vmem>>, vector<16xi32>,
      %bitcast3A_1084 = vector.bitcast %get3A_1083 : vector<16xi32> to vector<32xbf16>
      %add3A_1085 = arith.constant 32 : i32
      %add3A_1086 = arith.addi %squeeze3A_1022, %add3A_1085 : i32
      %get3A_1087 = arith.index_cast %add3A_1086 : i32 to index
      %get3A_1088 = tpu.vector_load %arg5[%get3A_1087] {strides = array<i32>} : memref<26048xi32, #tpu.memory_space<vmem>>, vector<16xi32>,
      %bitcast3A_1089 = vector.bitcast %get3A_1088 : vector<16xi32> to vector<32xbf16>
      %add3A_1090 = arith.addf %bitcast3A_1084, %bitcast3A_1089 : vector<32xbf16>
      %add3A_1091 = arith.addf %add3A_1079, %add3A_1090 : vector<32xbf16>
      %add3A_1092 = arith.constant 48 : i32
      %add3A_1093 = arith.addi %squeeze3A_1016, %add3A_1092 : i32
      %get3A_1094 = arith.index_cast %add3A_1093 : i32 to index
      %get3A_1095 = tpu.vector_load %arg5[%get3A_1094] {strides = array<i32>} : memref<26048xi32, #tpu.memory_space<vmem>>, vector<16xi32>,
      %bitcast3A_1096 = vector.bitcast %get3A_1095 : vector<16xi32> to vector<32xbf16>
      %add3A_1097 = arith.constant 48 : i32
      %add3A_1098 = arith.addi %squeeze3A_1018, %add3A_1097 : i32
      %get3A_1099 = arith.index_cast %add3A_1098 : i32 to index
      %get3A_1100 = tpu.vector_load %arg5[%get3A_1099] {strides = array<i32>} : memref<26048xi32, #tpu.memory_space<vmem>>, vector<16xi32>,
      %bitcast3A_1101 = vector.bitcast %get3A_1100 : vector<16xi32> to vector<32xbf16>
      %add3A_1102 = arith.addf %bitcast3A_1096, %bitcast3A_1101 : vector<32xbf16>
      %add3A_1103 = arith.constant 48 : i32
      %add3A_1104 = arith.addi %squeeze3A_1020, %add3A_1103 : i32
      %get3A_1105 = arith.index_cast %add3A_1104 : i32 to index
      %get3A_1106 = tpu.vector_load %arg5[%get3A_1105] {strides = array<i32>} : memref<26048xi32, #tpu.memory_space<vmem>>, vector<16xi32>,
      %bitcast3A_1107 = vector.bitcast %get3A_1106 : vector<16xi32> to vector<32xbf16>
      %add3A_1108 = arith.constant 48 : i32
      %add3A_1109 = arith.addi %squeeze3A_1022, %add3A_1108 : i32
      %get3A_1110 = arith.index_cast %add3A_1109 : i32 to index
      %get3A_1111 = tpu.vector_load %arg5[%get3A_1110] {strides = array<i32>} : memref<26048xi32, #tpu.memory_space<vmem>>, vector<16xi32>,
      %bitcast3A_1112 = vector.bitcast %get3A_1111 : vector<16xi32> to vector<32xbf16>
      %add3A_1113 = arith.addf %bitcast3A_1107, %bitcast3A_1112 : vector<32xbf16>
      %add3A_1114 = arith.addf %add3A_1102, %add3A_1113 : vector<32xbf16>
      %unpack3A_1115 = tpu.unpack_subelements %add3A_739, 0 {pack_format = #tpu.pack_format<interleaved>} : vector<32xbf16> -> vector<16xf32>
      %unpack3A_1116 = tpu.unpack_subelements %add3A_739, 1 {pack_format = #tpu.pack_format<interleaved>} : vector<32xbf16> -> vector<16xf32>
      %swap3A_1117 = arith.constant 4 : i32
      %swap3A_1118 = arith.index_cast %swap3A_1117 : i32 to index
      %swap3A_1119 = arith.constant 0 : index
      %swap3A_1120 = tpu.vector_load %arg8[%swap3A_1118, %swap3A_1119] {strides = array<i32>} : memref<120x128xf32, #tpu.memory_space<vmem>>, vector<16xf32>,
      tpu.vector_store %arg8[%swap3A_1118, %swap3A_1119], %unpack3A_1115 {strides = array<i32>} : memref<120x128xf32, #tpu.memory_space<vmem>>, vector<16xf32>,
      %swap3A_1121 = arith.constant 4 : i32
      %swap3A_1122 = arith.index_cast %swap3A_1121 : i32 to index
      %swap3A_1123 = arith.constant 16 : index
      %swap3A_1124 = tpu.vector_load %arg8[%swap3A_1122, %swap3A_1123] {strides = array<i32>} : memref<120x128xf32, #tpu.memory_space<vmem>>, vector<16xf32>,
      tpu.vector_store %arg8[%swap3A_1122, %swap3A_1123], %unpack3A_1116 {strides = array<i32>} : memref<120x128xf32, #tpu.memory_space<vmem>>, vector<16xf32>,
      %unpack3A_1125 = tpu.unpack_subelements %add3A_762, 0 {pack_format = #tpu.pack_format<interleaved>} : vector<32xbf16> -> vector<16xf32>
      %unpack3A_1126 = tpu.unpack_subelements %add3A_762, 1 {pack_format = #tpu.pack_format<interleaved>} : vector<32xbf16> -> vector<16xf32>
      %swap3A_1127 = arith.constant 4 : i32
      %swap3A_1128 = arith.index_cast %swap3A_1127 : i32 to index
      %swap3A_1129 = arith.constant 32 : index
      %swap3A_1130 = tpu.vector_load %arg8[%swap3A_1128, %swap3A_1129] {strides = array<i32>} : memref<120x128xf32, #tpu.memory_space<vmem>>, vector<16xf32>,
      tpu.vector_store %arg8[%swap3A_1128, %swap3A_1129], %unpack3A_1125 {strides = array<i32>} : memref<120x128xf32, #tpu.memory_space<vmem>>, vector<16xf32>,
      %swap3A_1131 = arith.constant 4 : i32
      %swap3A_1132 = arith.index_cast %swap3A_1131 : i32 to index
      %swap3A_1133 = arith.constant 48 : index
      %swap3A_1134 = tpu.vector_load %arg8[%swap3A_1132, %swap3A_1133] {strides = array<i32>} : memref<120x128xf32, #tpu.memory_space<vmem>>, vector<16xf32>,
      tpu.vector_store %arg8[%swap3A_1132, %swap3A_1133], %unpack3A_1126 {strides = array<i32>} : memref<120x128xf32, #tpu.memory_space<vmem>>, vector<16xf32>,
      %unpack3A_1135 = tpu.unpack_subelements %add3A_785, 0 {pack_format = #tpu.pack_format<interleaved>} : vector<32xbf16> -> vector<16xf32>
      %unpack3A_1136 = tpu.unpack_subelements %add3A_785, 1 {pack_format = #tpu.pack_format<interleaved>} : vector<32xbf16> -> vector<16xf32>
      %swap3A_1137 = arith.constant 4 : i32
      %swap3A_1138 = arith.index_cast %swap3A_1137 : i32 to index
      %swap3A_1139 = arith.constant 64 : index
      %swap3A_1140 = tpu.vector_load %arg8[%swap3A_1138, %swap3A_1139] {strides = array<i32>} : memref<120x128xf32, #tpu.memory_space<vmem>>, vector<16xf32>,
      tpu.vector_store %arg8[%swap3A_1138, %swap3A_1139], %unpack3A_1135 {strides = array<i32>} : memref<120x128xf32, #tpu.memory_space<vmem>>, vector<16xf32>,
      %swap3A_1141 = arith.constant 4 : i32
      %swap3A_1142 = arith.index_cast %swap3A_1141 : i32 to index
      %swap3A_1143 = arith.constant 80 : index
      %swap3A_1144 = tpu.vector_load %arg8[%swap3A_1142, %swap3A_1143] {strides = array<i32>} : memref<120x128xf32, #tpu.memory_space<vmem>>, vector<16xf32>,
      tpu.vector_store %arg8[%swap3A_1142, %swap3A_1143], %unpack3A_1136 {strides = array<i32>} : memref<120x128xf32, #tpu.memory_space<vmem>>, vector<16xf32>,
      %unpack3A_1145 = tpu.unpack_subelements %add3A_808, 0 {pack_format = #tpu.pack_format<interleaved>} : vector<32xbf16> -> vector<16xf32>
      %unpack3A_1146 = tpu.unpack_subelements %add3A_808, 1 {pack_format = #tpu.pack_format<interleaved>} : vector<32xbf16> -> vector<16xf32>
      %swap3A_1147 = arith.constant 4 : i32
      %swap3A_1148 = arith.index_cast %swap3A_1147 : i32 to index
      %swap3A_1149 = arith.constant 96 : index
      %swap3A_1150 = tpu.vector_load %arg8[%swap3A_1148, %swap3A_1149] {strides = array<i32>} : memref<120x128xf32, #tpu.memory_space<vmem>>, vector<16xf32>,
      tpu.vector_store %arg8[%swap3A_1148, %swap3A_1149], %unpack3A_1145 {strides = array<i32>} : memref<120x128xf32, #tpu.memory_space<vmem>>, vector<16xf32>,
      %swap3A_1151 = arith.constant 4 : i32
      %swap3A_1152 = arith.index_cast %swap3A_1151 : i32 to index
      %swap3A_1153 = arith.constant 112 : index
      %swap3A_1154 = tpu.vector_load %arg8[%swap3A_1152, %swap3A_1153] {strides = array<i32>} : memref<120x128xf32, #tpu.memory_space<vmem>>, vector<16xf32>,
      tpu.vector_store %arg8[%swap3A_1152, %swap3A_1153], %unpack3A_1146 {strides = array<i32>} : memref<120x128xf32, #tpu.memory_space<vmem>>, vector<16xf32>,
      %unpack3A_1155 = tpu.unpack_subelements %add3A_841, 0 {pack_format = #tpu.pack_format<interleaved>} : vector<32xbf16> -> vector<16xf32>
      %unpack3A_1156 = tpu.unpack_subelements %add3A_841, 1 {pack_format = #tpu.pack_format<interleaved>} : vector<32xbf16> -> vector<16xf32>
      %swap3A_1157 = arith.constant 5 : i32
      %swap3A_1158 = arith.index_cast %swap3A_1157 : i32 to index
      %swap3A_1159 = arith.constant 0 : index
      %swap3A_1160 = tpu.vector_load %arg8[%swap3A_1158, %swap3A_1159] {strides = array<i32>} : memref<120x128xf32, #tpu.memory_space<vmem>>, vector<16xf32>,
      tpu.vector_store %arg8[%swap3A_1158, %swap3A_1159], %unpack3A_1155 {strides = array<i32>} : memref<120x128xf32, #tpu.memory_space<vmem>>, vector<16xf32>,
      %swap3A_1161 = arith.constant 5 : i32
      %swap3A_1162 = arith.index_cast %swap3A_1161 : i32 to index
      %swap3A_1163 = arith.constant 16 : index
      %swap3A_1164 = tpu.vector_load %arg8[%swap3A_1162, %swap3A_1163] {strides = array<i32>} : memref<120x128xf32, #tpu.memory_space<vmem>>, vector<16xf32>,
      tpu.vector_store %arg8[%swap3A_1162, %swap3A_1163], %unpack3A_1156 {strides = array<i32>} : memref<120x128xf32, #tpu.memory_space<vmem>>, vector<16xf32>,
      %unpack3A_1165 = tpu.unpack_subelements %add3A_864, 0 {pack_format = #tpu.pack_format<interleaved>} : vector<32xbf16> -> vector<16xf32>
      %unpack3A_1166 = tpu.unpack_subelements %add3A_864, 1 {pack_format = #tpu.pack_format<interleaved>} : vector<32xbf16> -> vector<16xf32>
      %swap3A_1167 = arith.constant 5 : i32
      %swap3A_1168 = arith.index_cast %swap3A_1167 : i32 to index
      %swap3A_1169 = arith.constant 32 : index
      %swap3A_1170 = tpu.vector_load %arg8[%swap3A_1168, %swap3A_1169] {strides = array<i32>} : memref<120x128xf32, #tpu.memory_space<vmem>>, vector<16xf32>,
      tpu.vector_store %arg8[%swap3A_1168, %swap3A_1169], %unpack3A_1165 {strides = array<i32>} : memref<120x128xf32, #tpu.memory_space<vmem>>, vector<16xf32>,
      %swap3A_1171 = arith.constant 5 : i32
      %swap3A_1172 = arith.index_cast %swap3A_1171 : i32 to index
      %swap3A_1173 = arith.constant 48 : index
      %swap3A_1174 = tpu.vector_load %arg8[%swap3A_1172, %swap3A_1173] {strides = array<i32>} : memref<120x128xf32, #tpu.memory_space<vmem>>, vector<16xf32>,
      tpu.vector_store %arg8[%swap3A_1172, %swap3A_1173], %unpack3A_1166 {strides = array<i32>} : memref<120x128xf32, #tpu.memory_space<vmem>>, vector<16xf32>,
      %unpack3A_1175 = tpu.unpack_subelements %add3A_887, 0 {pack_format = #tpu.pack_format<interleaved>} : vector<32xbf16> -> vector<16xf32>
      %unpack3A_1176 = tpu.unpack_subelements %add3A_887, 1 {pack_format = #tpu.pack_format<interleaved>} : vector<32xbf16> -> vector<16xf32>
      %swap3A_1177 = arith.constant 5 : i32
      %swap3A_1178 = arith.index_cast %swap3A_1177 : i32 to index
      %swap3A_1179 = arith.constant 64 : index
      %swap3A_1180 = tpu.vector_load %arg8[%swap3A_1178, %swap3A_1179] {strides = array<i32>} : memref<120x128xf32, #tpu.memory_space<vmem>>, vector<16xf32>,
      tpu.vector_store %arg8[%swap3A_1178, %swap3A_1179], %unpack3A_1175 {strides = array<i32>} : memref<120x128xf32, #tpu.memory_space<vmem>>, vector<16xf32>,
      %swap3A_1181 = arith.constant 5 : i32
      %swap3A_1182 = arith.index_cast %swap3A_1181 : i32 to index
      %swap3A_1183 = arith.constant 80 : index
      %swap3A_1184 = tpu.vector_load %arg8[%swap3A_1182, %swap3A_1183] {strides = array<i32>} : memref<120x128xf32, #tpu.memory_space<vmem>>, vector<16xf32>,
      tpu.vector_store %arg8[%swap3A_1182, %swap3A_1183], %unpack3A_1176 {strides = array<i32>} : memref<120x128xf32, #tpu.memory_space<vmem>>, vector<16xf32>,
      %unpack3A_1185 = tpu.unpack_subelements %add3A_910, 0 {pack_format = #tpu.pack_format<interleaved>} : vector<32xbf16> -> vector<16xf32>
      %unpack3A_1186 = tpu.unpack_subelements %add3A_910, 1 {pack_format = #tpu.pack_format<interleaved>} : vector<32xbf16> -> vector<16xf32>
      %swap3A_1187 = arith.constant 5 : i32
      %swap3A_1188 = arith.index_cast %swap3A_1187 : i32 to index
      %swap3A_1189 = arith.constant 96 : index
      %swap3A_1190 = tpu.vector_load %arg8[%swap3A_1188, %swap3A_1189] {strides = array<i32>} : memref<120x128xf32, #tpu.memory_space<vmem>>, vector<16xf32>,
      tpu.vector_store %arg8[%swap3A_1188, %swap3A_1189], %unpack3A_1185 {strides = array<i32>} : memref<120x128xf32, #tpu.memory_space<vmem>>, vector<16xf32>,
      %swap3A_1191 = arith.constant 5 : i32
      %swap3A_1192 = arith.index_cast %swap3A_1191 : i32 to index
      %swap3A_1193 = arith.constant 112 : index
      %swap3A_1194 = tpu.vector_load %arg8[%swap3A_1192, %swap3A_1193] {strides = array<i32>} : memref<120x128xf32, #tpu.memory_space<vmem>>, vector<16xf32>,
      tpu.vector_store %arg8[%swap3A_1192, %swap3A_1193], %unpack3A_1186 {strides = array<i32>} : memref<120x128xf32, #tpu.memory_space<vmem>>, vector<16xf32>,
      %unpack3A_1195 = tpu.unpack_subelements %add3A_943, 0 {pack_format = #tpu.pack_format<interleaved>} : vector<32xbf16> -> vector<16xf32>
      %unpack3A_1196 = tpu.unpack_subelements %add3A_943, 1 {pack_format = #tpu.pack_format<interleaved>} : vector<32xbf16> -> vector<16xf32>
      %swap3A_1197 = arith.constant 6 : i32
      %swap3A_1198 = arith.index_cast %swap3A_1197 : i32 to index
      %swap3A_1199 = arith.constant 0 : index
      %swap3A_1200 = tpu.vector_load %arg8[%swap3A_1198, %swap3A_1199] {strides = array<i32>} : memref<120x128xf32, #tpu.memory_space<vmem>>, vector<16xf32>,
      tpu.vector_store %arg8[%swap3A_1198, %swap3A_1199], %unpack3A_1195 {strides = array<i32>} : memref<120x128xf32, #tpu.memory_space<vmem>>, vector<16xf32>,
      %swap3A_1201 = arith.constant 6 : i32
      %swap3A_1202 = arith.index_cast %swap3A_1201 : i32 to index
      %swap3A_1203 = arith.constant 16 : index
      %swap3A_1204 = tpu.vector_load %arg8[%swap3A_1202, %swap3A_1203] {strides = array<i32>} : memref<120x128xf32, #tpu.memory_space<vmem>>, vector<16xf32>,
      tpu.vector_store %arg8[%swap3A_1202, %swap3A_1203], %unpack3A_1196 {strides = array<i32>} : memref<120x128xf32, #tpu.memory_space<vmem>>, vector<16xf32>,
      %unpack3A_1205 = tpu.unpack_subelements %add3A_966, 0 {pack_format = #tpu.pack_format<interleaved>} : vector<32xbf16> -> vector<16xf32>
      %unpack3A_1206 = tpu.unpack_subelements %add3A_966, 1 {pack_format = #tpu.pack_format<interleaved>} : vector<32xbf16> -> vector<16xf32>
      %swap3A_1207 = arith.constant 6 : i32
      %swap3A_1208 = arith.index_cast %swap3A_1207 : i32 to index
      %swap3A_1209 = arith.constant 32 : index
      %swap3A_1210 = tpu.vector_load %arg8[%swap3A_1208, %swap3A_1209] {strides = array<i32>} : memref<120x128xf32, #tpu.memory_space<vmem>>, vector<16xf32>,
      tpu.vector_store %arg8[%swap3A_1208, %swap3A_1209], %unpack3A_1205 {strides = array<i32>} : memref<120x128xf32, #tpu.memory_space<vmem>>, vector<16xf32>,
      %swap3A_1211 = arith.constant 6 : i32
      %swap3A_1212 = arith.index_cast %swap3A_1211 : i32 to index
      %swap3A_1213 = arith.constant 48 : index
      %swap3A_1214 = tpu.vector_load %arg8[%swap3A_1212, %swap3A_1213] {strides = array<i32>} : memref<120x128xf32, #tpu.memory_space<vmem>>, vector<16xf32>,
      tpu.vector_store %arg8[%swap3A_1212, %swap3A_1213], %unpack3A_1206 {strides = array<i32>} : memref<120x128xf32, #tpu.memory_space<vmem>>, vector<16xf32>,
      %unpack3A_1215 = tpu.unpack_subelements %add3A_989, 0 {pack_format = #tpu.pack_format<interleaved>} : vector<32xbf16> -> vector<16xf32>
      %unpack3A_1216 = tpu.unpack_subelements %add3A_989, 1 {pack_format = #tpu.pack_format<interleaved>} : vector<32xbf16> -> vector<16xf32>
      %swap3A_1217 = arith.constant 6 : i32
      %swap3A_1218 = arith.index_cast %swap3A_1217 : i32 to index
      %swap3A_1219 = arith.constant 64 : index
      %swap3A_1220 = tpu.vector_load %arg8[%swap3A_1218, %swap3A_1219] {strides = array<i32>} : memref<120x128xf32, #tpu.memory_space<vmem>>, vector<16xf32>,
      tpu.vector_store %arg8[%swap3A_1218, %swap3A_1219], %unpack3A_1215 {strides = array<i32>} : memref<120x128xf32, #tpu.memory_space<vmem>>, vector<16xf32>,
      %swap3A_1221 = arith.constant 6 : i32
      %swap3A_1222 = arith.index_cast %swap3A_1221 : i32 to index
      %swap3A_1223 = arith.constant 80 : index
      %swap3A_1224 = tpu.vector_load %arg8[%swap3A_1222, %swap3A_1223] {strides = array<i32>} : memref<120x128xf32, #tpu.memory_space<vmem>>, vector<16xf32>,
      tpu.vector_store %arg8[%swap3A_1222, %swap3A_1223], %unpack3A_1216 {strides = array<i32>} : memref<120x128xf32, #tpu.memory_space<vmem>>, vector<16xf32>,
      %unpack3A_1225 = tpu.unpack_subelements %add3A_1012, 0 {pack_format = #tpu.pack_format<interleaved>} : vector<32xbf16> -> vector<16xf32>
      %unpack3A_1226 = tpu.unpack_subelements %add3A_1012, 1 {pack_format = #tpu.pack_format<interleaved>} : vector<32xbf16> -> vector<16xf32>
      %swap3A_1227 = arith.constant 6 : i32
      %swap3A_1228 = arith.index_cast %swap3A_1227 : i32 to index
      %swap3A_1229 = arith.constant 96 : index
      %swap3A_1230 = tpu.vector_load %arg8[%swap3A_1228, %swap3A_1229] {strides = array<i32>} : memref<120x128xf32, #tpu.memory_space<vmem>>, vector<16xf32>,
      tpu.vector_store %arg8[%swap3A_1228, %swap3A_1229], %unpack3A_1225 {strides = array<i32>} : memref<120x128xf32, #tpu.memory_space<vmem>>, vector<16xf32>,
      %swap3A_1231 = arith.constant 6 : i32
      %swap3A_1232 = arith.index_cast %swap3A_1231 : i32 to index
      %swap3A_1233 = arith.constant 112 : index
      %swap3A_1234 = tpu.vector_load %arg8[%swap3A_1232, %swap3A_1233] {strides = array<i32>} : memref<120x128xf32, #tpu.memory_space<vmem>>, vector<16xf32>,
      tpu.vector_store %arg8[%swap3A_1232, %swap3A_1233], %unpack3A_1226 {strides = array<i32>} : memref<120x128xf32, #tpu.memory_space<vmem>>, vector<16xf32>,
      %unpack3A_1235 = tpu.unpack_subelements %add3A_1045, 0 {pack_format = #tpu.pack_format<interleaved>} : vector<32xbf16> -> vector<16xf32>
      %unpack3A_1236 = tpu.unpack_subelements %add3A_1045, 1 {pack_format = #tpu.pack_format<interleaved>} : vector<32xbf16> -> vector<16xf32>
      %swap3A_1237 = arith.constant 7 : i32
      %swap3A_1238 = arith.index_cast %swap3A_1237 : i32 to index
      %swap3A_1239 = arith.constant 0 : index
      %swap3A_1240 = tpu.vector_load %arg8[%swap3A_1238, %swap3A_1239] {strides = array<i32>} : memref<120x128xf32, #tpu.memory_space<vmem>>, vector<16xf32>,
      tpu.vector_store %arg8[%swap3A_1238, %swap3A_1239], %unpack3A_1235 {strides = array<i32>} : memref<120x128xf32, #tpu.memory_space<vmem>>, vector<16xf32>,
      %swap3A_1241 = arith.constant 7 : i32
      %swap3A_1242 = arith.index_cast %swap3A_1241 : i32 to index
      %swap3A_1243 = arith.constant 16 : index
      %swap3A_1244 = tpu.vector_load %arg8[%swap3A_1242, %swap3A_1243] {strides = array<i32>} : memref<120x128xf32, #tpu.memory_space<vmem>>, vector<16xf32>,
      tpu.vector_store %arg8[%swap3A_1242, %swap3A_1243], %unpack3A_1236 {strides = array<i32>} : memref<120x128xf32, #tpu.memory_space<vmem>>, vector<16xf32>,
      %unpack3A_1245 = tpu.unpack_subelements %add3A_1068, 0 {pack_format = #tpu.pack_format<interleaved>} : vector<32xbf16> -> vector<16xf32>
      %unpack3A_1246 = tpu.unpack_subelements %add3A_1068, 1 {pack_format = #tpu.pack_format<interleaved>} : vector<32xbf16> -> vector<16xf32>
      %swap3A_1247 = arith.constant 7 : i32
      %swap3A_1248 = arith.index_cast %swap3A_1247 : i32 to index
      %swap3A_1249 = arith.constant 32 : index
      %swap3A_1250 = tpu.vector_load %arg8[%swap3A_1248, %swap3A_1249] {strides = array<i32>} : memref<120x128xf32, #tpu.memory_space<vmem>>, vector<16xf32>,
      tpu.vector_store %arg8[%swap3A_1248, %swap3A_1249], %unpack3A_1245 {strides = array<i32>} : memref<120x128xf32, #tpu.memory_space<vmem>>, vector<16xf32>,
      %swap3A_1251 = arith.constant 7 : i32
      %swap3A_1252 = arith.index_cast %swap3A_1251 : i32 to index
      %swap3A_1253 = arith.constant 48 : index
      %swap3A_1254 = tpu.vector_load %arg8[%swap3A_1252, %swap3A_1253] {strides = array<i32>} : memref<120x128xf32, #tpu.memory_space<vmem>>, vector<16xf32>,
      tpu.vector_store %arg8[%swap3A_1252, %swap3A_1253], %unpack3A_1246 {strides = array<i32>} : memref<120x128xf32, #tpu.memory_space<vmem>>, vector<16xf32>,
      %unpack3A_1255 = tpu.unpack_subelements %add3A_1091, 0 {pack_format = #tpu.pack_format<interleaved>} : vector<32xbf16> -> vector<16xf32>
      %unpack3A_1256 = tpu.unpack_subelements %add3A_1091, 1 {pack_format = #tpu.pack_format<interleaved>} : vector<32xbf16> -> vector<16xf32>
      %swap3A_1257 = arith.constant 7 : i32
      %swap3A_1258 = arith.index_cast %swap3A_1257 : i32 to index
      %swap3A_1259 = arith.constant 64 : index
      %swap3A_1260 = tpu.vector_load %arg8[%swap3A_1258, %swap3A_1259] {strides = array<i32>} : memref<120x128xf32, #tpu.memory_space<vmem>>, vector<16xf32>,
      tpu.vector_store %arg8[%swap3A_1258, %swap3A_1259], %unpack3A_1255 {strides = array<i32>} : memref<120x128xf32, #tpu.memory_space<vmem>>, vector<16xf32>,
      %swap3A_1261 = arith.constant 7 : i32
      %swap3A_1262 = arith.index_cast %swap3A_1261 : i32 to index
      %swap3A_1263 = arith.constant 80 : index
      %swap3A_1264 = tpu.vector_load %arg8[%swap3A_1262, %swap3A_1263] {strides = array<i32>} : memref<120x128xf32, #tpu.memory_space<vmem>>, vector<16xf32>,
      tpu.vector_store %arg8[%swap3A_1262, %swap3A_1263], %unpack3A_1256 {strides = array<i32>} : memref<120x128xf32, #tpu.memory_space<vmem>>, vector<16xf32>,
      %unpack3A_1265 = tpu.unpack_subelements %add3A_1114, 0 {pack_format = #tpu.pack_format<interleaved>} : vector<32xbf16> -> vector<16xf32>
      %unpack3A_1266 = tpu.unpack_subelements %add3A_1114, 1 {pack_format = #tpu.pack_format<interleaved>} : vector<32xbf16> -> vector<16xf32>
      %swap3A_1267 = arith.constant 7 : i32
      %swap3A_1268 = arith.index_cast %swap3A_1267 : i32 to index
      %swap3A_1269 = arith.constant 96 : index
      %swap3A_1270 = tpu.vector_load %arg8[%swap3A_1268, %swap3A_1269] {strides = array<i32>} : memref<120x128xf32, #tpu.memory_space<vmem>>, vector<16xf32>,
      tpu.vector_store %arg8[%swap3A_1268, %swap3A_1269], %unpack3A_1265 {strides = array<i32>} : memref<120x128xf32, #tpu.memory_space<vmem>>, vector<16xf32>,
      %swap3A_1271 = arith.constant 7 : i32
      %swap3A_1272 = arith.index_cast %swap3A_1271 : i32 to index
      %swap3A_1273 = arith.constant 112 : index
      %swap3A_1274 = tpu.vector_load %arg8[%swap3A_1272, %swap3A_1273] {strides = array<i32>} : memref<120x128xf32, #tpu.memory_space<vmem>>, vector<16xf32>,
      tpu.vector_store %arg8[%swap3A_1272, %swap3A_1273], %unpack3A_1266 {strides = array<i32>} : memref<120x128xf32, #tpu.memory_space<vmem>>, vector<16xf32>,
      %mul3A_1275 = arith.constant 8 : i32
      %mul3A_1276 = arith.muli %add3A, %mul3A_1275 : i32
      %add3A_1277 = arith.constant 99840 : i32
      %add3A_1278 = arith.addi %add3A_1277, %mul3A_1276 : i32
      "tpu.region"() ({
        %run_scoped3A = tpu.sem_alloc : memref<!tpu.dma_semaphore, #tpu.memory_space<semaphore_mem>>
        %dma_start3A = arith.constant 0 : i32
        %dma_start3A_1279 = arith.constant 0 : i32
        %dma_start3A_1280 = tpu.memref_slice %arg8[%dma_start3A, %dma_start3A_1279] : memref<120x128xf32, #tpu.memory_space<vmem>> -> memref<8x128xf32, #tpu.memory_space<vmem>>
        %dma_start3A_1281 = arith.constant 0 : i32
        %dma_start3A_1282 = tpu.memref_slice %arg4[%add3A_1278, %dma_start3A_1281] : memref<100000x128xf32, #tpu.memory_space<hbm>> -> memref<8x128xf32, #tpu.memory_space<hbm>>
        %dma_start3A_1283 = arith.constant 0 : i32
        %dma_start3A_1284 = tpu.memref_slice %arg4[%add3A_1278, %dma_start3A_1283] : memref<100000x128xf32, #tpu.memory_space<hbm>> -> memref<8x128xf32, #tpu.memory_space<hbm>>
        %dma_start3A_1285 = arith.constant 0 : i32
        %dma_start3A_1286 = arith.constant 0 : i32
        %dma_start3A_1287 = tpu.memref_slice %arg8[%dma_start3A_1285, %dma_start3A_1286] : memref<120x128xf32, #tpu.memory_space<vmem>> -> memref<8x128xf32, #tpu.memory_space<vmem>>
        tpu.enqueue_dma source(%dma_start3A_1287 : memref<8x128xf32, #tpu.memory_space<vmem>>) target(%dma_start3A_1284 : memref<8x128xf32, #tpu.memory_space<hbm>>) target_semaphore(%run_scoped3A : memref<!tpu.dma_semaphore, #tpu.memory_space<semaphore_mem>>)
        %dma_wait3A_1288 = arith.constant 0 : i32
        %dma_wait3A_1289 = arith.constant 0 : i32
        %dma_wait3A_1290 = tpu.memref_slice %arg8[%dma_wait3A_1288, %dma_wait3A_1289] : memref<120x128xf32, #tpu.memory_space<vmem>> -> memref<8x128xf32, #tpu.memory_space<vmem>>
        %dma_wait3A_1291 = arith.constant 0 : i32
        %dma_wait3A_1292 = tpu.memref_slice %arg4[%add3A_1278, %dma_wait3A_1291] : memref<100000x128xf32, #tpu.memory_space<hbm>> -> memref<8x128xf32, #tpu.memory_space<hbm>>
        %dma_wait3A_1293 = arith.constant 0 : i32
        %dma_wait3A_1294 = tpu.memref_slice %arg4[%add3A_1278, %dma_wait3A_1293] : memref<100000x128xf32, #tpu.memory_space<hbm>> -> memref<8x128xf32, #tpu.memory_space<hbm>>
        %dma_wait3A_1295 = arith.constant 0 : i32
        %dma_wait3A_1296 = arith.constant 0 : i32
        %dma_wait3A_1297 = tpu.memref_slice %arg8[%dma_wait3A_1295, %dma_wait3A_1296] : memref<120x128xf32, #tpu.memory_space<vmem>> -> memref<8x128xf32, #tpu.memory_space<vmem>>
        tpu.wait_dma2 semaphore(%run_scoped3A : memref<!tpu.dma_semaphore, #tpu.memory_space<semaphore_mem>>) src(%dma_wait3A_1297 : memref<8x128xf32, #tpu.memory_space<vmem>>) dst(%dma_wait3A_1294 : memref<8x128xf32, #tpu.memory_space<hbm>>)
        tpu.yield
      }) : () -> ()
    } else {
    }
    return
  }
}

</mosaic_0001>

<sc_bundles>
// kernel: kernel.3.cloned.1.call-start
scs
__scs_entry_jumppad:
0x0: {  	(pc) =	sbr.rel $0x88, $3  }
0x1: {  	(tag) =	ssettag $0x0;
	lr =	simm.s32 $0x1  }
0x2: {  	[smem:$0x3F97] =	sst lr;
	_ =	strace $0xD0000000  }
0x3: {  	_ = 	snop  }
0x4: {  	_ = 	snop  }
0x5: {  	_ = 	snop  }
0x6: {  	_ = 	snop  }
0x7: {  	_ = 	snop  }
__scs_overlays_trampoline_lowered:
0x8: {  	[smem:$0x3FA6] =	sst s0  }
0x9: {  	[smem:$0x3FA7] =	sst s1  }
0xa: {  	[smem:$0x3FA8] =	sst s2  }
0xb: {  	[smem:$0x3FA9] =	sst s3  }
0xc: {  	[smem:$0x3FAA] =	sst s4  }
0xd: {  	[smem:$0x3FAB] =	sst s5  }
0xe: {  	[smem:$0x3FAC] =	sst s6  }
0xf: {  	[smem:$0x3FAD] =	sst s7  }
0x10: {  	[smem:$0x3FAE] =	sst s8  }
0x11: {  	[smem:$0x3FAF] =	sst s9;
	s0 =	simm.s32 @!p0 $0x0  }
0x12: {  	s1 =	sld [smem:$0x3F95];
	s0 =	simm.s32 @p0 $0x1  }
0x13: {  	[smem:$0x3FB0] =	sst s0;
	s0 =	simm.s32 @!p1 $0x0  }
0x14: {  	s2 =	sld [smem:$0x3F94];
	s0 =	simm.s32 @p1 $0x1  }
0x15: {  	[smem:$0x3FB1] =	sst s0;
	s0 =	simm.s32 @!p2 $0x0  }
0x16: {  	s3 =	sld [smem:$0x3FDB];
	s0 =	simm.s32 @p2 $0x1  }
0x17: {  	s4 =	simm.s32 $0x1BF5;
	[smem:$0x3FB3] =	sst s0  }
0x18: {  	s0 =	sld [smem:$0x3F96];
	_ =	swait.ge [sflag:s4], $0x0  }
0x19: {  	s7 =	sld [smem:$0x3F97]  }
0x1a: {  	s8 =	sadd.s32 $0xFFFFE003, lr  }
0x1b: {  	s9 =	sadd.s32 $0xFFFFFEF7, lr;
	s5 =	simm.s32 $0xFFFFFFFF;
	p2 =	slt.u32 s8, $0xFFFFF086  }
0x1c: {  	p1 =	slt.u32 s9, $0xF7A;
	s5 =	simm.s32 @!p2 $0x0  }
0x1d: {  	s5 =	simm.s32 @p1 $0x1;
	p0 =	seq.s32 s7, s2  }
0x1e: {  	s7 =	smul.u32 @!p0 $0xF7A, s2;
	p2 =	seq.s32 @!p0 s5, $0x0  }
0x1f: {  	s9 =	smul.u32 $0xF7A, s1;
	s8 =	simm.s32 @!p0 $0x1BF5;
	p2 =	por !p2, p0  }
0x20: {  	[sflag:s8] =	ssyncset.s32 @!p0 $0xFFFFF086;
	s6 =	sadd.s32 @!p0 s3, s7;
	s7 =	simm.s32 @!p0 $0x108  }
0x21: {  	s3 =	sadd.s32 s3, s9;
	s6 =	sadd.s32 @!p0 $0x88, s6;
	s7 =	simm.s32 @p2 $0x1082  }
0x22: {  	[simem:s7], [sflag:s8] =	dma.local @!p0 [hbm:s6], $0xF7A  }
0x23: {  	s9 =	sor.u32 $0xD0000000, s2;
	s6 =	simm.s32 $0x108;
	_ =	swait.ge @!p0 [sflag:s8], $0x0  }
0x24: {  	s3 =	sadd.s32 $0x88, s3;
	s6 =	simm.s32 @!p1 $0x1082;
	[sflag:s4] =	ssyncset.s32 $0xFFFFF086  }
0x25: {  	[simem:s6], [sflag:s4] =	dma.local [hbm:s3], $0xF7A  }
0x26: {  	[smem:$0x3F97] =	sst s1;
	(tag) =	ssettag s2;
	_ =	strace s9  }
0x27: {  	s1 =	sld [smem:$0x3FA7]  }
0x28: {  	s2 =	sld [smem:$0x3FA8]  }
0x29: {  	s4 =	sld [smem:$0x3FAA]  }
0x2a: {  	p0 =	seq.s32 s5, $0x0;
	s5 =	sld [smem:$0x3FAB]  }
0x2b: {  	s6 =	sld [smem:$0x3FAC]  }
0x2c: {  	s7 =	sld [smem:$0x3FAD]  }
0x2d: {  	s3 =	simm.s32 $0x108;
	s8 =	sld [smem:$0x3FAE]  }
0x2e: {  	s3 =	simm.s32 @!p0 $0x1082;
	s9 =	sld [smem:$0x3FAF]  }
0x2f: {  	lr =	sadd.s32 s0, s3;
	s0 =	sld [smem:$0x3FA6]  }
0x30: {  	s3 =	sld [smem:$0x3FA9]  }
0x31: {  	[smem:$0x3FB2] =	sst s10  }
0x32: {  	s10 =	sld [smem:$0x3FB0];
	_ =	sdelay $0x3  }
0x33: {  	p0 =	seq.s32 s10, $0x1;
	s10 =	sld [smem:$0x3FB2];
	_ =	sdelay $0x3  }
0x34: {  	[smem:$0x3FB2] =	sst s10  }
0x35: {  	s10 =	sld [smem:$0x3FB1];
	_ =	sdelay $0x3  }
0x36: {  	p1 =	seq.s32 s10, $0x1;
	s10 =	sld [smem:$0x3FB2];
	_ =	sdelay $0x3  }
0x37: {  	[smem:$0x3FB2] =	sst s10  }
0x38: {  	s10 =	sld [smem:$0x3FB3]  }
0x39: {  	_ = 	snop;
	(pc) =	sbr.ind lr, $3  }
0x3a: {  	_ = 	snop  }
0x3b: {  	_ = 	snop  }
0x3c: {  	p2 =	seq.s32 s10, $0x1;
	s10 =	sld [smem:$0x3FB2]  }
0x3d: {  	_ =	shalt  }
0x3e: {  	_ =	shalt  }
0x3f: {  	_ =	shalt  }
0x40: {  	_ =	shalt  }
0x41: {  	_ =	shalt  }
0x42: {  	_ =	shalt  }
0x43: {  	_ =	shalt  }
0x44: {  	_ =	shalt  }
0x45: {  	_ =	shalt  }
0x46: {  	_ =	shalt  }
0x47: {  	_ =	shalt  }
0x48: {  	_ =	shalt  }
0x49: {  	_ =	shalt  }
0x4a: {  	_ =	shalt  }
0x4b: {  	_ =	shalt  }
0x4c: {  	_ =	shalt  }
0x4d: {  	_ =	shalt  }
0x4e: {  	_ =	shalt  }
0x4f: {  	_ =	shalt  }
0x50: {  	_ =	shalt  }
0x51: {  	_ =	shalt  }
0x52: {  	_ =	shalt  }
0x53: {  	_ =	shalt  }
0x54: {  	_ =	shalt  }
0x55: {  	_ =	shalt  }
0x56: {  	_ =	shalt  }
0x57: {  	_ =	shalt  }
0x58: {  	_ =	shalt  }
0x59: {  	_ =	shalt  }
0x5a: {  	_ =	shalt  }
0x5b: {  	_ =	shalt  }
0x5c: {  	_ =	shalt  }
0x5d: {  	_ =	shalt  }
0x5e: {  	_ =	shalt  }
0x5f: {  	_ =	shalt  }
0x60: {  	_ =	shalt  }
0x61: {  	_ =	shalt  }
0x62: {  	_ =	shalt  }
0x63: {  	_ =	shalt  }
0x64: {  	_ =	shalt  }
0x65: {  	_ =	shalt  }
0x66: {  	_ =	shalt  }
0x67: {  	_ =	shalt  }
0x68: {  	_ =	shalt  }
0x69: {  	_ =	shalt  }
0x6a: {  	_ =	shalt  }
0x6b: {  	_ =	shalt  }
0x6c: {  	_ =	shalt  }
0x6d: {  	_ =	shalt  }
0x6e: {  	_ =	shalt  }
0x6f: {  	_ =	shalt  }
0x70: {  	_ =	shalt  }
0x71: {  	_ =	shalt  }
0x72: {  	_ =	shalt  }
0x73: {  	_ =	shalt  }
0x74: {  	_ =	shalt  }
0x75: {  	_ =	shalt  }
0x76: {  	_ =	shalt  }
0x77: {  	_ =	shalt  }
0x78: {  	_ =	shalt  }
0x79: {  	_ =	shalt  }
0x7a: {  	_ =	shalt  }
0x7b: {  	_ =	shalt  }
0x7c: {  	_ =	shalt  }
0x7d: {  	_ =	shalt  }
0x7e: {  	_ =	shalt  }
0x7f: {  	_ =	shalt  }
0x80: {  	_ =	shalt  }
0x81: {  	_ =	shalt  }
0x82: {  	_ =	shalt  }
0x83: {  	_ =	shalt  }
0x84: {  	_ =	shalt  }
0x85: {  	_ =	shalt  }
0x86: {  	_ =	shalt  }
0x87: {  	_ =	shalt  }
.Lfunc_end0:
.L_simem_size_0:
called_computation_lowered:
.L_overlay_start_0:
0x88: {  	s2 =	sld [smem:$0x3FD9]  }
0x89: {  	s3 =	sld [smem:$0x3FFE];
	_ =	sdelay $0x1  }
0x8a: {  	s1 =	srdreg.scid  }
0x8b: {  	s0 =	sand.u32 $0x1, s1  }
0x8c: {  	s17 =	sshll.u32 s0, $0xA;
	s2 =	sadd.s32 s3, s2  }
0x8d: {  	s2 =	sadd.s32 s2, s17  }
0x8e: {  	[smem:$0x3FBE] =	sst s2  }
0x8f: {  	_ = 	snop  }
0x90: {  	s2 =	sld [smem:$0x3FD0];
	(tm) =	ssettm $0x1  }
0x91: {  	s18 =	sld [smem:$0x3FFB];
	_ =	sdelay $0x3  }
0x92: {  	_ =	strace s18  }
0x93: {  	s3 =	sld [smem:$0x3FFC];
	_ =	sdelay $0x3  }
0x94: {  	_ =	strace s3  }
0x95: {  	s3 =	sld [smem:$0x3FFD];
	_ =	sdelay $0x3  }
0x96: {  	_ =	strace s3  }
0x97: {  	_ =	strace $0x8FFFFFFF  }
0x98: {  	s19 =	sld [smem:$0x3FDB];
	_ =	sdelay $0x1  }
0x99: {  	s4 =	simm.s32 $_scs_section_size  }
0x9a: {  	s5 =	simm.s32 $_size__tile_overlayer_lowered;
	s6 =	simm.s32 $_tile_overlayer_lowered  }
0x9b: {  	s22 =	simm.s32 $0x1BFF;
	s21 =	sshll.u32 s6, $0x1;
	s3 =	sadd.s32 s4, s19  }
0x9c: {  	s7 =	simm.s32 $0x0;
	s20 =	sshll.u32 s5, $0x1;
	s5 =	sadd.s32 s21, s3  }
0x9d: {  	[timem:s7], [sflag:s22] =	dma.local [hbm:s5], s20  }
0x9e: {  	_ =	swait.ge [sflag:s22], s20  }
0x9f: {  	s4 =	ssub.s32 $0x0, s20;
	[sflag:s22] =	ssyncset.done $0x0  }
0xa0: {  	[sflag:s22] =	ssyncadd.s32 s4;
	_ =	sdelay $0x1  }
0xa1: {  	s23 =	simm.s32 $0x1B8B  }
0xa2: {  	_ =	swait.ge [sflag:s23], $0x1  }
0xa3: {  	[sflag:s23] =	ssyncset.done $0x0  }
0xa4: {  	s25 =	simm.s32 $0x1B8E;
	s24 =	sld [smem:$0x3FFE];
	[sflag:s23] =	ssyncadd.s32 $0xFFFFFFFF  }
0xa5: {  	s26 =	simm.s32 $execute0_lowered;
	[smem:$0x3FD2] =	sst s25  }
0xa6: {  	s5 =	sshll.u32 s26, $0x1;
	_ =	strace $0x80000046;
	[dreg:$0x1] =	wrdreg $0xFFFFFFFF  }
0xa7: {  	s28 =	simm.s32 $_size_execute0_lowered;
	s3 =	sadd.s32 s3, s5;
	[dreg:$0x0] =	wrdreg $0x0  }
0xa8: {  	s5 =	sshll.u32 s28, $0x1;
	[dreg:$0x2] =	wrdreg s3  }
0xa9: {  	[dreg:$0x3] =	wrdreg s5  }
0xaa: {  	[dreg:$0x4] =	wrdreg $0xC0  }
0xab: {  	_ =	task [dreg:s7], $0x5FFFF  }
0xac: {  	[dreg:$0x1] =	wrdreg $0xFFFFFFFF  }
0xad: {  	[dreg:$0x0] =	wrdreg $0x60  }
0xae: {  	[dreg:$0x2] =	wrdreg s24  }
0xaf: {  	[dreg:$0x3] =	wrdreg s2  }
0xb0: {  	[dreg:$0x4] =	wrdreg $0x9  }
0xb1: {  	_ =	task.clear_ibuf [dreg:s7], $0x5FFFF;
	_ =	strace $0x90000046  }
0xb2: {  	s29 =	simm.s32 $0x9;
	_ =	strace $0x80000048  }
0xb3: {  	_ =	swait.ge [sflag:s29], $0x1  }
0xb4: {  	[sflag:s29] =	ssyncadd.s32 $0xFFFFFFFF  }
0xb5: {  	_ =	strace $0x90000048  }
0xb6: {  	_ =	sfence  }
0xb7: {  	s30 =	sld [smem:$0x0];
	_ =	sdelay $0x2  }
0xb8: {  	s31 =	sshll.u32 s1, $0xD;
	s1 =	sshrl.u32 s1, $0x2  }
0xb9: {  	s3 =	sand.u32 $0x4000, s31;
	s1 =	sadd.s32 s1, s30  }
0xba: {  	s0 =	sor.u32 s3, s0;
	s1 =	sshll.u32 s1, $0x11  }
0xbb: {  	s0 =	sor.u32 s1, s0  }
0xbc: {  	s0 =	sadd.s32 $0x8F2B, s0  }
0xbd: {  	[sflag:s0] =	ssyncadd.remote.s32 $0x1  }
0xbe: {  	_ =	sfence.sel $0xFFFF  }
0xbf: {  	[dreg:$0x0] =	wrdreg $0xFFFFFFFF;
	(pc) =	sbr.abs _section_cstart, $3  }
0xc0: {  	[dreg:$0x1] =	wrdreg $0xFFFFFFFF  }
0xc1: {  	_ =	task.clear_ibuf [dreg:s7], $0x2FFFF;
	_ =	strace $0x9FFFFFFF  }
0xc2: {  	(tm) =	ssettm $0x7FFFFFFF  }
0xc3: {  	_ =	shalt  }
tec
execute0_lowered:
.L_overlay_start_1:
0x0: {  	(tag) =	ssettag $0x1  }
0x1: {  	s2 =	rddreg [dreg:$0x0]  }
0x2: {  	s3 =	rddreg [dreg:$0x1]  }
0x3: {  	s0 =	srdreg.scid;
	s10 =	stileid.u32;
	s4 =	simm.s32 $0x0  }
0x4: {  	s31 =	simm.s32 $0xD480;
	s28 =	simm.s32 $0x2;
	s29 =	simm.s32 $0x0  }
0x5: {  	s0 =	sand.u32 $0x1, s0;
	s1 =	sshll.u32 s10, $0x1;
	[smem:$0x7FF] =	sst s4  }
0x6: {  	s2 =	sadd.s32 $0xE00, s2;
	p0 =	sgt.u32 s10, $0x9;
	s1 =	sor.u32 s0, s1  }
0x7: {  	_ =	strace $0x80000047;
	s0 =	ssub.s32 $0x2, s0;
	s6 =	smin.u32 s1, $0x13  }
0x8: {  	s5 =	smul.u32 $0xC30, s1;
	s7 =	sshrl.u32 s0, $0x1;
	s9 =	sadd.s32 s6, s2  }
0x9: {  	s1 =	sshll.u32 s1, $0x7;
	s0 =	ssub.s32 s0, s7;
	s19 =	sadd.s32 $0x30C0, s9  }
0xa: {  	s1 =	sadd.s32 s1, s3;
	s21 =	sadd.s32 $0x6194, s9;
	[dreg:$0x3] =	wrdreg s19  }
0xb: {  	s8 =	sshrl.u32 s5, $0x3;
	s23 =	sadd.s32 $0x9268, s9;
	[dreg:$0x5] =	wrdreg s21  }
0xc: {  	s25 =	sadd.s32 $0xC33C, s9;
	s30 =	sadd.s32 $0xF410, s9;
	[dreg:$0x7] =	wrdreg s23  }
0xd: {  	s17 =	sadd.s32 $0x124E4, s9;
	s1 =	sadd.s32 $0x186000, s1;
	[dreg:$0x9] =	wrdreg s25  }
0xe: {  	v0 =	vlaneseq.u32;
	s6 =	sadd.s32 s2, s8;
	[dreg:$0xb] =	wrdreg s30;
	s19 =	sadd.s32 $0x155B8, s9  }
0xf: {  	v0 =	vmul.u32 $0x4, v0;
	s21 =	sadd.s32 $0x1868C, s9;
	s23 =	sadd.s32 $0x1B760, s9;
	[dreg:$0xc] =	wrdreg s1  }
0x10: {  	s25 =	smax.u32 s0, $0x1;
	s0 =	simm.s32 $0x10580;
	s20 =	sadd.s32 $0x30D4, s6  }
.Ltmp0:
0x11: {  	v1 =	vor.u32 $0x30C0, v0;
	[tilespmem:$0x1FFF0] =	vst v0;
	s22 =	sadd.s32 $0x61A8, s6;
	[dreg:$0x4] =	wrdreg s20;
	(pc) =	sbr.rel .LBB2_1-.Ltmp0, $4  }
0x12: {  	[tilespmem:$0x1FFB0] =	vst v1;
	v1 =	vor.u32 $0x30C1, v0;
	s1 =	simm.s32 $0x14180;
	s24 =	sadd.s32 $0x927C, s6;
	[dreg:$0x6] =	wrdreg s22  }
0x13: {  	[tilespmem:$0x1FFC0] =	vst v1;
	v1 =	vor.u32 $0x30C2, v0;
	s2 =	simm.s32 $0x1;
	s26 =	sadd.s32 $0xC350, s6;
	[dreg:$0x8] =	wrdreg s24  }
0x14: {  	[tilespmem:$0x1FFD0] =	vst v1;
	v1 =	vor.u32 $0x30C3, v0;
	s16 =	sadd.s32 $0xF424, s6;
	s18 =	sadd.s32 $0x124F8, s6;
	[dreg:$0xa] =	wrdreg s26  }
0x15: {  	[tilespmem:$0x1FFE0] =	vst v1;
	s20 =	sadd.s32 $0x155CC, s6;
	s22 =	sadd.s32 $0x186A0, s6;
	s26 =	simm.s32 $0x3  }
.LBB2_11:
0x16: {  	s29 =	sadd.s32 $0x1, s29  }
0x17: {  	p1 =	sne.s32 s29, s25  }
.Ltmp1:
0x18: {  	_ = 	snop;
	(pc) =	sbr.rel @!p1 .LBB2_12-.Ltmp1, $2  }
0x19: {  	_ =	sdelay $0x2  }
0x1a: {  	v0 =	vld [tilespmem:$0x1FFF0]  }
.LBB2_1:
0x1b: {  	s7 =	rddreg [dreg:$0x0]  }
0x1c: {  	[tilespmem:s4], [sflag:$0x3] =	stream.linear.gather [hbm4b:s7+s4], $0x6600, $0x38;
	[tilespmem:$0x17D80] =	vst v63  }
0x1d: {  	_ =	swait.ge [sflag:s26], $0x6600  }
0x1e: {  	[sflag:s26] =	ssyncset.done $0x0  }
0x1f: {  	s12 =	simm.s32 $0x6600;
	[sflag:s26] =	ssyncadd.s32 $0xFFFF9A00  }
0x20: {  	[tilespmem:s12], [sflag:$0x3] =	stream.linear.gather [hbm4b:s6+s4], $0xC30, $0x38;
	[tilespmem:$0x17D80] =	vst v63  }
0x21: {  	_ =	swait.ge [sflag:s26], $0xC30  }
0x22: {  	[sflag:s26] =	ssyncset.done $0x0  }
0x23: {  	s8 =	simm.s32 $0x7230;
	s13 =	rddreg [dreg:$0x3];
	[sflag:s26] =	ssyncadd.s32 $0xFFFFF3D0  }
0x24: {  	[tilespmem:s8], [sflag:$0x3] =	stream.linear.gather [hbm4b:s13+s4], $0x10, $0x38;
	[tilespmem:$0x17D80] =	vst v63  }
0x25: {  	_ =	swait.ge [sflag:s26], $0x10  }
0x26: {  	[sflag:s26] =	ssyncset.done $0x0  }
0x27: {  	s15 =	simm.s32 $0x7240;
	s14 =	rddreg [dreg:$0x4];
	[sflag:s26] =	ssyncadd.s32 $0xFFFFFFF0  }
0x28: {  	[tilespmem:s15], [sflag:$0x3] =	stream.linear.gather [hbm4b:s14+s4], $0xC30, $0x38;
	[tilespmem:$0x17D80] =	vst v63  }
0x29: {  	_ =	swait.ge [sflag:s26], $0xC30  }
0x2a: {  	[sflag:s26] =	ssyncset.done $0x0  }
0x2b: {  	s30 =	simm.s32 $0x7E70;
	s24 =	rddreg [dreg:$0x5];
	[sflag:s26] =	ssyncadd.s32 $0xFFFFF3D0  }
0x2c: {  	[tilespmem:s30], [sflag:$0x3] =	stream.linear.gather [hbm4b:s24+s4], $0x10, $0x38;
	[tilespmem:$0x17D80] =	vst v63  }
0x2d: {  	_ =	swait.ge [sflag:s26], $0x10  }
0x2e: {  	[sflag:s26] =	ssyncset.done $0x0  }
0x2f: {  	s9 =	simm.s32 $0x7E80;
	s8 =	rddreg [dreg:$0x6];
	[sflag:s26] =	ssyncadd.s32 $0xFFFFFFF0  }
0x30: {  	[tilespmem:s9], [sflag:$0x3] =	stream.linear.gather [hbm4b:s8+s4], $0xC30, $0x38;
	[tilespmem:$0x17D80] =	vst v63  }
0x31: {  	_ =	swait.ge [sflag:s26], $0xC30  }
0x32: {  	[sflag:s26] =	ssyncset.done $0x0  }
0x33: {  	s11 =	simm.s32 $0x8AB0;
	s10 =	rddreg [dreg:$0x7];
	[sflag:s26] =	ssyncadd.s32 $0xFFFFF3D0  }
0x34: {  	[tilespmem:s11], [sflag:$0x3] =	stream.linear.gather [hbm4b:s10+s4], $0x10, $0x38;
	[tilespmem:$0x17D80] =	vst v63  }
0x35: {  	_ =	swait.ge [sflag:s26], $0x10  }
0x36: {  	[sflag:s26] =	ssyncset.done $0x0  }
0x37: {  	s13 =	simm.s32 $0x8AC0;
	s12 =	rddreg [dreg:$0x8];
	[sflag:s26] =	ssyncadd.s32 $0xFFFFFFF0  }
0x38: {  	[tilespmem:s13], [sflag:$0x3] =	stream.linear.gather [hbm4b:s12+s4], $0xC30, $0x38;
	[tilespmem:$0x17D80] =	vst v63  }
0x39: {  	_ =	swait.ge [sflag:s26], $0xC30  }
0x3a: {  	[sflag:s26] =	ssyncset.done $0x0  }
0x3b: {  	s15 =	simm.s32 $0x96F0;
	s14 =	rddreg [dreg:$0x9];
	[sflag:s26] =	ssyncadd.s32 $0xFFFFF3D0  }
0x3c: {  	[tilespmem:s15], [sflag:$0x3] =	stream.linear.gather [hbm4b:s14+s4], $0x10, $0x38;
	[tilespmem:$0x17D80] =	vst v63  }
0x3d: {  	_ =	swait.ge [sflag:s26], $0x10  }
0x3e: {  	[sflag:s26] =	ssyncset.done $0x0  }
0x3f: {  	s30 =	simm.s32 $0x9700;
	s24 =	rddreg [dreg:$0xa];
	[sflag:s26] =	ssyncadd.s32 $0xFFFFFFF0  }
0x40: {  	[tilespmem:s30], [sflag:$0x3] =	stream.linear.gather [hbm4b:s24+s4], $0xC30, $0x38;
	[tilespmem:$0x17D80] =	vst v63  }
0x41: {  	_ =	swait.ge [sflag:s26], $0xC30  }
0x42: {  	[sflag:s26] =	ssyncset.done $0x0  }
0x43: {  	s9 =	simm.s32 $0xA330;
	s8 =	rddreg [dreg:$0xb];
	[sflag:s26] =	ssyncadd.s32 $0xFFFFF3D0  }
0x44: {  	[tilespmem:s9], [sflag:$0x3] =	stream.linear.gather [hbm4b:s8+s4], $0x10, $0x38;
	[tilespmem:$0x17D80] =	vst v63  }
0x45: {  	_ =	swait.ge [sflag:s26], $0x10  }
0x46: {  	[sflag:s26] =	ssyncset.done $0x0  }
0x47: {  	s10 =	simm.s32 $0xA340;
	[sflag:s26] =	ssyncadd.s32 $0xFFFFFFF0  }
0x48: {  	[tilespmem:s10], [sflag:$0x3] =	stream.linear.gather [hbm4b:s16+s4], $0xC30, $0x38;
	[tilespmem:$0x17D80] =	vst v63  }
0x49: {  	_ =	swait.ge [sflag:s26], $0xC30  }
0x4a: {  	[sflag:s26] =	ssyncset.done $0x0  }
0x4b: {  	s11 =	simm.s32 $0xAF70;
	[sflag:s26] =	ssyncadd.s32 $0xFFFFF3D0  }
0x4c: {  	[tilespmem:s11], [sflag:$0x3] =	stream.linear.gather [hbm4b:s17+s4], $0x10, $0x38;
	[tilespmem:$0x17D80] =	vst v63  }
0x4d: {  	_ =	swait.ge [sflag:s26], $0x10  }
0x4e: {  	[sflag:s26] =	ssyncset.done $0x0  }
0x4f: {  	s12 =	simm.s32 $0xAF80;
	[sflag:s26] =	ssyncadd.s32 $0xFFFFFFF0  }
0x50: {  	[tilespmem:s12], [sflag:$0x3] =	stream.linear.gather [hbm4b:s18+s4], $0xC30, $0x38;
	[tilespmem:$0x17D80] =	vst v63  }
0x51: {  	_ =	swait.ge [sflag:s26], $0xC30  }
0x52: {  	[sflag:s26] =	ssyncset.done $0x0  }
0x53: {  	s13 =	simm.s32 $0xBBB0;
	[sflag:s26] =	ssyncadd.s32 $0xFFFFF3D0  }
0x54: {  	[tilespmem:s13], [sflag:$0x3] =	stream.linear.gather [hbm4b:s19+s4], $0x10, $0x38;
	[tilespmem:$0x17D80] =	vst v63  }
0x55: {  	_ =	swait.ge [sflag:s26], $0x10  }
0x56: {  	[sflag:s26] =	ssyncset.done $0x0  }
0x57: {  	s7 =	simm.s32 $0xBBC0;
	[sflag:s26] =	ssyncadd.s32 $0xFFFFFFF0  }
0x58: {  	[tilespmem:s7], [sflag:$0x3] =	stream.linear.gather [hbm4b:s20+s4], $0xC30, $0x38;
	[tilespmem:$0x17D80] =	vst v63  }
0x59: {  	_ =	swait.ge [sflag:s26], $0xC30  }
0x5a: {  	[sflag:s26] =	ssyncset.done $0x0  }
0x5b: {  	s14 =	simm.s32 $0xC7F0;
	[sflag:s26] =	ssyncadd.s32 $0xFFFFF3D0  }
0x5c: {  	[tilespmem:s14], [sflag:$0x3] =	stream.linear.gather [hbm4b:s21+s4], $0x10, $0x38;
	[tilespmem:$0x17D80] =	vst v63  }
0x5d: {  	_ =	swait.ge [sflag:s26], $0x10  }
0x5e: {  	[sflag:s26] =	ssyncset.done $0x0  }
0x5f: {  	s15 =	simm.s32 $0xC800;
	[sflag:s26] =	ssyncadd.s32 $0xFFFFFFF0  }
0x60: {  	[tilespmem:s15], [sflag:$0x3] =	stream.linear.gather [hbm4b:s22+s4], $0xC30, $0x38;
	[tilespmem:$0x17D80] =	vst v63  }
0x61: {  	_ =	swait.ge [sflag:s26], $0xC30  }
0x62: {  	[sflag:s26] =	ssyncset.done $0x0  }
0x63: {  	s24 =	simm.s32 $0xD430;
	[sflag:s26] =	ssyncadd.s32 $0xFFFFF3D0  }
0x64: {  	[tilespmem:s24], [sflag:$0x3] =	stream.linear.gather [hbm4b:s23+s4], $0x10, $0x38;
	[tilespmem:$0x17D80] =	vst v63  }
0x65: {  	_ =	swait.ge [sflag:s26], $0x10  }
0x66: {  	[sflag:s26] =	ssyncset.done $0x0  }
0x67: {  	[sflag:s26] =	ssyncadd.s32 $0xFFFFFFF0  }
0x68: {  	v5 =	vld [tilespmem:s7+$0xFFFFAA40]  }
0x69: {  	s30 =	sand.u32 $0xFF0, s4;
	v7 =	vld [tilespmem:s7+$0xFFFFCF00]  }
0x6a: {  	v9 =	vld [tilespmem:s30+$0x7E80]  }
0x6b: {  	v8 =	vld [tilespmem:s7+$0xFFFFB680]  }
0x6c: {  	v11 =	vmov s4;
	v12 =	vld [tilespmem:s7+$0xFFFFE780]  }
0x6d: {  	v11 =	vshll.u32 v11, $0x2;
	v10 =	vld [tilespmem:s30+$0xAF80]  }
0x6e: {  	v11 =	vor.u32 v0, v11;
	v6 =	vld [tilespmem:s7+$0x0]  }
0x6f: {  	v15 =	vor.u32 $0x1, v11;
	v13 =	vld [tilespmem:s30+$0x9700];
	v9 =	vmul.u32 $0x6, v9  }
0x70: {  	v14 =	vld [tilespmem:s30+$0xC800];
	v8 =	vmul.u32 $0x6, v8  }
0x71: {  	v63 =	vor.u32 $0x2, v11;
	v5 =	vshll.u32 v5, $0x6;
	v9 =	vadd.s32 v9, v12  }
0x72: {  	v7 =	vmul.u32 $0xA, v7;
	v8 =	vadd.s32 v8, v10;
	v9 =	vshll.u32 v9, $0x6  }
0x73: {  	v6 =	vshll.u32 v6, $0x1;
	[tilespmem:v11+s31+$0x0] =	vst.idx.msk $0xffff, v5;
	v8 =	vshll.u32 v8, $0x2;
	v5 =	vadd.s32 $0x1DC0, v9  }
0x74: {  	v7 =	vadd.s32 v13, v7;
	v6 =	vadd.s32 v6, v8;
	[tilespmem:v15+s31+$0x0] =	vst.idx.msk $0xffff, v5;
	v5 =	vor.u32 $0x3, v11  }
0x75: {  	v7 =	vshll.u32 v7, $0x6;
	v6 =	vadd.s32 v14, v6  }
0x76: {  	v7 =	vadd.s32 $0x2FC0, v7;
	v6 =	vshll.u32 v6, $0x6  }
0x77: {  	s8 =	simm.s32 $0x10;
	[tilespmem:v63+s31+$0x0] =	vst.idx.msk $0xffff, v7;
	v6 =	vadd.s32 $0x4DC0, v6  }
.LBB2_2:
0x78: {  	p1 =	sne.s32 s8, $0xC20  }
0x79: {  	[tilespmem:v5+s31+$0x0] =	vst.idx.msk $0xffff, v6;
	s7 =	sadd.s32 $0x10, s7;
	s9 =	smov.u32 s8;
	s8 =	sadd.s32 $0x10, s8  }
0x7a: {  	v5 =	vld [tilespmem:s7+$0xFFFFAA40]  }
0x7b: {  	v6 =	vld [tilespmem:s7+$0x0]  }
0x7c: {  	v8 =	vmov s9;
	v7 =	vld [tilespmem:s7+$0xFFFFCF00]  }
0x7d: {  	s9 =	sand.u32 $0xFF0, s9;
	v8 =	vshll.u32 v8, $0x2;
	v9 =	vld [tilespmem:s7+$0xFFFFB680]  }
0x7e: {  	v8 =	vor.u32 v0, v8;
	v10 =	vld [tilespmem:s9+$0x7E80]  }
0x7f: {  	v11 =	vld [tilespmem:s9+$0xAF80]  }
0x80: {  	v12 =	vld [tilespmem:s7+$0xFFFFE780]  }
0x81: {  	v13 =	vld [tilespmem:s9+$0x9700]  }
0x82: {  	v5 =	vshll.u32 v5, $0x6;
	v14 =	vld [tilespmem:s9+$0xC800];
	v9 =	vmul.u32 $0x6, v9  }
0x83: {  	v15 =	vor.u32 $0x1, v8;
	v10 =	vmul.u32 $0x6, v10;
	[tilespmem:v8+s31+$0x0] =	vst.idx.msk $0xffff, v5;
	v5 =	vor.u32 $0x3, v8  }
0x84: {  	v7 =	vmul.u32 $0xA, v7;
	v8 =	vor.u32 $0x2, v8;
	v9 =	vadd.s32 v9, v11  }
.Ltmp2:
0x85: {  	v6 =	vshll.u32 v6, $0x1;
	v10 =	vadd.s32 v10, v12;
	v9 =	vshll.u32 v9, $0x2;
	(pc) =	sbr.rel @p1 .LBB2_2-.Ltmp2, $4  }
0x86: {  	v10 =	vshll.u32 v10, $0x6;
	v7 =	vadd.s32 v13, v7;
	v6 =	vadd.s32 v6, v9  }
0x87: {  	v9 =	vadd.s32 $0x1DC0, v10;
	v7 =	vshll.u32 v7, $0x6;
	v6 =	vadd.s32 v14, v6  }
0x88: {  	v7 =	vadd.s32 $0x2FC0, v7;
	v6 =	vshll.u32 v6, $0x6;
	[tilespmem:v15+s31+$0x0] =	vst.idx.msk $0xffff, v9  }
0x89: {  	v6 =	vadd.s32 $0x4DC0, v6;
	[tilespmem:v8+s31+$0x0] =	vst.idx.msk $0xffff, v7  }
0x8a: {  	_ = 	snop  }
0x8b: {  	v0 =	vld [tilespmem:$0x1FFB0]  }
0x8c: {  	v61 =	vld [tilespmem:$0x1FFC0]  }
0x8d: {  	v62 =	vld [tilespmem:$0x1FFD0]  }
0x8e: {  	[tilespmem:v5+s31+$0x0] =	vst.idx.msk $0xffff, v6;
	v63 =	vld [tilespmem:$0x1FFE0]  }
0x8f: {  	v5 =	vld [tilespmem:$0x7230]  }
0x90: {  	v6 =	vld [tilespmem:$0x7E70]  }
0x91: {  	v7 =	vld [tilespmem:$0x8AB0]  }
0x92: {  	v8 =	vld [tilespmem:$0x96F0]  }
0x93: {  	v9 =	vld [tilespmem:$0xAF70]  }
0x94: {  	v10 =	vld [tilespmem:$0xBBB0]  }
0x95: {  	v11 =	vld [tilespmem:$0xC7F0]  }
0x96: {  	v12 =	vld [tilespmem:$0xA330]  }
0x97: {  	v13 =	vld [tilespmem:$0xD430];
	v6 =	vmul.u32 $0x6, v6  }
0x98: {  	v7 =	vmul.u32 $0x6, v7  }
0x99: {  	v5 =	vshll.u32 v5, $0x6;
	v8 =	vmul.u32 $0xA, v8;
	v6 =	vadd.s32 v6, v10  }
0x9a: {  	v59 =	vshll.u32 v11, $0x1;
	v7 =	vadd.s32 v7, v9;
	v6 =	vshll.u32 v6, $0x2  }
0x9b: {  	v8 =	vadd.s32 v12, v8;
	v7 =	vshll.u32 v7, $0x6;
	v6 =	vadd.s32 v59, v6  }
0x9c: {  	[tilespmem:v0+s31+$0x0] =	vst.idx.msk $0xffff, v5;
	v8 =	vshll.u32 v8, $0x6;
	v7 =	vadd.s32 $0x1DC0, v7;
	v6 =	vadd.s32 v13, v6  }
0x9d: {  	v60 =	vadd.s32 $0x2FC0, v8;
	[tilespmem:v61+s31+$0x0] =	vst.idx.msk $0xffff, v7;
	v6 =	vshll.u32 v6, $0x6  }
0x9e: {  	[tilespmem:v62+s31+$0x0] =	vst.idx.msk $0xffff, v60;
	v6 =	vadd.s32 $0x4DC0, v6  }
0x9f: {  	s30 =	simm.s32 $0x0;
	s24 =	simm.s32 $0xD488;
	s7 =	simm.s32 $0xD660;
	[tilespmem:v63+s31+$0x0] =	vst.idx.msk $0xffff, v6  }
.LBB2_4:
0xa0: {  	p1 =	seq.s32 s30, $0x0  }
0xa1: {  	v5 =	vmov s24;
	s8 =	simm.s32 @!p1 $0x1  }
0xa2: {  	_ =	swait.ge @!p1 [sflag:s8], $0x3C00  }
0xa3: {  	s9 =	simm.s32 $0x106C0;
	[sflag:s8] =	ssyncset.done @!p1 $0x0  }
0xa4: {  	s10 =	simm.s32 $0x0;
	[sflag:s8] =	ssyncadd.s32 @!p1 $0xFFFFC400;
	s8 =	smul.u32 $0xF0, s30  }
.LBB2_5:
0xa5: {  	s11 =	sshra.s32 s10, $0x2  }
0xa6: {  	v6 =	vld.idx.msk [tilespmem:v5+s11+$0xFFFFFFF8 ss:$0x1], $0xffff;
	_ =	sdelay $0x4  }
0xa7: {  	(v2sf) =	vpush v6, $0x0;
	_ =	sdelay $0x4  }
0xa8: {  	(v2sf) =	vpush v6, $0x1;
	_ =	sdelay $0x3  }
0xa9: {  	(v2sf) =	vpush v6, $0x2  }
0xaa: {  	(v2sf) =	vpush v6, $0x3;
	v6 =	vld.idx.msk [tilespmem:v5+s11+$0xFFFFFFFC ss:$0x1], $0xffff;
	_ =	sdelay $0x4  }
0xab: {  	s12 =	spop (v2sf);
	(v2sf) =	vpush v6, $0x0;
	_ =	sdelay $0x4  }
0xac: {  	v19 =	vld.idx.msk [tilespmem:v5+s11+$0x0 ss:$0x1], $0xffff;
	s13 =	spop (v2sf);
	(v2sf) =	vpush v6, $0x1  }
0xad: {  	v35 =	vld.idx.msk [tilespmem:v5+s11+$0x4 ss:$0x1], $0xffff  }
0xae: {  	v50 =	vld.idx.msk [tilespmem:v5+s11+$0x8 ss:$0x1], $0xffff  }
0xaf: {  	v7 =	vld [tilespmem:s12+$0x0]  }
0xb0: {  	v11 =	vld [tilespmem:s12+$0x10]  }
0xb1: {  	v14 =	vld [tilespmem:s12+$0x20];
	s14 =	spop (v2sf);
	(v2sf) =	vpush v6, $0x2  }
0xb2: {  	v18 =	vld [tilespmem:s12+$0x30]  }
0xb3: {  	v8 =	vld [tilespmem:s13+$0x0]  }
0xb4: {  	v15 =	vld [tilespmem:s13+$0x20]  }
0xb5: {  	v20 =	vld [tilespmem:s13+$0x30];
	s15 =	spop (v2sf);
	(v2sf) =	vpush v6, $0x3  }
0xb6: {  	v9 =	vld [tilespmem:s14+$0x0];
	s12 =	spop (v2sf);
	(v2sf) =	vpush v19, $0x0  }
0xb7: {  	v6 =	vld [tilespmem:s13+$0x10]  }
0xb8: {  	v12 =	vld [tilespmem:s14+$0x10]  }
0xb9: {  	v16 =	vld [tilespmem:s14+$0x20]  }
0xba: {  	v21 =	vld [tilespmem:s14+$0x30]  }
0xbb: {  	v10 =	vld [tilespmem:s15+$0x0];
	s13 =	spop (v2sf);
	(v2sf) =	vpush v19, $0x1  }
0xbc: {  	v13 =	vld [tilespmem:s15+$0x10]  }
0xbd: {  	v17 =	vld [tilespmem:s15+$0x20]  }
0xbe: {  	v22 =	vld [tilespmem:s15+$0x30]  }
0xbf: {  	v23 =	vld [tilespmem:s12+$0x0]  }
0xc0: {  	v27 =	vld [tilespmem:s12+$0x10];
	s14 =	spop (v2sf);
	(v2sf) =	vpush v19, $0x2  }
0xc1: {  	v30 =	vld [tilespmem:s12+$0x20]  }
0xc2: {  	v34 =	vld [tilespmem:s12+$0x30]  }
0xc3: {  	v24 =	vld [tilespmem:s13+$0x0]  }
0xc4: {  	v31 =	vld [tilespmem:s13+$0x20];
	s15 =	spop (v2sf);
	(v2sf) =	vpush v19, $0x3  }
0xc5: {  	v36 =	vld [tilespmem:s13+$0x30];
	s12 =	spop (v2sf);
	(v2sf) =	vpush v35, $0x0  }
0xc6: {  	v25 =	vld [tilespmem:s14+$0x0]  }
0xc7: {  	v19 =	vld [tilespmem:s13+$0x10]  }
0xc8: {  	v28 =	vld [tilespmem:s14+$0x10]  }
0xc9: {  	v32 =	vld [tilespmem:s14+$0x20]  }
0xca: {  	v37 =	vld [tilespmem:s14+$0x30];
	s13 =	spop (v2sf);
	(v2sf) =	vpush v35, $0x1  }
0xcb: {  	v26 =	vld [tilespmem:s15+$0x0]  }
0xcc: {  	v29 =	vld [tilespmem:s15+$0x10]  }
0xcd: {  	v33 =	vld [tilespmem:s15+$0x20]  }
0xce: {  	v38 =	vld [tilespmem:s15+$0x30]  }
0xcf: {  	v39 =	vld [tilespmem:s12+$0x0];
	s14 =	spop (v2sf);
	(v2sf) =	vpush v35, $0x2  }
0xd0: {  	v43 =	vld [tilespmem:s12+$0x10]  }
0xd1: {  	v46 =	vld [tilespmem:s12+$0x20]  }
0xd2: {  	v51 =	vld [tilespmem:s12+$0x30]  }
0xd3: {  	v40 =	vld [tilespmem:s13+$0x0];
	s15 =	spop (v2sf);
	(v2sf) =	vpush v35, $0x3  }
0xd4: {  	v47 =	vld [tilespmem:s13+$0x20];
	s12 =	spop (v2sf);
	(v2sf) =	vpush v50, $0x0  }
0xd5: {  	v52 =	vld [tilespmem:s13+$0x30]  }
0xd6: {  	v41 =	vld [tilespmem:s14+$0x0]  }
0xd7: {  	v35 =	vld [tilespmem:s13+$0x10]  }
0xd8: {  	v44 =	vld [tilespmem:s14+$0x10]  }
0xd9: {  	v48 =	vld [tilespmem:s14+$0x20];
	s13 =	spop (v2sf);
	(v2sf) =	vpush v50, $0x1  }
0xda: {  	v53 =	vld [tilespmem:s14+$0x30]  }
0xdb: {  	v42 =	vld [tilespmem:s15+$0x0]  }
0xdc: {  	v45 =	vld [tilespmem:s15+$0x10]  }
0xdd: {  	v49 =	vld [tilespmem:s15+$0x20]  }
0xde: {  	v0 =	vld [tilespmem:s12+$0x30];
	s14 =	spop (v2sf);
	(v2sf) =	vpush v50, $0x2  }
0xdf: {  	v54 =	vld [tilespmem:s15+$0x30]  }
0xe0: {  	v55 =	vld [tilespmem:s12+$0x0]  }
0xe1: {  	v62 =	vld [tilespmem:s12+$0x20]  }
0xe2: {  	s15 =	spop (v2sf);
	(v2sf) =	vpush v50, $0x3;
	v50 =	vld [tilespmem:s12+$0x10]  }
0xe3: {  	[tilespmem:$0x1FEF0] =	vst v0;
	v0 =	vld [tilespmem:s13+$0x30];
	s12 =	spop (v2sf)  }
0xe4: {  	v4 =	vld [tilespmem:s12+$0x10]  }
0xe5: {  	v56 =	vld [tilespmem:s13+$0x0]  }
0xe6: {  	v59 =	vld [tilespmem:s13+$0x10]  }
0xe7: {  	v63 =	vld [tilespmem:s13+$0x20]  }
0xe8: {  	[tilespmem:$0x1FF00] =	vst v0;
	v0 =	vld [tilespmem:s14+$0x30];
	s13 =	spop (v2sf)  }
0xe9: {  	[tilespmem:$0x1FF50] =	vst v4;
	v4 =	vld [tilespmem:s13+$0x10]  }
0xea: {  	v57 =	vld [tilespmem:s14+$0x0]  }
0xeb: {  	v60 =	vld [tilespmem:s14+$0x10]  }
0xec: {  	v1 =	vld [tilespmem:s14+$0x20]  }
0xed: {  	[tilespmem:$0x1FF10] =	vst v0;
	v0 =	vld [tilespmem:s15+$0x30];
	s14 =	spop (v2sf)  }
0xee: {  	[tilespmem:$0x1FF60] =	vst v4;
	v4 =	vld [tilespmem:s14+$0x10]  }
0xef: {  	v58 =	vld [tilespmem:s15+$0x0]  }
0xf0: {  	v61 =	vld [tilespmem:s15+$0x10]  }
0xf1: {  	v2 =	vld [tilespmem:s15+$0x20]  }
0xf2: {  	v7 =	vadd.bf16 v8, v7;
	v8 =	vadd.bf16 v10, v9;
	s15 =	spop (v2sf);
	[tilespmem:$0x1FF20] =	vst v0;
	v0 =	vld [tilespmem:s12+$0x0]  }
0xf3: {  	[tilespmem:$0x1FF70] =	vst v4;
	v4 =	vld [tilespmem:s15+$0x10]  }
0xf4: {  	v7 =	vadd.bf16 v8, v7;
	v8 =	vld [tilespmem:s12+$0x30]  }
0xf5: {  	v6 =	vadd.bf16 v6, v11;
	v11 =	vadd.bf16 v13, v12;
	v12 =	vld [tilespmem:s13+$0x30]  }
0xf6: {  	v3 =	vld [tilespmem:s14+$0x0]  }
0xf7: {  	[tilespmem:$0x1FF30] =	vst v0;
	v0 =	vld [tilespmem:s13+$0x0]  }
0xf8: {  	[tilespmem:$0x1FF80] =	vst v4;
	v4 =	vld [tilespmem:s12+$0x20]  }
0xf9: {  	v9 =	vld [tilespmem:s14+$0x20]  }
0xfa: {  	v13 =	vadd.bf16 v15, v14;
	v15 =	vld [tilespmem:s14+$0x30]  }
0xfb: {  	v10 =	vld [tilespmem:s15+$0x20]  }
0xfc: {  	v14 =	vadd.bf16 v17, v16;
	v6 =	vadd.bf16 v11, v6;
	v11 =	vld [tilespmem:s15+$0x30];
	[tilespmem:$0x1FF40] =	vst v0  }
0xfd: {  	v21 =	vadd.bf16 v22, v21;
	v16 =	vunpack.i.l.bf16.f32 v7;
	v7 =	vunpack.i.u.bf16.f32 v7;
	v0 =	vld [tilespmem:s15+$0x0];
	[tilespmem:$0x1FF90] =	vst v4  }
0xfe: {  	v13 =	vadd.bf16 v14, v13;
	v14 =	vadd.bf16 v20, v18;
	v4 =	vld [tilespmem:s13+$0x20];
	[tilespmem:s9+$0xFFFFFED0] =	vst v7;
	v7 =	vunpack.i.l.bf16.f32 v6  }
0xff: {  	v6 =	vunpack.i.u.bf16.f32 v6;
	[tilespmem:s9+$0xFFFFFEE0] =	vst v7  }
0x100: {  	v7 =	vadd.bf16 v21, v14;
	[tilespmem:s9+$0xFFFFFEF0] =	vst v6;
	v6 =	vunpack.i.l.bf16.f32 v13  }
0x101: {  	v22 =	vadd.bf16 v24, v23;
	v23 =	vadd.bf16 v26, v25;
	[tilespmem:s9+$0xFFFFFF00] =	vst v6;
	v6 =	vunpack.i.u.bf16.f32 v13  }
0x102: {  	v25 =	vadd.bf16 v19, v27;
	[tilespmem:s9+$0xFFFFFF10] =	vst v6;
	v6 =	vunpack.i.l.bf16.f32 v7  }
0x103: {  	v26 =	vadd.bf16 v29, v28;
	v24 =	vadd.bf16 v23, v22;
	[tilespmem:s9+$0xFFFFFF20] =	vst v6  }
0x104: {  	v27 =	vadd.bf16 v31, v30;
	v6 =	vunpack.i.u.bf16.f32 v7;
	[tilespmem:$0x1FFA0] =	vst v4  }
0x105: {  	v28 =	vadd.bf16 v33, v32;
	v7 =	vadd.bf16 v26, v25;
	[tilespmem:s9+$0xFFFFFF30] =	vst v6;
	v6 =	vunpack.i.l.bf16.f32 v24  }
0x106: {  	v30 =	vadd.bf16 v36, v34;
	[tilespmem:s9+$0xFFFFFF40] =	vst v6;
	v6 =	vunpack.i.u.bf16.f32 v24  }
0x107: {  	v31 =	vadd.bf16 v38, v37;
	v29 =	vadd.bf16 v28, v27;
	[tilespmem:s9+$0xFFFFFF50] =	vst v6;
	v6 =	vunpack.i.l.bf16.f32 v7  }
0x108: {  	v32 =	vadd.bf16 v40, v39;
	[tilespmem:s9+$0xFFFFFF60] =	vst v6;
	v6 =	vunpack.i.u.bf16.f32 v7  }
0x109: {  	v33 =	vadd.bf16 v42, v41;
	v7 =	vadd.bf16 v31, v30;
	[tilespmem:s9+$0xFFFFFF70] =	vst v6;
	v6 =	vunpack.i.l.bf16.f32 v29  }
0x10a: {  	v35 =	vadd.bf16 v35, v43;
	[tilespmem:s9+$0xFFFFFF80] =	vst v6;
	v6 =	vunpack.i.u.bf16.f32 v29  }
0x10b: {  	v36 =	vadd.bf16 v45, v44;
	v34 =	vadd.bf16 v33, v32;
	[tilespmem:s9+$0xFFFFFF90] =	vst v6;
	v6 =	vunpack.i.l.bf16.f32 v7  }
0x10c: {  	v37 =	vadd.bf16 v47, v46;
	[tilespmem:s9+$0xFFFFFFA0] =	vst v6;
	v6 =	vunpack.i.u.bf16.f32 v7  }
0x10d: {  	v38 =	vadd.bf16 v49, v48;
	v7 =	vadd.bf16 v36, v35;
	[tilespmem:s9+$0xFFFFFFB0] =	vst v6;
	v6 =	vunpack.i.l.bf16.f32 v34  }
0x10e: {  	v40 =	vadd.bf16 v52, v51;
	[tilespmem:s9+$0xFFFFFFC0] =	vst v6;
	v6 =	vunpack.i.u.bf16.f32 v34  }
0x10f: {  	v41 =	vadd.bf16 v54, v53;
	v39 =	vadd.bf16 v38, v37;
	[tilespmem:s9+$0xFFFFFFD0] =	vst v6;
	v6 =	vunpack.i.l.bf16.f32 v7  }
0x110: {  	[tilespmem:s9+$0xFFFFFFE0] =	vst v6;
	v6 =	vunpack.i.u.bf16.f32 v7  }
0x111: {  	v7 =	vadd.bf16 v41, v40;
	[tilespmem:s9+$0xFFFFFFF0] =	vst v6;
	v6 =	vunpack.i.l.bf16.f32 v39  }
0x112: {  	v4 =	vld [tilespmem:$0x1FEF0];
	[tilespmem:s9+$0x0] =	vst v6;
	v6 =	vunpack.i.u.bf16.f32 v39  }
0x113: {  	v48 =	vunpack.i.u.bf16.f32 v7;
	[tilespmem:s9+$0x10] =	vst v6;
	v6 =	vunpack.i.l.bf16.f32 v7;
	v7 =	vld [tilespmem:$0x1FF00];
	_ =	sdelay $0x3  }
0x114: {  	v51 =	vld [tilespmem:$0x1FF20]  }
0x115: {  	v7 =	vadd.bf16 v7, v4;
	v4 =	vld [tilespmem:$0x1FF10];
	_ =	sdelay $0x3  }
0x116: {  	v45 =	vadd.bf16 v59, v50;
	v53 =	vld [tilespmem:$0x1FF40]  }
0x117: {  	v46 =	vadd.bf16 v61, v60;
	v13 =	vadd.bf16 v51, v4;
	v4 =	vld [tilespmem:$0x1FF30]  }
0x118: {  	v47 =	vadd.bf16 v63, v62;
	v1 =	vadd.bf16 v2, v1  }
0x119: {  	[tilespmem:s9+$0x20] =	vst v6;
	v6 =	vadd.bf16 v46, v45  }
0x11a: {  	v1 =	vadd.bf16 v1, v47  }
0x11b: {  	v0 =	vadd.bf16 v0, v3;
	v3 =	vunpack.i.u.bf16.f32 v6  }
0x11c: {  	[tilespmem:s9+$0x70] =	vst v3;
	v3 =	vunpack.i.l.bf16.f32 v1;
	v4 =	vadd.bf16 v53, v4  }
0x11d: {  	[tilespmem:s9+$0x80] =	vst v3;
	v3 =	vld [tilespmem:$0x1FF50]  }
0x11e: {  	v0 =	vadd.bf16 v0, v4;
	v4 =	vld [tilespmem:$0x1FF60];
	_ =	sdelay $0x1  }
0x11f: {  	v42 =	vadd.bf16 v56, v55;
	v43 =	vadd.bf16 v58, v57;
	_ =	sdelay $0x1  }
0x120: {  	v44 =	vadd.bf16 v43, v42;
	v52 =	vunpack.i.l.bf16.f32 v6;
	v6 =	vld [tilespmem:$0x1FF80]  }
0x121: {  	v3 =	vadd.bf16 v4, v3;
	v4 =	vld [tilespmem:$0x1FF70]  }
0x122: {  	v49 =	vunpack.i.l.bf16.f32 v44;
	[tilespmem:s9+$0xFFFFFEC0] =	vst v16  }
0x123: {  	v50 =	vunpack.i.u.bf16.f32 v44;
	[tilespmem:s9+$0x40] =	vst v49  }
0x124: {  	[tilespmem:s9+$0x50] =	vst v50  }
0x125: {  	[tilespmem:s9+$0x30] =	vst v48;
	v54 =	vadd.bf16 v13, v7;
	v7 =	vld [tilespmem:$0x1FFA0]  }
0x126: {  	[tilespmem:s9+$0x60] =	vst v52;
	v1 =	vunpack.i.u.bf16.f32 v1;
	v4 =	vadd.bf16 v6, v4;
	v6 =	vld [tilespmem:$0x1FF90]  }
0x127: {  	v58 =	vadd.bf16 v12, v8;
	[tilespmem:s9+$0x90] =	vst v1;
	v55 =	vunpack.i.l.bf16.f32 v54  }
0x128: {  	v2 =	vunpack.i.u.bf16.f32 v54;
	[tilespmem:s9+$0xA0] =	vst v55;
	v56 =	vadd.bf16 v4, v3;
	v4 =	vadd.bf16 v11, v15  }
0x129: {  	[tilespmem:s9+$0xB0] =	vst v2;
	v57 =	vunpack.i.l.bf16.f32 v0  }
0x12a: {  	v0 =	vunpack.i.u.bf16.f32 v0;
	[tilespmem:s9+$0xC0] =	vst v57;
	v60 =	vadd.bf16 v4, v58  }
0x12b: {  	[tilespmem:s9+$0xD0] =	vst v0;
	v59 =	vunpack.i.l.bf16.f32 v56;
	v6 =	vadd.bf16 v7, v6;
	v7 =	vadd.bf16 v10, v9  }
0x12c: {  	p2 =	sne.s32 s10, $0x730;
	v1 =	vunpack.i.u.bf16.f32 v56;
	[tilespmem:s9+$0xE0] =	vst v59  }
.Ltmp3:
0x12d: {  	[tilespmem:s9+$0xF0] =	vst v1;
	v63 =	vunpack.i.l.bf16.f32 v60;
	v3 =	vadd.bf16 v7, v6;
	(pc) =	sbr.rel @p2 .LBB2_5-.Ltmp3, $4  }
0x12e: {  	v0 =	vunpack.i.u.bf16.f32 v60;
	[tilespmem:s9+$0x120] =	vst v63  }
0x12f: {  	[tilespmem:s9+$0x130] =	vst v0;
	v61 =	vunpack.i.l.bf16.f32 v3  }
0x130: {  	v62 =	vunpack.i.u.bf16.f32 v3;
	[tilespmem:s9+$0x100] =	vst v61  }
0x131: {  	s10 =	sadd.s32 $0x50, s10;
	[tilespmem:s9+$0x110] =	vst v62;
	s9 =	sadd.s32 $0x280, s9  }
0x132: {  	s9 =	sadd.s32 s5, s8  }
0x133: {  	s9 =	sshll.u32 s9, $0x4  }
0x134: {  	s9 =	sadd.s32 s3, s9  }
0x135: {  	[hbm4b:s9+s4] =	stream.linear.scatter [tilespmem:s0], [sflag:$0x1], $0x3C00, $0x38;
	[tilespmem:$0x17D80] =	vst v63  }
0x136: {  	v5 =	vmov s7;
	s9 =	simm.s32 @!p1 $0x2  }
0x137: {  	_ =	swait.ge @!p1 [sflag:s9], $0x3C00  }
0x138: {  	s8 =	sadd.s32 $0x78, s8;
	[sflag:s9] =	ssyncset.done @!p1 $0x0  }
0x139: {  	s10 =	simm.s32 $0x142C0;
	[sflag:s9] =	ssyncadd.s32 @!p1 $0xFFFFC400;
	s9 =	simm.s32 $0x0  }
.LBB2_7:
0x13a: {  	s11 =	sshra.s32 s9, $0x2  }
0x13b: {  	v0 =	vld.idx.msk [tilespmem:v5+s11+$0x0 ss:$0x1], $0xffff;
	_ =	sdelay $0x4  }
0x13c: {  	(v2sf) =	vpush v0, $0x0;
	_ =	sdelay $0x4  }
0x13d: {  	(v2sf) =	vpush v0, $0x1;
	_ =	sdelay $0x4  }
0x13e: {  	v62 =	vld.idx.msk [tilespmem:v5+s11+$0x4 ss:$0x1], $0xffff;
	(v2sf) =	vpush v0, $0x2;
	_ =	sdelay $0x3  }
0x13f: {  	(v2sf) =	vpush v0, $0x3  }
0x140: {  	s12 =	spop (v2sf);
	(v2sf) =	vpush v62, $0x0;
	_ =	sdelay $0x4  }
0x141: {  	v14 =	vld.idx.msk [tilespmem:v5+s11+$0x8 ss:$0x1], $0xffff;
	s13 =	spop (v2sf);
	(v2sf) =	vpush v62, $0x1  }
0x142: {  	v30 =	vld.idx.msk [tilespmem:v5+s11+$0xC ss:$0x1], $0xffff  }
0x143: {  	v45 =	vld.idx.msk [tilespmem:v5+s11+$0x10 ss:$0x1], $0xffff  }
0x144: {  	v1 =	vld [tilespmem:s12+$0x0]  }
0x145: {  	v6 =	vld [tilespmem:s12+$0x10]  }
0x146: {  	v9 =	vld [tilespmem:s12+$0x20];
	s14 =	spop (v2sf);
	(v2sf) =	vpush v62, $0x2  }
0x147: {  	v13 =	vld [tilespmem:s12+$0x30]  }
0x148: {  	v2 =	vld [tilespmem:s13+$0x0]  }
0x149: {  	v0 =	vld [tilespmem:s13+$0x10]  }
0x14a: {  	v10 =	vld [tilespmem:s13+$0x20];
	s15 =	spop (v2sf);
	(v2sf) =	vpush v62, $0x3  }
0x14b: {  	v15 =	vld [tilespmem:s13+$0x30];
	s12 =	spop (v2sf);
	(v2sf) =	vpush v14, $0x0  }
0x14c: {  	v3 =	vld [tilespmem:s14+$0x0]  }
0x14d: {  	v7 =	vld [tilespmem:s14+$0x10]  }
0x14e: {  	v11 =	vld [tilespmem:s14+$0x20]  }
0x14f: {  	v16 =	vld [tilespmem:s14+$0x30]  }
0x150: {  	v4 =	vld [tilespmem:s15+$0x0];
	s13 =	spop (v2sf);
	(v2sf) =	vpush v14, $0x1  }
0x151: {  	v8 =	vld [tilespmem:s15+$0x10]  }
0x152: {  	v12 =	vld [tilespmem:s15+$0x20]  }
0x153: {  	v17 =	vld [tilespmem:s15+$0x30]  }
0x154: {  	v18 =	vld [tilespmem:s12+$0x0]  }
0x155: {  	v22 =	vld [tilespmem:s12+$0x10];
	s14 =	spop (v2sf);
	(v2sf) =	vpush v14, $0x2  }
0x156: {  	v25 =	vld [tilespmem:s12+$0x20]  }
0x157: {  	v29 =	vld [tilespmem:s12+$0x30]  }
0x158: {  	v19 =	vld [tilespmem:s13+$0x0]  }
0x159: {  	v26 =	vld [tilespmem:s13+$0x20];
	s15 =	spop (v2sf);
	(v2sf) =	vpush v14, $0x3  }
0x15a: {  	v31 =	vld [tilespmem:s13+$0x30];
	s12 =	spop (v2sf);
	(v2sf) =	vpush v30, $0x0  }
0x15b: {  	v20 =	vld [tilespmem:s14+$0x0]  }
0x15c: {  	v14 =	vld [tilespmem:s13+$0x10]  }
0x15d: {  	v23 =	vld [tilespmem:s14+$0x10]  }
0x15e: {  	v27 =	vld [tilespmem:s14+$0x20]  }
0x15f: {  	v32 =	vld [tilespmem:s14+$0x30];
	s13 =	spop (v2sf);
	(v2sf) =	vpush v30, $0x1  }
0x160: {  	v21 =	vld [tilespmem:s15+$0x0]  }
0x161: {  	v24 =	vld [tilespmem:s15+$0x10]  }
0x162: {  	v28 =	vld [tilespmem:s15+$0x20]  }
0x163: {  	v33 =	vld [tilespmem:s15+$0x30]  }
0x164: {  	v34 =	vld [tilespmem:s12+$0x0];
	s14 =	spop (v2sf);
	(v2sf) =	vpush v30, $0x2  }
0x165: {  	v38 =	vld [tilespmem:s12+$0x10]  }
0x166: {  	v41 =	vld [tilespmem:s12+$0x20]  }
0x167: {  	v46 =	vld [tilespmem:s12+$0x30]  }
0x168: {  	v35 =	vld [tilespmem:s13+$0x0];
	s15 =	spop (v2sf);
	(v2sf) =	vpush v30, $0x3  }
0x169: {  	v42 =	vld [tilespmem:s13+$0x20];
	s12 =	spop (v2sf);
	(v2sf) =	vpush v45, $0x0  }
0x16a: {  	v47 =	vld [tilespmem:s13+$0x30]  }
0x16b: {  	v36 =	vld [tilespmem:s14+$0x0]  }
0x16c: {  	v30 =	vld [tilespmem:s13+$0x10]  }
0x16d: {  	v39 =	vld [tilespmem:s14+$0x10]  }
0x16e: {  	v43 =	vld [tilespmem:s14+$0x20];
	s13 =	spop (v2sf);
	(v2sf) =	vpush v45, $0x1  }
0x16f: {  	v48 =	vld [tilespmem:s14+$0x30]  }
0x170: {  	v37 =	vld [tilespmem:s15+$0x0]  }
0x171: {  	v40 =	vld [tilespmem:s15+$0x10]  }
0x172: {  	v44 =	vld [tilespmem:s15+$0x20]  }
0x173: {  	v49 =	vld [tilespmem:s15+$0x30];
	s14 =	spop (v2sf);
	(v2sf) =	vpush v45, $0x2  }
0x174: {  	v62 =	vld [tilespmem:s14+$0x30]  }
0x175: {  	v50 =	vld [tilespmem:s12+$0x0]  }
0x176: {  	v57 =	vld [tilespmem:s12+$0x20]  }
0x177: {  	v63 =	vld [tilespmem:s12+$0x30];
	s15 =	spop (v2sf)  }
0x178: {  	(v2sf) =	vpush v45, $0x3;
	v45 =	vld [tilespmem:s12+$0x10];
	s12 =	spop (v2sf)  }
0x179: {  	[tilespmem:$0x1FE60] =	vst v62;
	v62 =	vld [tilespmem:s12+$0x10]  }
0x17a: {  	v51 =	vld [tilespmem:s13+$0x0]  }
0x17b: {  	v54 =	vld [tilespmem:s13+$0x10]  }
0x17c: {  	v58 =	vld [tilespmem:s13+$0x20]  }
0x17d: {  	v61 =	vld [tilespmem:s13+$0x30];
	s13 =	spop (v2sf)  }
0x17e: {  	[tilespmem:$0x1FE90] =	vst v62;
	v62 =	vld [tilespmem:s13+$0x10];
	_ =	sdelay $0x1  }
0x17f: {  	v52 =	vld [tilespmem:s14+$0x0]  }
0x180: {  	v55 =	vld [tilespmem:s14+$0x10]  }
0x181: {  	v59 =	vld [tilespmem:s14+$0x20];
	s14 =	spop (v2sf)  }
0x182: {  	[tilespmem:$0x1FEA0] =	vst v62;
	v62 =	vld [tilespmem:s14+$0x10]  }
0x183: {  	v53 =	vld [tilespmem:s15+$0x0]  }
0x184: {  	v56 =	vld [tilespmem:s15+$0x10]  }
0x185: {  	v60 =	vld [tilespmem:s15+$0x20]  }
0x186: {  	[tilespmem:$0x1FE40] =	vst v63;
	v63 =	vld [tilespmem:s15+$0x30];
	s15 =	spop (v2sf)  }
0x187: {  	[tilespmem:$0x1FEB0] =	vst v62;
	v62 =	vld [tilespmem:s15+$0x10];
	_ =	sdelay $0x4  }
0x188: {  	[tilespmem:$0x1FEC0] =	vst v62;
	v62 =	vld [tilespmem:s12+$0x20];
	_ =	sdelay $0x2  }
0x189: {  	[tilespmem:$0x1FE50] =	vst v61;
	v61 =	vld [tilespmem:s12+$0x0]  }
0x18a: {  	v1 =	vadd.bf16 v2, v1;
	v2 =	vld [tilespmem:s12+$0x30]  }
0x18b: {  	[tilespmem:$0x1FEE0] =	vst v62;
	v62 =	vld [tilespmem:s13+$0x20]  }
0x18c: {  	[tilespmem:$0x1FE70] =	vst v63;
	v63 =	vld [tilespmem:s13+$0x0]  }
0x18d: {  	v0 =	vadd.bf16 v0, v6;
	v6 =	vadd.bf16 v8, v7;
	v7 =	vld [tilespmem:s13+$0x30]  }
0x18e: {  	v8 =	vadd.bf16 v10, v9;
	v10 =	vld [tilespmem:s14+$0x30]  }
0x18f: {  	[tilespmem:$0x1FE30] =	vst v46;
	v46 =	vld [tilespmem:s15+$0x0]  }
0x190: {  	v0 =	vadd.bf16 v6, v0;
	v6 =	vld [tilespmem:s15+$0x30];
	[tilespmem:$0x1FED0] =	vst v62;
	v62 =	vadd.bf16 v4, v3  }
0x191: {  	v16 =	vadd.bf16 v17, v16;
	[tilespmem:$0x1FE80] =	vst v61;
	v61 =	vld [tilespmem:s14+$0x0]  }
0x192: {  	v17 =	vunpack.i.l.bf16.f32 v0;
	v3 =	vld [tilespmem:s14+$0x20];
	v1 =	vadd.bf16 v62, v1;
	v62 =	vadd.bf16 v12, v11  }
0x193: {  	v0 =	vunpack.i.u.bf16.f32 v0;
	v19 =	vadd.bf16 v19, v18;
	v18 =	vadd.bf16 v24, v23;
	v4 =	vld [tilespmem:s15+$0x20];
	[tilespmem:s10+$0xFFFFFEE0] =	vst v17  }
0x194: {  	[tilespmem:s10+$0xFFFFFEF0] =	vst v0;
	v17 =	vadd.bf16 v14, v22;
	v12 =	vunpack.i.l.bf16.f32 v1;
	v8 =	vadd.bf16 v62, v8  }
0x195: {  	v1 =	vunpack.i.u.bf16.f32 v1;
	v62 =	vadd.bf16 v15, v13;
	[tilespmem:s10+$0xFFFFFEC0] =	vst v12  }
0x196: {  	v20 =	vadd.bf16 v21, v20;
	v23 =	vadd.bf16 v18, v17;
	[tilespmem:s10+$0xFFFFFED0] =	vst v1;
	v21 =	vunpack.i.l.bf16.f32 v8  }
0x197: {  	v1 =	vadd.bf16 v16, v62;
	v16 =	vunpack.i.u.bf16.f32 v8;
	[tilespmem:s10+$0xFFFFFF00] =	vst v21  }
0x198: {  	[tilespmem:s10+$0xFFFFFF10] =	vst v16;
	v21 =	vadd.bf16 v28, v27;
	v27 =	vadd.bf16 v31, v29;
	v29 =	vunpack.i.l.bf16.f32 v23  }
0x199: {  	v38 =	vadd.bf16 v30, v38;
	v28 =	vadd.bf16 v33, v32;
	v33 =	vunpack.i.u.bf16.f32 v23;
	[tilespmem:s10+$0xFFFFFF60] =	vst v29  }
0x19a: {  	v39 =	vadd.bf16 v40, v39;
	v62 =	vadd.bf16 v20, v19;
	v19 =	vunpack.i.l.bf16.f32 v1;
	[tilespmem:s10+$0xFFFFFF70] =	vst v33  }
0x19b: {  	v20 =	vadd.bf16 v26, v25;
	v22 =	vunpack.i.u.bf16.f32 v1;
	[tilespmem:s10+$0xFFFFFF20] =	vst v19  }
0x19c: {  	v16 =	vadd.bf16 v39, v38;
	v24 =	vunpack.i.l.bf16.f32 v62;
	[tilespmem:s10+$0xFFFFFF30] =	vst v22  }
0x19d: {  	v26 =	vunpack.i.u.bf16.f32 v62;
	v25 =	vadd.bf16 v21, v20;
	[tilespmem:s10+$0xFFFFFF40] =	vst v24  }
0x19e: {  	v31 =	vadd.bf16 v35, v34;
	[tilespmem:s10+$0xFFFFFF50] =	vst v26;
	v22 =	vunpack.i.l.bf16.f32 v16  }
0x19f: {  	v32 =	vadd.bf16 v37, v36;
	v34 =	vadd.bf16 v28, v27;
	[tilespmem:s10+$0xFFFFFFE0] =	vst v22;
	v35 =	vunpack.i.l.bf16.f32 v25  }
0x1a0: {  	v37 =	vunpack.i.u.bf16.f32 v25;
	[tilespmem:s10+$0xFFFFFF80] =	vst v35  }
0x1a1: {  	v36 =	vadd.bf16 v32, v31;
	v40 =	vunpack.i.l.bf16.f32 v34;
	[tilespmem:s10+$0xFFFFFF90] =	vst v37  }
0x1a2: {  	v42 =	vadd.bf16 v42, v41;
	v41 =	vld [tilespmem:$0x1FE50];
	v62 =	vadd.bf16 v44, v43;
	v15 =	vunpack.i.u.bf16.f32 v34;
	[tilespmem:s10+$0xFFFFFFA0] =	vst v40  }
0x1a3: {  	v30 =	vadd.bf16 v54, v45;
	v45 =	vld [tilespmem:$0x1FE80];
	v23 =	vadd.bf16 v51, v50;
	v17 =	vunpack.i.l.bf16.f32 v36;
	[tilespmem:s10+$0xFFFFFFB0] =	vst v15  }
0x1a4: {  	v54 =	vld [tilespmem:$0x1FEC0];
	v24 =	vadd.bf16 v53, v52;
	v18 =	vadd.bf16 v62, v42;
	v19 =	vunpack.i.u.bf16.f32 v36;
	[tilespmem:s10+$0xFFFFFFC0] =	vst v17  }
0x1a5: {  	v20 =	vld [tilespmem:$0x1FE30];
	v25 =	vunpack.i.u.bf16.f32 v16;
	[tilespmem:s10+$0xFFFFFFD0] =	vst v19  }
0x1a6: {  	v51 =	vld [tilespmem:$0x1FE90];
	v31 =	vadd.bf16 v56, v55;
	v28 =	vadd.bf16 v24, v23;
	[tilespmem:s10+$0xFFFFFFF0] =	vst v25;
	v27 =	vunpack.i.l.bf16.f32 v18  }
0x1a7: {  	v33 =	vadd.bf16 v58, v57;
	v43 =	vld [tilespmem:$0x1FE70];
	v29 =	vunpack.i.u.bf16.f32 v18;
	[tilespmem:s10+$0x0] =	vst v27  }
0x1a8: {  	v57 =	vld [tilespmem:$0x1FEE0];
	v34 =	vadd.bf16 v60, v59;
	v36 =	vadd.bf16 v31, v30;
	[tilespmem:s10+$0x10] =	vst v29;
	v37 =	vunpack.i.l.bf16.f32 v28  }
0x1a9: {  	v21 =	vadd.bf16 v49, v48;
	v56 =	vld [tilespmem:$0x1FED0];
	v39 =	vunpack.i.u.bf16.f32 v28;
	[tilespmem:s10+$0x40] =	vst v37  }
0x1aa: {  	v42 =	vld [tilespmem:$0x1FE60];
	v38 =	vadd.bf16 v34, v33;
	v44 =	vunpack.i.l.bf16.f32 v36;
	v9 =	vadd.bf16 v47, v20;
	[tilespmem:s10+$0x50] =	vst v39  }
0x1ab: {  	v12 =	vadd.bf16 v63, v45;
	v40 =	vld [tilespmem:$0x1FE40];
	v1 =	vunpack.i.u.bf16.f32 v36;
	[tilespmem:s10+$0x60] =	vst v44  }
0x1ac: {  	v52 =	vld [tilespmem:$0x1FEA0];
	v47 =	vadd.bf16 v46, v61;
	[tilespmem:s10+$0x70] =	vst v1;
	v49 =	vunpack.i.l.bf16.f32 v38;
	v26 =	vadd.bf16 v21, v9  }
0x1ad: {  	v3 =	vadd.bf16 v4, v3;
	v53 =	vld [tilespmem:$0x1FEB0];
	v8 =	vunpack.i.u.bf16.f32 v38;
	[tilespmem:s10+$0x80] =	vst v49  }
0x1ae: {  	v50 =	vadd.bf16 v47, v12;
	[tilespmem:s10+$0x90] =	vst v8;
	v12 =	vadd.bf16 v56, v57;
	v32 =	vunpack.i.l.bf16.f32 v26  }
0x1af: {  	v11 =	vadd.bf16 v43, v42;
	v35 =	vunpack.i.u.bf16.f32 v26;
	[tilespmem:s10+$0x20] =	vst v32  }
0x1b0: {  	v9 =	vadd.bf16 v41, v40;
	v58 =	vunpack.i.l.bf16.f32 v50;
	v3 =	vadd.bf16 v3, v12;
	[tilespmem:s10+$0x30] =	vst v35  }
0x1b1: {  	v1 =	vadd.bf16 v52, v51;
	v4 =	vunpack.i.u.bf16.f32 v50;
	[tilespmem:s10+$0xC0] =	vst v58  }
0x1b2: {  	v48 =	vadd.bf16 v11, v9;
	v11 =	vadd.bf16 v54, v53;
	[tilespmem:s10+$0xD0] =	vst v4;
	v61 =	vunpack.i.l.bf16.f32 v3  }
0x1b3: {  	v59 =	vadd.bf16 v7, v2;
	v62 =	vunpack.i.u.bf16.f32 v3;
	[tilespmem:s10+$0x100] =	vst v61  }
0x1b4: {  	v60 =	vadd.bf16 v6, v10;
	v55 =	vunpack.i.l.bf16.f32 v48;
	v1 =	vadd.bf16 v11, v1;
	[tilespmem:s10+$0x110] =	vst v62  }
0x1b5: {  	p1 =	sne.s32 s9, $0x730;
	v0 =	vunpack.i.u.bf16.f32 v48;
	[tilespmem:s10+$0xA0] =	vst v55  }
.Ltmp4:
0x1b6: {  	[tilespmem:s10+$0xB0] =	vst v0;
	v0 =	vadd.bf16 v60, v59;
	v4 =	vunpack.i.l.bf16.f32 v1;
	(pc) =	sbr.rel @p1 .LBB2_7-.Ltmp4, $4  }
0x1b7: {  	v1 =	vunpack.i.u.bf16.f32 v1;
	[tilespmem:s10+$0xE0] =	vst v4  }
0x1b8: {  	[tilespmem:s10+$0xF0] =	vst v1;
	v63 =	vunpack.i.l.bf16.f32 v0  }
0x1b9: {  	v0 =	vunpack.i.u.bf16.f32 v0;
	[tilespmem:s10+$0x120] =	vst v63  }
0x1ba: {  	s9 =	sadd.s32 $0x50, s9;
	[tilespmem:s10+$0x130] =	vst v0;
	s10 =	sadd.s32 $0x280, s10  }
0x1bb: {  	s30 =	sadd.s32 $0x1, s30  }
0x1bc: {  	p1 =	sne.s32 s30, $0xD  }
.Ltmp5:
0x1bd: {  	_ = 	snop;
	(pc) =	sbr.rel @p1 .LBB2_4-.Ltmp5, $4  }
0x1be: {  	s8 =	sadd.s32 s5, s8  }
0x1bf: {  	s8 =	sshll.u32 s8, $0x4  }
0x1c0: {  	s24 =	sadd.s32 $0x3C0, s24;
	s7 =	sadd.s32 $0x3C0, s7;
	s8 =	sadd.s32 s3, s8  }
0x1c1: {  	[hbm4b:s8+s4] =	stream.linear.scatter [tilespmem:s1], [sflag:$0x2], $0x3C00, $0x38;
	[tilespmem:$0x17D80] =	vst v63  }
0x1c2: {  	_ =	swait.ge [sflag:s2], $0x3C00  }
.Ltmp6:
0x1c3: {  	[sflag:s2] =	ssyncset.done $0x0;
	(pc) =	sbr.rel @p0 .LBB2_11-.Ltmp6, $4  }
0x1c4: {  	[sflag:s2] =	ssyncadd.s32 $0xFFFFC400  }
0x1c5: {  	_ =	swait.ge [sflag:s28], $0x3C00  }
0x1c6: {  	[sflag:s28] =	ssyncset.done $0x0  }
0x1c7: {  	[sflag:s28] =	ssyncadd.s32 $0xFFFFC400  }
0x1c8: {  	v0 =	vld [tilespmem:$0x10540];
	_ =	sdelay $0x4  }
0x1c9: {  	(v2sf) =	vpush v0, $0x0;
	_ =	sdelay $0x3  }
0x1ca: {  	(v2sf) =	vpush v0, $0x1;
	_ =	sdelay $0x3  }
0x1cb: {  	(v2sf) =	vpush v0, $0x2;
	_ =	sdelay $0x1  }
0x1cc: {  	(v2sf) =	vpush v0, $0x3  }
0x1cd: {  	v62 =	vld [tilespmem:$0x10544];
	_ =	sdelay $0x2  }
0x1ce: {  	v13 =	vld [tilespmem:$0x10548]  }
0x1cf: {  	v28 =	vld [tilespmem:$0x1054C];
	s7 =	spop (v2sf)  }
0x1d0: {  	(v2sf) =	vpush v62, $0x0;
	v1 =	vld [tilespmem:s7+$0x0]  }
0x1d1: {  	v5 =	vld [tilespmem:s7+$0x10]  }
0x1d2: {  	v8 =	vld [tilespmem:s7+$0x20]  }
0x1d3: {  	s8 =	spop (v2sf);
	v12 =	vld [tilespmem:s7+$0x30]  }
0x1d4: {  	(v2sf) =	vpush v62, $0x1;
	v2 =	vld [tilespmem:s8+$0x0]  }
0x1d5: {  	v63 =	vld [tilespmem:s8+$0x10]  }
0x1d6: {  	v9 =	vld [tilespmem:s8+$0x20]  }
0x1d7: {  	s9 =	spop (v2sf);
	(v2sf) =	vpush v62, $0x2;
	v14 =	vld [tilespmem:s8+$0x30]  }
0x1d8: {  	v3 =	vld [tilespmem:s9+$0x0]  }
0x1d9: {  	s10 =	spop (v2sf);
	(v2sf) =	vpush v62, $0x3;
	v6 =	vld [tilespmem:s9+$0x10]  }
0x1da: {  	v10 =	vld [tilespmem:s9+$0x20]  }
0x1db: {  	v15 =	vld [tilespmem:s9+$0x30]  }
0x1dc: {  	v4 =	vld [tilespmem:s10+$0x0]  }
0x1dd: {  	v7 =	vld [tilespmem:s10+$0x10]  }
0x1de: {  	v11 =	vld [tilespmem:s10+$0x20]  }
0x1df: {  	v16 =	vld [tilespmem:s10+$0x30];
	s14 =	spop (v2sf)  }
0x1e0: {  	(v2sf) =	vpush v13, $0x0;
	v17 =	vld [tilespmem:s14+$0x0]  }
0x1e1: {  	v21 =	vld [tilespmem:s14+$0x10]  }
0x1e2: {  	v24 =	vld [tilespmem:s14+$0x20]  }
0x1e3: {  	s15 =	spop (v2sf);
	(v2sf) =	vpush v13, $0x1;
	v29 =	vld [tilespmem:s14+$0x30]  }
0x1e4: {  	v18 =	vld [tilespmem:s15+$0x0]  }
0x1e5: {  	v25 =	vld [tilespmem:s15+$0x20]  }
0x1e6: {  	s24 =	spop (v2sf);
	v30 =	vld [tilespmem:s15+$0x30]  }
0x1e7: {  	(v2sf) =	vpush v13, $0x2;
	v19 =	vld [tilespmem:s24+$0x0]  }
0x1e8: {  	s30 =	spop (v2sf);
	(v2sf) =	vpush v13, $0x3;
	v13 =	vld [tilespmem:s15+$0x10]  }
0x1e9: {  	v22 =	vld [tilespmem:s24+$0x10]  }
0x1ea: {  	v26 =	vld [tilespmem:s24+$0x20]  }
0x1eb: {  	v31 =	vld [tilespmem:s24+$0x30]  }
0x1ec: {  	v20 =	vld [tilespmem:s30+$0x0]  }
0x1ed: {  	v23 =	vld [tilespmem:s30+$0x10]  }
0x1ee: {  	v27 =	vld [tilespmem:s30+$0x20]  }
0x1ef: {  	v32 =	vld [tilespmem:s30+$0x30];
	s10 =	spop (v2sf)  }
0x1f0: {  	(v2sf) =	vpush v28, $0x0;
	v33 =	vld [tilespmem:s10+$0x0]  }
0x1f1: {  	v40 =	vld [tilespmem:s10+$0x20]  }
0x1f2: {  	s11 =	spop (v2sf);
	v44 =	vld [tilespmem:s10+$0x30]  }
0x1f3: {  	v34 =	vld [tilespmem:s11+$0x0]  }
0x1f4: {  	(v2sf) =	vpush v28, $0x1;
	v37 =	vld [tilespmem:s11+$0x10]  }
0x1f5: {  	v41 =	vld [tilespmem:s11+$0x20]  }
0x1f6: {  	s12 =	spop (v2sf);
	v45 =	vld [tilespmem:s11+$0x30]  }
0x1f7: {  	(v2sf) =	vpush v28, $0x2;
	v35 =	vld [tilespmem:s12+$0x0]  }
0x1f8: {  	s13 =	spop (v2sf);
	(v2sf) =	vpush v28, $0x3;
	v28 =	vld [tilespmem:s10+$0x10]  }
0x1f9: {  	v38 =	vld [tilespmem:s12+$0x10]  }
0x1fa: {  	v42 =	vld [tilespmem:s12+$0x20]  }
0x1fb: {  	v46 =	vld [tilespmem:s12+$0x30]  }
0x1fc: {  	v36 =	vld [tilespmem:s13+$0x0]  }
0x1fd: {  	v39 =	vld [tilespmem:s13+$0x10]  }
0x1fe: {  	v43 =	vld [tilespmem:s13+$0x20]  }
0x1ff: {  	v47 =	vld [tilespmem:s13+$0x30];
	s14 =	spop (v2sf)  }
0x200: {  	v48 =	vld [tilespmem:s14+$0x0]  }
0x201: {  	v52 =	vld [tilespmem:s14+$0x10]  }
0x202: {  	v56 =	vld [tilespmem:s14+$0x20]  }
0x203: {  	v61 =	vadd.bf16 v7, v6;
	s15 =	spop (v2sf);
	v6 =	vld [tilespmem:s14+$0x30]  }
0x204: {  	v49 =	vld [tilespmem:s15+$0x0]  }
0x205: {  	v53 =	vld [tilespmem:s15+$0x10]  }
0x206: {  	v60 =	vadd.bf16 v4, v3;
	v3 =	vld [tilespmem:s15+$0x20]  }
0x207: {  	s24 =	spop (v2sf);
	v57 =	vld [tilespmem:s15+$0x30]  }
0x208: {  	v50 =	vld [tilespmem:s24+$0x0]  }
0x209: {  	v54 =	vld [tilespmem:s24+$0x10]  }
0x20a: {  	v1 =	vadd.bf16 v2, v1;
	v4 =	vld [tilespmem:s24+$0x20]  }
0x20b: {  	v0 =	vadd.bf16 v63, v5;
	v62 =	vadd.bf16 v9, v8;
	s30 =	spop (v2sf);
	v58 =	vld [tilespmem:s24+$0x30]  }
0x20c: {  	v63 =	vadd.bf16 v11, v10;
	v1 =	vadd.bf16 v60, v1;
	v51 =	vld [tilespmem:s30+$0x0]  }
0x20d: {  	v0 =	vadd.bf16 v61, v0;
	v55 =	vld [tilespmem:s30+$0x10]  }
0x20e: {  	v59 =	vadd.bf16 v63, v62;
	v62 =	vadd.bf16 v14, v12;
	v61 =	vunpack.i.l.bf16.f32 v1;
	v2 =	vld [tilespmem:s30+$0x20]  }
0x20f: {  	v63 =	vadd.bf16 v16, v15;
	v1 =	vunpack.i.u.bf16.f32 v1;
	v16 =	vadd.bf16 v18, v17;
	v60 =	vld [tilespmem:s30+$0x30];
	[tilespmem:$0x10580] =	vst v61  }
0x210: {  	v18 =	vunpack.i.l.bf16.f32 v0;
	v29 =	vadd.bf16 v30, v29;
	v21 =	vadd.bf16 v13, v21;
	[tilespmem:$0x10590] =	vst v1  }
0x211: {  	v0 =	vunpack.i.u.bf16.f32 v0;
	v17 =	vadd.bf16 v20, v19;
	v19 =	vadd.bf16 v63, v62;
	[tilespmem:$0x105A0] =	vst v18  }
0x212: {  	v20 =	vunpack.i.l.bf16.f32 v59;
	v22 =	vadd.bf16 v23, v22;
	v23 =	vadd.bf16 v25, v24;
	[tilespmem:$0x105B0] =	vst v0  }
0x213: {  	v5 =	vunpack.i.u.bf16.f32 v59;
	v24 =	vadd.bf16 v27, v26;
	v8 =	vadd.bf16 v17, v16;
	[tilespmem:$0x105C0] =	vst v20  }
0x214: {  	v30 =	vadd.bf16 v32, v31;
	v25 =	vunpack.i.l.bf16.f32 v19;
	v26 =	vadd.bf16 v22, v21;
	[tilespmem:$0x105D0] =	vst v5  }
0x215: {  	v27 =	vunpack.i.l.bf16.f32 v8;
	v37 =	vadd.bf16 v37, v28;
	v38 =	vadd.bf16 v39, v38;
	[tilespmem:$0x105E0] =	vst v25  }
0x216: {  	v8 =	vunpack.i.u.bf16.f32 v8;
	v31 =	vadd.bf16 v34, v33;
	v34 =	vadd.bf16 v30, v29;
	[tilespmem:$0x10600] =	vst v27  }
0x217: {  	v33 =	vunpack.i.l.bf16.f32 v26;
	v12 =	vadd.bf16 v38, v37;
	[tilespmem:$0x10610] =	vst v8  }
0x218: {  	v39 =	vadd.bf16 v41, v40;
	v40 =	vadd.bf16 v43, v42;
	v41 =	vunpack.i.l.bf16.f32 v34;
	[tilespmem:$0x10620] =	vst v33  }
0x219: {  	v43 =	vadd.bf16 v45, v44;
	v45 =	vadd.bf16 v47, v46;
	v47 =	vunpack.i.l.bf16.f32 v12;
	[tilespmem:$0x10660] =	vst v41  }
0x21a: {  	v32 =	vadd.bf16 v36, v35;
	v36 =	vld [tilespmem:$0x10550];
	v12 =	vunpack.i.u.bf16.f32 v12;
	[tilespmem:$0x106A0] =	vst v47  }
0x21b: {  	v1 =	vunpack.i.u.bf16.f32 v19;
	[tilespmem:$0x106B0] =	vst v12  }
0x21c: {  	v0 =	vadd.bf16 v24, v23;
	v5 =	vunpack.i.u.bf16.f32 v26;
	[tilespmem:$0x105F0] =	vst v1  }
0x21d: {  	v8 =	vunpack.i.u.bf16.f32 v34;
	[tilespmem:$0x10630] =	vst v5  }
0x21e: {  	v1 =	vadd.bf16 v32, v31;
	[tilespmem:$0x10670] =	vst v8;
	v35 =	vunpack.i.l.bf16.f32 v0  }
0x21f: {  	(v2sf) =	vpush v36, $0x0;
	v0 =	vunpack.i.u.bf16.f32 v0;
	[tilespmem:$0x10640] =	vst v35  }
0x220: {  	v42 =	vadd.bf16 v40, v39;
	[tilespmem:$0x10650] =	vst v0;
	v44 =	vunpack.i.l.bf16.f32 v1  }
0x221: {  	v1 =	vunpack.i.u.bf16.f32 v1;
	v46 =	vadd.bf16 v49, v48;
	[tilespmem:$0x10680] =	vst v44  }
0x222: {  	v49 =	vadd.bf16 v45, v43;
	v0 =	vunpack.i.u.bf16.f32 v42;
	[tilespmem:$0x10690] =	vst v1;
	v48 =	vadd.bf16 v51, v50  }
0x223: {  	(v2sf) =	vpush v36, $0x1;
	[tilespmem:$0x106D0] =	vst v0;
	v50 =	vunpack.i.l.bf16.f32 v42;
	v51 =	vadd.bf16 v53, v52  }
0x224: {  	v52 =	vadd.bf16 v55, v54;
	v53 =	vunpack.i.l.bf16.f32 v49;
	[tilespmem:$0x106C0] =	vst v50;
	v8 =	vadd.bf16 v48, v46  }
0x225: {  	v3 =	vadd.bf16 v3, v56;
	v1 =	vunpack.i.u.bf16.f32 v49;
	[tilespmem:$0x106E0] =	vst v53  }
0x226: {  	v2 =	vadd.bf16 v2, v4;
	[tilespmem:$0x106F0] =	vst v1;
	v54 =	vadd.bf16 v52, v51;
	v55 =	vunpack.i.l.bf16.f32 v8  }
0x227: {  	(v2sf) =	vpush v36, $0x2;
	v57 =	vadd.bf16 v57, v6;
	v56 =	vunpack.i.u.bf16.f32 v8;
	[tilespmem:$0x10700] =	vst v55  }
0x228: {  	v58 =	vadd.bf16 v60, v58;
	v2 =	vadd.bf16 v2, v3;
	v59 =	vunpack.i.l.bf16.f32 v54;
	[tilespmem:$0x10710] =	vst v56  }
0x229: {  	v0 =	vunpack.i.u.bf16.f32 v54;
	[tilespmem:$0x10720] =	vst v59  }
0x22a: {  	v1 =	vadd.bf16 v58, v57;
	v60 =	vunpack.i.l.bf16.f32 v2;
	[tilespmem:$0x10730] =	vst v0  }
0x22b: {  	(v2sf) =	vpush v36, $0x3;
	v61 =	vld [tilespmem:$0x10554];
	v2 =	vunpack.i.u.bf16.f32 v2;
	[tilespmem:$0x10740] =	vst v60  }
0x22c: {  	v62 =	vunpack.i.l.bf16.f32 v1;
	[tilespmem:$0x10750] =	vst v2  }
0x22d: {  	v1 =	vunpack.i.u.bf16.f32 v1;
	[tilespmem:$0x10760] =	vst v62  }
0x22e: {  	[tilespmem:$0x10770] =	vst v1;
	v62 =	vld [tilespmem:$0x1055C];
	s10 =	spop (v2sf)  }
0x22f: {  	v1 =	vld [tilespmem:s10+$0x0]  }
0x230: {  	(v2sf) =	vpush v61, $0x0;
	v5 =	vld [tilespmem:s10+$0x10]  }
0x231: {  	v8 =	vld [tilespmem:s10+$0x20]  }
0x232: {  	s11 =	spop (v2sf);
	v12 =	vld [tilespmem:s10+$0x30]  }
0x233: {  	v2 =	vld [tilespmem:s11+$0x0]  }
0x234: {  	(v2sf) =	vpush v61, $0x1;
	v0 =	vld [tilespmem:s11+$0x10]  }
0x235: {  	v9 =	vld [tilespmem:s11+$0x20]  }
0x236: {  	s12 =	spop (v2sf);
	v14 =	vld [tilespmem:s11+$0x30]  }
0x237: {  	v3 =	vld [tilespmem:s12+$0x0]  }
0x238: {  	(v2sf) =	vpush v61, $0x2;
	v6 =	vld [tilespmem:s12+$0x10]  }
0x239: {  	v10 =	vld [tilespmem:s12+$0x20]  }
0x23a: {  	s13 =	spop (v2sf);
	(v2sf) =	vpush v61, $0x3;
	v61 =	vld [tilespmem:$0x10558]  }
0x23b: {  	v15 =	vld [tilespmem:s12+$0x30]  }
0x23c: {  	v63 =	vld [tilespmem:s13+$0x0]  }
0x23d: {  	v7 =	vld [tilespmem:s13+$0x10]  }
0x23e: {  	v60 =	vld [tilespmem:s13+$0x20]  }
0x23f: {  	v16 =	vld [tilespmem:s13+$0x30];
	s14 =	spop (v2sf)  }
0x240: {  	(v2sf) =	vpush v61, $0x0;
	v17 =	vld [tilespmem:s14+$0x0]  }
0x241: {  	v21 =	vld [tilespmem:s14+$0x10]  }
0x242: {  	v24 =	vld [tilespmem:s14+$0x20]  }
0x243: {  	s15 =	spop (v2sf);
	v29 =	vld [tilespmem:s14+$0x30]  }
0x244: {  	(v2sf) =	vpush v61, $0x1;
	v18 =	vld [tilespmem:s15+$0x0]  }
0x245: {  	v13 =	vld [tilespmem:s15+$0x10]  }
0x246: {  	v25 =	vld [tilespmem:s15+$0x20]  }
0x247: {  	s24 =	spop (v2sf);
	v30 =	vld [tilespmem:s15+$0x30]  }
0x248: {  	(v2sf) =	vpush v61, $0x2;
	v19 =	vld [tilespmem:s24+$0x0]  }
0x249: {  	v22 =	vld [tilespmem:s24+$0x10]  }
0x24a: {  	v26 =	vld [tilespmem:s24+$0x20]  }
0x24b: {  	s30 =	spop (v2sf);
	v31 =	vld [tilespmem:s24+$0x30]  }
0x24c: {  	(v2sf) =	vpush v61, $0x3;
	v20 =	vld [tilespmem:s30+$0x0]  }
0x24d: {  	v23 =	vld [tilespmem:s30+$0x10]  }
0x24e: {  	v27 =	vld [tilespmem:s30+$0x20]  }
0x24f: {  	v32 =	vld [tilespmem:s30+$0x30];
	s9 =	spop (v2sf)  }
0x250: {  	(v2sf) =	vpush v62, $0x0;
	v33 =	vld [tilespmem:s9+$0x0]  }
0x251: {  	v28 =	vld [tilespmem:s9+$0x10]  }
0x252: {  	v40 =	vld [tilespmem:s9+$0x20]  }
0x253: {  	s10 =	spop (v2sf);
	v44 =	vld [tilespmem:s9+$0x30]  }
0x254: {  	(v2sf) =	vpush v62, $0x1;
	v34 =	vld [tilespmem:s10+$0x0]  }
0x255: {  	v37 =	vld [tilespmem:s10+$0x10]  }
0x256: {  	v41 =	vld [tilespmem:s10+$0x20]  }
0x257: {  	s11 =	spop (v2sf);
	v45 =	vld [tilespmem:s10+$0x30]  }
0x258: {  	(v2sf) =	vpush v62, $0x2;
	v35 =	vld [tilespmem:s11+$0x0]  }
0x259: {  	v38 =	vld [tilespmem:s11+$0x10]  }
0x25a: {  	v42 =	vld [tilespmem:s11+$0x20]  }
0x25b: {  	s12 =	spop (v2sf);
	v46 =	vld [tilespmem:s11+$0x30]  }
0x25c: {  	(v2sf) =	vpush v62, $0x3;
	v36 =	vld [tilespmem:s12+$0x0]  }
0x25d: {  	v39 =	vld [tilespmem:s12+$0x10]  }
0x25e: {  	v43 =	vld [tilespmem:s12+$0x20]  }
0x25f: {  	v47 =	vld [tilespmem:s12+$0x30];
	s13 =	spop (v2sf)  }
0x260: {  	v48 =	vld [tilespmem:s13+$0x0]  }
0x261: {  	v52 =	vld [tilespmem:s13+$0x10]  }
0x262: {  	v56 =	vld [tilespmem:s13+$0x20]  }
0x263: {  	v1 =	vadd.bf16 v2, v1;
	s14 =	spop (v2sf);
	v2 =	vld [tilespmem:s13+$0x30]  }
0x264: {  	v49 =	vld [tilespmem:s14+$0x0]  }
0x265: {  	v53 =	vld [tilespmem:s14+$0x10]  }
0x266: {  	v57 =	vld [tilespmem:s14+$0x20]  }
0x267: {  	v58 =	vadd.bf16 v7, v6;
	s15 =	spop (v2sf);
	v6 =	vld [tilespmem:s14+$0x30]  }
0x268: {  	v50 =	vld [tilespmem:s15+$0x0]  }
0x269: {  	v54 =	vld [tilespmem:s15+$0x10]  }
0x26a: {  	v63 =	vadd.bf16 v63, v3;
	v3 =	vld [tilespmem:s15+$0x20]  }
0x26b: {  	v0 =	vadd.bf16 v0, v5;
	v59 =	vadd.bf16 v9, v8;
	s24 =	spop (v2sf);
	v9 =	vld [tilespmem:s15+$0x30]  }
0x26c: {  	v60 =	vadd.bf16 v60, v10;
	v1 =	vadd.bf16 v63, v1;
	v51 =	vld [tilespmem:s24+$0x0]  }
0x26d: {  	v55 =	vld [tilespmem:s24+$0x10]  }
0x26e: {  	v0 =	vadd.bf16 v58, v0;
	v7 =	vadd.bf16 v60, v59;
	v61 =	vunpack.i.l.bf16.f32 v1;
	v4 =	vld [tilespmem:s24+$0x20]  }
0x26f: {  	v63 =	vadd.bf16 v16, v15;
	v1 =	vunpack.i.u.bf16.f32 v1;
	v17 =	vadd.bf16 v18, v17;
	v5 =	vld [tilespmem:s24+$0x30];
	[tilespmem:$0x10780] =	vst v61  }
0x270: {  	v16 =	vunpack.i.l.bf16.f32 v0;
	v18 =	vadd.bf16 v20, v19;
	v62 =	vadd.bf16 v14, v12;
	[tilespmem:$0x10790] =	vst v1  }
0x271: {  	v0 =	vunpack.i.u.bf16.f32 v0;
	[tilespmem:$0x107A0] =	vst v16  }
0x272: {  	v20 =	vunpack.i.l.bf16.f32 v7;
	v58 =	vadd.bf16 v18, v17;
	v19 =	vadd.bf16 v63, v62;
	[tilespmem:$0x107B0] =	vst v0  }
0x273: {  	v59 =	vunpack.i.u.bf16.f32 v7;
	v63 =	vadd.bf16 v25, v24;
	v25 =	vadd.bf16 v34, v33;
	[tilespmem:$0x107C0] =	vst v20  }
0x274: {  	v62 =	vunpack.i.l.bf16.f32 v19;
	v33 =	vadd.bf16 v37, v28;
	v34 =	vadd.bf16 v39, v38;
	[tilespmem:$0x107D0] =	vst v59  }
0x275: {  	v60 =	vadd.bf16 v13, v21;
	v17 =	vunpack.i.u.bf16.f32 v19;
	v37 =	vadd.bf16 v43, v42;
	[tilespmem:$0x107E0] =	vst v62  }
0x276: {  	v19 =	vunpack.i.l.bf16.f32 v58;
	v39 =	vadd.bf16 v34, v33;
	v61 =	vadd.bf16 v23, v22;
	[tilespmem:$0x107F0] =	vst v17  }
0x277: {  	v21 =	vunpack.i.u.bf16.f32 v58;
	v43 =	vadd.bf16 v45, v44;
	v44 =	vadd.bf16 v47, v46;
	[tilespmem:$0x10800] =	vst v19  }
0x278: {  	v45 =	vunpack.i.l.bf16.f32 v39;
	v16 =	vadd.bf16 v27, v26;
	[tilespmem:$0x10810] =	vst v21;
	v18 =	vadd.bf16 v61, v60  }
0x279: {  	v22 =	vadd.bf16 v30, v29;
	[tilespmem:$0x108A0] =	vst v45;
	v46 =	vadd.bf16 v49, v48;
	v48 =	vunpack.i.u.bf16.f32 v39  }
0x27a: {  	v23 =	vadd.bf16 v32, v31;
	v20 =	vadd.bf16 v16, v63;
	v24 =	vunpack.i.l.bf16.f32 v18;
	[tilespmem:$0x108B0] =	vst v48  }
0x27b: {  	v27 =	vunpack.i.u.bf16.f32 v18;
	[tilespmem:$0x10820] =	vst v24  }
0x27c: {  	v26 =	vadd.bf16 v36, v35;
	v29 =	vadd.bf16 v23, v22;
	v30 =	vunpack.i.l.bf16.f32 v20;
	[tilespmem:$0x10830] =	vst v27  }
0x27d: {  	v32 =	vunpack.i.u.bf16.f32 v20;
	[tilespmem:$0x10840] =	vst v30  }
0x27e: {  	v36 =	vadd.bf16 v41, v40;
	v31 =	vadd.bf16 v26, v25;
	v35 =	vunpack.i.l.bf16.f32 v29;
	[tilespmem:$0x10850] =	vst v32  }
0x27f: {  	v38 =	vunpack.i.u.bf16.f32 v29;
	[tilespmem:$0x10860] =	vst v35  }
0x280: {  	v41 =	vadd.bf16 v37, v36;
	v40 =	vunpack.i.l.bf16.f32 v31;
	[tilespmem:$0x10870] =	vst v38  }
0x281: {  	v42 =	vunpack.i.u.bf16.f32 v31;
	[tilespmem:$0x10880] =	vst v40  }
0x282: {  	v49 =	vadd.bf16 v44, v43;
	v7 =	vunpack.i.u.bf16.f32 v41;
	[tilespmem:$0x10890] =	vst v42;
	v47 =	vadd.bf16 v51, v50  }
0x283: {  	v52 =	vadd.bf16 v53, v52;
	v50 =	vunpack.i.l.bf16.f32 v41;
	[tilespmem:$0x108D0] =	vst v7  }
0x284: {  	v53 =	vadd.bf16 v55, v54;
	v54 =	vunpack.i.l.bf16.f32 v49;
	[tilespmem:$0x108C0] =	vst v50;
	v51 =	vadd.bf16 v47, v46  }
0x285: {  	v55 =	vadd.bf16 v57, v56;
	v1 =	vunpack.i.u.bf16.f32 v49;
	[tilespmem:$0x108E0] =	vst v54  }
0x286: {  	v3 =	vadd.bf16 v4, v3;
	[tilespmem:$0x108F0] =	vst v1;
	v0 =	vadd.bf16 v53, v52;
	v56 =	vunpack.i.l.bf16.f32 v51  }
0x287: {  	v58 =	vadd.bf16 v6, v2;
	v57 =	vunpack.i.u.bf16.f32 v51;
	[tilespmem:$0x10900] =	vst v56  }
0x288: {  	v59 =	vadd.bf16 v5, v9;
	v3 =	vadd.bf16 v3, v55;
	v60 =	vunpack.i.l.bf16.f32 v0;
	[tilespmem:$0x10910] =	vst v57  }
0x289: {  	v0 =	vunpack.i.u.bf16.f32 v0;
	[tilespmem:$0x10920] =	vst v60  }
0x28a: {  	v1 =	vadd.bf16 v59, v58;
	v61 =	vunpack.i.l.bf16.f32 v3;
	[tilespmem:$0x10930] =	vst v0  }
0x28b: {  	v62 =	vunpack.i.u.bf16.f32 v3;
	[tilespmem:$0x10940] =	vst v61  }
0x28c: {  	v63 =	vunpack.i.l.bf16.f32 v1;
	[tilespmem:$0x10950] =	vst v62  }
0x28d: {  	v1 =	vunpack.i.u.bf16.f32 v1;
	[tilespmem:$0x10960] =	vst v63  }
.Ltmp7:
0x28e: {  	s30 =	rddreg [dreg:$0xc];
	[tilespmem:$0x10970] =	vst v1;
	(pc) =	sbr.rel .LBB2_11-.Ltmp7, $4  }
0x28f: {  	[hbm4b:s30+s4] =	stream.linear.scatter [tilespmem:s0], [sflag:$0x3], $0x400, $0x38;
	[tilespmem:$0x17D80] =	vst v63  }
0x290: {  	_ =	swait.ge [sflag:s26], $0x400  }
0x291: {  	[sflag:s26] =	ssyncset.done $0x0  }
0x292: {  	[sflag:s26] =	ssyncadd.s32 $0xFFFFFC00  }
.LBB2_12:
0x293: {  	_ =	sfence.sel $0x180000  }
0x294: {  	[bflag:$0x0] =	sbarrier.arrive $0xFFFF  }
0x295: {  	_ =	strace $0x90000047  }
0x296: {  	s0 =	stileid.u32;
	[bflag:$0x2] =	sbarrier.arrive $0xFFFF  }
0x297: {  	p0 =	sne.s32 s0, $0x0;
	s0 =	rddreg [dreg:$0x2]  }
0x298: {  	s0 =	sadd.s32 @!p0 $0x100000, s0  }
0x299: {  	[sflag:s0] =	ssyncadd.tile.s32 @!p0 $0x1;
	_ =	shalt  }
.Lfunc_end2:
_tile_overlayer_lowered:
.L_overlay_start_2:
0x29a: {  	(tag) =	ssettag $0x2  }
0x29b: {  	s0 =	rddreg [dreg:$0x0];
	s2 =	stileid.u32  }
0x29c: {  	s1 =	rddreg [dreg:$0x1];
	p0 =	sne.s32 s2, $0x0  }
0x29d: {  	s3 =	rddreg [dreg:$0x2];
	[bflag:$0x3] =	sbarrier.arrive $0xFFFF;
	s2 =	simm.s32 @!p0 $0x1C03  }
0x29e: {  	[timem:s3], [sflag:s2] =	dma.local @!p0 [hbm:s0], s1  }
0x29f: {  	s0 =	simm.s32 @!p0 $0x3  }
0x2a0: {  	_ =	swait.ge @!p0 [sflag:s0], s1  }
0x2a1: {  	s1 =	ssub.s32 @!p0 $0x0, s1;
	[sflag:s0] =	ssyncset.done @!p0 $0x0  }
0x2a2: {  	[sflag:s0] =	ssyncadd.s32 @!p0 s1  }
0x2a3: {  	[bflag:$0x3] =	sbarrier.arrive $0xFFFF  }
0x2a4: {  	_ =	shalt  }

</sc_bundles>
